<compile_context>
chip_gen: v7x
topology: tpu7x:2x2x1
jax: 0.10.2.dev20260603
libtpu: 0.0.44.dev20260713+nightly
codegen_flags: <defaults>
</compile_context>

<pallas_src>
import jax
import jax.numpy as jnp
from jax import lax
from jax.experimental import pallas as pl
from jax.experimental.pallas import tpu as pltpu
from jax.experimental.pallas import tpu_sc as plsc

_BATCH = 16384
_FEAT = 1024
_NCLASS = 1000
_LANES = 16

_NC = 2
_NS = 16
_NW = _NC * _NS
_ROWS_PER_W = _BATCH // _NW
_CHUNK = 16
_NCH = _ROWS_PER_W // _CHUNK
_NBUF = 2


def _sc_body(x_hbm, labels_hbm, centers_hbm, weights_hbm, out_hbm,
             labels_v, w_v, wsq_v, acc_v,
             xb0, xb1, cb0, cb1,
             semx0, semx1, semc0, semc1):
    xbufs = (xb0, xb1)
    cbufs = (cb0, cb1)
    semxs = (semx0, semx1)
    semcs = (semc0, semc1)

    wid = lax.axis_index("s") * _NC + lax.axis_index("c")
    base = wid * _ROWS_PER_W

    pltpu.sync_copy(labels_hbm.at[pl.ds(base, _ROWS_PER_W)], labels_v)
    pltpu.sync_copy(weights_hbm, w_v)

    def start_chunk(ch, b):
        row0 = ch * _CHUNK
        pltpu.make_async_copy(
            x_hbm.at[pl.ds(base + row0, _CHUNK)], xbufs[b], semxs[b]).start()
        pltpu.make_async_copy(
            centers_hbm.at[labels_v.at[pl.ds(row0, _CHUNK)]],
            cbufs[b], semcs[b]).start()

    for b in range(_NBUF):
        start_chunk(b, b)

    acc_v[...] = jnp.zeros((_LANES,), jnp.float32)

    def chunk_body(i, carry):
        for b in range(_NBUF):
            ch = i * _NBUF + b
            row0 = ch * _CHUNK
            pltpu.make_async_copy(
                x_hbm.at[pl.ds(base + row0, _CHUNK)], xbufs[b], semxs[b]).wait()
            pltpu.make_async_copy(
                centers_hbm.at[labels_v.at[pl.ds(row0, _CHUNK)]],
                cbufs[b], semcs[b]).wait()

            lv = labels_v[pl.ds(row0, _CHUNK)]
            wv = plsc.load_gather(w_v, [lv])
            wsq_v[...] = wv * wv

            contrib = jnp.zeros((_LANES,), jnp.float32)
            for r in range(_CHUNK):
                def fbody(j, accs, _r=r, _b=b):
                    accs = list(accs)
                    col0 = j * (8 * _LANES)
                    for u in range(8):
                        col = col0 + u * _LANES
                        dv = (xbufs[_b][_r, pl.ds(col, _LANES)]
                              - cbufs[_b][_r, pl.ds(col, _LANES)])
                        accs[u % 4] = accs[u % 4] + dv * dv
                    return tuple(accs)
                accs = lax.fori_loop(
                    0, _FEAT // (8 * _LANES), fbody,
                    tuple(jnp.zeros((_LANES,), jnp.float32) for _ in range(4)))
                a = (accs[0] + accs[1]) + (accs[2] + accs[3])
                wr = plsc.load_gather(
                    wsq_v, [jnp.full((_LANES,), r, jnp.int32)])
                contrib = contrib + a * wr
            acc_v[...] = acc_v[...] + contrib

            nxt = ch + _NBUF

            @pl.when(nxt < _NCH)
            def _():
                start_chunk(nxt, b)
        return carry

    lax.fori_loop(0, _NCH // _NBUF, chunk_body, 0)

    pltpu.sync_copy(acc_v, out_hbm.at[wid])


_sc_call = pl.kernel(
    _sc_body,
    out_type=jax.ShapeDtypeStruct((_NW, _LANES), jnp.float32),
    mesh=plsc.VectorSubcoreMesh(core_axis_name="c", subcore_axis_name="s"),
    compiler_params=pltpu.CompilerParams(needs_layout_passes=False),
    scratch_types=[
        pltpu.VMEM((_ROWS_PER_W,), jnp.int32),
        pltpu.VMEM((_NCLASS,), jnp.float32),
        pltpu.VMEM((_LANES,), jnp.float32),
        pltpu.VMEM((_LANES,), jnp.float32),
        pltpu.VMEM((_CHUNK, _FEAT), jnp.float32),
        pltpu.VMEM((_CHUNK, _FEAT), jnp.float32),
        pltpu.VMEM((_CHUNK, _FEAT), jnp.float32),
        pltpu.VMEM((_CHUNK, _FEAT), jnp.float32),
        pltpu.SemaphoreType.DMA,
        pltpu.SemaphoreType.DMA,
        pltpu.SemaphoreType.DMA,
        pltpu.SemaphoreType.DMA,
    ],
)


def kernel(x, labels, centers, weights):
    partials = _sc_call(x, labels.astype(jnp.int32), centers, weights)
    return jnp.sum(partials) / jnp.float32(_BATCH)

# --- scband reference (transcript-rebuilt; emitter-appended) ---
"""Pipeline reference for scband-center-loss-36369783062640 (READ-ONLY COPY).

The authoritative reference and input builder live on the scoring server;
editing this copy changes nothing except your own understanding.
"""

import jax, jax.numpy as jnp
import numpy as np

NUM_CLASSES = 1000
FEAT_DIM = 1024
BATCH = 16384
B_WEIGHT = 3.0


def setup_inputs(seed: int = 0) -> dict:
    key = jax.random.key(seed)
    k1, k2, k3 = jax.random.split(key, 3)
    x = jax.random.normal(k1, (BATCH, FEAT_DIM), dtype=jnp.float32)
    labels = jax.random.randint(k2, (BATCH,), 0, NUM_CLASSES, dtype=jnp.int64 if jax.config.jax_enable_x64 else jnp.int32)
    centers = jax.random.normal(k3, (NUM_CLASSES, FEAT_DIM), dtype=jnp.float32)
    weights = jnp.ones((NUM_CLASSES,), dtype=jnp.float32).at[1].set(B_WEIGHT)
    return {"x": x, "labels": labels, "centers": centers, "weights": weights}


def reference(x, labels, centers, weights):
    # diff = x - centers.index_select(0, labels)
    gathered_centers = jnp.take(centers, labels, axis=0)
    diff = x - gathered_centers
    # weighted_diff = diff * weights[labels].view(-1, 1)
    w = jnp.take(weights, labels, axis=0)
    weighted_diff = diff * w[:, None]
    # loss = (weighted_diff ** 2).sum(dim=1).mean()
    loss = jnp.mean(jnp.sum(weighted_diff ** 2, axis=1))
    return loss

if __name__ == "__main__":
    import jax
    _d = setup_inputs()
    print(jax.jit(kernel)(*tuple(_d.values())))

</pallas_src>

<mosaic_0001>
#map = affine_map<(d0, d1) -> (0, 0)>
#map1 = affine_map<(d0, d1) -> (0)>
module attributes {stable_mosaic.version = 14 : i64} {
  func.func @_sc_body(%arg0: i32, %arg1: i32, %arg2: memref<16384x1024xf32, #tpu.memory_space<hbm>>, %arg3: memref<16384xi32, #tpu.memory_space<hbm>>, %arg4: memref<1000x1024xf32, #tpu.memory_space<hbm>>, %arg5: memref<1000xf32, #tpu.memory_space<hbm>>, %arg6: memref<32x16xf32, #tpu.memory_space<hbm>>, %arg7: memref<512xi32, #tpu.memory_space<vmem>>, %arg8: memref<1000xf32, #tpu.memory_space<vmem>>, %arg9: memref<16xf32, #tpu.memory_space<vmem>>, %arg10: memref<16xf32, #tpu.memory_space<vmem>>, %arg11: memref<16x1024xf32, #tpu.memory_space<vmem>>, %arg12: memref<16x1024xf32, #tpu.memory_space<vmem>>, %arg13: memref<16x1024xf32, #tpu.memory_space<vmem>>, %arg14: memref<16x1024xf32, #tpu.memory_space<vmem>>, %arg15: memref<!tpu.dma_semaphore, #tpu.memory_space<semaphore_mem>>, %arg16: memref<!tpu.dma_semaphore, #tpu.memory_space<semaphore_mem>>, %arg17: memref<!tpu.dma_semaphore, #tpu.memory_space<semaphore_mem>>, %arg18: memref<!tpu.dma_semaphore, #tpu.memory_space<semaphore_mem>>) attributes {dimension_semantics = [#tpu.dimension_semantics<core_parallel>, #tpu.dimension_semantics<subcore_parallel>], iteration_bounds = array<i64: 2, 16>, scalar_prefetch = 0 : i64, scratch_operands = 12 : i64, tpu.core_type = #tpu.core_type<sc_vector_subcore>, window_params = [{transform_indices = #map}, {transform_indices = #map1}, {transform_indices = #map}, {transform_indices = #map1}, {transform_indices = #map}]} {
    %mul3A = arith.constant 2 : i32
    %mul3A_0 = arith.muli %arg1, %mul3A : i32
    %add3A = arith.addi %mul3A_0, %arg0 : i32
    %mul3A_1 = arith.constant 512 : i32
    %mul3A_2 = arith.muli %add3A, %mul3A_1 : i32
    "tpu.region"() ({
      %run_scoped3A = tpu.sem_alloc : memref<!tpu.dma_semaphore, #tpu.memory_space<semaphore_mem>>
      %dma_start3A_31 = tpu.memref_slice %arg3[%mul3A_2] : memref<16384xi32, #tpu.memory_space<hbm>> -> memref<512xi32, #tpu.memory_space<hbm>>
      %dma_start3A_32 = tpu.memref_slice %arg3[%mul3A_2] : memref<16384xi32, #tpu.memory_space<hbm>> -> memref<512xi32, #tpu.memory_space<hbm>>
      tpu.enqueue_dma source(%dma_start3A_32 : memref<512xi32, #tpu.memory_space<hbm>>) target(%arg7 : memref<512xi32, #tpu.memory_space<vmem>>) target_semaphore(%run_scoped3A : memref<!tpu.dma_semaphore, #tpu.memory_space<semaphore_mem>>)
      %dma_wait3A = tpu.memref_slice %arg3[%mul3A_2] : memref<16384xi32, #tpu.memory_space<hbm>> -> memref<512xi32, #tpu.memory_space<hbm>>
      %dma_wait3A_33 = tpu.memref_slice %arg3[%mul3A_2] : memref<16384xi32, #tpu.memory_space<hbm>> -> memref<512xi32, #tpu.memory_space<hbm>>
      tpu.wait_dma2 semaphore(%run_scoped3A : memref<!tpu.dma_semaphore, #tpu.memory_space<semaphore_mem>>) src(%dma_wait3A_33 : memref<512xi32, #tpu.memory_space<hbm>>) dst(%arg7 : memref<512xi32, #tpu.memory_space<vmem>>)
      tpu.yield
    }) : () -> ()
    "tpu.region"() ({
      %run_scoped3A = tpu.sem_alloc : memref<!tpu.dma_semaphore, #tpu.memory_space<semaphore_mem>>
      tpu.enqueue_dma source(%arg5 : memref<1000xf32, #tpu.memory_space<hbm>>) target(%arg8 : memref<1000xf32, #tpu.memory_space<vmem>>) target_semaphore(%run_scoped3A : memref<!tpu.dma_semaphore, #tpu.memory_space<semaphore_mem>>)
      tpu.wait_dma2 semaphore(%run_scoped3A : memref<!tpu.dma_semaphore, #tpu.memory_space<semaphore_mem>>) src(%arg5 : memref<1000xf32, #tpu.memory_space<hbm>>) dst(%arg8 : memref<1000xf32, #tpu.memory_space<vmem>>)
      tpu.yield
    }) : () -> ()
    %add3A_3 = arith.constant 0 : i32
    %add3A_4 = arith.addi %mul3A_2, %add3A_3 : i32
    %dma_start3A = arith.constant 0 : i32
    %dma_start3A_5 = tpu.memref_slice %arg2[%add3A_4, %dma_start3A] : memref<16384x1024xf32, #tpu.memory_space<hbm>> -> memref<16x1024xf32, #tpu.memory_space<hbm>>
    %dma_start3A_6 = arith.constant 0 : i32
    %dma_start3A_7 = tpu.memref_slice %arg2[%add3A_4, %dma_start3A_6] : memref<16384x1024xf32, #tpu.memory_space<hbm>> -> memref<16x1024xf32, #tpu.memory_space<hbm>>
    tpu.enqueue_dma source(%dma_start3A_7 : memref<16x1024xf32, #tpu.memory_space<hbm>>) target(%arg11 : memref<16x1024xf32, #tpu.memory_space<vmem>>) target_semaphore(%arg15 : memref<!tpu.dma_semaphore, #tpu.memory_space<semaphore_mem>>)
    %dma_start3A_8 = arith.constant 0 : i32
    %dma_start3A_9 = tpu.memref_slice %arg7[%dma_start3A_8] : memref<512xi32, #tpu.memory_space<vmem>> -> memref<16xi32, #tpu.memory_space<vmem>>
    %dma_start3A_10 = arith.constant 0 : i32
    %dma_start3A_11 = arith.constant 0 : i32
    %dma_start3A_12 = tpu.memref_slice %arg4[%dma_start3A_10, %dma_start3A_11] : memref<1000x1024xf32, #tpu.memory_space<hbm>> -> memref<1000x1024xf32, #tpu.memory_space<hbm>>
    tpu.enqueue_indirect_dma source(%dma_start3A_12 : memref<1000x1024xf32, #tpu.memory_space<hbm>>) target(%arg13 : memref<16x1024xf32, #tpu.memory_space<vmem>>) offsets(%dma_start3A_9 : memref<16xi32, #tpu.memory_space<vmem>>) semaphore(%arg17 : memref<!tpu.dma_semaphore, #tpu.memory_space<semaphore_mem>>)
    %add3A_13 = arith.constant 16 : i32
    %add3A_14 = arith.addi %mul3A_2, %add3A_13 : i32
    %dma_start3A_15 = arith.constant 0 : i32
    %dma_start3A_16 = tpu.memref_slice %arg2[%add3A_14, %dma_start3A_15] : memref<16384x1024xf32, #tpu.memory_space<hbm>> -> memref<16x1024xf32, #tpu.memory_space<hbm>>
    %dma_start3A_17 = arith.constant 0 : i32
    %dma_start3A_18 = tpu.memref_slice %arg2[%add3A_14, %dma_start3A_17] : memref<16384x1024xf32, #tpu.memory_space<hbm>> -> memref<16x1024xf32, #tpu.memory_space<hbm>>
    tpu.enqueue_dma source(%dma_start3A_18 : memref<16x1024xf32, #tpu.memory_space<hbm>>) target(%arg12 : memref<16x1024xf32, #tpu.memory_space<vmem>>) target_semaphore(%arg16 : memref<!tpu.dma_semaphore, #tpu.memory_space<semaphore_mem>>)
    %dma_start3A_19 = arith.constant 16 : i32
    %dma_start3A_20 = tpu.memref_slice %arg7[%dma_start3A_19] : memref<512xi32, #tpu.memory_space<vmem>> -> memref<16xi32, #tpu.memory_space<vmem>>
    %dma_start3A_21 = arith.constant 0 : i32
    %dma_start3A_22 = arith.constant 0 : i32
    %dma_start3A_23 = tpu.memref_slice %arg4[%dma_start3A_21, %dma_start3A_22] : memref<1000x1024xf32, #tpu.memory_space<hbm>> -> memref<1000x1024xf32, #tpu.memory_space<hbm>>
    tpu.enqueue_indirect_dma source(%dma_start3A_23 : memref<1000x1024xf32, #tpu.memory_space<hbm>>) target(%arg14 : memref<16x1024xf32, #tpu.memory_space<vmem>>) offsets(%dma_start3A_20 : memref<16xi32, #tpu.memory_space<vmem>>) semaphore(%arg18 : memref<!tpu.dma_semaphore, #tpu.memory_space<semaphore_mem>>)
    %broadcast_in_dim3A = arith.constant 0.000000e+00 : f32
    %broadcast_in_dim3A_24 = vector.broadcast %broadcast_in_dim3A : f32 to vector<16xf32>
    %swap3A = arith.constant 0 : index
    %swap3A_25 = tpu.vector_load %arg10[%swap3A] {strides = array<i32>} : memref<16xf32, #tpu.memory_space<vmem>>, vector<16xf32>,
    tpu.vector_store %arg10[%swap3A], %broadcast_in_dim3A_24 {strides = array<i32>} : memref<16xf32, #tpu.memory_space<vmem>>, vector<16xf32>,
    %scan3A = arith.constant 0 : i32
    %scan3A_26 = arith.constant 0 : i32
    %scan3A_27 = arith.constant 16 : i32
    %scan3A_28 = arith.addi %scan3A_26, %scan3A_27 : i32
    %scan3A_29 = arith.constant 1 : i32
    scf.for %scan3A_31 = %scan3A_26 to %scan3A_28 step %scan3A_29  : i32 {
      %mul3A_32 = arith.constant 2 : i32
      %mul3A_33 = arith.muli %scan3A_31, %mul3A_32 : i32
      %add3A_34 = arith.constant 0 : i32
      %add3A_35 = arith.addi %mul3A_33, %add3A_34 : i32
      %mul3A_36 = arith.constant 16 : i32
      %mul3A_37 = arith.muli %add3A_35, %mul3A_36 : i32
      %add3A_38 = arith.addi %mul3A_2, %mul3A_37 : i32
      %dma_wait3A = arith.constant 0 : i32
      %dma_wait3A_39 = tpu.memref_slice %arg2[%add3A_38, %dma_wait3A] : memref<16384x1024xf32, #tpu.memory_space<hbm>> -> memref<16x1024xf32, #tpu.memory_space<hbm>>
      %dma_wait3A_40 = arith.constant 0 : i32
      %dma_wait3A_41 = tpu.memref_slice %arg2[%add3A_38, %dma_wait3A_40] : memref<16384x1024xf32, #tpu.memory_space<hbm>> -> memref<16x1024xf32, #tpu.memory_space<hbm>>
      tpu.wait_dma2 semaphore(%arg15 : memref<!tpu.dma_semaphore, #tpu.memory_space<semaphore_mem>>) src(%dma_wait3A_41 : memref<16x1024xf32, #tpu.memory_space<hbm>>) dst(%arg11 : memref<16x1024xf32, #tpu.memory_space<vmem>>)
      %dma_wait3A_42 = tpu.memref_slice %arg7[%mul3A_37] : memref<512xi32, #tpu.memory_space<vmem>> -> memref<16xi32, #tpu.memory_space<vmem>>
      %dma_wait3A_43 = arith.constant 0 : i32
      %dma_wait3A_44 = arith.constant 0 : i32
      %dma_wait3A_45 = tpu.memref_slice %arg4[%dma_wait3A_43, %dma_wait3A_44] : memref<1000x1024xf32, #tpu.memory_space<hbm>> -> memref<1000x1024xf32, #tpu.memory_space<hbm>>
      tpu.wait_indirect_dma semaphore(%arg17 : memref<!tpu.dma_semaphore, #tpu.memory_space<semaphore_mem>>) src(%dma_wait3A_45 : memref<1000x1024xf32, #tpu.memory_space<hbm>>) dst(%arg13 : memref<16x1024xf32, #tpu.memory_space<vmem>>)
      %get3A = arith.index_cast %mul3A_37 : i32 to index
      %get3A_46 = tpu.vector_load %arg7[%get3A] {strides = array<i32>} : memref<512xi32, #tpu.memory_space<vmem>>, vector<16xi32>,
      %gather3A = tpu.vector_load_idx %arg8[%get3A_46] : memref<1000xf32, #tpu.memory_space<vmem>>[vector<16xi32>], vector<16xf32>,
      %mul3A_47 = arith.mulf %gather3A, %gather3A : vector<16xf32>
      %swap3A_48 = arith.constant 0 : index
      %swap3A_49 = tpu.vector_load %arg9[%swap3A_48] {strides = array<i32>} : memref<16xf32, #tpu.memory_space<vmem>>, vector<16xf32>,
      tpu.vector_store %arg9[%swap3A_48], %mul3A_47 {strides = array<i32>} : memref<16xf32, #tpu.memory_space<vmem>>, vector<16xf32>,
      %broadcast_in_dim3A_50 = arith.constant 0.000000e+00 : f32
      %broadcast_in_dim3A_51 = vector.broadcast %broadcast_in_dim3A_50 : f32 to vector<16xf32>
      %broadcast_in_dim3A_52 = arith.constant 0.000000e+00 : f32
      %broadcast_in_dim3A_53 = vector.broadcast %broadcast_in_dim3A_52 : f32 to vector<16xf32>
      %broadcast_in_dim3A_54 = arith.constant 0.000000e+00 : f32
      %broadcast_in_dim3A_55 = vector.broadcast %broadcast_in_dim3A_54 : f32 to vector<16xf32>
      %broadcast_in_dim3A_56 = arith.constant 0.000000e+00 : f32
      %broadcast_in_dim3A_57 = vector.broadcast %broadcast_in_dim3A_56 : f32 to vector<16xf32>
      %broadcast_in_dim3A_58 = arith.constant 0.000000e+00 : f32
      %broadcast_in_dim3A_59 = vector.broadcast %broadcast_in_dim3A_58 : f32 to vector<16xf32>
      %scan3A_60 = arith.constant 0 : i32
      %scan3A_61 = arith.constant 8 : i32
      %scan3A_62 = arith.addi %scan3A_60, %scan3A_61 : i32
      %scan3A_63 = arith.constant 1 : i32
      %scan3A_64:4 = scf.for %scan3A_800 = %scan3A_60 to %scan3A_62 step %scan3A_63 iter_args(%scan3A_801 = %broadcast_in_dim3A_53, %scan3A_802 = %broadcast_in_dim3A_55, %scan3A_803 = %broadcast_in_dim3A_57, %scan3A_804 = %broadcast_in_dim3A_59) -> (vector<16xf32>, vector<16xf32>, vector<16xf32>, vector<16xf32>)  : i32 {
        %mul3A_805 = arith.constant 128 : i32
        %mul3A_806 = arith.muli %scan3A_800, %mul3A_805 : i32
        %add3A_807 = arith.constant 0 : i32
        %add3A_808 = arith.addi %mul3A_806, %add3A_807 : i32
        %get3A_809 = arith.constant 0 : i32
        %get3A_810 = arith.index_cast %get3A_809 : i32 to index
        %get3A_811 = arith.index_cast %add3A_808 : i32 to index
        %get3A_812 = tpu.vector_load %arg11[%get3A_810, %get3A_811] {strides = array<i32>} : memref<16x1024xf32, #tpu.memory_space<vmem>>, vector<16xf32>,
        %get3A_813 = arith.constant 0 : i32
        %get3A_814 = arith.index_cast %get3A_813 : i32 to index
        %get3A_815 = arith.index_cast %add3A_808 : i32 to index
        %get3A_816 = tpu.vector_load %arg13[%get3A_814, %get3A_815] {strides = array<i32>} : memref<16x1024xf32, #tpu.memory_space<vmem>>, vector<16xf32>,
        %sub3A = arith.subf %get3A_812, %get3A_816 : vector<16xf32>
        %mul3A_817 = arith.mulf %sub3A, %sub3A : vector<16xf32>
        %add3A_818 = arith.addf %scan3A_801, %mul3A_817 : vector<16xf32>
        %add3A_819 = arith.constant 16 : i32
        %add3A_820 = arith.addi %mul3A_806, %add3A_819 : i32
        %get3A_821 = arith.constant 0 : i32
        %get3A_822 = arith.index_cast %get3A_821 : i32 to index
        %get3A_823 = arith.index_cast %add3A_820 : i32 to index
        %get3A_824 = tpu.vector_load %arg11[%get3A_822, %get3A_823] {strides = array<i32>} : memref<16x1024xf32, #tpu.memory_space<vmem>>, vector<16xf32>,
        %get3A_825 = arith.constant 0 : i32
        %get3A_826 = arith.index_cast %get3A_825 : i32 to index
        %get3A_827 = arith.index_cast %add3A_820 : i32 to index
        %get3A_828 = tpu.vector_load %arg13[%get3A_826, %get3A_827] {strides = array<i32>} : memref<16x1024xf32, #tpu.memory_space<vmem>>, vector<16xf32>,
        %sub3A_829 = arith.subf %get3A_824, %get3A_828 : vector<16xf32>
        %mul3A_830 = arith.mulf %sub3A_829, %sub3A_829 : vector<16xf32>
        %add3A_831 = arith.addf %scan3A_802, %mul3A_830 : vector<16xf32>
        %add3A_832 = arith.constant 32 : i32
        %add3A_833 = arith.addi %mul3A_806, %add3A_832 : i32
        %get3A_834 = arith.constant 0 : i32
        %get3A_835 = arith.index_cast %get3A_834 : i32 to index
        %get3A_836 = arith.index_cast %add3A_833 : i32 to index
        %get3A_837 = tpu.vector_load %arg11[%get3A_835, %get3A_836] {strides = array<i32>} : memref<16x1024xf32, #tpu.memory_space<vmem>>, vector<16xf32>,
        %get3A_838 = arith.constant 0 : i32
        %get3A_839 = arith.index_cast %get3A_838 : i32 to index
        %get3A_840 = arith.index_cast %add3A_833 : i32 to index
        %get3A_841 = tpu.vector_load %arg13[%get3A_839, %get3A_840] {strides = array<i32>} : memref<16x1024xf32, #tpu.memory_space<vmem>>, vector<16xf32>,
        %sub3A_842 = arith.subf %get3A_837, %get3A_841 : vector<16xf32>
        %mul3A_843 = arith.mulf %sub3A_842, %sub3A_842 : vector<16xf32>
        %add3A_844 = arith.addf %scan3A_803, %mul3A_843 : vector<16xf32>
        %add3A_845 = arith.constant 48 : i32
        %add3A_846 = arith.addi %mul3A_806, %add3A_845 : i32
        %get3A_847 = arith.constant 0 : i32
        %get3A_848 = arith.index_cast %get3A_847 : i32 to index
        %get3A_849 = arith.index_cast %add3A_846 : i32 to index
        %get3A_850 = tpu.vector_load %arg11[%get3A_848, %get3A_849] {strides = array<i32>} : memref<16x1024xf32, #tpu.memory_space<vmem>>, vector<16xf32>,
        %get3A_851 = arith.constant 0 : i32
        %get3A_852 = arith.index_cast %get3A_851 : i32 to index
        %get3A_853 = arith.index_cast %add3A_846 : i32 to index
        %get3A_854 = tpu.vector_load %arg13[%get3A_852, %get3A_853] {strides = array<i32>} : memref<16x1024xf32, #tpu.memory_space<vmem>>, vector<16xf32>,
        %sub3A_855 = arith.subf %get3A_850, %get3A_854 : vector<16xf32>
        %mul3A_856 = arith.mulf %sub3A_855, %sub3A_855 : vector<16xf32>
        %add3A_857 = arith.addf %scan3A_804, %mul3A_856 : vector<16xf32>
        %add3A_858 = arith.constant 64 : i32
        %add3A_859 = arith.addi %mul3A_806, %add3A_858 : i32
        %get3A_860 = arith.constant 0 : i32
        %get3A_861 = arith.index_cast %get3A_860 : i32 to index
        %get3A_862 = arith.index_cast %add3A_859 : i32 to index
        %get3A_863 = tpu.vector_load %arg11[%get3A_861, %get3A_862] {strides = array<i32>} : memref<16x1024xf32, #tpu.memory_space<vmem>>, vector<16xf32>,
        %get3A_864 = arith.constant 0 : i32
        %get3A_865 = arith.index_cast %get3A_864 : i32 to index
        %get3A_866 = arith.index_cast %add3A_859 : i32 to index
        %get3A_867 = tpu.vector_load %arg13[%get3A_865, %get3A_866] {strides = array<i32>} : memref<16x1024xf32, #tpu.memory_space<vmem>>, vector<16xf32>,
        %sub3A_868 = arith.subf %get3A_863, %get3A_867 : vector<16xf32>
        %mul3A_869 = arith.mulf %sub3A_868, %sub3A_868 : vector<16xf32>
        %add3A_870 = arith.addf %add3A_818, %mul3A_869 : vector<16xf32>
        %add3A_871 = arith.constant 80 : i32
        %add3A_872 = arith.addi %mul3A_806, %add3A_871 : i32
        %get3A_873 = arith.constant 0 : i32
        %get3A_874 = arith.index_cast %get3A_873 : i32 to index
        %get3A_875 = arith.index_cast %add3A_872 : i32 to index
        %get3A_876 = tpu.vector_load %arg11[%get3A_874, %get3A_875] {strides = array<i32>} : memref<16x1024xf32, #tpu.memory_space<vmem>>, vector<16xf32>,
        %get3A_877 = arith.constant 0 : i32
        %get3A_878 = arith.index_cast %get3A_877 : i32 to index
        %get3A_879 = arith.index_cast %add3A_872 : i32 to index
        %get3A_880 = tpu.vector_load %arg13[%get3A_878, %get3A_879] {strides = array<i32>} : memref<16x1024xf32, #tpu.memory_space<vmem>>, vector<16xf32>,
        %sub3A_881 = arith.subf %get3A_876, %get3A_880 : vector<16xf32>
        %mul3A_882 = arith.mulf %sub3A_881, %sub3A_881 : vector<16xf32>
        %add3A_883 = arith.addf %add3A_831, %mul3A_882 : vector<16xf32>
        %add3A_884 = arith.constant 96 : i32
        %add3A_885 = arith.addi %mul3A_806, %add3A_884 : i32
        %get3A_886 = arith.constant 0 : i32
        %get3A_887 = arith.index_cast %get3A_886 : i32 to index
        %get3A_888 = arith.index_cast %add3A_885 : i32 to index
        %get3A_889 = tpu.vector_load %arg11[%get3A_887, %get3A_888] {strides = array<i32>} : memref<16x1024xf32, #tpu.memory_space<vmem>>, vector<16xf32>,
        %get3A_890 = arith.constant 0 : i32
        %get3A_891 = arith.index_cast %get3A_890 : i32 to index
        %get3A_892 = arith.index_cast %add3A_885 : i32 to index
        %get3A_893 = tpu.vector_load %arg13[%get3A_891, %get3A_892] {strides = array<i32>} : memref<16x1024xf32, #tpu.memory_space<vmem>>, vector<16xf32>,
        %sub3A_894 = arith.subf %get3A_889, %get3A_893 : vector<16xf32>
        %mul3A_895 = arith.mulf %sub3A_894, %sub3A_894 : vector<16xf32>
        %add3A_896 = arith.addf %add3A_844, %mul3A_895 : vector<16xf32>
        %add3A_897 = arith.constant 112 : i32
        %add3A_898 = arith.addi %mul3A_806, %add3A_897 : i32
        %get3A_899 = arith.constant 0 : i32
        %get3A_900 = arith.index_cast %get3A_899 : i32 to index
        %get3A_901 = arith.index_cast %add3A_898 : i32 to index
        %get3A_902 = tpu.vector_load %arg11[%get3A_900, %get3A_901] {strides = array<i32>} : memref<16x1024xf32, #tpu.memory_space<vmem>>, vector<16xf32>,
        %get3A_903 = arith.constant 0 : i32
        %get3A_904 = arith.index_cast %get3A_903 : i32 to index
        %get3A_905 = arith.index_cast %add3A_898 : i32 to index
        %get3A_906 = tpu.vector_load %arg13[%get3A_904, %get3A_905] {strides = array<i32>} : memref<16x1024xf32, #tpu.memory_space<vmem>>, vector<16xf32>,
        %sub3A_907 = arith.subf %get3A_902, %get3A_906 : vector<16xf32>
        %mul3A_908 = arith.mulf %sub3A_907, %sub3A_907 : vector<16xf32>
        %add3A_909 = arith.addf %add3A_857, %mul3A_908 : vector<16xf32>
        scf.yield %add3A_870, %add3A_883, %add3A_896, %add3A_909 : vector<16xf32>, vector<16xf32>, vector<16xf32>, vector<16xf32>
      }
      %scan3A_65 = arith.constant 8 : i32
      %add3A_66 = arith.addf %scan3A_64#0, %scan3A_64#1 : vector<16xf32>
      %add3A_67 = arith.addf %scan3A_64#2, %scan3A_64#3 : vector<16xf32>
      %add3A_68 = arith.addf %add3A_66, %add3A_67 : vector<16xf32>
      %broadcast_in_dim3A_69 = arith.constant 0 : i32
      %broadcast_in_dim3A_70 = vector.broadcast %broadcast_in_dim3A_69 : i32 to vector<16xi32>
      %gather3A_71 = tpu.vector_load_idx %arg9[%broadcast_in_dim3A_70] : memref<16xf32, #tpu.memory_space<vmem>>[vector<16xi32>], vector<16xf32>,
      %mul3A_72 = arith.mulf %add3A_68, %gather3A_71 : vector<16xf32>
      %add3A_73 = arith.addf %broadcast_in_dim3A_51, %mul3A_72 : vector<16xf32>
      %broadcast_in_dim3A_74 = arith.constant 0.000000e+00 : f32
      %broadcast_in_dim3A_75 = vector.broadcast %broadcast_in_dim3A_74 : f32 to vector<16xf32>
      %broadcast_in_dim3A_76 = arith.constant 0.000000e+00 : f32
      %broadcast_in_dim3A_77 = vector.broadcast %broadcast_in_dim3A_76 : f32 to vector<16xf32>
      %broadcast_in_dim3A_78 = arith.constant 0.000000e+00 : f32
      %broadcast_in_dim3A_79 = vector.broadcast %broadcast_in_dim3A_78 : f32 to vector<16xf32>
      %broadcast_in_dim3A_80 = arith.constant 0.000000e+00 : f32
      %broadcast_in_dim3A_81 = vector.broadcast %broadcast_in_dim3A_80 : f32 to vector<16xf32>
      %scan3A_82 = arith.constant 0 : i32
      %scan3A_83 = arith.constant 8 : i32
      %scan3A_84 = arith.addi %scan3A_82, %scan3A_83 : i32
      %scan3A_85 = arith.constant 1 : i32
      %scan3A_86:4 = scf.for %scan3A_800 = %scan3A_82 to %scan3A_84 step %scan3A_85 iter_args(%scan3A_801 = %broadcast_in_dim3A_75, %scan3A_802 = %broadcast_in_dim3A_77, %scan3A_803 = %broadcast_in_dim3A_79, %scan3A_804 = %broadcast_in_dim3A_81) -> (vector<16xf32>, vector<16xf32>, vector<16xf32>, vector<16xf32>)  : i32 {
        %mul3A_805 = arith.constant 128 : i32
        %mul3A_806 = arith.muli %scan3A_800, %mul3A_805 : i32
        %add3A_807 = arith.constant 0 : i32
        %add3A_808 = arith.addi %mul3A_806, %add3A_807 : i32
        %get3A_809 = arith.constant 1 : i32
        %get3A_810 = arith.index_cast %get3A_809 : i32 to index
        %get3A_811 = arith.index_cast %add3A_808 : i32 to index
        %get3A_812 = tpu.vector_load %arg11[%get3A_810, %get3A_811] {strides = array<i32>} : memref<16x1024xf32, #tpu.memory_space<vmem>>, vector<16xf32>,
        %get3A_813 = arith.constant 1 : i32
        %get3A_814 = arith.index_cast %get3A_813 : i32 to index
        %get3A_815 = arith.index_cast %add3A_808 : i32 to index
        %get3A_816 = tpu.vector_load %arg13[%get3A_814, %get3A_815] {strides = array<i32>} : memref<16x1024xf32, #tpu.memory_space<vmem>>, vector<16xf32>,
        %sub3A = arith.subf %get3A_812, %get3A_816 : vector<16xf32>
        %mul3A_817 = arith.mulf %sub3A, %sub3A : vector<16xf32>
        %add3A_818 = arith.addf %scan3A_801, %mul3A_817 : vector<16xf32>
        %add3A_819 = arith.constant 16 : i32
        %add3A_820 = arith.addi %mul3A_806, %add3A_819 : i32
        %get3A_821 = arith.constant 1 : i32
        %get3A_822 = arith.index_cast %get3A_821 : i32 to index
        %get3A_823 = arith.index_cast %add3A_820 : i32 to index
        %get3A_824 = tpu.vector_load %arg11[%get3A_822, %get3A_823] {strides = array<i32>} : memref<16x1024xf32, #tpu.memory_space<vmem>>, vector<16xf32>,
        %get3A_825 = arith.constant 1 : i32
        %get3A_826 = arith.index_cast %get3A_825 : i32 to index
        %get3A_827 = arith.index_cast %add3A_820 : i32 to index
        %get3A_828 = tpu.vector_load %arg13[%get3A_826, %get3A_827] {strides = array<i32>} : memref<16x1024xf32, #tpu.memory_space<vmem>>, vector<16xf32>,
        %sub3A_829 = arith.subf %get3A_824, %get3A_828 : vector<16xf32>
        %mul3A_830 = arith.mulf %sub3A_829, %sub3A_829 : vector<16xf32>
        %add3A_831 = arith.addf %scan3A_802, %mul3A_830 : vector<16xf32>
        %add3A_832 = arith.constant 32 : i32
        %add3A_833 = arith.addi %mul3A_806, %add3A_832 : i32
        %get3A_834 = arith.constant 1 : i32
        %get3A_835 = arith.index_cast %get3A_834 : i32 to index
        %get3A_836 = arith.index_cast %add3A_833 : i32 to index
        %get3A_837 = tpu.vector_load %arg11[%get3A_835, %get3A_836] {strides = array<i32>} : memref<16x1024xf32, #tpu.memory_space<vmem>>, vector<16xf32>,
        %get3A_838 = arith.constant 1 : i32
        %get3A_839 = arith.index_cast %get3A_838 : i32 to index
        %get3A_840 = arith.index_cast %add3A_833 : i32 to index
        %get3A_841 = tpu.vector_load %arg13[%get3A_839, %get3A_840] {strides = array<i32>} : memref<16x1024xf32, #tpu.memory_space<vmem>>, vector<16xf32>,
        %sub3A_842 = arith.subf %get3A_837, %get3A_841 : vector<16xf32>
        %mul3A_843 = arith.mulf %sub3A_842, %sub3A_842 : vector<16xf32>
        %add3A_844 = arith.addf %scan3A_803, %mul3A_843 : vector<16xf32>
        %add3A_845 = arith.constant 48 : i32
        %add3A_846 = arith.addi %mul3A_806, %add3A_845 : i32
        %get3A_847 = arith.constant 1 : i32
        %get3A_848 = arith.index_cast %get3A_847 : i32 to index
        %get3A_849 = arith.index_cast %add3A_846 : i32 to index
        %get3A_850 = tpu.vector_load %arg11[%get3A_848, %get3A_849] {strides = array<i32>} : memref<16x1024xf32, #tpu.memory_space<vmem>>, vector<16xf32>,
        %get3A_851 = arith.constant 1 : i32
        %get3A_852 = arith.index_cast %get3A_851 : i32 to index
        %get3A_853 = arith.index_cast %add3A_846 : i32 to index
        %get3A_854 = tpu.vector_load %arg13[%get3A_852, %get3A_853] {strides = array<i32>} : memref<16x1024xf32, #tpu.memory_space<vmem>>, vector<16xf32>,
        %sub3A_855 = arith.subf %get3A_850, %get3A_854 : vector<16xf32>
        %mul3A_856 = arith.mulf %sub3A_855, %sub3A_855 : vector<16xf32>
        %add3A_857 = arith.addf %scan3A_804, %mul3A_856 : vector<16xf32>
        %add3A_858 = arith.constant 64 : i32
        %add3A_859 = arith.addi %mul3A_806, %add3A_858 : i32
        %get3A_860 = arith.constant 1 : i32
        %get3A_861 = arith.index_cast %get3A_860 : i32 to index
        %get3A_862 = arith.index_cast %add3A_859 : i32 to index
        %get3A_863 = tpu.vector_load %arg11[%get3A_861, %get3A_862] {strides = array<i32>} : memref<16x1024xf32, #tpu.memory_space<vmem>>, vector<16xf32>,
        %get3A_864 = arith.constant 1 : i32
        %get3A_865 = arith.index_cast %get3A_864 : i32 to index
        %get3A_866 = arith.index_cast %add3A_859 : i32 to index
        %get3A_867 = tpu.vector_load %arg13[%get3A_865, %get3A_866] {strides = array<i32>} : memref<16x1024xf32, #tpu.memory_space<vmem>>, vector<16xf32>,
        %sub3A_868 = arith.subf %get3A_863, %get3A_867 : vector<16xf32>
        %mul3A_869 = arith.mulf %sub3A_868, %sub3A_868 : vector<16xf32>
        %add3A_870 = arith.addf %add3A_818, %mul3A_869 : vector<16xf32>
        %add3A_871 = arith.constant 80 : i32
        %add3A_872 = arith.addi %mul3A_806, %add3A_871 : i32
        %get3A_873 = arith.constant 1 : i32
        %get3A_874 = arith.index_cast %get3A_873 : i32 to index
        %get3A_875 = arith.index_cast %add3A_872 : i32 to index
        %get3A_876 = tpu.vector_load %arg11[%get3A_874, %get3A_875] {strides = array<i32>} : memref<16x1024xf32, #tpu.memory_space<vmem>>, vector<16xf32>,
        %get3A_877 = arith.constant 1 : i32
        %get3A_878 = arith.index_cast %get3A_877 : i32 to index
        %get3A_879 = arith.index_cast %add3A_872 : i32 to index
        %get3A_880 = tpu.vector_load %arg13[%get3A_878, %get3A_879] {strides = array<i32>} : memref<16x1024xf32, #tpu.memory_space<vmem>>, vector<16xf32>,
        %sub3A_881 = arith.subf %get3A_876, %get3A_880 : vector<16xf32>
        %mul3A_882 = arith.mulf %sub3A_881, %sub3A_881 : vector<16xf32>
        %add3A_883 = arith.addf %add3A_831, %mul3A_882 : vector<16xf32>
        %add3A_884 = arith.constant 96 : i32
        %add3A_885 = arith.addi %mul3A_806, %add3A_884 : i32
        %get3A_886 = arith.constant 1 : i32
        %get3A_887 = arith.index_cast %get3A_886 : i32 to index
        %get3A_888 = arith.index_cast %add3A_885 : i32 to index
        %get3A_889 = tpu.vector_load %arg11[%get3A_887, %get3A_888] {strides = array<i32>} : memref<16x1024xf32, #tpu.memory_space<vmem>>, vector<16xf32>,
        %get3A_890 = arith.constant 1 : i32
        %get3A_891 = arith.index_cast %get3A_890 : i32 to index
        %get3A_892 = arith.index_cast %add3A_885 : i32 to index
        %get3A_893 = tpu.vector_load %arg13[%get3A_891, %get3A_892] {strides = array<i32>} : memref<16x1024xf32, #tpu.memory_space<vmem>>, vector<16xf32>,
        %sub3A_894 = arith.subf %get3A_889, %get3A_893 : vector<16xf32>
        %mul3A_895 = arith.mulf %sub3A_894, %sub3A_894 : vector<16xf32>
        %add3A_896 = arith.addf %add3A_844, %mul3A_895 : vector<16xf32>
        %add3A_897 = arith.constant 112 : i32
        %add3A_898 = arith.addi %mul3A_806, %add3A_897 : i32
        %get3A_899 = arith.constant 1 : i32
        %get3A_900 = arith.index_cast %get3A_899 : i32 to index
        %get3A_901 = arith.index_cast %add3A_898 : i32 to index
        %get3A_902 = tpu.vector_load %arg11[%get3A_900, %get3A_901] {strides = array<i32>} : memref<16x1024xf32, #tpu.memory_space<vmem>>, vector<16xf32>,
        %get3A_903 = arith.constant 1 : i32
        %get3A_904 = arith.index_cast %get3A_903 : i32 to index
        %get3A_905 = arith.index_cast %add3A_898 : i32 to index
        %get3A_906 = tpu.vector_load %arg13[%get3A_904, %get3A_905] {strides = array<i32>} : memref<16x1024xf32, #tpu.memory_space<vmem>>, vector<16xf32>,
        %sub3A_907 = arith.subf %get3A_902, %get3A_906 : vector<16xf32>
        %mul3A_908 = arith.mulf %sub3A_907, %sub3A_907 : vector<16xf32>
        %add3A_909 = arith.addf %add3A_857, %mul3A_908 : vector<16xf32>
        scf.yield %add3A_870, %add3A_883, %add3A_896, %add3A_909 : vector<16xf32>, vector<16xf32>, vector<16xf32>, vector<16xf32>
      }
      %scan3A_87 = arith.constant 8 : i32
      %add3A_88 = arith.addf %scan3A_86#0, %scan3A_86#1 : vector<16xf32>
      %add3A_89 = arith.addf %scan3A_86#2, %scan3A_86#3 : vector<16xf32>
      %add3A_90 = arith.addf %add3A_88, %add3A_89 : vector<16xf32>
      %broadcast_in_dim3A_91 = arith.constant 1 : i32
      %broadcast_in_dim3A_92 = vector.broadcast %broadcast_in_dim3A_91 : i32 to vector<16xi32>
      %gather3A_93 = tpu.vector_load_idx %arg9[%broadcast_in_dim3A_92] : memref<16xf32, #tpu.memory_space<vmem>>[vector<16xi32>], vector<16xf32>,
      %mul3A_94 = arith.mulf %add3A_90, %gather3A_93 : vector<16xf32>
      %add3A_95 = arith.addf %add3A_73, %mul3A_94 : vector<16xf32>
      %broadcast_in_dim3A_96 = arith.constant 0.000000e+00 : f32
      %broadcast_in_dim3A_97 = vector.broadcast %broadcast_in_dim3A_96 : f32 to vector<16xf32>
      %broadcast_in_dim3A_98 = arith.constant 0.000000e+00 : f32
      %broadcast_in_dim3A_99 = vector.broadcast %broadcast_in_dim3A_98 : f32 to vector<16xf32>
      %broadcast_in_dim3A_100 = arith.constant 0.000000e+00 : f32
      %broadcast_in_dim3A_101 = vector.broadcast %broadcast_in_dim3A_100 : f32 to vector<16xf32>
      %broadcast_in_dim3A_102 = arith.constant 0.000000e+00 : f32
      %broadcast_in_dim3A_103 = vector.broadcast %broadcast_in_dim3A_102 : f32 to vector<16xf32>
      %scan3A_104 = arith.constant 0 : i32
      %scan3A_105 = arith.constant 8 : i32
      %scan3A_106 = arith.addi %scan3A_104, %scan3A_105 : i32
      %scan3A_107 = arith.constant 1 : i32
      %scan3A_108:4 = scf.for %scan3A_800 = %scan3A_104 to %scan3A_106 step %scan3A_107 iter_args(%scan3A_801 = %broadcast_in_dim3A_97, %scan3A_802 = %broadcast_in_dim3A_99, %scan3A_803 = %broadcast_in_dim3A_101, %scan3A_804 = %broadcast_in_dim3A_103) -> (vector<16xf32>, vector<16xf32>, vector<16xf32>, vector<16xf32>)  : i32 {
        %mul3A_805 = arith.constant 128 : i32
        %mul3A_806 = arith.muli %scan3A_800, %mul3A_805 : i32
        %add3A_807 = arith.constant 0 : i32
        %add3A_808 = arith.addi %mul3A_806, %add3A_807 : i32
        %get3A_809 = arith.constant 2 : i32
        %get3A_810 = arith.index_cast %get3A_809 : i32 to index
        %get3A_811 = arith.index_cast %add3A_808 : i32 to index
        %get3A_812 = tpu.vector_load %arg11[%get3A_810, %get3A_811] {strides = array<i32>} : memref<16x1024xf32, #tpu.memory_space<vmem>>, vector<16xf32>,
        %get3A_813 = arith.constant 2 : i32
        %get3A_814 = arith.index_cast %get3A_813 : i32 to index
        %get3A_815 = arith.index_cast %add3A_808 : i32 to index
        %get3A_816 = tpu.vector_load %arg13[%get3A_814, %get3A_815] {strides = array<i32>} : memref<16x1024xf32, #tpu.memory_space<vmem>>, vector<16xf32>,
        %sub3A = arith.subf %get3A_812, %get3A_816 : vector<16xf32>
        %mul3A_817 = arith.mulf %sub3A, %sub3A : vector<16xf32>
        %add3A_818 = arith.addf %scan3A_801, %mul3A_817 : vector<16xf32>
        %add3A_819 = arith.constant 16 : i32
        %add3A_820 = arith.addi %mul3A_806, %add3A_819 : i32
        %get3A_821 = arith.constant 2 : i32
        %get3A_822 = arith.index_cast %get3A_821 : i32 to index
        %get3A_823 = arith.index_cast %add3A_820 : i32 to index
        %get3A_824 = tpu.vector_load %arg11[%get3A_822, %get3A_823] {strides = array<i32>} : memref<16x1024xf32, #tpu.memory_space<vmem>>, vector<16xf32>,
        %get3A_825 = arith.constant 2 : i32
        %get3A_826 = arith.index_cast %get3A_825 : i32 to index
        %get3A_827 = arith.index_cast %add3A_820 : i32 to index
        %get3A_828 = tpu.vector_load %arg13[%get3A_826, %get3A_827] {strides = array<i32>} : memref<16x1024xf32, #tpu.memory_space<vmem>>, vector<16xf32>,
        %sub3A_829 = arith.subf %get3A_824, %get3A_828 : vector<16xf32>
        %mul3A_830 = arith.mulf %sub3A_829, %sub3A_829 : vector<16xf32>
        %add3A_831 = arith.addf %scan3A_802, %mul3A_830 : vector<16xf32>
        %add3A_832 = arith.constant 32 : i32
        %add3A_833 = arith.addi %mul3A_806, %add3A_832 : i32
        %get3A_834 = arith.constant 2 : i32
        %get3A_835 = arith.index_cast %get3A_834 : i32 to index
        %get3A_836 = arith.index_cast %add3A_833 : i32 to index
        %get3A_837 = tpu.vector_load %arg11[%get3A_835, %get3A_836] {strides = array<i32>} : memref<16x1024xf32, #tpu.memory_space<vmem>>, vector<16xf32>,
        %get3A_838 = arith.constant 2 : i32
        %get3A_839 = arith.index_cast %get3A_838 : i32 to index
        %get3A_840 = arith.index_cast %add3A_833 : i32 to index
        %get3A_841 = tpu.vector_load %arg13[%get3A_839, %get3A_840] {strides = array<i32>} : memref<16x1024xf32, #tpu.memory_space<vmem>>, vector<16xf32>,
        %sub3A_842 = arith.subf %get3A_837, %get3A_841 : vector<16xf32>
        %mul3A_843 = arith.mulf %sub3A_842, %sub3A_842 : vector<16xf32>
        %add3A_844 = arith.addf %scan3A_803, %mul3A_843 : vector<16xf32>
        %add3A_845 = arith.constant 48 : i32
        %add3A_846 = arith.addi %mul3A_806, %add3A_845 : i32
        %get3A_847 = arith.constant 2 : i32
        %get3A_848 = arith.index_cast %get3A_847 : i32 to index
        %get3A_849 = arith.index_cast %add3A_846 : i32 to index
        %get3A_850 = tpu.vector_load %arg11[%get3A_848, %get3A_849] {strides = array<i32>} : memref<16x1024xf32, #tpu.memory_space<vmem>>, vector<16xf32>,
        %get3A_851 = arith.constant 2 : i32
        %get3A_852 = arith.index_cast %get3A_851 : i32 to index
        %get3A_853 = arith.index_cast %add3A_846 : i32 to index
        %get3A_854 = tpu.vector_load %arg13[%get3A_852, %get3A_853] {strides = array<i32>} : memref<16x1024xf32, #tpu.memory_space<vmem>>, vector<16xf32>,
        %sub3A_855 = arith.subf %get3A_850, %get3A_854 : vector<16xf32>
        %mul3A_856 = arith.mulf %sub3A_855, %sub3A_855 : vector<16xf32>
        %add3A_857 = arith.addf %scan3A_804, %mul3A_856 : vector<16xf32>
        %add3A_858 = arith.constant 64 : i32
        %add3A_859 = arith.addi %mul3A_806, %add3A_858 : i32
        %get3A_860 = arith.constant 2 : i32
        %get3A_861 = arith.index_cast %get3A_860 : i32 to index
        %get3A_862 = arith.index_cast %add3A_859 : i32 to index
        %get3A_863 = tpu.vector_load %arg11[%get3A_861, %get3A_862] {strides = array<i32>} : memref<16x1024xf32, #tpu.memory_space<vmem>>, vector<16xf32>,
        %get3A_864 = arith.constant 2 : i32
        %get3A_865 = arith.index_cast %get3A_864 : i32 to index
        %get3A_866 = arith.index_cast %add3A_859 : i32 to index
        %get3A_867 = tpu.vector_load %arg13[%get3A_865, %get3A_866] {strides = array<i32>} : memref<16x1024xf32, #tpu.memory_space<vmem>>, vector<16xf32>,
        %sub3A_868 = arith.subf %get3A_863, %get3A_867 : vector<16xf32>
        %mul3A_869 = arith.mulf %sub3A_868, %sub3A_868 : vector<16xf32>
        %add3A_870 = arith.addf %add3A_818, %mul3A_869 : vector<16xf32>
        %add3A_871 = arith.constant 80 : i32
        %add3A_872 = arith.addi %mul3A_806, %add3A_871 : i32
        %get3A_873 = arith.constant 2 : i32
        %get3A_874 = arith.index_cast %get3A_873 : i32 to index
        %get3A_875 = arith.index_cast %add3A_872 : i32 to index
        %get3A_876 = tpu.vector_load %arg11[%get3A_874, %get3A_875] {strides = array<i32>} : memref<16x1024xf32, #tpu.memory_space<vmem>>, vector<16xf32>,
        %get3A_877 = arith.constant 2 : i32
        %get3A_878 = arith.index_cast %get3A_877 : i32 to index
        %get3A_879 = arith.index_cast %add3A_872 : i32 to index
        %get3A_880 = tpu.vector_load %arg13[%get3A_878, %get3A_879] {strides = array<i32>} : memref<16x1024xf32, #tpu.memory_space<vmem>>, vector<16xf32>,
        %sub3A_881 = arith.subf %get3A_876, %get3A_880 : vector<16xf32>
        %mul3A_882 = arith.mulf %sub3A_881, %sub3A_881 : vector<16xf32>
        %add3A_883 = arith.addf %add3A_831, %mul3A_882 : vector<16xf32>
        %add3A_884 = arith.constant 96 : i32
        %add3A_885 = arith.addi %mul3A_806, %add3A_884 : i32
        %get3A_886 = arith.constant 2 : i32
        %get3A_887 = arith.index_cast %get3A_886 : i32 to index
        %get3A_888 = arith.index_cast %add3A_885 : i32 to index
        %get3A_889 = tpu.vector_load %arg11[%get3A_887, %get3A_888] {strides = array<i32>} : memref<16x1024xf32, #tpu.memory_space<vmem>>, vector<16xf32>,
        %get3A_890 = arith.constant 2 : i32
        %get3A_891 = arith.index_cast %get3A_890 : i32 to index
        %get3A_892 = arith.index_cast %add3A_885 : i32 to index
        %get3A_893 = tpu.vector_load %arg13[%get3A_891, %get3A_892] {strides = array<i32>} : memref<16x1024xf32, #tpu.memory_space<vmem>>, vector<16xf32>,
        %sub3A_894 = arith.subf %get3A_889, %get3A_893 : vector<16xf32>
        %mul3A_895 = arith.mulf %sub3A_894, %sub3A_894 : vector<16xf32>
        %add3A_896 = arith.addf %add3A_844, %mul3A_895 : vector<16xf32>
        %add3A_897 = arith.constant 112 : i32
        %add3A_898 = arith.addi %mul3A_806, %add3A_897 : i32
        %get3A_899 = arith.constant 2 : i32
        %get3A_900 = arith.index_cast %get3A_899 : i32 to index
        %get3A_901 = arith.index_cast %add3A_898 : i32 to index
        %get3A_902 = tpu.vector_load %arg11[%get3A_900, %get3A_901] {strides = array<i32>} : memref<16x1024xf32, #tpu.memory_space<vmem>>, vector<16xf32>,
        %get3A_903 = arith.constant 2 : i32
        %get3A_904 = arith.index_cast %get3A_903 : i32 to index
        %get3A_905 = arith.index_cast %add3A_898 : i32 to index
        %get3A_906 = tpu.vector_load %arg13[%get3A_904, %get3A_905] {strides = array<i32>} : memref<16x1024xf32, #tpu.memory_space<vmem>>, vector<16xf32>,
        %sub3A_907 = arith.subf %get3A_902, %get3A_906 : vector<16xf32>
        %mul3A_908 = arith.mulf %sub3A_907, %sub3A_907 : vector<16xf32>
        %add3A_909 = arith.addf %add3A_857, %mul3A_908 : vector<16xf32>
        scf.yield %add3A_870, %add3A_883, %add3A_896, %add3A_909 : vector<16xf32>, vector<16xf32>, vector<16xf32>, vector<16xf32>
      }
      %scan3A_109 = arith.constant 8 : i32
      %add3A_110 = arith.addf %scan3A_108#0, %scan3A_108#1 : vector<16xf32>
      %add3A_111 = arith.addf %scan3A_108#2, %scan3A_108#3 : vector<16xf32>
      %add3A_112 = arith.addf %add3A_110, %add3A_111 : vector<16xf32>
      %broadcast_in_dim3A_113 = arith.constant 2 : i32
      %broadcast_in_dim3A_114 = vector.broadcast %broadcast_in_dim3A_113 : i32 to vector<16xi32>
      %gather3A_115 = tpu.vector_load_idx %arg9[%broadcast_in_dim3A_114] : memref<16xf32, #tpu.memory_space<vmem>>[vector<16xi32>], vector<16xf32>,
      %mul3A_116 = arith.mulf %add3A_112, %gather3A_115 : vector<16xf32>
      %add3A_117 = arith.addf %add3A_95, %mul3A_116 : vector<16xf32>
      %broadcast_in_dim3A_118 = arith.constant 0.000000e+00 : f32
      %broadcast_in_dim3A_119 = vector.broadcast %broadcast_in_dim3A_118 : f32 to vector<16xf32>
      %broadcast_in_dim3A_120 = arith.constant 0.000000e+00 : f32
      %broadcast_in_dim3A_121 = vector.broadcast %broadcast_in_dim3A_120 : f32 to vector<16xf32>
      %broadcast_in_dim3A_122 = arith.constant 0.000000e+00 : f32
      %broadcast_in_dim3A_123 = vector.broadcast %broadcast_in_dim3A_122 : f32 to vector<16xf32>
      %broadcast_in_dim3A_124 = arith.constant 0.000000e+00 : f32
      %broadcast_in_dim3A_125 = vector.broadcast %broadcast_in_dim3A_124 : f32 to vector<16xf32>
      %scan3A_126 = arith.constant 0 : i32
      %scan3A_127 = arith.constant 8 : i32
      %scan3A_128 = arith.addi %scan3A_126, %scan3A_127 : i32
      %scan3A_129 = arith.constant 1 : i32
      %scan3A_130:4 = scf.for %scan3A_800 = %scan3A_126 to %scan3A_128 step %scan3A_129 iter_args(%scan3A_801 = %broadcast_in_dim3A_119, %scan3A_802 = %broadcast_in_dim3A_121, %scan3A_803 = %broadcast_in_dim3A_123, %scan3A_804 = %broadcast_in_dim3A_125) -> (vector<16xf32>, vector<16xf32>, vector<16xf32>, vector<16xf32>)  : i32 {
        %mul3A_805 = arith.constant 128 : i32
        %mul3A_806 = arith.muli %scan3A_800, %mul3A_805 : i32
        %add3A_807 = arith.constant 0 : i32
        %add3A_808 = arith.addi %mul3A_806, %add3A_807 : i32
        %get3A_809 = arith.constant 3 : i32
        %get3A_810 = arith.index_cast %get3A_809 : i32 to index
        %get3A_811 = arith.index_cast %add3A_808 : i32 to index
        %get3A_812 = tpu.vector_load %arg11[%get3A_810, %get3A_811] {strides = array<i32>} : memref<16x1024xf32, #tpu.memory_space<vmem>>, vector<16xf32>,
        %get3A_813 = arith.constant 3 : i32
        %get3A_814 = arith.index_cast %get3A_813 : i32 to index
        %get3A_815 = arith.index_cast %add3A_808 : i32 to index
        %get3A_816 = tpu.vector_load %arg13[%get3A_814, %get3A_815] {strides = array<i32>} : memref<16x1024xf32, #tpu.memory_space<vmem>>, vector<16xf32>,
        %sub3A = arith.subf %get3A_812, %get3A_816 : vector<16xf32>
        %mul3A_817 = arith.mulf %sub3A, %sub3A : vector<16xf32>
        %add3A_818 = arith.addf %scan3A_801, %mul3A_817 : vector<16xf32>
        %add3A_819 = arith.constant 16 : i32
        %add3A_820 = arith.addi %mul3A_806, %add3A_819 : i32
        %get3A_821 = arith.constant 3 : i32
        %get3A_822 = arith.index_cast %get3A_821 : i32 to index
        %get3A_823 = arith.index_cast %add3A_820 : i32 to index
        %get3A_824 = tpu.vector_load %arg11[%get3A_822, %get3A_823] {strides = array<i32>} : memref<16x1024xf32, #tpu.memory_space<vmem>>, vector<16xf32>,
        %get3A_825 = arith.constant 3 : i32
        %get3A_826 = arith.index_cast %get3A_825 : i32 to index
        %get3A_827 = arith.index_cast %add3A_820 : i32 to index
        %get3A_828 = tpu.vector_load %arg13[%get3A_826, %get3A_827] {strides = array<i32>} : memref<16x1024xf32, #tpu.memory_space<vmem>>, vector<16xf32>,
        %sub3A_829 = arith.subf %get3A_824, %get3A_828 : vector<16xf32>
        %mul3A_830 = arith.mulf %sub3A_829, %sub3A_829 : vector<16xf32>
        %add3A_831 = arith.addf %scan3A_802, %mul3A_830 : vector<16xf32>
        %add3A_832 = arith.constant 32 : i32
        %add3A_833 = arith.addi %mul3A_806, %add3A_832 : i32
        %get3A_834 = arith.constant 3 : i32
        %get3A_835 = arith.index_cast %get3A_834 : i32 to index
        %get3A_836 = arith.index_cast %add3A_833 : i32 to index
        %get3A_837 = tpu.vector_load %arg11[%get3A_835, %get3A_836] {strides = array<i32>} : memref<16x1024xf32, #tpu.memory_space<vmem>>, vector<16xf32>,
        %get3A_838 = arith.constant 3 : i32
        %get3A_839 = arith.index_cast %get3A_838 : i32 to index
        %get3A_840 = arith.index_cast %add3A_833 : i32 to index
        %get3A_841 = tpu.vector_load %arg13[%get3A_839, %get3A_840] {strides = array<i32>} : memref<16x1024xf32, #tpu.memory_space<vmem>>, vector<16xf32>,
        %sub3A_842 = arith.subf %get3A_837, %get3A_841 : vector<16xf32>
        %mul3A_843 = arith.mulf %sub3A_842, %sub3A_842 : vector<16xf32>
        %add3A_844 = arith.addf %scan3A_803, %mul3A_843 : vector<16xf32>
        %add3A_845 = arith.constant 48 : i32
        %add3A_846 = arith.addi %mul3A_806, %add3A_845 : i32
        %get3A_847 = arith.constant 3 : i32
        %get3A_848 = arith.index_cast %get3A_847 : i32 to index
        %get3A_849 = arith.index_cast %add3A_846 : i32 to index
        %get3A_850 = tpu.vector_load %arg11[%get3A_848, %get3A_849] {strides = array<i32>} : memref<16x1024xf32, #tpu.memory_space<vmem>>, vector<16xf32>,
        %get3A_851 = arith.constant 3 : i32
        %get3A_852 = arith.index_cast %get3A_851 : i32 to index
        %get3A_853 = arith.index_cast %add3A_846 : i32 to index
        %get3A_854 = tpu.vector_load %arg13[%get3A_852, %get3A_853] {strides = array<i32>} : memref<16x1024xf32, #tpu.memory_space<vmem>>, vector<16xf32>,
        %sub3A_855 = arith.subf %get3A_850, %get3A_854 : vector<16xf32>
        %mul3A_856 = arith.mulf %sub3A_855, %sub3A_855 : vector<16xf32>
        %add3A_857 = arith.addf %scan3A_804, %mul3A_856 : vector<16xf32>
        %add3A_858 = arith.constant 64 : i32
        %add3A_859 = arith.addi %mul3A_806, %add3A_858 : i32
        %get3A_860 = arith.constant 3 : i32
        %get3A_861 = arith.index_cast %get3A_860 : i32 to index
        %get3A_862 = arith.index_cast %add3A_859 : i32 to index
        %get3A_863 = tpu.vector_load %arg11[%get3A_861, %get3A_862] {strides = array<i32>} : memref<16x1024xf32, #tpu.memory_space<vmem>>, vector<16xf32>,
        %get3A_864 = arith.constant 3 : i32
        %get3A_865 = arith.index_cast %get3A_864 : i32 to index
        %get3A_866 = arith.index_cast %add3A_859 : i32 to index
        %get3A_867 = tpu.vector_load %arg13[%get3A_865, %get3A_866] {strides = array<i32>} : memref<16x1024xf32, #tpu.memory_space<vmem>>, vector<16xf32>,
        %sub3A_868 = arith.subf %get3A_863, %get3A_867 : vector<16xf32>
        %mul3A_869 = arith.mulf %sub3A_868, %sub3A_868 : vector<16xf32>
        %add3A_870 = arith.addf %add3A_818, %mul3A_869 : vector<16xf32>
        %add3A_871 = arith.constant 80 : i32
        %add3A_872 = arith.addi %mul3A_806, %add3A_871 : i32
        %get3A_873 = arith.constant 3 : i32
        %get3A_874 = arith.index_cast %get3A_873 : i32 to index
        %get3A_875 = arith.index_cast %add3A_872 : i32 to index
        %get3A_876 = tpu.vector_load %arg11[%get3A_874, %get3A_875] {strides = array<i32>} : memref<16x1024xf32, #tpu.memory_space<vmem>>, vector<16xf32>,
        %get3A_877 = arith.constant 3 : i32
        %get3A_878 = arith.index_cast %get3A_877 : i32 to index
        %get3A_879 = arith.index_cast %add3A_872 : i32 to index
        %get3A_880 = tpu.vector_load %arg13[%get3A_878, %get3A_879] {strides = array<i32>} : memref<16x1024xf32, #tpu.memory_space<vmem>>, vector<16xf32>,
        %sub3A_881 = arith.subf %get3A_876, %get3A_880 : vector<16xf32>
        %mul3A_882 = arith.mulf %sub3A_881, %sub3A_881 : vector<16xf32>
        %add3A_883 = arith.addf %add3A_831, %mul3A_882 : vector<16xf32>
        %add3A_884 = arith.constant 96 : i32
        %add3A_885 = arith.addi %mul3A_806, %add3A_884 : i32
        %get3A_886 = arith.constant 3 : i32
        %get3A_887 = arith.index_cast %get3A_886 : i32 to index
        %get3A_888 = arith.index_cast %add3A_885 : i32 to index
        %get3A_889 = tpu.vector_load %arg11[%get3A_887, %get3A_888] {strides = array<i32>} : memref<16x1024xf32, #tpu.memory_space<vmem>>, vector<16xf32>,
        %get3A_890 = arith.constant 3 : i32
        %get3A_891 = arith.index_cast %get3A_890 : i32 to index
        %get3A_892 = arith.index_cast %add3A_885 : i32 to index
        %get3A_893 = tpu.vector_load %arg13[%get3A_891, %get3A_892] {strides = array<i32>} : memref<16x1024xf32, #tpu.memory_space<vmem>>, vector<16xf32>,
        %sub3A_894 = arith.subf %get3A_889, %get3A_893 : vector<16xf32>
        %mul3A_895 = arith.mulf %sub3A_894, %sub3A_894 : vector<16xf32>
        %add3A_896 = arith.addf %add3A_844, %mul3A_895 : vector<16xf32>
        %add3A_897 = arith.constant 112 : i32
        %add3A_898 = arith.addi %mul3A_806, %add3A_897 : i32
        %get3A_899 = arith.constant 3 : i32
        %get3A_900 = arith.index_cast %get3A_899 : i32 to index
        %get3A_901 = arith.index_cast %add3A_898 : i32 to index
        %get3A_902 = tpu.vector_load %arg11[%get3A_900, %get3A_901] {strides = array<i32>} : memref<16x1024xf32, #tpu.memory_space<vmem>>, vector<16xf32>,
        %get3A_903 = arith.constant 3 : i32
        %get3A_904 = arith.index_cast %get3A_903 : i32 to index
        %get3A_905 = arith.index_cast %add3A_898 : i32 to index
        %get3A_906 = tpu.vector_load %arg13[%get3A_904, %get3A_905] {strides = array<i32>} : memref<16x1024xf32, #tpu.memory_space<vmem>>, vector<16xf32>,
        %sub3A_907 = arith.subf %get3A_902, %get3A_906 : vector<16xf32>
        %mul3A_908 = arith.mulf %sub3A_907, %sub3A_907 : vector<16xf32>
        %add3A_909 = arith.addf %add3A_857, %mul3A_908 : vector<16xf32>
        scf.yield %add3A_870, %add3A_883, %add3A_896, %add3A_909 : vector<16xf32>, vector<16xf32>, vector<16xf32>, vector<16xf32>
      }
      %scan3A_131 = arith.constant 8 : i32
      %add3A_132 = arith.addf %scan3A_130#0, %scan3A_130#1 : vector<16xf32>
      %add3A_133 = arith.addf %scan3A_130#2, %scan3A_130#3 : vector<16xf32>
      %add3A_134 = arith.addf %add3A_132, %add3A_133 : vector<16xf32>
      %broadcast_in_dim3A_135 = arith.constant 3 : i32
      %broadcast_in_dim3A_136 = vector.broadcast %broadcast_in_dim3A_135 : i32 to vector<16xi32>
      %gather3A_137 = tpu.vector_load_idx %arg9[%broadcast_in_dim3A_136] : memref<16xf32, #tpu.memory_space<vmem>>[vector<16xi32>], vector<16xf32>,
      %mul3A_138 = arith.mulf %add3A_134, %gather3A_137 : vector<16xf32>
      %add3A_139 = arith.addf %add3A_117, %mul3A_138 : vector<16xf32>
      %broadcast_in_dim3A_140 = arith.constant 0.000000e+00 : f32
      %broadcast_in_dim3A_141 = vector.broadcast %broadcast_in_dim3A_140 : f32 to vector<16xf32>
      %broadcast_in_dim3A_142 = arith.constant 0.000000e+00 : f32
      %broadcast_in_dim3A_143 = vector.broadcast %broadcast_in_dim3A_142 : f32 to vector<16xf32>
      %broadcast_in_dim3A_144 = arith.constant 0.000000e+00 : f32
      %broadcast_in_dim3A_145 = vector.broadcast %broadcast_in_dim3A_144 : f32 to vector<16xf32>
      %broadcast_in_dim3A_146 = arith.constant 0.000000e+00 : f32
      %broadcast_in_dim3A_147 = vector.broadcast %broadcast_in_dim3A_146 : f32 to vector<16xf32>
      %scan3A_148 = arith.constant 0 : i32
      %scan3A_149 = arith.constant 8 : i32
      %scan3A_150 = arith.addi %scan3A_148, %scan3A_149 : i32
      %scan3A_151 = arith.constant 1 : i32
      %scan3A_152:4 = scf.for %scan3A_800 = %scan3A_148 to %scan3A_150 step %scan3A_151 iter_args(%scan3A_801 = %broadcast_in_dim3A_141, %scan3A_802 = %broadcast_in_dim3A_143, %scan3A_803 = %broadcast_in_dim3A_145, %scan3A_804 = %broadcast_in_dim3A_147) -> (vector<16xf32>, vector<16xf32>, vector<16xf32>, vector<16xf32>)  : i32 {
        %mul3A_805 = arith.constant 128 : i32
        %mul3A_806 = arith.muli %scan3A_800, %mul3A_805 : i32
        %add3A_807 = arith.constant 0 : i32
        %add3A_808 = arith.addi %mul3A_806, %add3A_807 : i32
        %get3A_809 = arith.constant 4 : i32
        %get3A_810 = arith.index_cast %get3A_809 : i32 to index
        %get3A_811 = arith.index_cast %add3A_808 : i32 to index
        %get3A_812 = tpu.vector_load %arg11[%get3A_810, %get3A_811] {strides = array<i32>} : memref<16x1024xf32, #tpu.memory_space<vmem>>, vector<16xf32>,
        %get3A_813 = arith.constant 4 : i32
        %get3A_814 = arith.index_cast %get3A_813 : i32 to index
        %get3A_815 = arith.index_cast %add3A_808 : i32 to index
        %get3A_816 = tpu.vector_load %arg13[%get3A_814, %get3A_815] {strides = array<i32>} : memref<16x1024xf32, #tpu.memory_space<vmem>>, vector<16xf32>,
        %sub3A = arith.subf %get3A_812, %get3A_816 : vector<16xf32>
        %mul3A_817 = arith.mulf %sub3A, %sub3A : vector<16xf32>
        %add3A_818 = arith.addf %scan3A_801, %mul3A_817 : vector<16xf32>
        %add3A_819 = arith.constant 16 : i32
        %add3A_820 = arith.addi %mul3A_806, %add3A_819 : i32
        %get3A_821 = arith.constant 4 : i32
        %get3A_822 = arith.index_cast %get3A_821 : i32 to index
        %get3A_823 = arith.index_cast %add3A_820 : i32 to index
        %get3A_824 = tpu.vector_load %arg11[%get3A_822, %get3A_823] {strides = array<i32>} : memref<16x1024xf32, #tpu.memory_space<vmem>>, vector<16xf32>,
        %get3A_825 = arith.constant 4 : i32
        %get3A_826 = arith.index_cast %get3A_825 : i32 to index
        %get3A_827 = arith.index_cast %add3A_820 : i32 to index
        %get3A_828 = tpu.vector_load %arg13[%get3A_826, %get3A_827] {strides = array<i32>} : memref<16x1024xf32, #tpu.memory_space<vmem>>, vector<16xf32>,
        %sub3A_829 = arith.subf %get3A_824, %get3A_828 : vector<16xf32>
        %mul3A_830 = arith.mulf %sub3A_829, %sub3A_829 : vector<16xf32>
        %add3A_831 = arith.addf %scan3A_802, %mul3A_830 : vector<16xf32>
        %add3A_832 = arith.constant 32 : i32
        %add3A_833 = arith.addi %mul3A_806, %add3A_832 : i32
        %get3A_834 = arith.constant 4 : i32
        %get3A_835 = arith.index_cast %get3A_834 : i32 to index
        %get3A_836 = arith.index_cast %add3A_833 : i32 to index
        %get3A_837 = tpu.vector_load %arg11[%get3A_835, %get3A_836] {strides = array<i32>} : memref<16x1024xf32, #tpu.memory_space<vmem>>, vector<16xf32>,
        %get3A_838 = arith.constant 4 : i32
        %get3A_839 = arith.index_cast %get3A_838 : i32 to index
        %get3A_840 = arith.index_cast %add3A_833 : i32 to index
        %get3A_841 = tpu.vector_load %arg13[%get3A_839, %get3A_840] {strides = array<i32>} : memref<16x1024xf32, #tpu.memory_space<vmem>>, vector<16xf32>,
        %sub3A_842 = arith.subf %get3A_837, %get3A_841 : vector<16xf32>
        %mul3A_843 = arith.mulf %sub3A_842, %sub3A_842 : vector<16xf32>
        %add3A_844 = arith.addf %scan3A_803, %mul3A_843 : vector<16xf32>
        %add3A_845 = arith.constant 48 : i32
        %add3A_846 = arith.addi %mul3A_806, %add3A_845 : i32
        %get3A_847 = arith.constant 4 : i32
        %get3A_848 = arith.index_cast %get3A_847 : i32 to index
        %get3A_849 = arith.index_cast %add3A_846 : i32 to index
        %get3A_850 = tpu.vector_load %arg11[%get3A_848, %get3A_849] {strides = array<i32>} : memref<16x1024xf32, #tpu.memory_space<vmem>>, vector<16xf32>,
        %get3A_851 = arith.constant 4 : i32
        %get3A_852 = arith.index_cast %get3A_851 : i32 to index
        %get3A_853 = arith.index_cast %add3A_846 : i32 to index
        %get3A_854 = tpu.vector_load %arg13[%get3A_852, %get3A_853] {strides = array<i32>} : memref<16x1024xf32, #tpu.memory_space<vmem>>, vector<16xf32>,
        %sub3A_855 = arith.subf %get3A_850, %get3A_854 : vector<16xf32>
        %mul3A_856 = arith.mulf %sub3A_855, %sub3A_855 : vector<16xf32>
        %add3A_857 = arith.addf %scan3A_804, %mul3A_856 : vector<16xf32>
        %add3A_858 = arith.constant 64 : i32
        %add3A_859 = arith.addi %mul3A_806, %add3A_858 : i32
        %get3A_860 = arith.constant 4 : i32
        %get3A_861 = arith.index_cast %get3A_860 : i32 to index
        %get3A_862 = arith.index_cast %add3A_859 : i32 to index
        %get3A_863 = tpu.vector_load %arg11[%get3A_861, %get3A_862] {strides = array<i32>} : memref<16x1024xf32, #tpu.memory_space<vmem>>, vector<16xf32>,
        %get3A_864 = arith.constant 4 : i32
        %get3A_865 = arith.index_cast %get3A_864 : i32 to index
        %get3A_866 = arith.index_cast %add3A_859 : i32 to index
        %get3A_867 = tpu.vector_load %arg13[%get3A_865, %get3A_866] {strides = array<i32>} : memref<16x1024xf32, #tpu.memory_space<vmem>>, vector<16xf32>,
        %sub3A_868 = arith.subf %get3A_863, %get3A_867 : vector<16xf32>
        %mul3A_869 = arith.mulf %sub3A_868, %sub3A_868 : vector<16xf32>
        %add3A_870 = arith.addf %add3A_818, %mul3A_869 : vector<16xf32>
        %add3A_871 = arith.constant 80 : i32
        %add3A_872 = arith.addi %mul3A_806, %add3A_871 : i32
        %get3A_873 = arith.constant 4 : i32
        %get3A_874 = arith.index_cast %get3A_873 : i32 to index
        %get3A_875 = arith.index_cast %add3A_872 : i32 to index
        %get3A_876 = tpu.vector_load %arg11[%get3A_874, %get3A_875] {strides = array<i32>} : memref<16x1024xf32, #tpu.memory_space<vmem>>, vector<16xf32>,
        %get3A_877 = arith.constant 4 : i32
        %get3A_878 = arith.index_cast %get3A_877 : i32 to index
        %get3A_879 = arith.index_cast %add3A_872 : i32 to index
        %get3A_880 = tpu.vector_load %arg13[%get3A_878, %get3A_879] {strides = array<i32>} : memref<16x1024xf32, #tpu.memory_space<vmem>>, vector<16xf32>,
        %sub3A_881 = arith.subf %get3A_876, %get3A_880 : vector<16xf32>
        %mul3A_882 = arith.mulf %sub3A_881, %sub3A_881 : vector<16xf32>
        %add3A_883 = arith.addf %add3A_831, %mul3A_882 : vector<16xf32>
        %add3A_884 = arith.constant 96 : i32
        %add3A_885 = arith.addi %mul3A_806, %add3A_884 : i32
        %get3A_886 = arith.constant 4 : i32
        %get3A_887 = arith.index_cast %get3A_886 : i32 to index
        %get3A_888 = arith.index_cast %add3A_885 : i32 to index
        %get3A_889 = tpu.vector_load %arg11[%get3A_887, %get3A_888] {strides = array<i32>} : memref<16x1024xf32, #tpu.memory_space<vmem>>, vector<16xf32>,
        %get3A_890 = arith.constant 4 : i32
        %get3A_891 = arith.index_cast %get3A_890 : i32 to index
        %get3A_892 = arith.index_cast %add3A_885 : i32 to index
        %get3A_893 = tpu.vector_load %arg13[%get3A_891, %get3A_892] {strides = array<i32>} : memref<16x1024xf32, #tpu.memory_space<vmem>>, vector<16xf32>,
        %sub3A_894 = arith.subf %get3A_889, %get3A_893 : vector<16xf32>
        %mul3A_895 = arith.mulf %sub3A_894, %sub3A_894 : vector<16xf32>
        %add3A_896 = arith.addf %add3A_844, %mul3A_895 : vector<16xf32>
        %add3A_897 = arith.constant 112 : i32
        %add3A_898 = arith.addi %mul3A_806, %add3A_897 : i32
        %get3A_899 = arith.constant 4 : i32
        %get3A_900 = arith.index_cast %get3A_899 : i32 to index
        %get3A_901 = arith.index_cast %add3A_898 : i32 to index
        %get3A_902 = tpu.vector_load %arg11[%get3A_900, %get3A_901] {strides = array<i32>} : memref<16x1024xf32, #tpu.memory_space<vmem>>, vector<16xf32>,
        %get3A_903 = arith.constant 4 : i32
        %get3A_904 = arith.index_cast %get3A_903 : i32 to index
        %get3A_905 = arith.index_cast %add3A_898 : i32 to index
        %get3A_906 = tpu.vector_load %arg13[%get3A_904, %get3A_905] {strides = array<i32>} : memref<16x1024xf32, #tpu.memory_space<vmem>>, vector<16xf32>,
        %sub3A_907 = arith.subf %get3A_902, %get3A_906 : vector<16xf32>
        %mul3A_908 = arith.mulf %sub3A_907, %sub3A_907 : vector<16xf32>
        %add3A_909 = arith.addf %add3A_857, %mul3A_908 : vector<16xf32>
        scf.yield %add3A_870, %add3A_883, %add3A_896, %add3A_909 : vector<16xf32>, vector<16xf32>, vector<16xf32>, vector<16xf32>
      }
      %scan3A_153 = arith.constant 8 : i32
      %add3A_154 = arith.addf %scan3A_152#0, %scan3A_152#1 : vector<16xf32>
      %add3A_155 = arith.addf %scan3A_152#2, %scan3A_152#3 : vector<16xf32>
      %add3A_156 = arith.addf %add3A_154, %add3A_155 : vector<16xf32>
      %broadcast_in_dim3A_157 = arith.constant 4 : i32
      %broadcast_in_dim3A_158 = vector.broadcast %broadcast_in_dim3A_157 : i32 to vector<16xi32>
      %gather3A_159 = tpu.vector_load_idx %arg9[%broadcast_in_dim3A_158] : memref<16xf32, #tpu.memory_space<vmem>>[vector<16xi32>], vector<16xf32>,
      %mul3A_160 = arith.mulf %add3A_156, %gather3A_159 : vector<16xf32>
      %add3A_161 = arith.addf %add3A_139, %mul3A_160 : vector<16xf32>
      %broadcast_in_dim3A_162 = arith.constant 0.000000e+00 : f32
      %broadcast_in_dim3A_163 = vector.broadcast %broadcast_in_dim3A_162 : f32 to vector<16xf32>
      %broadcast_in_dim3A_164 = arith.constant 0.000000e+00 : f32
      %broadcast_in_dim3A_165 = vector.broadcast %broadcast_in_dim3A_164 : f32 to vector<16xf32>
      %broadcast_in_dim3A_166 = arith.constant 0.000000e+00 : f32
      %broadcast_in_dim3A_167 = vector.broadcast %broadcast_in_dim3A_166 : f32 to vector<16xf32>
      %broadcast_in_dim3A_168 = arith.constant 0.000000e+00 : f32
      %broadcast_in_dim3A_169 = vector.broadcast %broadcast_in_dim3A_168 : f32 to vector<16xf32>
      %scan3A_170 = arith.constant 0 : i32
      %scan3A_171 = arith.constant 8 : i32
      %scan3A_172 = arith.addi %scan3A_170, %scan3A_171 : i32
      %scan3A_173 = arith.constant 1 : i32
      %scan3A_174:4 = scf.for %scan3A_800 = %scan3A_170 to %scan3A_172 step %scan3A_173 iter_args(%scan3A_801 = %broadcast_in_dim3A_163, %scan3A_802 = %broadcast_in_dim3A_165, %scan3A_803 = %broadcast_in_dim3A_167, %scan3A_804 = %broadcast_in_dim3A_169) -> (vector<16xf32>, vector<16xf32>, vector<16xf32>, vector<16xf32>)  : i32 {
        %mul3A_805 = arith.constant 128 : i32
        %mul3A_806 = arith.muli %scan3A_800, %mul3A_805 : i32
        %add3A_807 = arith.constant 0 : i32
        %add3A_808 = arith.addi %mul3A_806, %add3A_807 : i32
        %get3A_809 = arith.constant 5 : i32
        %get3A_810 = arith.index_cast %get3A_809 : i32 to index
        %get3A_811 = arith.index_cast %add3A_808 : i32 to index
        %get3A_812 = tpu.vector_load %arg11[%get3A_810, %get3A_811] {strides = array<i32>} : memref<16x1024xf32, #tpu.memory_space<vmem>>, vector<16xf32>,
        %get3A_813 = arith.constant 5 : i32
        %get3A_814 = arith.index_cast %get3A_813 : i32 to index
        %get3A_815 = arith.index_cast %add3A_808 : i32 to index
        %get3A_816 = tpu.vector_load %arg13[%get3A_814, %get3A_815] {strides = array<i32>} : memref<16x1024xf32, #tpu.memory_space<vmem>>, vector<16xf32>,
        %sub3A = arith.subf %get3A_812, %get3A_816 : vector<16xf32>
        %mul3A_817 = arith.mulf %sub3A, %sub3A : vector<16xf32>
        %add3A_818 = arith.addf %scan3A_801, %mul3A_817 : vector<16xf32>
        %add3A_819 = arith.constant 16 : i32
        %add3A_820 = arith.addi %mul3A_806, %add3A_819 : i32
        %get3A_821 = arith.constant 5 : i32
        %get3A_822 = arith.index_cast %get3A_821 : i32 to index
        %get3A_823 = arith.index_cast %add3A_820 : i32 to index
        %get3A_824 = tpu.vector_load %arg11[%get3A_822, %get3A_823] {strides = array<i32>} : memref<16x1024xf32, #tpu.memory_space<vmem>>, vector<16xf32>,
        %get3A_825 = arith.constant 5 : i32
        %get3A_826 = arith.index_cast %get3A_825 : i32 to index
        %get3A_827 = arith.index_cast %add3A_820 : i32 to index
        %get3A_828 = tpu.vector_load %arg13[%get3A_826, %get3A_827] {strides = array<i32>} : memref<16x1024xf32, #tpu.memory_space<vmem>>, vector<16xf32>,
        %sub3A_829 = arith.subf %get3A_824, %get3A_828 : vector<16xf32>
        %mul3A_830 = arith.mulf %sub3A_829, %sub3A_829 : vector<16xf32>
        %add3A_831 = arith.addf %scan3A_802, %mul3A_830 : vector<16xf32>
        %add3A_832 = arith.constant 32 : i32
        %add3A_833 = arith.addi %mul3A_806, %add3A_832 : i32
        %get3A_834 = arith.constant 5 : i32
        %get3A_835 = arith.index_cast %get3A_834 : i32 to index
        %get3A_836 = arith.index_cast %add3A_833 : i32 to index
        %get3A_837 = tpu.vector_load %arg11[%get3A_835, %get3A_836] {strides = array<i32>} : memref<16x1024xf32, #tpu.memory_space<vmem>>, vector<16xf32>,
        %get3A_838 = arith.constant 5 : i32
        %get3A_839 = arith.index_cast %get3A_838 : i32 to index
        %get3A_840 = arith.index_cast %add3A_833 : i32 to index
        %get3A_841 = tpu.vector_load %arg13[%get3A_839, %get3A_840] {strides = array<i32>} : memref<16x1024xf32, #tpu.memory_space<vmem>>, vector<16xf32>,
        %sub3A_842 = arith.subf %get3A_837, %get3A_841 : vector<16xf32>
        %mul3A_843 = arith.mulf %sub3A_842, %sub3A_842 : vector<16xf32>
        %add3A_844 = arith.addf %scan3A_803, %mul3A_843 : vector<16xf32>
        %add3A_845 = arith.constant 48 : i32
        %add3A_846 = arith.addi %mul3A_806, %add3A_845 : i32
        %get3A_847 = arith.constant 5 : i32
        %get3A_848 = arith.index_cast %get3A_847 : i32 to index
        %get3A_849 = arith.index_cast %add3A_846 : i32 to index
        %get3A_850 = tpu.vector_load %arg11[%get3A_848, %get3A_849] {strides = array<i32>} : memref<16x1024xf32, #tpu.memory_space<vmem>>, vector<16xf32>,
        %get3A_851 = arith.constant 5 : i32
        %get3A_852 = arith.index_cast %get3A_851 : i32 to index
        %get3A_853 = arith.index_cast %add3A_846 : i32 to index
        %get3A_854 = tpu.vector_load %arg13[%get3A_852, %get3A_853] {strides = array<i32>} : memref<16x1024xf32, #tpu.memory_space<vmem>>, vector<16xf32>,
        %sub3A_855 = arith.subf %get3A_850, %get3A_854 : vector<16xf32>
        %mul3A_856 = arith.mulf %sub3A_855, %sub3A_855 : vector<16xf32>
        %add3A_857 = arith.addf %scan3A_804, %mul3A_856 : vector<16xf32>
        %add3A_858 = arith.constant 64 : i32
        %add3A_859 = arith.addi %mul3A_806, %add3A_858 : i32
        %get3A_860 = arith.constant 5 : i32
        %get3A_861 = arith.index_cast %get3A_860 : i32 to index
        %get3A_862 = arith.index_cast %add3A_859 : i32 to index
        %get3A_863 = tpu.vector_load %arg11[%get3A_861, %get3A_862] {strides = array<i32>} : memref<16x1024xf32, #tpu.memory_space<vmem>>, vector<16xf32>,
        %get3A_864 = arith.constant 5 : i32
        %get3A_865 = arith.index_cast %get3A_864 : i32 to index
        %get3A_866 = arith.index_cast %add3A_859 : i32 to index
        %get3A_867 = tpu.vector_load %arg13[%get3A_865, %get3A_866] {strides = array<i32>} : memref<16x1024xf32, #tpu.memory_space<vmem>>, vector<16xf32>,
        %sub3A_868 = arith.subf %get3A_863, %get3A_867 : vector<16xf32>
        %mul3A_869 = arith.mulf %sub3A_868, %sub3A_868 : vector<16xf32>
        %add3A_870 = arith.addf %add3A_818, %mul3A_869 : vector<16xf32>
        %add3A_871 = arith.constant 80 : i32
        %add3A_872 = arith.addi %mul3A_806, %add3A_871 : i32
        %get3A_873 = arith.constant 5 : i32
        %get3A_874 = arith.index_cast %get3A_873 : i32 to index
        %get3A_875 = arith.index_cast %add3A_872 : i32 to index
        %get3A_876 = tpu.vector_load %arg11[%get3A_874, %get3A_875] {strides = array<i32>} : memref<16x1024xf32, #tpu.memory_space<vmem>>, vector<16xf32>,
        %get3A_877 = arith.constant 5 : i32
        %get3A_878 = arith.index_cast %get3A_877 : i32 to index
        %get3A_879 = arith.index_cast %add3A_872 : i32 to index
        %get3A_880 = tpu.vector_load %arg13[%get3A_878, %get3A_879] {strides = array<i32>} : memref<16x1024xf32, #tpu.memory_space<vmem>>, vector<16xf32>,
        %sub3A_881 = arith.subf %get3A_876, %get3A_880 : vector<16xf32>
        %mul3A_882 = arith.mulf %sub3A_881, %sub3A_881 : vector<16xf32>
        %add3A_883 = arith.addf %add3A_831, %mul3A_882 : vector<16xf32>
        %add3A_884 = arith.constant 96 : i32
        %add3A_885 = arith.addi %mul3A_806, %add3A_884 : i32
        %get3A_886 = arith.constant 5 : i32
        %get3A_887 = arith.index_cast %get3A_886 : i32 to index
        %get3A_888 = arith.index_cast %add3A_885 : i32 to index
        %get3A_889 = tpu.vector_load %arg11[%get3A_887, %get3A_888] {strides = array<i32>} : memref<16x1024xf32, #tpu.memory_space<vmem>>, vector<16xf32>,
        %get3A_890 = arith.constant 5 : i32
        %get3A_891 = arith.index_cast %get3A_890 : i32 to index
        %get3A_892 = arith.index_cast %add3A_885 : i32 to index
        %get3A_893 = tpu.vector_load %arg13[%get3A_891, %get3A_892] {strides = array<i32>} : memref<16x1024xf32, #tpu.memory_space<vmem>>, vector<16xf32>,
        %sub3A_894 = arith.subf %get3A_889, %get3A_893 : vector<16xf32>
        %mul3A_895 = arith.mulf %sub3A_894, %sub3A_894 : vector<16xf32>
        %add3A_896 = arith.addf %add3A_844, %mul3A_895 : vector<16xf32>
        %add3A_897 = arith.constant 112 : i32
        %add3A_898 = arith.addi %mul3A_806, %add3A_897 : i32
        %get3A_899 = arith.constant 5 : i32
        %get3A_900 = arith.index_cast %get3A_899 : i32 to index
        %get3A_901 = arith.index_cast %add3A_898 : i32 to index
        %get3A_902 = tpu.vector_load %arg11[%get3A_900, %get3A_901] {strides = array<i32>} : memref<16x1024xf32, #tpu.memory_space<vmem>>, vector<16xf32>,
        %get3A_903 = arith.constant 5 : i32
        %get3A_904 = arith.index_cast %get3A_903 : i32 to index
        %get3A_905 = arith.index_cast %add3A_898 : i32 to index
        %get3A_906 = tpu.vector_load %arg13[%get3A_904, %get3A_905] {strides = array<i32>} : memref<16x1024xf32, #tpu.memory_space<vmem>>, vector<16xf32>,
        %sub3A_907 = arith.subf %get3A_902, %get3A_906 : vector<16xf32>
        %mul3A_908 = arith.mulf %sub3A_907, %sub3A_907 : vector<16xf32>
        %add3A_909 = arith.addf %add3A_857, %mul3A_908 : vector<16xf32>
        scf.yield %add3A_870, %add3A_883, %add3A_896, %add3A_909 : vector<16xf32>, vector<16xf32>, vector<16xf32>, vector<16xf32>
      }
      %scan3A_175 = arith.constant 8 : i32
      %add3A_176 = arith.addf %scan3A_174#0, %scan3A_174#1 : vector<16xf32>
      %add3A_177 = arith.addf %scan3A_174#2, %scan3A_174#3 : vector<16xf32>
      %add3A_178 = arith.addf %add3A_176, %add3A_177 : vector<16xf32>
      %broadcast_in_dim3A_179 = arith.constant 5 : i32
      %broadcast_in_dim3A_180 = vector.broadcast %broadcast_in_dim3A_179 : i32 to vector<16xi32>
      %gather3A_181 = tpu.vector_load_idx %arg9[%broadcast_in_dim3A_180] : memref<16xf32, #tpu.memory_space<vmem>>[vector<16xi32>], vector<16xf32>,
      %mul3A_182 = arith.mulf %add3A_178, %gather3A_181 : vector<16xf32>
      %add3A_183 = arith.addf %add3A_161, %mul3A_182 : vector<16xf32>
      %broadcast_in_dim3A_184 = arith.constant 0.000000e+00 : f32
      %broadcast_in_dim3A_185 = vector.broadcast %broadcast_in_dim3A_184 : f32 to vector<16xf32>
      %broadcast_in_dim3A_186 = arith.constant 0.000000e+00 : f32
      %broadcast_in_dim3A_187 = vector.broadcast %broadcast_in_dim3A_186 : f32 to vector<16xf32>
      %broadcast_in_dim3A_188 = arith.constant 0.000000e+00 : f32
      %broadcast_in_dim3A_189 = vector.broadcast %broadcast_in_dim3A_188 : f32 to vector<16xf32>
      %broadcast_in_dim3A_190 = arith.constant 0.000000e+00 : f32
      %broadcast_in_dim3A_191 = vector.broadcast %broadcast_in_dim3A_190 : f32 to vector<16xf32>
      %scan3A_192 = arith.constant 0 : i32
      %scan3A_193 = arith.constant 8 : i32
      %scan3A_194 = arith.addi %scan3A_192, %scan3A_193 : i32
      %scan3A_195 = arith.constant 1 : i32
      %scan3A_196:4 = scf.for %scan3A_800 = %scan3A_192 to %scan3A_194 step %scan3A_195 iter_args(%scan3A_801 = %broadcast_in_dim3A_185, %scan3A_802 = %broadcast_in_dim3A_187, %scan3A_803 = %broadcast_in_dim3A_189, %scan3A_804 = %broadcast_in_dim3A_191) -> (vector<16xf32>, vector<16xf32>, vector<16xf32>, vector<16xf32>)  : i32 {
        %mul3A_805 = arith.constant 128 : i32
        %mul3A_806 = arith.muli %scan3A_800, %mul3A_805 : i32
        %add3A_807 = arith.constant 0 : i32
        %add3A_808 = arith.addi %mul3A_806, %add3A_807 : i32
        %get3A_809 = arith.constant 6 : i32
        %get3A_810 = arith.index_cast %get3A_809 : i32 to index
        %get3A_811 = arith.index_cast %add3A_808 : i32 to index
        %get3A_812 = tpu.vector_load %arg11[%get3A_810, %get3A_811] {strides = array<i32>} : memref<16x1024xf32, #tpu.memory_space<vmem>>, vector<16xf32>,
        %get3A_813 = arith.constant 6 : i32
        %get3A_814 = arith.index_cast %get3A_813 : i32 to index
        %get3A_815 = arith.index_cast %add3A_808 : i32 to index
        %get3A_816 = tpu.vector_load %arg13[%get3A_814, %get3A_815] {strides = array<i32>} : memref<16x1024xf32, #tpu.memory_space<vmem>>, vector<16xf32>,
        %sub3A = arith.subf %get3A_812, %get3A_816 : vector<16xf32>
        %mul3A_817 = arith.mulf %sub3A, %sub3A : vector<16xf32>
        %add3A_818 = arith.addf %scan3A_801, %mul3A_817 : vector<16xf32>
        %add3A_819 = arith.constant 16 : i32
        %add3A_820 = arith.addi %mul3A_806, %add3A_819 : i32
        %get3A_821 = arith.constant 6 : i32
        %get3A_822 = arith.index_cast %get3A_821 : i32 to index
        %get3A_823 = arith.index_cast %add3A_820 : i32 to index
        %get3A_824 = tpu.vector_load %arg11[%get3A_822, %get3A_823] {strides = array<i32>} : memref<16x1024xf32, #tpu.memory_space<vmem>>, vector<16xf32>,
        %get3A_825 = arith.constant 6 : i32
        %get3A_826 = arith.index_cast %get3A_825 : i32 to index
        %get3A_827 = arith.index_cast %add3A_820 : i32 to index
        %get3A_828 = tpu.vector_load %arg13[%get3A_826, %get3A_827] {strides = array<i32>} : memref<16x1024xf32, #tpu.memory_space<vmem>>, vector<16xf32>,
        %sub3A_829 = arith.subf %get3A_824, %get3A_828 : vector<16xf32>
        %mul3A_830 = arith.mulf %sub3A_829, %sub3A_829 : vector<16xf32>
        %add3A_831 = arith.addf %scan3A_802, %mul3A_830 : vector<16xf32>
        %add3A_832 = arith.constant 32 : i32
        %add3A_833 = arith.addi %mul3A_806, %add3A_832 : i32
        %get3A_834 = arith.constant 6 : i32
        %get3A_835 = arith.index_cast %get3A_834 : i32 to index
        %get3A_836 = arith.index_cast %add3A_833 : i32 to index
        %get3A_837 = tpu.vector_load %arg11[%get3A_835, %get3A_836] {strides = array<i32>} : memref<16x1024xf32, #tpu.memory_space<vmem>>, vector<16xf32>,
        %get3A_838 = arith.constant 6 : i32
        %get3A_839 = arith.index_cast %get3A_838 : i32 to index
        %get3A_840 = arith.index_cast %add3A_833 : i32 to index
        %get3A_841 = tpu.vector_load %arg13[%get3A_839, %get3A_840] {strides = array<i32>} : memref<16x1024xf32, #tpu.memory_space<vmem>>, vector<16xf32>,
        %sub3A_842 = arith.subf %get3A_837, %get3A_841 : vector<16xf32>
        %mul3A_843 = arith.mulf %sub3A_842, %sub3A_842 : vector<16xf32>
        %add3A_844 = arith.addf %scan3A_803, %mul3A_843 : vector<16xf32>
        %add3A_845 = arith.constant 48 : i32
        %add3A_846 = arith.addi %mul3A_806, %add3A_845 : i32
        %get3A_847 = arith.constant 6 : i32
        %get3A_848 = arith.index_cast %get3A_847 : i32 to index
        %get3A_849 = arith.index_cast %add3A_846 : i32 to index
        %get3A_850 = tpu.vector_load %arg11[%get3A_848, %get3A_849] {strides = array<i32>} : memref<16x1024xf32, #tpu.memory_space<vmem>>, vector<16xf32>,
        %get3A_851 = arith.constant 6 : i32
        %get3A_852 = arith.index_cast %get3A_851 : i32 to index
        %get3A_853 = arith.index_cast %add3A_846 : i32 to index
        %get3A_854 = tpu.vector_load %arg13[%get3A_852, %get3A_853] {strides = array<i32>} : memref<16x1024xf32, #tpu.memory_space<vmem>>, vector<16xf32>,
        %sub3A_855 = arith.subf %get3A_850, %get3A_854 : vector<16xf32>
        %mul3A_856 = arith.mulf %sub3A_855, %sub3A_855 : vector<16xf32>
        %add3A_857 = arith.addf %scan3A_804, %mul3A_856 : vector<16xf32>
        %add3A_858 = arith.constant 64 : i32
        %add3A_859 = arith.addi %mul3A_806, %add3A_858 : i32
        %get3A_860 = arith.constant 6 : i32
        %get3A_861 = arith.index_cast %get3A_860 : i32 to index
        %get3A_862 = arith.index_cast %add3A_859 : i32 to index
        %get3A_863 = tpu.vector_load %arg11[%get3A_861, %get3A_862] {strides = array<i32>} : memref<16x1024xf32, #tpu.memory_space<vmem>>, vector<16xf32>,
        %get3A_864 = arith.constant 6 : i32
        %get3A_865 = arith.index_cast %get3A_864 : i32 to index
        %get3A_866 = arith.index_cast %add3A_859 : i32 to index
        %get3A_867 = tpu.vector_load %arg13[%get3A_865, %get3A_866] {strides = array<i32>} : memref<16x1024xf32, #tpu.memory_space<vmem>>, vector<16xf32>,
        %sub3A_868 = arith.subf %get3A_863, %get3A_867 : vector<16xf32>
        %mul3A_869 = arith.mulf %sub3A_868, %sub3A_868 : vector<16xf32>
        %add3A_870 = arith.addf %add3A_818, %mul3A_869 : vector<16xf32>
        %add3A_871 = arith.constant 80 : i32
        %add3A_872 = arith.addi %mul3A_806, %add3A_871 : i32
        %get3A_873 = arith.constant 6 : i32
        %get3A_874 = arith.index_cast %get3A_873 : i32 to index
        %get3A_875 = arith.index_cast %add3A_872 : i32 to index
        %get3A_876 = tpu.vector_load %arg11[%get3A_874, %get3A_875] {strides = array<i32>} : memref<16x1024xf32, #tpu.memory_space<vmem>>, vector<16xf32>,
        %get3A_877 = arith.constant 6 : i32
        %get3A_878 = arith.index_cast %get3A_877 : i32 to index
        %get3A_879 = arith.index_cast %add3A_872 : i32 to index
        %get3A_880 = tpu.vector_load %arg13[%get3A_878, %get3A_879] {strides = array<i32>} : memref<16x1024xf32, #tpu.memory_space<vmem>>, vector<16xf32>,
        %sub3A_881 = arith.subf %get3A_876, %get3A_880 : vector<16xf32>
        %mul3A_882 = arith.mulf %sub3A_881, %sub3A_881 : vector<16xf32>
        %add3A_883 = arith.addf %add3A_831, %mul3A_882 : vector<16xf32>
        %add3A_884 = arith.constant 96 : i32
        %add3A_885 = arith.addi %mul3A_806, %add3A_884 : i32
        %get3A_886 = arith.constant 6 : i32
        %get3A_887 = arith.index_cast %get3A_886 : i32 to index
        %get3A_888 = arith.index_cast %add3A_885 : i32 to index
        %get3A_889 = tpu.vector_load %arg11[%get3A_887, %get3A_888] {strides = array<i32>} : memref<16x1024xf32, #tpu.memory_space<vmem>>, vector<16xf32>,
        %get3A_890 = arith.constant 6 : i32
        %get3A_891 = arith.index_cast %get3A_890 : i32 to index
        %get3A_892 = arith.index_cast %add3A_885 : i32 to index
        %get3A_893 = tpu.vector_load %arg13[%get3A_891, %get3A_892] {strides = array<i32>} : memref<16x1024xf32, #tpu.memory_space<vmem>>, vector<16xf32>,
        %sub3A_894 = arith.subf %get3A_889, %get3A_893 : vector<16xf32>
        %mul3A_895 = arith.mulf %sub3A_894, %sub3A_894 : vector<16xf32>
        %add3A_896 = arith.addf %add3A_844, %mul3A_895 : vector<16xf32>
        %add3A_897 = arith.constant 112 : i32
        %add3A_898 = arith.addi %mul3A_806, %add3A_897 : i32
        %get3A_899 = arith.constant 6 : i32
        %get3A_900 = arith.index_cast %get3A_899 : i32 to index
        %get3A_901 = arith.index_cast %add3A_898 : i32 to index
        %get3A_902 = tpu.vector_load %arg11[%get3A_900, %get3A_901] {strides = array<i32>} : memref<16x1024xf32, #tpu.memory_space<vmem>>, vector<16xf32>,
        %get3A_903 = arith.constant 6 : i32
        %get3A_904 = arith.index_cast %get3A_903 : i32 to index
        %get3A_905 = arith.index_cast %add3A_898 : i32 to index
        %get3A_906 = tpu.vector_load %arg13[%get3A_904, %get3A_905] {strides = array<i32>} : memref<16x1024xf32, #tpu.memory_space<vmem>>, vector<16xf32>,
        %sub3A_907 = arith.subf %get3A_902, %get3A_906 : vector<16xf32>
        %mul3A_908 = arith.mulf %sub3A_907, %sub3A_907 : vector<16xf32>
        %add3A_909 = arith.addf %add3A_857, %mul3A_908 : vector<16xf32>
        scf.yield %add3A_870, %add3A_883, %add3A_896, %add3A_909 : vector<16xf32>, vector<16xf32>, vector<16xf32>, vector<16xf32>
      }
      %scan3A_197 = arith.constant 8 : i32
      %add3A_198 = arith.addf %scan3A_196#0, %scan3A_196#1 : vector<16xf32>
      %add3A_199 = arith.addf %scan3A_196#2, %scan3A_196#3 : vector<16xf32>
      %add3A_200 = arith.addf %add3A_198, %add3A_199 : vector<16xf32>
      %broadcast_in_dim3A_201 = arith.constant 6 : i32
      %broadcast_in_dim3A_202 = vector.broadcast %broadcast_in_dim3A_201 : i32 to vector<16xi32>
      %gather3A_203 = tpu.vector_load_idx %arg9[%broadcast_in_dim3A_202] : memref<16xf32, #tpu.memory_space<vmem>>[vector<16xi32>], vector<16xf32>,
      %mul3A_204 = arith.mulf %add3A_200, %gather3A_203 : vector<16xf32>
      %add3A_205 = arith.addf %add3A_183, %mul3A_204 : vector<16xf32>
      %broadcast_in_dim3A_206 = arith.constant 0.000000e+00 : f32
      %broadcast_in_dim3A_207 = vector.broadcast %broadcast_in_dim3A_206 : f32 to vector<16xf32>
      %broadcast_in_dim3A_208 = arith.constant 0.000000e+00 : f32
      %broadcast_in_dim3A_209 = vector.broadcast %broadcast_in_dim3A_208 : f32 to vector<16xf32>
      %broadcast_in_dim3A_210 = arith.constant 0.000000e+00 : f32
      %broadcast_in_dim3A_211 = vector.broadcast %broadcast_in_dim3A_210 : f32 to vector<16xf32>
      %broadcast_in_dim3A_212 = arith.constant 0.000000e+00 : f32
      %broadcast_in_dim3A_213 = vector.broadcast %broadcast_in_dim3A_212 : f32 to vector<16xf32>
      %scan3A_214 = arith.constant 0 : i32
      %scan3A_215 = arith.constant 8 : i32
      %scan3A_216 = arith.addi %scan3A_214, %scan3A_215 : i32
      %scan3A_217 = arith.constant 1 : i32
      %scan3A_218:4 = scf.for %scan3A_800 = %scan3A_214 to %scan3A_216 step %scan3A_217 iter_args(%scan3A_801 = %broadcast_in_dim3A_207, %scan3A_802 = %broadcast_in_dim3A_209, %scan3A_803 = %broadcast_in_dim3A_211, %scan3A_804 = %broadcast_in_dim3A_213) -> (vector<16xf32>, vector<16xf32>, vector<16xf32>, vector<16xf32>)  : i32 {
        %mul3A_805 = arith.constant 128 : i32
        %mul3A_806 = arith.muli %scan3A_800, %mul3A_805 : i32
        %add3A_807 = arith.constant 0 : i32
        %add3A_808 = arith.addi %mul3A_806, %add3A_807 : i32
        %get3A_809 = arith.constant 7 : i32
        %get3A_810 = arith.index_cast %get3A_809 : i32 to index
        %get3A_811 = arith.index_cast %add3A_808 : i32 to index
        %get3A_812 = tpu.vector_load %arg11[%get3A_810, %get3A_811] {strides = array<i32>} : memref<16x1024xf32, #tpu.memory_space<vmem>>, vector<16xf32>,
        %get3A_813 = arith.constant 7 : i32
        %get3A_814 = arith.index_cast %get3A_813 : i32 to index
        %get3A_815 = arith.index_cast %add3A_808 : i32 to index
        %get3A_816 = tpu.vector_load %arg13[%get3A_814, %get3A_815] {strides = array<i32>} : memref<16x1024xf32, #tpu.memory_space<vmem>>, vector<16xf32>,
        %sub3A = arith.subf %get3A_812, %get3A_816 : vector<16xf32>
        %mul3A_817 = arith.mulf %sub3A, %sub3A : vector<16xf32>
        %add3A_818 = arith.addf %scan3A_801, %mul3A_817 : vector<16xf32>
        %add3A_819 = arith.constant 16 : i32
        %add3A_820 = arith.addi %mul3A_806, %add3A_819 : i32
        %get3A_821 = arith.constant 7 : i32
        %get3A_822 = arith.index_cast %get3A_821 : i32 to index
        %get3A_823 = arith.index_cast %add3A_820 : i32 to index
        %get3A_824 = tpu.vector_load %arg11[%get3A_822, %get3A_823] {strides = array<i32>} : memref<16x1024xf32, #tpu.memory_space<vmem>>, vector<16xf32>,
        %get3A_825 = arith.constant 7 : i32
        %get3A_826 = arith.index_cast %get3A_825 : i32 to index
        %get3A_827 = arith.index_cast %add3A_820 : i32 to index
        %get3A_828 = tpu.vector_load %arg13[%get3A_826, %get3A_827] {strides = array<i32>} : memref<16x1024xf32, #tpu.memory_space<vmem>>, vector<16xf32>,
        %sub3A_829 = arith.subf %get3A_824, %get3A_828 : vector<16xf32>
        %mul3A_830 = arith.mulf %sub3A_829, %sub3A_829 : vector<16xf32>
        %add3A_831 = arith.addf %scan3A_802, %mul3A_830 : vector<16xf32>
        %add3A_832 = arith.constant 32 : i32
        %add3A_833 = arith.addi %mul3A_806, %add3A_832 : i32
        %get3A_834 = arith.constant 7 : i32
        %get3A_835 = arith.index_cast %get3A_834 : i32 to index
        %get3A_836 = arith.index_cast %add3A_833 : i32 to index
        %get3A_837 = tpu.vector_load %arg11[%get3A_835, %get3A_836] {strides = array<i32>} : memref<16x1024xf32, #tpu.memory_space<vmem>>, vector<16xf32>,
        %get3A_838 = arith.constant 7 : i32
        %get3A_839 = arith.index_cast %get3A_838 : i32 to index
        %get3A_840 = arith.index_cast %add3A_833 : i32 to index
        %get3A_841 = tpu.vector_load %arg13[%get3A_839, %get3A_840] {strides = array<i32>} : memref<16x1024xf32, #tpu.memory_space<vmem>>, vector<16xf32>,
        %sub3A_842 = arith.subf %get3A_837, %get3A_841 : vector<16xf32>
        %mul3A_843 = arith.mulf %sub3A_842, %sub3A_842 : vector<16xf32>
        %add3A_844 = arith.addf %scan3A_803, %mul3A_843 : vector<16xf32>
        %add3A_845 = arith.constant 48 : i32
        %add3A_846 = arith.addi %mul3A_806, %add3A_845 : i32
        %get3A_847 = arith.constant 7 : i32
        %get3A_848 = arith.index_cast %get3A_847 : i32 to index
        %get3A_849 = arith.index_cast %add3A_846 : i32 to index
        %get3A_850 = tpu.vector_load %arg11[%get3A_848, %get3A_849] {strides = array<i32>} : memref<16x1024xf32, #tpu.memory_space<vmem>>, vector<16xf32>,
        %get3A_851 = arith.constant 7 : i32
        %get3A_852 = arith.index_cast %get3A_851 : i32 to index
        %get3A_853 = arith.index_cast %add3A_846 : i32 to index
        %get3A_854 = tpu.vector_load %arg13[%get3A_852, %get3A_853] {strides = array<i32>} : memref<16x1024xf32, #tpu.memory_space<vmem>>, vector<16xf32>,
        %sub3A_855 = arith.subf %get3A_850, %get3A_854 : vector<16xf32>
        %mul3A_856 = arith.mulf %sub3A_855, %sub3A_855 : vector<16xf32>
        %add3A_857 = arith.addf %scan3A_804, %mul3A_856 : vector<16xf32>
        %add3A_858 = arith.constant 64 : i32
        %add3A_859 = arith.addi %mul3A_806, %add3A_858 : i32
        %get3A_860 = arith.constant 7 : i32
        %get3A_861 = arith.index_cast %get3A_860 : i32 to index
        %get3A_862 = arith.index_cast %add3A_859 : i32 to index
        %get3A_863 = tpu.vector_load %arg11[%get3A_861, %get3A_862] {strides = array<i32>} : memref<16x1024xf32, #tpu.memory_space<vmem>>, vector<16xf32>,
        %get3A_864 = arith.constant 7 : i32
        %get3A_865 = arith.index_cast %get3A_864 : i32 to index
        %get3A_866 = arith.index_cast %add3A_859 : i32 to index
        %get3A_867 = tpu.vector_load %arg13[%get3A_865, %get3A_866] {strides = array<i32>} : memref<16x1024xf32, #tpu.memory_space<vmem>>, vector<16xf32>,
        %sub3A_868 = arith.subf %get3A_863, %get3A_867 : vector<16xf32>
        %mul3A_869 = arith.mulf %sub3A_868, %sub3A_868 : vector<16xf32>
        %add3A_870 = arith.addf %add3A_818, %mul3A_869 : vector<16xf32>
        %add3A_871 = arith.constant 80 : i32
        %add3A_872 = arith.addi %mul3A_806, %add3A_871 : i32
        %get3A_873 = arith.constant 7 : i32
        %get3A_874 = arith.index_cast %get3A_873 : i32 to index
        %get3A_875 = arith.index_cast %add3A_872 : i32 to index
        %get3A_876 = tpu.vector_load %arg11[%get3A_874, %get3A_875] {strides = array<i32>} : memref<16x1024xf32, #tpu.memory_space<vmem>>, vector<16xf32>,
        %get3A_877 = arith.constant 7 : i32
        %get3A_878 = arith.index_cast %get3A_877 : i32 to index
        %get3A_879 = arith.index_cast %add3A_872 : i32 to index
        %get3A_880 = tpu.vector_load %arg13[%get3A_878, %get3A_879] {strides = array<i32>} : memref<16x1024xf32, #tpu.memory_space<vmem>>, vector<16xf32>,
        %sub3A_881 = arith.subf %get3A_876, %get3A_880 : vector<16xf32>
        %mul3A_882 = arith.mulf %sub3A_881, %sub3A_881 : vector<16xf32>
        %add3A_883 = arith.addf %add3A_831, %mul3A_882 : vector<16xf32>
        %add3A_884 = arith.constant 96 : i32
        %add3A_885 = arith.addi %mul3A_806, %add3A_884 : i32
        %get3A_886 = arith.constant 7 : i32
        %get3A_887 = arith.index_cast %get3A_886 : i32 to index
        %get3A_888 = arith.index_cast %add3A_885 : i32 to index
        %get3A_889 = tpu.vector_load %arg11[%get3A_887, %get3A_888] {strides = array<i32>} : memref<16x1024xf32, #tpu.memory_space<vmem>>, vector<16xf32>,
        %get3A_890 = arith.constant 7 : i32
        %get3A_891 = arith.index_cast %get3A_890 : i32 to index
        %get3A_892 = arith.index_cast %add3A_885 : i32 to index
        %get3A_893 = tpu.vector_load %arg13[%get3A_891, %get3A_892] {strides = array<i32>} : memref<16x1024xf32, #tpu.memory_space<vmem>>, vector<16xf32>,
        %sub3A_894 = arith.subf %get3A_889, %get3A_893 : vector<16xf32>
        %mul3A_895 = arith.mulf %sub3A_894, %sub3A_894 : vector<16xf32>
        %add3A_896 = arith.addf %add3A_844, %mul3A_895 : vector<16xf32>
        %add3A_897 = arith.constant 112 : i32
        %add3A_898 = arith.addi %mul3A_806, %add3A_897 : i32
        %get3A_899 = arith.constant 7 : i32
        %get3A_900 = arith.index_cast %get3A_899 : i32 to index
        %get3A_901 = arith.index_cast %add3A_898 : i32 to index
        %get3A_902 = tpu.vector_load %arg11[%get3A_900, %get3A_901] {strides = array<i32>} : memref<16x1024xf32, #tpu.memory_space<vmem>>, vector<16xf32>,
        %get3A_903 = arith.constant 7 : i32
        %get3A_904 = arith.index_cast %get3A_903 : i32 to index
        %get3A_905 = arith.index_cast %add3A_898 : i32 to index
        %get3A_906 = tpu.vector_load %arg13[%get3A_904, %get3A_905] {strides = array<i32>} : memref<16x1024xf32, #tpu.memory_space<vmem>>, vector<16xf32>,
        %sub3A_907 = arith.subf %get3A_902, %get3A_906 : vector<16xf32>
        %mul3A_908 = arith.mulf %sub3A_907, %sub3A_907 : vector<16xf32>
        %add3A_909 = arith.addf %add3A_857, %mul3A_908 : vector<16xf32>
        scf.yield %add3A_870, %add3A_883, %add3A_896, %add3A_909 : vector<16xf32>, vector<16xf32>, vector<16xf32>, vector<16xf32>
      }
      %scan3A_219 = arith.constant 8 : i32
      %add3A_220 = arith.addf %scan3A_218#0, %scan3A_218#1 : vector<16xf32>
      %add3A_221 = arith.addf %scan3A_218#2, %scan3A_218#3 : vector<16xf32>
      %add3A_222 = arith.addf %add3A_220, %add3A_221 : vector<16xf32>
      %broadcast_in_dim3A_223 = arith.constant 7 : i32
      %broadcast_in_dim3A_224 = vector.broadcast %broadcast_in_dim3A_223 : i32 to vector<16xi32>
      %gather3A_225 = tpu.vector_load_idx %arg9[%broadcast_in_dim3A_224] : memref<16xf32, #tpu.memory_space<vmem>>[vector<16xi32>], vector<16xf32>,
      %mul3A_226 = arith.mulf %add3A_222, %gather3A_225 : vector<16xf32>
      %add3A_227 = arith.addf %add3A_205, %mul3A_226 : vector<16xf32>
      %broadcast_in_dim3A_228 = arith.constant 0.000000e+00 : f32
      %broadcast_in_dim3A_229 = vector.broadcast %broadcast_in_dim3A_228 : f32 to vector<16xf32>
      %broadcast_in_dim3A_230 = arith.constant 0.000000e+00 : f32
      %broadcast_in_dim3A_231 = vector.broadcast %broadcast_in_dim3A_230 : f32 to vector<16xf32>
      %broadcast_in_dim3A_232 = arith.constant 0.000000e+00 : f32
      %broadcast_in_dim3A_233 = vector.broadcast %broadcast_in_dim3A_232 : f32 to vector<16xf32>
      %broadcast_in_dim3A_234 = arith.constant 0.000000e+00 : f32
      %broadcast_in_dim3A_235 = vector.broadcast %broadcast_in_dim3A_234 : f32 to vector<16xf32>
      %scan3A_236 = arith.constant 0 : i32
      %scan3A_237 = arith.constant 8 : i32
      %scan3A_238 = arith.addi %scan3A_236, %scan3A_237 : i32
      %scan3A_239 = arith.constant 1 : i32
      %scan3A_240:4 = scf.for %scan3A_800 = %scan3A_236 to %scan3A_238 step %scan3A_239 iter_args(%scan3A_801 = %broadcast_in_dim3A_229, %scan3A_802 = %broadcast_in_dim3A_231, %scan3A_803 = %broadcast_in_dim3A_233, %scan3A_804 = %broadcast_in_dim3A_235) -> (vector<16xf32>, vector<16xf32>, vector<16xf32>, vector<16xf32>)  : i32 {
        %mul3A_805 = arith.constant 128 : i32
        %mul3A_806 = arith.muli %scan3A_800, %mul3A_805 : i32
        %add3A_807 = arith.constant 0 : i32
        %add3A_808 = arith.addi %mul3A_806, %add3A_807 : i32
        %get3A_809 = arith.constant 8 : i32
        %get3A_810 = arith.index_cast %get3A_809 : i32 to index
        %get3A_811 = arith.index_cast %add3A_808 : i32 to index
        %get3A_812 = tpu.vector_load %arg11[%get3A_810, %get3A_811] {strides = array<i32>} : memref<16x1024xf32, #tpu.memory_space<vmem>>, vector<16xf32>,
        %get3A_813 = arith.constant 8 : i32
        %get3A_814 = arith.index_cast %get3A_813 : i32 to index
        %get3A_815 = arith.index_cast %add3A_808 : i32 to index
        %get3A_816 = tpu.vector_load %arg13[%get3A_814, %get3A_815] {strides = array<i32>} : memref<16x1024xf32, #tpu.memory_space<vmem>>, vector<16xf32>,
        %sub3A = arith.subf %get3A_812, %get3A_816 : vector<16xf32>
        %mul3A_817 = arith.mulf %sub3A, %sub3A : vector<16xf32>
        %add3A_818 = arith.addf %scan3A_801, %mul3A_817 : vector<16xf32>
        %add3A_819 = arith.constant 16 : i32
        %add3A_820 = arith.addi %mul3A_806, %add3A_819 : i32
        %get3A_821 = arith.constant 8 : i32
        %get3A_822 = arith.index_cast %get3A_821 : i32 to index
        %get3A_823 = arith.index_cast %add3A_820 : i32 to index
        %get3A_824 = tpu.vector_load %arg11[%get3A_822, %get3A_823] {strides = array<i32>} : memref<16x1024xf32, #tpu.memory_space<vmem>>, vector<16xf32>,
        %get3A_825 = arith.constant 8 : i32
        %get3A_826 = arith.index_cast %get3A_825 : i32 to index
        %get3A_827 = arith.index_cast %add3A_820 : i32 to index
        %get3A_828 = tpu.vector_load %arg13[%get3A_826, %get3A_827] {strides = array<i32>} : memref<16x1024xf32, #tpu.memory_space<vmem>>, vector<16xf32>,
        %sub3A_829 = arith.subf %get3A_824, %get3A_828 : vector<16xf32>
        %mul3A_830 = arith.mulf %sub3A_829, %sub3A_829 : vector<16xf32>
        %add3A_831 = arith.addf %scan3A_802, %mul3A_830 : vector<16xf32>
        %add3A_832 = arith.constant 32 : i32
        %add3A_833 = arith.addi %mul3A_806, %add3A_832 : i32
        %get3A_834 = arith.constant 8 : i32
        %get3A_835 = arith.index_cast %get3A_834 : i32 to index
        %get3A_836 = arith.index_cast %add3A_833 : i32 to index
        %get3A_837 = tpu.vector_load %arg11[%get3A_835, %get3A_836] {strides = array<i32>} : memref<16x1024xf32, #tpu.memory_space<vmem>>, vector<16xf32>,
        %get3A_838 = arith.constant 8 : i32
        %get3A_839 = arith.index_cast %get3A_838 : i32 to index
        %get3A_840 = arith.index_cast %add3A_833 : i32 to index
        %get3A_841 = tpu.vector_load %arg13[%get3A_839, %get3A_840] {strides = array<i32>} : memref<16x1024xf32, #tpu.memory_space<vmem>>, vector<16xf32>,
        %sub3A_842 = arith.subf %get3A_837, %get3A_841 : vector<16xf32>
        %mul3A_843 = arith.mulf %sub3A_842, %sub3A_842 : vector<16xf32>
        %add3A_844 = arith.addf %scan3A_803, %mul3A_843 : vector<16xf32>
        %add3A_845 = arith.constant 48 : i32
        %add3A_846 = arith.addi %mul3A_806, %add3A_845 : i32
        %get3A_847 = arith.constant 8 : i32
        %get3A_848 = arith.index_cast %get3A_847 : i32 to index
        %get3A_849 = arith.index_cast %add3A_846 : i32 to index
        %get3A_850 = tpu.vector_load %arg11[%get3A_848, %get3A_849] {strides = array<i32>} : memref<16x1024xf32, #tpu.memory_space<vmem>>, vector<16xf32>,
        %get3A_851 = arith.constant 8 : i32
        %get3A_852 = arith.index_cast %get3A_851 : i32 to index
        %get3A_853 = arith.index_cast %add3A_846 : i32 to index
        %get3A_854 = tpu.vector_load %arg13[%get3A_852, %get3A_853] {strides = array<i32>} : memref<16x1024xf32, #tpu.memory_space<vmem>>, vector<16xf32>,
        %sub3A_855 = arith.subf %get3A_850, %get3A_854 : vector<16xf32>
        %mul3A_856 = arith.mulf %sub3A_855, %sub3A_855 : vector<16xf32>
        %add3A_857 = arith.addf %scan3A_804, %mul3A_856 : vector<16xf32>
        %add3A_858 = arith.constant 64 : i32
        %add3A_859 = arith.addi %mul3A_806, %add3A_858 : i32
        %get3A_860 = arith.constant 8 : i32
        %get3A_861 = arith.index_cast %get3A_860 : i32 to index
        %get3A_862 = arith.index_cast %add3A_859 : i32 to index
        %get3A_863 = tpu.vector_load %arg11[%get3A_861, %get3A_862] {strides = array<i32>} : memref<16x1024xf32, #tpu.memory_space<vmem>>, vector<16xf32>,
        %get3A_864 = arith.constant 8 : i32
        %get3A_865 = arith.index_cast %get3A_864 : i32 to index
        %get3A_866 = arith.index_cast %add3A_859 : i32 to index
        %get3A_867 = tpu.vector_load %arg13[%get3A_865, %get3A_866] {strides = array<i32>} : memref<16x1024xf32, #tpu.memory_space<vmem>>, vector<16xf32>,
        %sub3A_868 = arith.subf %get3A_863, %get3A_867 : vector<16xf32>
        %mul3A_869 = arith.mulf %sub3A_868, %sub3A_868 : vector<16xf32>
        %add3A_870 = arith.addf %add3A_818, %mul3A_869 : vector<16xf32>
        %add3A_871 = arith.constant 80 : i32
        %add3A_872 = arith.addi %mul3A_806, %add3A_871 : i32
        %get3A_873 = arith.constant 8 : i32
        %get3A_874 = arith.index_cast %get3A_873 : i32 to index
        %get3A_875 = arith.index_cast %add3A_872 : i32 to index
        %get3A_876 = tpu.vector_load %arg11[%get3A_874, %get3A_875] {strides = array<i32>} : memref<16x1024xf32, #tpu.memory_space<vmem>>, vector<16xf32>,
        %get3A_877 = arith.constant 8 : i32
        %get3A_878 = arith.index_cast %get3A_877 : i32 to index
        %get3A_879 = arith.index_cast %add3A_872 : i32 to index
        %get3A_880 = tpu.vector_load %arg13[%get3A_878, %get3A_879] {strides = array<i32>} : memref<16x1024xf32, #tpu.memory_space<vmem>>, vector<16xf32>,
        %sub3A_881 = arith.subf %get3A_876, %get3A_880 : vector<16xf32>
        %mul3A_882 = arith.mulf %sub3A_881, %sub3A_881 : vector<16xf32>
        %add3A_883 = arith.addf %add3A_831, %mul3A_882 : vector<16xf32>
        %add3A_884 = arith.constant 96 : i32
        %add3A_885 = arith.addi %mul3A_806, %add3A_884 : i32
        %get3A_886 = arith.constant 8 : i32
        %get3A_887 = arith.index_cast %get3A_886 : i32 to index
        %get3A_888 = arith.index_cast %add3A_885 : i32 to index
        %get3A_889 = tpu.vector_load %arg11[%get3A_887, %get3A_888] {strides = array<i32>} : memref<16x1024xf32, #tpu.memory_space<vmem>>, vector<16xf32>,
        %get3A_890 = arith.constant 8 : i32
        %get3A_891 = arith.index_cast %get3A_890 : i32 to index
        %get3A_892 = arith.index_cast %add3A_885 : i32 to index
        %get3A_893 = tpu.vector_load %arg13[%get3A_891, %get3A_892] {strides = array<i32>} : memref<16x1024xf32, #tpu.memory_space<vmem>>, vector<16xf32>,
        %sub3A_894 = arith.subf %get3A_889, %get3A_893 : vector<16xf32>
        %mul3A_895 = arith.mulf %sub3A_894, %sub3A_894 : vector<16xf32>
        %add3A_896 = arith.addf %add3A_844, %mul3A_895 : vector<16xf32>
        %add3A_897 = arith.constant 112 : i32
        %add3A_898 = arith.addi %mul3A_806, %add3A_897 : i32
        %get3A_899 = arith.constant 8 : i32
        %get3A_900 = arith.index_cast %get3A_899 : i32 to index
        %get3A_901 = arith.index_cast %add3A_898 : i32 to index
        %get3A_902 = tpu.vector_load %arg11[%get3A_900, %get3A_901] {strides = array<i32>} : memref<16x1024xf32, #tpu.memory_space<vmem>>, vector<16xf32>,
        %get3A_903 = arith.constant 8 : i32
        %get3A_904 = arith.index_cast %get3A_903 : i32 to index
        %get3A_905 = arith.index_cast %add3A_898 : i32 to index
        %get3A_906 = tpu.vector_load %arg13[%get3A_904, %get3A_905] {strides = array<i32>} : memref<16x1024xf32, #tpu.memory_space<vmem>>, vector<16xf32>,
        %sub3A_907 = arith.subf %get3A_902, %get3A_906 : vector<16xf32>
        %mul3A_908 = arith.mulf %sub3A_907, %sub3A_907 : vector<16xf32>
        %add3A_909 = arith.addf %add3A_857, %mul3A_908 : vector<16xf32>
        scf.yield %add3A_870, %add3A_883, %add3A_896, %add3A_909 : vector<16xf32>, vector<16xf32>, vector<16xf32>, vector<16xf32>
      }
      %scan3A_241 = arith.constant 8 : i32
      %add3A_242 = arith.addf %scan3A_240#0, %scan3A_240#1 : vector<16xf32>
      %add3A_243 = arith.addf %scan3A_240#2, %scan3A_240#3 : vector<16xf32>
      %add3A_244 = arith.addf %add3A_242, %add3A_243 : vector<16xf32>
      %broadcast_in_dim3A_245 = arith.constant 8 : i32
      %broadcast_in_dim3A_246 = vector.broadcast %broadcast_in_dim3A_245 : i32 to vector<16xi32>
      %gather3A_247 = tpu.vector_load_idx %arg9[%broadcast_in_dim3A_246] : memref<16xf32, #tpu.memory_space<vmem>>[vector<16xi32>], vector<16xf32>,
      %mul3A_248 = arith.mulf %add3A_244, %gather3A_247 : vector<16xf32>
      %add3A_249 = arith.addf %add3A_227, %mul3A_248 : vector<16xf32>
      %broadcast_in_dim3A_250 = arith.constant 0.000000e+00 : f32
      %broadcast_in_dim3A_251 = vector.broadcast %broadcast_in_dim3A_250 : f32 to vector<16xf32>
      %broadcast_in_dim3A_252 = arith.constant 0.000000e+00 : f32
      %broadcast_in_dim3A_253 = vector.broadcast %broadcast_in_dim3A_252 : f32 to vector<16xf32>
      %broadcast_in_dim3A_254 = arith.constant 0.000000e+00 : f32
      %broadcast_in_dim3A_255 = vector.broadcast %broadcast_in_dim3A_254 : f32 to vector<16xf32>
      %broadcast_in_dim3A_256 = arith.constant 0.000000e+00 : f32
      %broadcast_in_dim3A_257 = vector.broadcast %broadcast_in_dim3A_256 : f32 to vector<16xf32>
      %scan3A_258 = arith.constant 0 : i32
      %scan3A_259 = arith.constant 8 : i32
      %scan3A_260 = arith.addi %scan3A_258, %scan3A_259 : i32
      %scan3A_261 = arith.constant 1 : i32
      %scan3A_262:4 = scf.for %scan3A_800 = %scan3A_258 to %scan3A_260 step %scan3A_261 iter_args(%scan3A_801 = %broadcast_in_dim3A_251, %scan3A_802 = %broadcast_in_dim3A_253, %scan3A_803 = %broadcast_in_dim3A_255, %scan3A_804 = %broadcast_in_dim3A_257) -> (vector<16xf32>, vector<16xf32>, vector<16xf32>, vector<16xf32>)  : i32 {
        %mul3A_805 = arith.constant 128 : i32
        %mul3A_806 = arith.muli %scan3A_800, %mul3A_805 : i32
        %add3A_807 = arith.constant 0 : i32
        %add3A_808 = arith.addi %mul3A_806, %add3A_807 : i32
        %get3A_809 = arith.constant 9 : i32
        %get3A_810 = arith.index_cast %get3A_809 : i32 to index
        %get3A_811 = arith.index_cast %add3A_808 : i32 to index
        %get3A_812 = tpu.vector_load %arg11[%get3A_810, %get3A_811] {strides = array<i32>} : memref<16x1024xf32, #tpu.memory_space<vmem>>, vector<16xf32>,
        %get3A_813 = arith.constant 9 : i32
        %get3A_814 = arith.index_cast %get3A_813 : i32 to index
        %get3A_815 = arith.index_cast %add3A_808 : i32 to index
        %get3A_816 = tpu.vector_load %arg13[%get3A_814, %get3A_815] {strides = array<i32>} : memref<16x1024xf32, #tpu.memory_space<vmem>>, vector<16xf32>,
        %sub3A = arith.subf %get3A_812, %get3A_816 : vector<16xf32>
        %mul3A_817 = arith.mulf %sub3A, %sub3A : vector<16xf32>
        %add3A_818 = arith.addf %scan3A_801, %mul3A_817 : vector<16xf32>
        %add3A_819 = arith.constant 16 : i32
        %add3A_820 = arith.addi %mul3A_806, %add3A_819 : i32
        %get3A_821 = arith.constant 9 : i32
        %get3A_822 = arith.index_cast %get3A_821 : i32 to index
        %get3A_823 = arith.index_cast %add3A_820 : i32 to index
        %get3A_824 = tpu.vector_load %arg11[%get3A_822, %get3A_823] {strides = array<i32>} : memref<16x1024xf32, #tpu.memory_space<vmem>>, vector<16xf32>,
        %get3A_825 = arith.constant 9 : i32
        %get3A_826 = arith.index_cast %get3A_825 : i32 to index
        %get3A_827 = arith.index_cast %add3A_820 : i32 to index
        %get3A_828 = tpu.vector_load %arg13[%get3A_826, %get3A_827] {strides = array<i32>} : memref<16x1024xf32, #tpu.memory_space<vmem>>, vector<16xf32>,
        %sub3A_829 = arith.subf %get3A_824, %get3A_828 : vector<16xf32>
        %mul3A_830 = arith.mulf %sub3A_829, %sub3A_829 : vector<16xf32>
        %add3A_831 = arith.addf %scan3A_802, %mul3A_830 : vector<16xf32>
        %add3A_832 = arith.constant 32 : i32
        %add3A_833 = arith.addi %mul3A_806, %add3A_832 : i32
        %get3A_834 = arith.constant 9 : i32
        %get3A_835 = arith.index_cast %get3A_834 : i32 to index
        %get3A_836 = arith.index_cast %add3A_833 : i32 to index
        %get3A_837 = tpu.vector_load %arg11[%get3A_835, %get3A_836] {strides = array<i32>} : memref<16x1024xf32, #tpu.memory_space<vmem>>, vector<16xf32>,
        %get3A_838 = arith.constant 9 : i32
        %get3A_839 = arith.index_cast %get3A_838 : i32 to index
        %get3A_840 = arith.index_cast %add3A_833 : i32 to index
        %get3A_841 = tpu.vector_load %arg13[%get3A_839, %get3A_840] {strides = array<i32>} : memref<16x1024xf32, #tpu.memory_space<vmem>>, vector<16xf32>,
        %sub3A_842 = arith.subf %get3A_837, %get3A_841 : vector<16xf32>
        %mul3A_843 = arith.mulf %sub3A_842, %sub3A_842 : vector<16xf32>
        %add3A_844 = arith.addf %scan3A_803, %mul3A_843 : vector<16xf32>
        %add3A_845 = arith.constant 48 : i32
        %add3A_846 = arith.addi %mul3A_806, %add3A_845 : i32
        %get3A_847 = arith.constant 9 : i32
        %get3A_848 = arith.index_cast %get3A_847 : i32 to index
        %get3A_849 = arith.index_cast %add3A_846 : i32 to index
        %get3A_850 = tpu.vector_load %arg11[%get3A_848, %get3A_849] {strides = array<i32>} : memref<16x1024xf32, #tpu.memory_space<vmem>>, vector<16xf32>,
        %get3A_851 = arith.constant 9 : i32
        %get3A_852 = arith.index_cast %get3A_851 : i32 to index
        %get3A_853 = arith.index_cast %add3A_846 : i32 to index
        %get3A_854 = tpu.vector_load %arg13[%get3A_852, %get3A_853] {strides = array<i32>} : memref<16x1024xf32, #tpu.memory_space<vmem>>, vector<16xf32>,
        %sub3A_855 = arith.subf %get3A_850, %get3A_854 : vector<16xf32>
        %mul3A_856 = arith.mulf %sub3A_855, %sub3A_855 : vector<16xf32>
        %add3A_857 = arith.addf %scan3A_804, %mul3A_856 : vector<16xf32>
        %add3A_858 = arith.constant 64 : i32
        %add3A_859 = arith.addi %mul3A_806, %add3A_858 : i32
        %get3A_860 = arith.constant 9 : i32
        %get3A_861 = arith.index_cast %get3A_860 : i32 to index
        %get3A_862 = arith.index_cast %add3A_859 : i32 to index
        %get3A_863 = tpu.vector_load %arg11[%get3A_861, %get3A_862] {strides = array<i32>} : memref<16x1024xf32, #tpu.memory_space<vmem>>, vector<16xf32>,
        %get3A_864 = arith.constant 9 : i32
        %get3A_865 = arith.index_cast %get3A_864 : i32 to index
        %get3A_866 = arith.index_cast %add3A_859 : i32 to index
        %get3A_867 = tpu.vector_load %arg13[%get3A_865, %get3A_866] {strides = array<i32>} : memref<16x1024xf32, #tpu.memory_space<vmem>>, vector<16xf32>,
        %sub3A_868 = arith.subf %get3A_863, %get3A_867 : vector<16xf32>
        %mul3A_869 = arith.mulf %sub3A_868, %sub3A_868 : vector<16xf32>
        %add3A_870 = arith.addf %add3A_818, %mul3A_869 : vector<16xf32>
        %add3A_871 = arith.constant 80 : i32
        %add3A_872 = arith.addi %mul3A_806, %add3A_871 : i32
        %get3A_873 = arith.constant 9 : i32
        %get3A_874 = arith.index_cast %get3A_873 : i32 to index
        %get3A_875 = arith.index_cast %add3A_872 : i32 to index
        %get3A_876 = tpu.vector_load %arg11[%get3A_874, %get3A_875] {strides = array<i32>} : memref<16x1024xf32, #tpu.memory_space<vmem>>, vector<16xf32>,
        %get3A_877 = arith.constant 9 : i32
        %get3A_878 = arith.index_cast %get3A_877 : i32 to index
        %get3A_879 = arith.index_cast %add3A_872 : i32 to index
        %get3A_880 = tpu.vector_load %arg13[%get3A_878, %get3A_879] {strides = array<i32>} : memref<16x1024xf32, #tpu.memory_space<vmem>>, vector<16xf32>,
        %sub3A_881 = arith.subf %get3A_876, %get3A_880 : vector<16xf32>
        %mul3A_882 = arith.mulf %sub3A_881, %sub3A_881 : vector<16xf32>
        %add3A_883 = arith.addf %add3A_831, %mul3A_882 : vector<16xf32>
        %add3A_884 = arith.constant 96 : i32
        %add3A_885 = arith.addi %mul3A_806, %add3A_884 : i32
        %get3A_886 = arith.constant 9 : i32
        %get3A_887 = arith.index_cast %get3A_886 : i32 to index
        %get3A_888 = arith.index_cast %add3A_885 : i32 to index
        %get3A_889 = tpu.vector_load %arg11[%get3A_887, %get3A_888] {strides = array<i32>} : memref<16x1024xf32, #tpu.memory_space<vmem>>, vector<16xf32>,
        %get3A_890 = arith.constant 9 : i32
        %get3A_891 = arith.index_cast %get3A_890 : i32 to index
        %get3A_892 = arith.index_cast %add3A_885 : i32 to index
        %get3A_893 = tpu.vector_load %arg13[%get3A_891, %get3A_892] {strides = array<i32>} : memref<16x1024xf32, #tpu.memory_space<vmem>>, vector<16xf32>,
        %sub3A_894 = arith.subf %get3A_889, %get3A_893 : vector<16xf32>
        %mul3A_895 = arith.mulf %sub3A_894, %sub3A_894 : vector<16xf32>
        %add3A_896 = arith.addf %add3A_844, %mul3A_895 : vector<16xf32>
        %add3A_897 = arith.constant 112 : i32
        %add3A_898 = arith.addi %mul3A_806, %add3A_897 : i32
        %get3A_899 = arith.constant 9 : i32
        %get3A_900 = arith.index_cast %get3A_899 : i32 to index
        %get3A_901 = arith.index_cast %add3A_898 : i32 to index
        %get3A_902 = tpu.vector_load %arg11[%get3A_900, %get3A_901] {strides = array<i32>} : memref<16x1024xf32, #tpu.memory_space<vmem>>, vector<16xf32>,
        %get3A_903 = arith.constant 9 : i32
        %get3A_904 = arith.index_cast %get3A_903 : i32 to index
        %get3A_905 = arith.index_cast %add3A_898 : i32 to index
        %get3A_906 = tpu.vector_load %arg13[%get3A_904, %get3A_905] {strides = array<i32>} : memref<16x1024xf32, #tpu.memory_space<vmem>>, vector<16xf32>,
        %sub3A_907 = arith.subf %get3A_902, %get3A_906 : vector<16xf32>
        %mul3A_908 = arith.mulf %sub3A_907, %sub3A_907 : vector<16xf32>
        %add3A_909 = arith.addf %add3A_857, %mul3A_908 : vector<16xf32>
        scf.yield %add3A_870, %add3A_883, %add3A_896, %add3A_909 : vector<16xf32>, vector<16xf32>, vector<16xf32>, vector<16xf32>
      }
      %scan3A_263 = arith.constant 8 : i32
      %add3A_264 = arith.addf %scan3A_262#0, %scan3A_262#1 : vector<16xf32>
      %add3A_265 = arith.addf %scan3A_262#2, %scan3A_262#3 : vector<16xf32>
      %add3A_266 = arith.addf %add3A_264, %add3A_265 : vector<16xf32>
      %broadcast_in_dim3A_267 = arith.constant 9 : i32
      %broadcast_in_dim3A_268 = vector.broadcast %broadcast_in_dim3A_267 : i32 to vector<16xi32>
      %gather3A_269 = tpu.vector_load_idx %arg9[%broadcast_in_dim3A_268] : memref<16xf32, #tpu.memory_space<vmem>>[vector<16xi32>], vector<16xf32>,
      %mul3A_270 = arith.mulf %add3A_266, %gather3A_269 : vector<16xf32>
      %add3A_271 = arith.addf %add3A_249, %mul3A_270 : vector<16xf32>
      %broadcast_in_dim3A_272 = arith.constant 0.000000e+00 : f32
      %broadcast_in_dim3A_273 = vector.broadcast %broadcast_in_dim3A_272 : f32 to vector<16xf32>
      %broadcast_in_dim3A_274 = arith.constant 0.000000e+00 : f32
      %broadcast_in_dim3A_275 = vector.broadcast %broadcast_in_dim3A_274 : f32 to vector<16xf32>
      %broadcast_in_dim3A_276 = arith.constant 0.000000e+00 : f32
      %broadcast_in_dim3A_277 = vector.broadcast %broadcast_in_dim3A_276 : f32 to vector<16xf32>
      %broadcast_in_dim3A_278 = arith.constant 0.000000e+00 : f32
      %broadcast_in_dim3A_279 = vector.broadcast %broadcast_in_dim3A_278 : f32 to vector<16xf32>
      %scan3A_280 = arith.constant 0 : i32
      %scan3A_281 = arith.constant 8 : i32
      %scan3A_282 = arith.addi %scan3A_280, %scan3A_281 : i32
      %scan3A_283 = arith.constant 1 : i32
      %scan3A_284:4 = scf.for %scan3A_800 = %scan3A_280 to %scan3A_282 step %scan3A_283 iter_args(%scan3A_801 = %broadcast_in_dim3A_273, %scan3A_802 = %broadcast_in_dim3A_275, %scan3A_803 = %broadcast_in_dim3A_277, %scan3A_804 = %broadcast_in_dim3A_279) -> (vector<16xf32>, vector<16xf32>, vector<16xf32>, vector<16xf32>)  : i32 {
        %mul3A_805 = arith.constant 128 : i32
        %mul3A_806 = arith.muli %scan3A_800, %mul3A_805 : i32
        %add3A_807 = arith.constant 0 : i32
        %add3A_808 = arith.addi %mul3A_806, %add3A_807 : i32
        %get3A_809 = arith.constant 10 : i32
        %get3A_810 = arith.index_cast %get3A_809 : i32 to index
        %get3A_811 = arith.index_cast %add3A_808 : i32 to index
        %get3A_812 = tpu.vector_load %arg11[%get3A_810, %get3A_811] {strides = array<i32>} : memref<16x1024xf32, #tpu.memory_space<vmem>>, vector<16xf32>,
        %get3A_813 = arith.constant 10 : i32
        %get3A_814 = arith.index_cast %get3A_813 : i32 to index
        %get3A_815 = arith.index_cast %add3A_808 : i32 to index
        %get3A_816 = tpu.vector_load %arg13[%get3A_814, %get3A_815] {strides = array<i32>} : memref<16x1024xf32, #tpu.memory_space<vmem>>, vector<16xf32>,
        %sub3A = arith.subf %get3A_812, %get3A_816 : vector<16xf32>
        %mul3A_817 = arith.mulf %sub3A, %sub3A : vector<16xf32>
        %add3A_818 = arith.addf %scan3A_801, %mul3A_817 : vector<16xf32>
        %add3A_819 = arith.constant 16 : i32
        %add3A_820 = arith.addi %mul3A_806, %add3A_819 : i32
        %get3A_821 = arith.constant 10 : i32
        %get3A_822 = arith.index_cast %get3A_821 : i32 to index
        %get3A_823 = arith.index_cast %add3A_820 : i32 to index
        %get3A_824 = tpu.vector_load %arg11[%get3A_822, %get3A_823] {strides = array<i32>} : memref<16x1024xf32, #tpu.memory_space<vmem>>, vector<16xf32>,
        %get3A_825 = arith.constant 10 : i32
        %get3A_826 = arith.index_cast %get3A_825 : i32 to index
        %get3A_827 = arith.index_cast %add3A_820 : i32 to index
        %get3A_828 = tpu.vector_load %arg13[%get3A_826, %get3A_827] {strides = array<i32>} : memref<16x1024xf32, #tpu.memory_space<vmem>>, vector<16xf32>,
        %sub3A_829 = arith.subf %get3A_824, %get3A_828 : vector<16xf32>
        %mul3A_830 = arith.mulf %sub3A_829, %sub3A_829 : vector<16xf32>
        %add3A_831 = arith.addf %scan3A_802, %mul3A_830 : vector<16xf32>
        %add3A_832 = arith.constant 32 : i32
        %add3A_833 = arith.addi %mul3A_806, %add3A_832 : i32
        %get3A_834 = arith.constant 10 : i32
        %get3A_835 = arith.index_cast %get3A_834 : i32 to index
        %get3A_836 = arith.index_cast %add3A_833 : i32 to index
        %get3A_837 = tpu.vector_load %arg11[%get3A_835, %get3A_836] {strides = array<i32>} : memref<16x1024xf32, #tpu.memory_space<vmem>>, vector<16xf32>,
        %get3A_838 = arith.constant 10 : i32
        %get3A_839 = arith.index_cast %get3A_838 : i32 to index
        %get3A_840 = arith.index_cast %add3A_833 : i32 to index
        %get3A_841 = tpu.vector_load %arg13[%get3A_839, %get3A_840] {strides = array<i32>} : memref<16x1024xf32, #tpu.memory_space<vmem>>, vector<16xf32>,
        %sub3A_842 = arith.subf %get3A_837, %get3A_841 : vector<16xf32>
        %mul3A_843 = arith.mulf %sub3A_842, %sub3A_842 : vector<16xf32>
        %add3A_844 = arith.addf %scan3A_803, %mul3A_843 : vector<16xf32>
        %add3A_845 = arith.constant 48 : i32
        %add3A_846 = arith.addi %mul3A_806, %add3A_845 : i32
        %get3A_847 = arith.constant 10 : i32
        %get3A_848 = arith.index_cast %get3A_847 : i32 to index
        %get3A_849 = arith.index_cast %add3A_846 : i32 to index
        %get3A_850 = tpu.vector_load %arg11[%get3A_848, %get3A_849] {strides = array<i32>} : memref<16x1024xf32, #tpu.memory_space<vmem>>, vector<16xf32>,
        %get3A_851 = arith.constant 10 : i32
        %get3A_852 = arith.index_cast %get3A_851 : i32 to index
        %get3A_853 = arith.index_cast %add3A_846 : i32 to index
        %get3A_854 = tpu.vector_load %arg13[%get3A_852, %get3A_853] {strides = array<i32>} : memref<16x1024xf32, #tpu.memory_space<vmem>>, vector<16xf32>,
        %sub3A_855 = arith.subf %get3A_850, %get3A_854 : vector<16xf32>
        %mul3A_856 = arith.mulf %sub3A_855, %sub3A_855 : vector<16xf32>
        %add3A_857 = arith.addf %scan3A_804, %mul3A_856 : vector<16xf32>
        %add3A_858 = arith.constant 64 : i32
        %add3A_859 = arith.addi %mul3A_806, %add3A_858 : i32
        %get3A_860 = arith.constant 10 : i32
        %get3A_861 = arith.index_cast %get3A_860 : i32 to index
        %get3A_862 = arith.index_cast %add3A_859 : i32 to index
        %get3A_863 = tpu.vector_load %arg11[%get3A_861, %get3A_862] {strides = array<i32>} : memref<16x1024xf32, #tpu.memory_space<vmem>>, vector<16xf32>,
        %get3A_864 = arith.constant 10 : i32
        %get3A_865 = arith.index_cast %get3A_864 : i32 to index
        %get3A_866 = arith.index_cast %add3A_859 : i32 to index
        %get3A_867 = tpu.vector_load %arg13[%get3A_865, %get3A_866] {strides = array<i32>} : memref<16x1024xf32, #tpu.memory_space<vmem>>, vector<16xf32>,
        %sub3A_868 = arith.subf %get3A_863, %get3A_867 : vector<16xf32>
        %mul3A_869 = arith.mulf %sub3A_868, %sub3A_868 : vector<16xf32>
        %add3A_870 = arith.addf %add3A_818, %mul3A_869 : vector<16xf32>
        %add3A_871 = arith.constant 80 : i32
        %add3A_872 = arith.addi %mul3A_806, %add3A_871 : i32
        %get3A_873 = arith.constant 10 : i32
        %get3A_874 = arith.index_cast %get3A_873 : i32 to index
        %get3A_875 = arith.index_cast %add3A_872 : i32 to index
        %get3A_876 = tpu.vector_load %arg11[%get3A_874, %get3A_875] {strides = array<i32>} : memref<16x1024xf32, #tpu.memory_space<vmem>>, vector<16xf32>,
        %get3A_877 = arith.constant 10 : i32
        %get3A_878 = arith.index_cast %get3A_877 : i32 to index
        %get3A_879 = arith.index_cast %add3A_872 : i32 to index
        %get3A_880 = tpu.vector_load %arg13[%get3A_878, %get3A_879] {strides = array<i32>} : memref<16x1024xf32, #tpu.memory_space<vmem>>, vector<16xf32>,
        %sub3A_881 = arith.subf %get3A_876, %get3A_880 : vector<16xf32>
        %mul3A_882 = arith.mulf %sub3A_881, %sub3A_881 : vector<16xf32>
        %add3A_883 = arith.addf %add3A_831, %mul3A_882 : vector<16xf32>
        %add3A_884 = arith.constant 96 : i32
        %add3A_885 = arith.addi %mul3A_806, %add3A_884 : i32
        %get3A_886 = arith.constant 10 : i32
        %get3A_887 = arith.index_cast %get3A_886 : i32 to index
        %get3A_888 = arith.index_cast %add3A_885 : i32 to index
        %get3A_889 = tpu.vector_load %arg11[%get3A_887, %get3A_888] {strides = array<i32>} : memref<16x1024xf32, #tpu.memory_space<vmem>>, vector<16xf32>,
        %get3A_890 = arith.constant 10 : i32
        %get3A_891 = arith.index_cast %get3A_890 : i32 to index
        %get3A_892 = arith.index_cast %add3A_885 : i32 to index
        %get3A_893 = tpu.vector_load %arg13[%get3A_891, %get3A_892] {strides = array<i32>} : memref<16x1024xf32, #tpu.memory_space<vmem>>, vector<16xf32>,
        %sub3A_894 = arith.subf %get3A_889, %get3A_893 : vector<16xf32>
        %mul3A_895 = arith.mulf %sub3A_894, %sub3A_894 : vector<16xf32>
        %add3A_896 = arith.addf %add3A_844, %mul3A_895 : vector<16xf32>
        %add3A_897 = arith.constant 112 : i32
        %add3A_898 = arith.addi %mul3A_806, %add3A_897 : i32
        %get3A_899 = arith.constant 10 : i32
        %get3A_900 = arith.index_cast %get3A_899 : i32 to index
        %get3A_901 = arith.index_cast %add3A_898 : i32 to index
        %get3A_902 = tpu.vector_load %arg11[%get3A_900, %get3A_901] {strides = array<i32>} : memref<16x1024xf32, #tpu.memory_space<vmem>>, vector<16xf32>,
        %get3A_903 = arith.constant 10 : i32
        %get3A_904 = arith.index_cast %get3A_903 : i32 to index
        %get3A_905 = arith.index_cast %add3A_898 : i32 to index
        %get3A_906 = tpu.vector_load %arg13[%get3A_904, %get3A_905] {strides = array<i32>} : memref<16x1024xf32, #tpu.memory_space<vmem>>, vector<16xf32>,
        %sub3A_907 = arith.subf %get3A_902, %get3A_906 : vector<16xf32>
        %mul3A_908 = arith.mulf %sub3A_907, %sub3A_907 : vector<16xf32>
        %add3A_909 = arith.addf %add3A_857, %mul3A_908 : vector<16xf32>
        scf.yield %add3A_870, %add3A_883, %add3A_896, %add3A_909 : vector<16xf32>, vector<16xf32>, vector<16xf32>, vector<16xf32>
      }
      %scan3A_285 = arith.constant 8 : i32
      %add3A_286 = arith.addf %scan3A_284#0, %scan3A_284#1 : vector<16xf32>
      %add3A_287 = arith.addf %scan3A_284#2, %scan3A_284#3 : vector<16xf32>
      %add3A_288 = arith.addf %add3A_286, %add3A_287 : vector<16xf32>
      %broadcast_in_dim3A_289 = arith.constant 10 : i32
      %broadcast_in_dim3A_290 = vector.broadcast %broadcast_in_dim3A_289 : i32 to vector<16xi32>
      %gather3A_291 = tpu.vector_load_idx %arg9[%broadcast_in_dim3A_290] : memref<16xf32, #tpu.memory_space<vmem>>[vector<16xi32>], vector<16xf32>,
      %mul3A_292 = arith.mulf %add3A_288, %gather3A_291 : vector<16xf32>
      %add3A_293 = arith.addf %add3A_271, %mul3A_292 : vector<16xf32>
      %broadcast_in_dim3A_294 = arith.constant 0.000000e+00 : f32
      %broadcast_in_dim3A_295 = vector.broadcast %broadcast_in_dim3A_294 : f32 to vector<16xf32>
      %broadcast_in_dim3A_296 = arith.constant 0.000000e+00 : f32
      %broadcast_in_dim3A_297 = vector.broadcast %broadcast_in_dim3A_296 : f32 to vector<16xf32>
      %broadcast_in_dim3A_298 = arith.constant 0.000000e+00 : f32
      %broadcast_in_dim3A_299 = vector.broadcast %broadcast_in_dim3A_298 : f32 to vector<16xf32>
      %broadcast_in_dim3A_300 = arith.constant 0.000000e+00 : f32
      %broadcast_in_dim3A_301 = vector.broadcast %broadcast_in_dim3A_300 : f32 to vector<16xf32>
      %scan3A_302 = arith.constant 0 : i32
      %scan3A_303 = arith.constant 8 : i32
      %scan3A_304 = arith.addi %scan3A_302, %scan3A_303 : i32
      %scan3A_305 = arith.constant 1 : i32
      %scan3A_306:4 = scf.for %scan3A_800 = %scan3A_302 to %scan3A_304 step %scan3A_305 iter_args(%scan3A_801 = %broadcast_in_dim3A_295, %scan3A_802 = %broadcast_in_dim3A_297, %scan3A_803 = %broadcast_in_dim3A_299, %scan3A_804 = %broadcast_in_dim3A_301) -> (vector<16xf32>, vector<16xf32>, vector<16xf32>, vector<16xf32>)  : i32 {
        %mul3A_805 = arith.constant 128 : i32
        %mul3A_806 = arith.muli %scan3A_800, %mul3A_805 : i32
        %add3A_807 = arith.constant 0 : i32
        %add3A_808 = arith.addi %mul3A_806, %add3A_807 : i32
        %get3A_809 = arith.constant 11 : i32
        %get3A_810 = arith.index_cast %get3A_809 : i32 to index
        %get3A_811 = arith.index_cast %add3A_808 : i32 to index
        %get3A_812 = tpu.vector_load %arg11[%get3A_810, %get3A_811] {strides = array<i32>} : memref<16x1024xf32, #tpu.memory_space<vmem>>, vector<16xf32>,
        %get3A_813 = arith.constant 11 : i32
        %get3A_814 = arith.index_cast %get3A_813 : i32 to index
        %get3A_815 = arith.index_cast %add3A_808 : i32 to index
        %get3A_816 = tpu.vector_load %arg13[%get3A_814, %get3A_815] {strides = array<i32>} : memref<16x1024xf32, #tpu.memory_space<vmem>>, vector<16xf32>,
        %sub3A = arith.subf %get3A_812, %get3A_816 : vector<16xf32>
        %mul3A_817 = arith.mulf %sub3A, %sub3A : vector<16xf32>
        %add3A_818 = arith.addf %scan3A_801, %mul3A_817 : vector<16xf32>
        %add3A_819 = arith.constant 16 : i32
        %add3A_820 = arith.addi %mul3A_806, %add3A_819 : i32
        %get3A_821 = arith.constant 11 : i32
        %get3A_822 = arith.index_cast %get3A_821 : i32 to index
        %get3A_823 = arith.index_cast %add3A_820 : i32 to index
        %get3A_824 = tpu.vector_load %arg11[%get3A_822, %get3A_823] {strides = array<i32>} : memref<16x1024xf32, #tpu.memory_space<vmem>>, vector<16xf32>,
        %get3A_825 = arith.constant 11 : i32
        %get3A_826 = arith.index_cast %get3A_825 : i32 to index
        %get3A_827 = arith.index_cast %add3A_820 : i32 to index
        %get3A_828 = tpu.vector_load %arg13[%get3A_826, %get3A_827] {strides = array<i32>} : memref<16x1024xf32, #tpu.memory_space<vmem>>, vector<16xf32>,
        %sub3A_829 = arith.subf %get3A_824, %get3A_828 : vector<16xf32>
        %mul3A_830 = arith.mulf %sub3A_829, %sub3A_829 : vector<16xf32>
        %add3A_831 = arith.addf %scan3A_802, %mul3A_830 : vector<16xf32>
        %add3A_832 = arith.constant 32 : i32
        %add3A_833 = arith.addi %mul3A_806, %add3A_832 : i32
        %get3A_834 = arith.constant 11 : i32
        %get3A_835 = arith.index_cast %get3A_834 : i32 to index
        %get3A_836 = arith.index_cast %add3A_833 : i32 to index
        %get3A_837 = tpu.vector_load %arg11[%get3A_835, %get3A_836] {strides = array<i32>} : memref<16x1024xf32, #tpu.memory_space<vmem>>, vector<16xf32>,
        %get3A_838 = arith.constant 11 : i32
        %get3A_839 = arith.index_cast %get3A_838 : i32 to index
        %get3A_840 = arith.index_cast %add3A_833 : i32 to index
        %get3A_841 = tpu.vector_load %arg13[%get3A_839, %get3A_840] {strides = array<i32>} : memref<16x1024xf32, #tpu.memory_space<vmem>>, vector<16xf32>,
        %sub3A_842 = arith.subf %get3A_837, %get3A_841 : vector<16xf32>
        %mul3A_843 = arith.mulf %sub3A_842, %sub3A_842 : vector<16xf32>
        %add3A_844 = arith.addf %scan3A_803, %mul3A_843 : vector<16xf32>
        %add3A_845 = arith.constant 48 : i32
        %add3A_846 = arith.addi %mul3A_806, %add3A_845 : i32
        %get3A_847 = arith.constant 11 : i32
        %get3A_848 = arith.index_cast %get3A_847 : i32 to index
        %get3A_849 = arith.index_cast %add3A_846 : i32 to index
        %get3A_850 = tpu.vector_load %arg11[%get3A_848, %get3A_849] {strides = array<i32>} : memref<16x1024xf32, #tpu.memory_space<vmem>>, vector<16xf32>,
        %get3A_851 = arith.constant 11 : i32
        %get3A_852 = arith.index_cast %get3A_851 : i32 to index
        %get3A_853 = arith.index_cast %add3A_846 : i32 to index
        %get3A_854 = tpu.vector_load %arg13[%get3A_852, %get3A_853] {strides = array<i32>} : memref<16x1024xf32, #tpu.memory_space<vmem>>, vector<16xf32>,
        %sub3A_855 = arith.subf %get3A_850, %get3A_854 : vector<16xf32>
        %mul3A_856 = arith.mulf %sub3A_855, %sub3A_855 : vector<16xf32>
        %add3A_857 = arith.addf %scan3A_804, %mul3A_856 : vector<16xf32>
        %add3A_858 = arith.constant 64 : i32
        %add3A_859 = arith.addi %mul3A_806, %add3A_858 : i32
        %get3A_860 = arith.constant 11 : i32
        %get3A_861 = arith.index_cast %get3A_860 : i32 to index
        %get3A_862 = arith.index_cast %add3A_859 : i32 to index
        %get3A_863 = tpu.vector_load %arg11[%get3A_861, %get3A_862] {strides = array<i32>} : memref<16x1024xf32, #tpu.memory_space<vmem>>, vector<16xf32>,
        %get3A_864 = arith.constant 11 : i32
        %get3A_865 = arith.index_cast %get3A_864 : i32 to index
        %get3A_866 = arith.index_cast %add3A_859 : i32 to index
        %get3A_867 = tpu.vector_load %arg13[%get3A_865, %get3A_866] {strides = array<i32>} : memref<16x1024xf32, #tpu.memory_space<vmem>>, vector<16xf32>,
        %sub3A_868 = arith.subf %get3A_863, %get3A_867 : vector<16xf32>
        %mul3A_869 = arith.mulf %sub3A_868, %sub3A_868 : vector<16xf32>
        %add3A_870 = arith.addf %add3A_818, %mul3A_869 : vector<16xf32>
        %add3A_871 = arith.constant 80 : i32
        %add3A_872 = arith.addi %mul3A_806, %add3A_871 : i32
        %get3A_873 = arith.constant 11 : i32
        %get3A_874 = arith.index_cast %get3A_873 : i32 to index
        %get3A_875 = arith.index_cast %add3A_872 : i32 to index
        %get3A_876 = tpu.vector_load %arg11[%get3A_874, %get3A_875] {strides = array<i32>} : memref<16x1024xf32, #tpu.memory_space<vmem>>, vector<16xf32>,
        %get3A_877 = arith.constant 11 : i32
        %get3A_878 = arith.index_cast %get3A_877 : i32 to index
        %get3A_879 = arith.index_cast %add3A_872 : i32 to index
        %get3A_880 = tpu.vector_load %arg13[%get3A_878, %get3A_879] {strides = array<i32>} : memref<16x1024xf32, #tpu.memory_space<vmem>>, vector<16xf32>,
        %sub3A_881 = arith.subf %get3A_876, %get3A_880 : vector<16xf32>
        %mul3A_882 = arith.mulf %sub3A_881, %sub3A_881 : vector<16xf32>
        %add3A_883 = arith.addf %add3A_831, %mul3A_882 : vector<16xf32>
        %add3A_884 = arith.constant 96 : i32
        %add3A_885 = arith.addi %mul3A_806, %add3A_884 : i32
        %get3A_886 = arith.constant 11 : i32
        %get3A_887 = arith.index_cast %get3A_886 : i32 to index
        %get3A_888 = arith.index_cast %add3A_885 : i32 to index
        %get3A_889 = tpu.vector_load %arg11[%get3A_887, %get3A_888] {strides = array<i32>} : memref<16x1024xf32, #tpu.memory_space<vmem>>, vector<16xf32>,
        %get3A_890 = arith.constant 11 : i32
        %get3A_891 = arith.index_cast %get3A_890 : i32 to index
        %get3A_892 = arith.index_cast %add3A_885 : i32 to index
        %get3A_893 = tpu.vector_load %arg13[%get3A_891, %get3A_892] {strides = array<i32>} : memref<16x1024xf32, #tpu.memory_space<vmem>>, vector<16xf32>,
        %sub3A_894 = arith.subf %get3A_889, %get3A_893 : vector<16xf32>
        %mul3A_895 = arith.mulf %sub3A_894, %sub3A_894 : vector<16xf32>
        %add3A_896 = arith.addf %add3A_844, %mul3A_895 : vector<16xf32>
        %add3A_897 = arith.constant 112 : i32
        %add3A_898 = arith.addi %mul3A_806, %add3A_897 : i32
        %get3A_899 = arith.constant 11 : i32
        %get3A_900 = arith.index_cast %get3A_899 : i32 to index
        %get3A_901 = arith.index_cast %add3A_898 : i32 to index
        %get3A_902 = tpu.vector_load %arg11[%get3A_900, %get3A_901] {strides = array<i32>} : memref<16x1024xf32, #tpu.memory_space<vmem>>, vector<16xf32>,
        %get3A_903 = arith.constant 11 : i32
        %get3A_904 = arith.index_cast %get3A_903 : i32 to index
        %get3A_905 = arith.index_cast %add3A_898 : i32 to index
        %get3A_906 = tpu.vector_load %arg13[%get3A_904, %get3A_905] {strides = array<i32>} : memref<16x1024xf32, #tpu.memory_space<vmem>>, vector<16xf32>,
        %sub3A_907 = arith.subf %get3A_902, %get3A_906 : vector<16xf32>
        %mul3A_908 = arith.mulf %sub3A_907, %sub3A_907 : vector<16xf32>
        %add3A_909 = arith.addf %add3A_857, %mul3A_908 : vector<16xf32>
        scf.yield %add3A_870, %add3A_883, %add3A_896, %add3A_909 : vector<16xf32>, vector<16xf32>, vector<16xf32>, vector<16xf32>
      }
      %scan3A_307 = arith.constant 8 : i32
      %add3A_308 = arith.addf %scan3A_306#0, %scan3A_306#1 : vector<16xf32>
      %add3A_309 = arith.addf %scan3A_306#2, %scan3A_306#3 : vector<16xf32>
      %add3A_310 = arith.addf %add3A_308, %add3A_309 : vector<16xf32>
      %broadcast_in_dim3A_311 = arith.constant 11 : i32
      %broadcast_in_dim3A_312 = vector.broadcast %broadcast_in_dim3A_311 : i32 to vector<16xi32>
      %gather3A_313 = tpu.vector_load_idx %arg9[%broadcast_in_dim3A_312] : memref<16xf32, #tpu.memory_space<vmem>>[vector<16xi32>], vector<16xf32>,
      %mul3A_314 = arith.mulf %add3A_310, %gather3A_313 : vector<16xf32>
      %add3A_315 = arith.addf %add3A_293, %mul3A_314 : vector<16xf32>
      %broadcast_in_dim3A_316 = arith.constant 0.000000e+00 : f32
      %broadcast_in_dim3A_317 = vector.broadcast %broadcast_in_dim3A_316 : f32 to vector<16xf32>
      %broadcast_in_dim3A_318 = arith.constant 0.000000e+00 : f32
      %broadcast_in_dim3A_319 = vector.broadcast %broadcast_in_dim3A_318 : f32 to vector<16xf32>
      %broadcast_in_dim3A_320 = arith.constant 0.000000e+00 : f32
      %broadcast_in_dim3A_321 = vector.broadcast %broadcast_in_dim3A_320 : f32 to vector<16xf32>
      %broadcast_in_dim3A_322 = arith.constant 0.000000e+00 : f32
      %broadcast_in_dim3A_323 = vector.broadcast %broadcast_in_dim3A_322 : f32 to vector<16xf32>
      %scan3A_324 = arith.constant 0 : i32
      %scan3A_325 = arith.constant 8 : i32
      %scan3A_326 = arith.addi %scan3A_324, %scan3A_325 : i32
      %scan3A_327 = arith.constant 1 : i32
      %scan3A_328:4 = scf.for %scan3A_800 = %scan3A_324 to %scan3A_326 step %scan3A_327 iter_args(%scan3A_801 = %broadcast_in_dim3A_317, %scan3A_802 = %broadcast_in_dim3A_319, %scan3A_803 = %broadcast_in_dim3A_321, %scan3A_804 = %broadcast_in_dim3A_323) -> (vector<16xf32>, vector<16xf32>, vector<16xf32>, vector<16xf32>)  : i32 {
        %mul3A_805 = arith.constant 128 : i32
        %mul3A_806 = arith.muli %scan3A_800, %mul3A_805 : i32
        %add3A_807 = arith.constant 0 : i32
        %add3A_808 = arith.addi %mul3A_806, %add3A_807 : i32
        %get3A_809 = arith.constant 12 : i32
        %get3A_810 = arith.index_cast %get3A_809 : i32 to index
        %get3A_811 = arith.index_cast %add3A_808 : i32 to index
        %get3A_812 = tpu.vector_load %arg11[%get3A_810, %get3A_811] {strides = array<i32>} : memref<16x1024xf32, #tpu.memory_space<vmem>>, vector<16xf32>,
        %get3A_813 = arith.constant 12 : i32
        %get3A_814 = arith.index_cast %get3A_813 : i32 to index
        %get3A_815 = arith.index_cast %add3A_808 : i32 to index
        %get3A_816 = tpu.vector_load %arg13[%get3A_814, %get3A_815] {strides = array<i32>} : memref<16x1024xf32, #tpu.memory_space<vmem>>, vector<16xf32>,
        %sub3A = arith.subf %get3A_812, %get3A_816 : vector<16xf32>
        %mul3A_817 = arith.mulf %sub3A, %sub3A : vector<16xf32>
        %add3A_818 = arith.addf %scan3A_801, %mul3A_817 : vector<16xf32>
        %add3A_819 = arith.constant 16 : i32
        %add3A_820 = arith.addi %mul3A_806, %add3A_819 : i32
        %get3A_821 = arith.constant 12 : i32
        %get3A_822 = arith.index_cast %get3A_821 : i32 to index
        %get3A_823 = arith.index_cast %add3A_820 : i32 to index
        %get3A_824 = tpu.vector_load %arg11[%get3A_822, %get3A_823] {strides = array<i32>} : memref<16x1024xf32, #tpu.memory_space<vmem>>, vector<16xf32>,
        %get3A_825 = arith.constant 12 : i32
        %get3A_826 = arith.index_cast %get3A_825 : i32 to index
        %get3A_827 = arith.index_cast %add3A_820 : i32 to index
        %get3A_828 = tpu.vector_load %arg13[%get3A_826, %get3A_827] {strides = array<i32>} : memref<16x1024xf32, #tpu.memory_space<vmem>>, vector<16xf32>,
        %sub3A_829 = arith.subf %get3A_824, %get3A_828 : vector<16xf32>
        %mul3A_830 = arith.mulf %sub3A_829, %sub3A_829 : vector<16xf32>
        %add3A_831 = arith.addf %scan3A_802, %mul3A_830 : vector<16xf32>
        %add3A_832 = arith.constant 32 : i32
        %add3A_833 = arith.addi %mul3A_806, %add3A_832 : i32
        %get3A_834 = arith.constant 12 : i32
        %get3A_835 = arith.index_cast %get3A_834 : i32 to index
        %get3A_836 = arith.index_cast %add3A_833 : i32 to index
        %get3A_837 = tpu.vector_load %arg11[%get3A_835, %get3A_836] {strides = array<i32>} : memref<16x1024xf32, #tpu.memory_space<vmem>>, vector<16xf32>,
        %get3A_838 = arith.constant 12 : i32
        %get3A_839 = arith.index_cast %get3A_838 : i32 to index
        %get3A_840 = arith.index_cast %add3A_833 : i32 to index
        %get3A_841 = tpu.vector_load %arg13[%get3A_839, %get3A_840] {strides = array<i32>} : memref<16x1024xf32, #tpu.memory_space<vmem>>, vector<16xf32>,
        %sub3A_842 = arith.subf %get3A_837, %get3A_841 : vector<16xf32>
        %mul3A_843 = arith.mulf %sub3A_842, %sub3A_842 : vector<16xf32>
        %add3A_844 = arith.addf %scan3A_803, %mul3A_843 : vector<16xf32>
        %add3A_845 = arith.constant 48 : i32
        %add3A_846 = arith.addi %mul3A_806, %add3A_845 : i32
        %get3A_847 = arith.constant 12 : i32
        %get3A_848 = arith.index_cast %get3A_847 : i32 to index
        %get3A_849 = arith.index_cast %add3A_846 : i32 to index
        %get3A_850 = tpu.vector_load %arg11[%get3A_848, %get3A_849] {strides = array<i32>} : memref<16x1024xf32, #tpu.memory_space<vmem>>, vector<16xf32>,
        %get3A_851 = arith.constant 12 : i32
        %get3A_852 = arith.index_cast %get3A_851 : i32 to index
        %get3A_853 = arith.index_cast %add3A_846 : i32 to index
        %get3A_854 = tpu.vector_load %arg13[%get3A_852, %get3A_853] {strides = array<i32>} : memref<16x1024xf32, #tpu.memory_space<vmem>>, vector<16xf32>,
        %sub3A_855 = arith.subf %get3A_850, %get3A_854 : vector<16xf32>
        %mul3A_856 = arith.mulf %sub3A_855, %sub3A_855 : vector<16xf32>
        %add3A_857 = arith.addf %scan3A_804, %mul3A_856 : vector<16xf32>
        %add3A_858 = arith.constant 64 : i32
        %add3A_859 = arith.addi %mul3A_806, %add3A_858 : i32
        %get3A_860 = arith.constant 12 : i32
        %get3A_861 = arith.index_cast %get3A_860 : i32 to index
        %get3A_862 = arith.index_cast %add3A_859 : i32 to index
        %get3A_863 = tpu.vector_load %arg11[%get3A_861, %get3A_862] {strides = array<i32>} : memref<16x1024xf32, #tpu.memory_space<vmem>>, vector<16xf32>,
        %get3A_864 = arith.constant 12 : i32
        %get3A_865 = arith.index_cast %get3A_864 : i32 to index
        %get3A_866 = arith.index_cast %add3A_859 : i32 to index
        %get3A_867 = tpu.vector_load %arg13[%get3A_865, %get3A_866] {strides = array<i32>} : memref<16x1024xf32, #tpu.memory_space<vmem>>, vector<16xf32>,
        %sub3A_868 = arith.subf %get3A_863, %get3A_867 : vector<16xf32>
        %mul3A_869 = arith.mulf %sub3A_868, %sub3A_868 : vector<16xf32>
        %add3A_870 = arith.addf %add3A_818, %mul3A_869 : vector<16xf32>
        %add3A_871 = arith.constant 80 : i32
        %add3A_872 = arith.addi %mul3A_806, %add3A_871 : i32
        %get3A_873 = arith.constant 12 : i32
        %get3A_874 = arith.index_cast %get3A_873 : i32 to index
        %get3A_875 = arith.index_cast %add3A_872 : i32 to index
        %get3A_876 = tpu.vector_load %arg11[%get3A_874, %get3A_875] {strides = array<i32>} : memref<16x1024xf32, #tpu.memory_space<vmem>>, vector<16xf32>,
        %get3A_877 = arith.constant 12 : i32
        %get3A_878 = arith.index_cast %get3A_877 : i32 to index
        %get3A_879 = arith.index_cast %add3A_872 : i32 to index
        %get3A_880 = tpu.vector_load %arg13[%get3A_878, %get3A_879] {strides = array<i32>} : memref<16x1024xf32, #tpu.memory_space<vmem>>, vector<16xf32>,
        %sub3A_881 = arith.subf %get3A_876, %get3A_880 : vector<16xf32>
        %mul3A_882 = arith.mulf %sub3A_881, %sub3A_881 : vector<16xf32>
        %add3A_883 = arith.addf %add3A_831, %mul3A_882 : vector<16xf32>
        %add3A_884 = arith.constant 96 : i32
        %add3A_885 = arith.addi %mul3A_806, %add3A_884 : i32
        %get3A_886 = arith.constant 12 : i32
        %get3A_887 = arith.index_cast %get3A_886 : i32 to index
        %get3A_888 = arith.index_cast %add3A_885 : i32 to index
        %get3A_889 = tpu.vector_load %arg11[%get3A_887, %get3A_888] {strides = array<i32>} : memref<16x1024xf32, #tpu.memory_space<vmem>>, vector<16xf32>,
        %get3A_890 = arith.constant 12 : i32
        %get3A_891 = arith.index_cast %get3A_890 : i32 to index
        %get3A_892 = arith.index_cast %add3A_885 : i32 to index
        %get3A_893 = tpu.vector_load %arg13[%get3A_891, %get3A_892] {strides = array<i32>} : memref<16x1024xf32, #tpu.memory_space<vmem>>, vector<16xf32>,
        %sub3A_894 = arith.subf %get3A_889, %get3A_893 : vector<16xf32>
        %mul3A_895 = arith.mulf %sub3A_894, %sub3A_894 : vector<16xf32>
        %add3A_896 = arith.addf %add3A_844, %mul3A_895 : vector<16xf32>
        %add3A_897 = arith.constant 112 : i32
        %add3A_898 = arith.addi %mul3A_806, %add3A_897 : i32
        %get3A_899 = arith.constant 12 : i32
        %get3A_900 = arith.index_cast %get3A_899 : i32 to index
        %get3A_901 = arith.index_cast %add3A_898 : i32 to index
        %get3A_902 = tpu.vector_load %arg11[%get3A_900, %get3A_901] {strides = array<i32>} : memref<16x1024xf32, #tpu.memory_space<vmem>>, vector<16xf32>,
        %get3A_903 = arith.constant 12 : i32
        %get3A_904 = arith.index_cast %get3A_903 : i32 to index
        %get3A_905 = arith.index_cast %add3A_898 : i32 to index
        %get3A_906 = tpu.vector_load %arg13[%get3A_904, %get3A_905] {strides = array<i32>} : memref<16x1024xf32, #tpu.memory_space<vmem>>, vector<16xf32>,
        %sub3A_907 = arith.subf %get3A_902, %get3A_906 : vector<16xf32>
        %mul3A_908 = arith.mulf %sub3A_907, %sub3A_907 : vector<16xf32>
        %add3A_909 = arith.addf %add3A_857, %mul3A_908 : vector<16xf32>
        scf.yield %add3A_870, %add3A_883, %add3A_896, %add3A_909 : vector<16xf32>, vector<16xf32>, vector<16xf32>, vector<16xf32>
      }
      %scan3A_329 = arith.constant 8 : i32
      %add3A_330 = arith.addf %scan3A_328#0, %scan3A_328#1 : vector<16xf32>
      %add3A_331 = arith.addf %scan3A_328#2, %scan3A_328#3 : vector<16xf32>
      %add3A_332 = arith.addf %add3A_330, %add3A_331 : vector<16xf32>
      %broadcast_in_dim3A_333 = arith.constant 12 : i32
      %broadcast_in_dim3A_334 = vector.broadcast %broadcast_in_dim3A_333 : i32 to vector<16xi32>
      %gather3A_335 = tpu.vector_load_idx %arg9[%broadcast_in_dim3A_334] : memref<16xf32, #tpu.memory_space<vmem>>[vector<16xi32>], vector<16xf32>,
      %mul3A_336 = arith.mulf %add3A_332, %gather3A_335 : vector<16xf32>
      %add3A_337 = arith.addf %add3A_315, %mul3A_336 : vector<16xf32>
      %broadcast_in_dim3A_338 = arith.constant 0.000000e+00 : f32
      %broadcast_in_dim3A_339 = vector.broadcast %broadcast_in_dim3A_338 : f32 to vector<16xf32>
      %broadcast_in_dim3A_340 = arith.constant 0.000000e+00 : f32
      %broadcast_in_dim3A_341 = vector.broadcast %broadcast_in_dim3A_340 : f32 to vector<16xf32>
      %broadcast_in_dim3A_342 = arith.constant 0.000000e+00 : f32
      %broadcast_in_dim3A_343 = vector.broadcast %broadcast_in_dim3A_342 : f32 to vector<16xf32>
      %broadcast_in_dim3A_344 = arith.constant 0.000000e+00 : f32
      %broadcast_in_dim3A_345 = vector.broadcast %broadcast_in_dim3A_344 : f32 to vector<16xf32>
      %scan3A_346 = arith.constant 0 : i32
      %scan3A_347 = arith.constant 8 : i32
      %scan3A_348 = arith.addi %scan3A_346, %scan3A_347 : i32
      %scan3A_349 = arith.constant 1 : i32
      %scan3A_350:4 = scf.for %scan3A_800 = %scan3A_346 to %scan3A_348 step %scan3A_349 iter_args(%scan3A_801 = %broadcast_in_dim3A_339, %scan3A_802 = %broadcast_in_dim3A_341, %scan3A_803 = %broadcast_in_dim3A_343, %scan3A_804 = %broadcast_in_dim3A_345) -> (vector<16xf32>, vector<16xf32>, vector<16xf32>, vector<16xf32>)  : i32 {
        %mul3A_805 = arith.constant 128 : i32
        %mul3A_806 = arith.muli %scan3A_800, %mul3A_805 : i32
        %add3A_807 = arith.constant 0 : i32
        %add3A_808 = arith.addi %mul3A_806, %add3A_807 : i32
        %get3A_809 = arith.constant 13 : i32
        %get3A_810 = arith.index_cast %get3A_809 : i32 to index
        %get3A_811 = arith.index_cast %add3A_808 : i32 to index
        %get3A_812 = tpu.vector_load %arg11[%get3A_810, %get3A_811] {strides = array<i32>} : memref<16x1024xf32, #tpu.memory_space<vmem>>, vector<16xf32>,
        %get3A_813 = arith.constant 13 : i32
        %get3A_814 = arith.index_cast %get3A_813 : i32 to index
        %get3A_815 = arith.index_cast %add3A_808 : i32 to index
        %get3A_816 = tpu.vector_load %arg13[%get3A_814, %get3A_815] {strides = array<i32>} : memref<16x1024xf32, #tpu.memory_space<vmem>>, vector<16xf32>,
        %sub3A = arith.subf %get3A_812, %get3A_816 : vector<16xf32>
        %mul3A_817 = arith.mulf %sub3A, %sub3A : vector<16xf32>
        %add3A_818 = arith.addf %scan3A_801, %mul3A_817 : vector<16xf32>
        %add3A_819 = arith.constant 16 : i32
        %add3A_820 = arith.addi %mul3A_806, %add3A_819 : i32
        %get3A_821 = arith.constant 13 : i32
        %get3A_822 = arith.index_cast %get3A_821 : i32 to index
        %get3A_823 = arith.index_cast %add3A_820 : i32 to index
        %get3A_824 = tpu.vector_load %arg11[%get3A_822, %get3A_823] {strides = array<i32>} : memref<16x1024xf32, #tpu.memory_space<vmem>>, vector<16xf32>,
        %get3A_825 = arith.constant 13 : i32
        %get3A_826 = arith.index_cast %get3A_825 : i32 to index
        %get3A_827 = arith.index_cast %add3A_820 : i32 to index
        %get3A_828 = tpu.vector_load %arg13[%get3A_826, %get3A_827] {strides = array<i32>} : memref<16x1024xf32, #tpu.memory_space<vmem>>, vector<16xf32>,
        %sub3A_829 = arith.subf %get3A_824, %get3A_828 : vector<16xf32>
        %mul3A_830 = arith.mulf %sub3A_829, %sub3A_829 : vector<16xf32>
        %add3A_831 = arith.addf %scan3A_802, %mul3A_830 : vector<16xf32>
        %add3A_832 = arith.constant 32 : i32
        %add3A_833 = arith.addi %mul3A_806, %add3A_832 : i32
        %get3A_834 = arith.constant 13 : i32
        %get3A_835 = arith.index_cast %get3A_834 : i32 to index
        %get3A_836 = arith.index_cast %add3A_833 : i32 to index
        %get3A_837 = tpu.vector_load %arg11[%get3A_835, %get3A_836] {strides = array<i32>} : memref<16x1024xf32, #tpu.memory_space<vmem>>, vector<16xf32>,
        %get3A_838 = arith.constant 13 : i32
        %get3A_839 = arith.index_cast %get3A_838 : i32 to index
        %get3A_840 = arith.index_cast %add3A_833 : i32 to index
        %get3A_841 = tpu.vector_load %arg13[%get3A_839, %get3A_840] {strides = array<i32>} : memref<16x1024xf32, #tpu.memory_space<vmem>>, vector<16xf32>,
        %sub3A_842 = arith.subf %get3A_837, %get3A_841 : vector<16xf32>
        %mul3A_843 = arith.mulf %sub3A_842, %sub3A_842 : vector<16xf32>
        %add3A_844 = arith.addf %scan3A_803, %mul3A_843 : vector<16xf32>
        %add3A_845 = arith.constant 48 : i32
        %add3A_846 = arith.addi %mul3A_806, %add3A_845 : i32
        %get3A_847 = arith.constant 13 : i32
        %get3A_848 = arith.index_cast %get3A_847 : i32 to index
        %get3A_849 = arith.index_cast %add3A_846 : i32 to index
        %get3A_850 = tpu.vector_load %arg11[%get3A_848, %get3A_849] {strides = array<i32>} : memref<16x1024xf32, #tpu.memory_space<vmem>>, vector<16xf32>,
        %get3A_851 = arith.constant 13 : i32
        %get3A_852 = arith.index_cast %get3A_851 : i32 to index
        %get3A_853 = arith.index_cast %add3A_846 : i32 to index
        %get3A_854 = tpu.vector_load %arg13[%get3A_852, %get3A_853] {strides = array<i32>} : memref<16x1024xf32, #tpu.memory_space<vmem>>, vector<16xf32>,
        %sub3A_855 = arith.subf %get3A_850, %get3A_854 : vector<16xf32>
        %mul3A_856 = arith.mulf %sub3A_855, %sub3A_855 : vector<16xf32>
        %add3A_857 = arith.addf %scan3A_804, %mul3A_856 : vector<16xf32>
        %add3A_858 = arith.constant 64 : i32
        %add3A_859 = arith.addi %mul3A_806, %add3A_858 : i32
        %get3A_860 = arith.constant 13 : i32
        %get3A_861 = arith.index_cast %get3A_860 : i32 to index
        %get3A_862 = arith.index_cast %add3A_859 : i32 to index
        %get3A_863 = tpu.vector_load %arg11[%get3A_861, %get3A_862] {strides = array<i32>} : memref<16x1024xf32, #tpu.memory_space<vmem>>, vector<16xf32>,
        %get3A_864 = arith.constant 13 : i32
        %get3A_865 = arith.index_cast %get3A_864 : i32 to index
        %get3A_866 = arith.index_cast %add3A_859 : i32 to index
        %get3A_867 = tpu.vector_load %arg13[%get3A_865, %get3A_866] {strides = array<i32>} : memref<16x1024xf32, #tpu.memory_space<vmem>>, vector<16xf32>,
        %sub3A_868 = arith.subf %get3A_863, %get3A_867 : vector<16xf32>
        %mul3A_869 = arith.mulf %sub3A_868, %sub3A_868 : vector<16xf32>
        %add3A_870 = arith.addf %add3A_818, %mul3A_869 : vector<16xf32>
        %add3A_871 = arith.constant 80 : i32
        %add3A_872 = arith.addi %mul3A_806, %add3A_871 : i32
        %get3A_873 = arith.constant 13 : i32
        %get3A_874 = arith.index_cast %get3A_873 : i32 to index
        %get3A_875 = arith.index_cast %add3A_872 : i32 to index
        %get3A_876 = tpu.vector_load %arg11[%get3A_874, %get3A_875] {strides = array<i32>} : memref<16x1024xf32, #tpu.memory_space<vmem>>, vector<16xf32>,
        %get3A_877 = arith.constant 13 : i32
        %get3A_878 = arith.index_cast %get3A_877 : i32 to index
        %get3A_879 = arith.index_cast %add3A_872 : i32 to index
        %get3A_880 = tpu.vector_load %arg13[%get3A_878, %get3A_879] {strides = array<i32>} : memref<16x1024xf32, #tpu.memory_space<vmem>>, vector<16xf32>,
        %sub3A_881 = arith.subf %get3A_876, %get3A_880 : vector<16xf32>
        %mul3A_882 = arith.mulf %sub3A_881, %sub3A_881 : vector<16xf32>
        %add3A_883 = arith.addf %add3A_831, %mul3A_882 : vector<16xf32>
        %add3A_884 = arith.constant 96 : i32
        %add3A_885 = arith.addi %mul3A_806, %add3A_884 : i32
        %get3A_886 = arith.constant 13 : i32
        %get3A_887 = arith.index_cast %get3A_886 : i32 to index
        %get3A_888 = arith.index_cast %add3A_885 : i32 to index
        %get3A_889 = tpu.vector_load %arg11[%get3A_887, %get3A_888] {strides = array<i32>} : memref<16x1024xf32, #tpu.memory_space<vmem>>, vector<16xf32>,
        %get3A_890 = arith.constant 13 : i32
        %get3A_891 = arith.index_cast %get3A_890 : i32 to index
        %get3A_892 = arith.index_cast %add3A_885 : i32 to index
        %get3A_893 = tpu.vector_load %arg13[%get3A_891, %get3A_892] {strides = array<i32>} : memref<16x1024xf32, #tpu.memory_space<vmem>>, vector<16xf32>,
        %sub3A_894 = arith.subf %get3A_889, %get3A_893 : vector<16xf32>
        %mul3A_895 = arith.mulf %sub3A_894, %sub3A_894 : vector<16xf32>
        %add3A_896 = arith.addf %add3A_844, %mul3A_895 : vector<16xf32>
        %add3A_897 = arith.constant 112 : i32
        %add3A_898 = arith.addi %mul3A_806, %add3A_897 : i32
        %get3A_899 = arith.constant 13 : i32
        %get3A_900 = arith.index_cast %get3A_899 : i32 to index
        %get3A_901 = arith.index_cast %add3A_898 : i32 to index
        %get3A_902 = tpu.vector_load %arg11[%get3A_900, %get3A_901] {strides = array<i32>} : memref<16x1024xf32, #tpu.memory_space<vmem>>, vector<16xf32>,
        %get3A_903 = arith.constant 13 : i32
        %get3A_904 = arith.index_cast %get3A_903 : i32 to index
        %get3A_905 = arith.index_cast %add3A_898 : i32 to index
        %get3A_906 = tpu.vector_load %arg13[%get3A_904, %get3A_905] {strides = array<i32>} : memref<16x1024xf32, #tpu.memory_space<vmem>>, vector<16xf32>,
        %sub3A_907 = arith.subf %get3A_902, %get3A_906 : vector<16xf32>
        %mul3A_908 = arith.mulf %sub3A_907, %sub3A_907 : vector<16xf32>
        %add3A_909 = arith.addf %add3A_857, %mul3A_908 : vector<16xf32>
        scf.yield %add3A_870, %add3A_883, %add3A_896, %add3A_909 : vector<16xf32>, vector<16xf32>, vector<16xf32>, vector<16xf32>
      }
      %scan3A_351 = arith.constant 8 : i32
      %add3A_352 = arith.addf %scan3A_350#0, %scan3A_350#1 : vector<16xf32>
      %add3A_353 = arith.addf %scan3A_350#2, %scan3A_350#3 : vector<16xf32>
      %add3A_354 = arith.addf %add3A_352, %add3A_353 : vector<16xf32>
      %broadcast_in_dim3A_355 = arith.constant 13 : i32
      %broadcast_in_dim3A_356 = vector.broadcast %broadcast_in_dim3A_355 : i32 to vector<16xi32>
      %gather3A_357 = tpu.vector_load_idx %arg9[%broadcast_in_dim3A_356] : memref<16xf32, #tpu.memory_space<vmem>>[vector<16xi32>], vector<16xf32>,
      %mul3A_358 = arith.mulf %add3A_354, %gather3A_357 : vector<16xf32>
      %add3A_359 = arith.addf %add3A_337, %mul3A_358 : vector<16xf32>
      %broadcast_in_dim3A_360 = arith.constant 0.000000e+00 : f32
      %broadcast_in_dim3A_361 = vector.broadcast %broadcast_in_dim3A_360 : f32 to vector<16xf32>
      %broadcast_in_dim3A_362 = arith.constant 0.000000e+00 : f32
      %broadcast_in_dim3A_363 = vector.broadcast %broadcast_in_dim3A_362 : f32 to vector<16xf32>
      %broadcast_in_dim3A_364 = arith.constant 0.000000e+00 : f32
      %broadcast_in_dim3A_365 = vector.broadcast %broadcast_in_dim3A_364 : f32 to vector<16xf32>
      %broadcast_in_dim3A_366 = arith.constant 0.000000e+00 : f32
      %broadcast_in_dim3A_367 = vector.broadcast %broadcast_in_dim3A_366 : f32 to vector<16xf32>
      %scan3A_368 = arith.constant 0 : i32
      %scan3A_369 = arith.constant 8 : i32
      %scan3A_370 = arith.addi %scan3A_368, %scan3A_369 : i32
      %scan3A_371 = arith.constant 1 : i32
      %scan3A_372:4 = scf.for %scan3A_800 = %scan3A_368 to %scan3A_370 step %scan3A_371 iter_args(%scan3A_801 = %broadcast_in_dim3A_361, %scan3A_802 = %broadcast_in_dim3A_363, %scan3A_803 = %broadcast_in_dim3A_365, %scan3A_804 = %broadcast_in_dim3A_367) -> (vector<16xf32>, vector<16xf32>, vector<16xf32>, vector<16xf32>)  : i32 {
        %mul3A_805 = arith.constant 128 : i32
        %mul3A_806 = arith.muli %scan3A_800, %mul3A_805 : i32
        %add3A_807 = arith.constant 0 : i32
        %add3A_808 = arith.addi %mul3A_806, %add3A_807 : i32
        %get3A_809 = arith.constant 14 : i32
        %get3A_810 = arith.index_cast %get3A_809 : i32 to index
        %get3A_811 = arith.index_cast %add3A_808 : i32 to index
        %get3A_812 = tpu.vector_load %arg11[%get3A_810, %get3A_811] {strides = array<i32>} : memref<16x1024xf32, #tpu.memory_space<vmem>>, vector<16xf32>,
        %get3A_813 = arith.constant 14 : i32
        %get3A_814 = arith.index_cast %get3A_813 : i32 to index
        %get3A_815 = arith.index_cast %add3A_808 : i32 to index
        %get3A_816 = tpu.vector_load %arg13[%get3A_814, %get3A_815] {strides = array<i32>} : memref<16x1024xf32, #tpu.memory_space<vmem>>, vector<16xf32>,
        %sub3A = arith.subf %get3A_812, %get3A_816 : vector<16xf32>
        %mul3A_817 = arith.mulf %sub3A, %sub3A : vector<16xf32>
        %add3A_818 = arith.addf %scan3A_801, %mul3A_817 : vector<16xf32>
        %add3A_819 = arith.constant 16 : i32
        %add3A_820 = arith.addi %mul3A_806, %add3A_819 : i32
        %get3A_821 = arith.constant 14 : i32
        %get3A_822 = arith.index_cast %get3A_821 : i32 to index
        %get3A_823 = arith.index_cast %add3A_820 : i32 to index
        %get3A_824 = tpu.vector_load %arg11[%get3A_822, %get3A_823] {strides = array<i32>} : memref<16x1024xf32, #tpu.memory_space<vmem>>, vector<16xf32>,
        %get3A_825 = arith.constant 14 : i32
        %get3A_826 = arith.index_cast %get3A_825 : i32 to index
        %get3A_827 = arith.index_cast %add3A_820 : i32 to index
        %get3A_828 = tpu.vector_load %arg13[%get3A_826, %get3A_827] {strides = array<i32>} : memref<16x1024xf32, #tpu.memory_space<vmem>>, vector<16xf32>,
        %sub3A_829 = arith.subf %get3A_824, %get3A_828 : vector<16xf32>
        %mul3A_830 = arith.mulf %sub3A_829, %sub3A_829 : vector<16xf32>
        %add3A_831 = arith.addf %scan3A_802, %mul3A_830 : vector<16xf32>
        %add3A_832 = arith.constant 32 : i32
        %add3A_833 = arith.addi %mul3A_806, %add3A_832 : i32
        %get3A_834 = arith.constant 14 : i32
        %get3A_835 = arith.index_cast %get3A_834 : i32 to index
        %get3A_836 = arith.index_cast %add3A_833 : i32 to index
        %get3A_837 = tpu.vector_load %arg11[%get3A_835, %get3A_836] {strides = array<i32>} : memref<16x1024xf32, #tpu.memory_space<vmem>>, vector<16xf32>,
        %get3A_838 = arith.constant 14 : i32
        %get3A_839 = arith.index_cast %get3A_838 : i32 to index
        %get3A_840 = arith.index_cast %add3A_833 : i32 to index
        %get3A_841 = tpu.vector_load %arg13[%get3A_839, %get3A_840] {strides = array<i32>} : memref<16x1024xf32, #tpu.memory_space<vmem>>, vector<16xf32>,
        %sub3A_842 = arith.subf %get3A_837, %get3A_841 : vector<16xf32>
        %mul3A_843 = arith.mulf %sub3A_842, %sub3A_842 : vector<16xf32>
        %add3A_844 = arith.addf %scan3A_803, %mul3A_843 : vector<16xf32>
        %add3A_845 = arith.constant 48 : i32
        %add3A_846 = arith.addi %mul3A_806, %add3A_845 : i32
        %get3A_847 = arith.constant 14 : i32
        %get3A_848 = arith.index_cast %get3A_847 : i32 to index
        %get3A_849 = arith.index_cast %add3A_846 : i32 to index
        %get3A_850 = tpu.vector_load %arg11[%get3A_848, %get3A_849] {strides = array<i32>} : memref<16x1024xf32, #tpu.memory_space<vmem>>, vector<16xf32>,
        %get3A_851 = arith.constant 14 : i32
        %get3A_852 = arith.index_cast %get3A_851 : i32 to index
        %get3A_853 = arith.index_cast %add3A_846 : i32 to index
        %get3A_854 = tpu.vector_load %arg13[%get3A_852, %get3A_853] {strides = array<i32>} : memref<16x1024xf32, #tpu.memory_space<vmem>>, vector<16xf32>,
        %sub3A_855 = arith.subf %get3A_850, %get3A_854 : vector<16xf32>
        %mul3A_856 = arith.mulf %sub3A_855, %sub3A_855 : vector<16xf32>
        %add3A_857 = arith.addf %scan3A_804, %mul3A_856 : vector<16xf32>
        %add3A_858 = arith.constant 64 : i32
        %add3A_859 = arith.addi %mul3A_806, %add3A_858 : i32
        %get3A_860 = arith.constant 14 : i32
        %get3A_861 = arith.index_cast %get3A_860 : i32 to index
        %get3A_862 = arith.index_cast %add3A_859 : i32 to index
        %get3A_863 = tpu.vector_load %arg11[%get3A_861, %get3A_862] {strides = array<i32>} : memref<16x1024xf32, #tpu.memory_space<vmem>>, vector<16xf32>,
        %get3A_864 = arith.constant 14 : i32
        %get3A_865 = arith.index_cast %get3A_864 : i32 to index
        %get3A_866 = arith.index_cast %add3A_859 : i32 to index
        %get3A_867 = tpu.vector_load %arg13[%get3A_865, %get3A_866] {strides = array<i32>} : memref<16x1024xf32, #tpu.memory_space<vmem>>, vector<16xf32>,
        %sub3A_868 = arith.subf %get3A_863, %get3A_867 : vector<16xf32>
        %mul3A_869 = arith.mulf %sub3A_868, %sub3A_868 : vector<16xf32>
        %add3A_870 = arith.addf %add3A_818, %mul3A_869 : vector<16xf32>
        %add3A_871 = arith.constant 80 : i32
        %add3A_872 = arith.addi %mul3A_806, %add3A_871 : i32
        %get3A_873 = arith.constant 14 : i32
        %get3A_874 = arith.index_cast %get3A_873 : i32 to index
        %get3A_875 = arith.index_cast %add3A_872 : i32 to index
        %get3A_876 = tpu.vector_load %arg11[%get3A_874, %get3A_875] {strides = array<i32>} : memref<16x1024xf32, #tpu.memory_space<vmem>>, vector<16xf32>,
        %get3A_877 = arith.constant 14 : i32
        %get3A_878 = arith.index_cast %get3A_877 : i32 to index
        %get3A_879 = arith.index_cast %add3A_872 : i32 to index
        %get3A_880 = tpu.vector_load %arg13[%get3A_878, %get3A_879] {strides = array<i32>} : memref<16x1024xf32, #tpu.memory_space<vmem>>, vector<16xf32>,
        %sub3A_881 = arith.subf %get3A_876, %get3A_880 : vector<16xf32>
        %mul3A_882 = arith.mulf %sub3A_881, %sub3A_881 : vector<16xf32>
        %add3A_883 = arith.addf %add3A_831, %mul3A_882 : vector<16xf32>
        %add3A_884 = arith.constant 96 : i32
        %add3A_885 = arith.addi %mul3A_806, %add3A_884 : i32
        %get3A_886 = arith.constant 14 : i32
        %get3A_887 = arith.index_cast %get3A_886 : i32 to index
        %get3A_888 = arith.index_cast %add3A_885 : i32 to index
        %get3A_889 = tpu.vector_load %arg11[%get3A_887, %get3A_888] {strides = array<i32>} : memref<16x1024xf32, #tpu.memory_space<vmem>>, vector<16xf32>,
        %get3A_890 = arith.constant 14 : i32
        %get3A_891 = arith.index_cast %get3A_890 : i32 to index
        %get3A_892 = arith.index_cast %add3A_885 : i32 to index
        %get3A_893 = tpu.vector_load %arg13[%get3A_891, %get3A_892] {strides = array<i32>} : memref<16x1024xf32, #tpu.memory_space<vmem>>, vector<16xf32>,
        %sub3A_894 = arith.subf %get3A_889, %get3A_893 : vector<16xf32>
        %mul3A_895 = arith.mulf %sub3A_894, %sub3A_894 : vector<16xf32>
        %add3A_896 = arith.addf %add3A_844, %mul3A_895 : vector<16xf32>
        %add3A_897 = arith.constant 112 : i32
        %add3A_898 = arith.addi %mul3A_806, %add3A_897 : i32
        %get3A_899 = arith.constant 14 : i32
        %get3A_900 = arith.index_cast %get3A_899 : i32 to index
        %get3A_901 = arith.index_cast %add3A_898 : i32 to index
        %get3A_902 = tpu.vector_load %arg11[%get3A_900, %get3A_901] {strides = array<i32>} : memref<16x1024xf32, #tpu.memory_space<vmem>>, vector<16xf32>,
        %get3A_903 = arith.constant 14 : i32
        %get3A_904 = arith.index_cast %get3A_903 : i32 to index
        %get3A_905 = arith.index_cast %add3A_898 : i32 to index
        %get3A_906 = tpu.vector_load %arg13[%get3A_904, %get3A_905] {strides = array<i32>} : memref<16x1024xf32, #tpu.memory_space<vmem>>, vector<16xf32>,
        %sub3A_907 = arith.subf %get3A_902, %get3A_906 : vector<16xf32>
        %mul3A_908 = arith.mulf %sub3A_907, %sub3A_907 : vector<16xf32>
        %add3A_909 = arith.addf %add3A_857, %mul3A_908 : vector<16xf32>
        scf.yield %add3A_870, %add3A_883, %add3A_896, %add3A_909 : vector<16xf32>, vector<16xf32>, vector<16xf32>, vector<16xf32>
      }
      %scan3A_373 = arith.constant 8 : i32
      %add3A_374 = arith.addf %scan3A_372#0, %scan3A_372#1 : vector<16xf32>
      %add3A_375 = arith.addf %scan3A_372#2, %scan3A_372#3 : vector<16xf32>
      %add3A_376 = arith.addf %add3A_374, %add3A_375 : vector<16xf32>
      %broadcast_in_dim3A_377 = arith.constant 14 : i32
      %broadcast_in_dim3A_378 = vector.broadcast %broadcast_in_dim3A_377 : i32 to vector<16xi32>
      %gather3A_379 = tpu.vector_load_idx %arg9[%broadcast_in_dim3A_378] : memref<16xf32, #tpu.memory_space<vmem>>[vector<16xi32>], vector<16xf32>,
      %mul3A_380 = arith.mulf %add3A_376, %gather3A_379 : vector<16xf32>
      %add3A_381 = arith.addf %add3A_359, %mul3A_380 : vector<16xf32>
      %broadcast_in_dim3A_382 = arith.constant 0.000000e+00 : f32
      %broadcast_in_dim3A_383 = vector.broadcast %broadcast_in_dim3A_382 : f32 to vector<16xf32>
      %broadcast_in_dim3A_384 = arith.constant 0.000000e+00 : f32
      %broadcast_in_dim3A_385 = vector.broadcast %broadcast_in_dim3A_384 : f32 to vector<16xf32>
      %broadcast_in_dim3A_386 = arith.constant 0.000000e+00 : f32
      %broadcast_in_dim3A_387 = vector.broadcast %broadcast_in_dim3A_386 : f32 to vector<16xf32>
      %broadcast_in_dim3A_388 = arith.constant 0.000000e+00 : f32
      %broadcast_in_dim3A_389 = vector.broadcast %broadcast_in_dim3A_388 : f32 to vector<16xf32>
      %scan3A_390 = arith.constant 0 : i32
      %scan3A_391 = arith.constant 8 : i32
      %scan3A_392 = arith.addi %scan3A_390, %scan3A_391 : i32
      %scan3A_393 = arith.constant 1 : i32
      %scan3A_394:4 = scf.for %scan3A_800 = %scan3A_390 to %scan3A_392 step %scan3A_393 iter_args(%scan3A_801 = %broadcast_in_dim3A_383, %scan3A_802 = %broadcast_in_dim3A_385, %scan3A_803 = %broadcast_in_dim3A_387, %scan3A_804 = %broadcast_in_dim3A_389) -> (vector<16xf32>, vector<16xf32>, vector<16xf32>, vector<16xf32>)  : i32 {
        %mul3A_805 = arith.constant 128 : i32
        %mul3A_806 = arith.muli %scan3A_800, %mul3A_805 : i32
        %add3A_807 = arith.constant 0 : i32
        %add3A_808 = arith.addi %mul3A_806, %add3A_807 : i32
        %get3A_809 = arith.constant 15 : i32
        %get3A_810 = arith.index_cast %get3A_809 : i32 to index
        %get3A_811 = arith.index_cast %add3A_808 : i32 to index
        %get3A_812 = tpu.vector_load %arg11[%get3A_810, %get3A_811] {strides = array<i32>} : memref<16x1024xf32, #tpu.memory_space<vmem>>, vector<16xf32>,
        %get3A_813 = arith.constant 15 : i32
        %get3A_814 = arith.index_cast %get3A_813 : i32 to index
        %get3A_815 = arith.index_cast %add3A_808 : i32 to index
        %get3A_816 = tpu.vector_load %arg13[%get3A_814, %get3A_815] {strides = array<i32>} : memref<16x1024xf32, #tpu.memory_space<vmem>>, vector<16xf32>,
        %sub3A = arith.subf %get3A_812, %get3A_816 : vector<16xf32>
        %mul3A_817 = arith.mulf %sub3A, %sub3A : vector<16xf32>
        %add3A_818 = arith.addf %scan3A_801, %mul3A_817 : vector<16xf32>
        %add3A_819 = arith.constant 16 : i32
        %add3A_820 = arith.addi %mul3A_806, %add3A_819 : i32
        %get3A_821 = arith.constant 15 : i32
        %get3A_822 = arith.index_cast %get3A_821 : i32 to index
        %get3A_823 = arith.index_cast %add3A_820 : i32 to index
        %get3A_824 = tpu.vector_load %arg11[%get3A_822, %get3A_823] {strides = array<i32>} : memref<16x1024xf32, #tpu.memory_space<vmem>>, vector<16xf32>,
        %get3A_825 = arith.constant 15 : i32
        %get3A_826 = arith.index_cast %get3A_825 : i32 to index
        %get3A_827 = arith.index_cast %add3A_820 : i32 to index
        %get3A_828 = tpu.vector_load %arg13[%get3A_826, %get3A_827] {strides = array<i32>} : memref<16x1024xf32, #tpu.memory_space<vmem>>, vector<16xf32>,
        %sub3A_829 = arith.subf %get3A_824, %get3A_828 : vector<16xf32>
        %mul3A_830 = arith.mulf %sub3A_829, %sub3A_829 : vector<16xf32>
        %add3A_831 = arith.addf %scan3A_802, %mul3A_830 : vector<16xf32>
        %add3A_832 = arith.constant 32 : i32
        %add3A_833 = arith.addi %mul3A_806, %add3A_832 : i32
        %get3A_834 = arith.constant 15 : i32
        %get3A_835 = arith.index_cast %get3A_834 : i32 to index
        %get3A_836 = arith.index_cast %add3A_833 : i32 to index
        %get3A_837 = tpu.vector_load %arg11[%get3A_835, %get3A_836] {strides = array<i32>} : memref<16x1024xf32, #tpu.memory_space<vmem>>, vector<16xf32>,
        %get3A_838 = arith.constant 15 : i32
        %get3A_839 = arith.index_cast %get3A_838 : i32 to index
        %get3A_840 = arith.index_cast %add3A_833 : i32 to index
        %get3A_841 = tpu.vector_load %arg13[%get3A_839, %get3A_840] {strides = array<i32>} : memref<16x1024xf32, #tpu.memory_space<vmem>>, vector<16xf32>,
        %sub3A_842 = arith.subf %get3A_837, %get3A_841 : vector<16xf32>
        %mul3A_843 = arith.mulf %sub3A_842, %sub3A_842 : vector<16xf32>
        %add3A_844 = arith.addf %scan3A_803, %mul3A_843 : vector<16xf32>
        %add3A_845 = arith.constant 48 : i32
        %add3A_846 = arith.addi %mul3A_806, %add3A_845 : i32
        %get3A_847 = arith.constant 15 : i32
        %get3A_848 = arith.index_cast %get3A_847 : i32 to index
        %get3A_849 = arith.index_cast %add3A_846 : i32 to index
        %get3A_850 = tpu.vector_load %arg11[%get3A_848, %get3A_849] {strides = array<i32>} : memref<16x1024xf32, #tpu.memory_space<vmem>>, vector<16xf32>,
        %get3A_851 = arith.constant 15 : i32
        %get3A_852 = arith.index_cast %get3A_851 : i32 to index
        %get3A_853 = arith.index_cast %add3A_846 : i32 to index
        %get3A_854 = tpu.vector_load %arg13[%get3A_852, %get3A_853] {strides = array<i32>} : memref<16x1024xf32, #tpu.memory_space<vmem>>, vector<16xf32>,
        %sub3A_855 = arith.subf %get3A_850, %get3A_854 : vector<16xf32>
        %mul3A_856 = arith.mulf %sub3A_855, %sub3A_855 : vector<16xf32>
        %add3A_857 = arith.addf %scan3A_804, %mul3A_856 : vector<16xf32>
        %add3A_858 = arith.constant 64 : i32
        %add3A_859 = arith.addi %mul3A_806, %add3A_858 : i32
        %get3A_860 = arith.constant 15 : i32
        %get3A_861 = arith.index_cast %get3A_860 : i32 to index
        %get3A_862 = arith.index_cast %add3A_859 : i32 to index
        %get3A_863 = tpu.vector_load %arg11[%get3A_861, %get3A_862] {strides = array<i32>} : memref<16x1024xf32, #tpu.memory_space<vmem>>, vector<16xf32>,
        %get3A_864 = arith.constant 15 : i32
        %get3A_865 = arith.index_cast %get3A_864 : i32 to index
        %get3A_866 = arith.index_cast %add3A_859 : i32 to index
        %get3A_867 = tpu.vector_load %arg13[%get3A_865, %get3A_866] {strides = array<i32>} : memref<16x1024xf32, #tpu.memory_space<vmem>>, vector<16xf32>,
        %sub3A_868 = arith.subf %get3A_863, %get3A_867 : vector<16xf32>
        %mul3A_869 = arith.mulf %sub3A_868, %sub3A_868 : vector<16xf32>
        %add3A_870 = arith.addf %add3A_818, %mul3A_869 : vector<16xf32>
        %add3A_871 = arith.constant 80 : i32
        %add3A_872 = arith.addi %mul3A_806, %add3A_871 : i32
        %get3A_873 = arith.constant 15 : i32
        %get3A_874 = arith.index_cast %get3A_873 : i32 to index
        %get3A_875 = arith.index_cast %add3A_872 : i32 to index
        %get3A_876 = tpu.vector_load %arg11[%get3A_874, %get3A_875] {strides = array<i32>} : memref<16x1024xf32, #tpu.memory_space<vmem>>, vector<16xf32>,
        %get3A_877 = arith.constant 15 : i32
        %get3A_878 = arith.index_cast %get3A_877 : i32 to index
        %get3A_879 = arith.index_cast %add3A_872 : i32 to index
        %get3A_880 = tpu.vector_load %arg13[%get3A_878, %get3A_879] {strides = array<i32>} : memref<16x1024xf32, #tpu.memory_space<vmem>>, vector<16xf32>,
        %sub3A_881 = arith.subf %get3A_876, %get3A_880 : vector<16xf32>
        %mul3A_882 = arith.mulf %sub3A_881, %sub3A_881 : vector<16xf32>
        %add3A_883 = arith.addf %add3A_831, %mul3A_882 : vector<16xf32>
        %add3A_884 = arith.constant 96 : i32
        %add3A_885 = arith.addi %mul3A_806, %add3A_884 : i32
        %get3A_886 = arith.constant 15 : i32
        %get3A_887 = arith.index_cast %get3A_886 : i32 to index
        %get3A_888 = arith.index_cast %add3A_885 : i32 to index
        %get3A_889 = tpu.vector_load %arg11[%get3A_887, %get3A_888] {strides = array<i32>} : memref<16x1024xf32, #tpu.memory_space<vmem>>, vector<16xf32>,
        %get3A_890 = arith.constant 15 : i32
        %get3A_891 = arith.index_cast %get3A_890 : i32 to index
        %get3A_892 = arith.index_cast %add3A_885 : i32 to index
        %get3A_893 = tpu.vector_load %arg13[%get3A_891, %get3A_892] {strides = array<i32>} : memref<16x1024xf32, #tpu.memory_space<vmem>>, vector<16xf32>,
        %sub3A_894 = arith.subf %get3A_889, %get3A_893 : vector<16xf32>
        %mul3A_895 = arith.mulf %sub3A_894, %sub3A_894 : vector<16xf32>
        %add3A_896 = arith.addf %add3A_844, %mul3A_895 : vector<16xf32>
        %add3A_897 = arith.constant 112 : i32
        %add3A_898 = arith.addi %mul3A_806, %add3A_897 : i32
        %get3A_899 = arith.constant 15 : i32
        %get3A_900 = arith.index_cast %get3A_899 : i32 to index
        %get3A_901 = arith.index_cast %add3A_898 : i32 to index
        %get3A_902 = tpu.vector_load %arg11[%get3A_900, %get3A_901] {strides = array<i32>} : memref<16x1024xf32, #tpu.memory_space<vmem>>, vector<16xf32>,
        %get3A_903 = arith.constant 15 : i32
        %get3A_904 = arith.index_cast %get3A_903 : i32 to index
        %get3A_905 = arith.index_cast %add3A_898 : i32 to index
        %get3A_906 = tpu.vector_load %arg13[%get3A_904, %get3A_905] {strides = array<i32>} : memref<16x1024xf32, #tpu.memory_space<vmem>>, vector<16xf32>,
        %sub3A_907 = arith.subf %get3A_902, %get3A_906 : vector<16xf32>
        %mul3A_908 = arith.mulf %sub3A_907, %sub3A_907 : vector<16xf32>
        %add3A_909 = arith.addf %add3A_857, %mul3A_908 : vector<16xf32>
        scf.yield %add3A_870, %add3A_883, %add3A_896, %add3A_909 : vector<16xf32>, vector<16xf32>, vector<16xf32>, vector<16xf32>
      }
      %scan3A_395 = arith.constant 8 : i32
      %add3A_396 = arith.addf %scan3A_394#0, %scan3A_394#1 : vector<16xf32>
      %add3A_397 = arith.addf %scan3A_394#2, %scan3A_394#3 : vector<16xf32>
      %add3A_398 = arith.addf %add3A_396, %add3A_397 : vector<16xf32>
      %broadcast_in_dim3A_399 = arith.constant 15 : i32
      %broadcast_in_dim3A_400 = vector.broadcast %broadcast_in_dim3A_399 : i32 to vector<16xi32>
      %gather3A_401 = tpu.vector_load_idx %arg9[%broadcast_in_dim3A_400] : memref<16xf32, #tpu.memory_space<vmem>>[vector<16xi32>], vector<16xf32>,
      %mul3A_402 = arith.mulf %add3A_398, %gather3A_401 : vector<16xf32>
      %add3A_403 = arith.addf %add3A_381, %mul3A_402 : vector<16xf32>
      %get3A_404 = arith.constant 0 : index
      %get3A_405 = tpu.vector_load %arg10[%get3A_404] {strides = array<i32>} : memref<16xf32, #tpu.memory_space<vmem>>, vector<16xf32>,
      %add3A_406 = arith.addf %get3A_405, %add3A_403 : vector<16xf32>
      %swap3A_407 = arith.constant 0 : index
      %swap3A_408 = tpu.vector_load %arg10[%swap3A_407] {strides = array<i32>} : memref<16xf32, #tpu.memory_space<vmem>>, vector<16xf32>,
      tpu.vector_store %arg10[%swap3A_407], %add3A_406 {strides = array<i32>} : memref<16xf32, #tpu.memory_space<vmem>>, vector<16xf32>,
      %add3A_409 = arith.constant 2 : i32
      %add3A_410 = arith.addi %add3A_35, %add3A_409 : i32
      %lt3A = arith.constant 32 : i32
      %lt3A_411 = arith.cmpi slt, %add3A_410, %lt3A : i32
      %convert_element_type3A = arith.extui %lt3A_411 : i1 to i32
      %cond3A = arith.constant 0 : i32
      %cond3A_412 = arith.cmpi ne, %convert_element_type3A, %cond3A : i32
      scf.if %cond3A_412 {
        %mul3A_800 = arith.constant 16 : i32
        %mul3A_801 = arith.muli %add3A_410, %mul3A_800 : i32
        %add3A_802 = arith.addi %mul3A_2, %mul3A_801 : i32
        %dma_start3A_803 = arith.constant 0 : i32
        %dma_start3A_804 = tpu.memref_slice %arg2[%add3A_802, %dma_start3A_803] : memref<16384x1024xf32, #tpu.memory_space<hbm>> -> memref<16x1024xf32, #tpu.memory_space<hbm>>
        %dma_start3A_805 = arith.constant 0 : i32
        %dma_start3A_806 = tpu.memref_slice %arg2[%add3A_802, %dma_start3A_805] : memref<16384x1024xf32, #tpu.memory_space<hbm>> -> memref<16x1024xf32, #tpu.memory_space<hbm>>
        tpu.enqueue_dma source(%dma_start3A_806 : memref<16x1024xf32, #tpu.memory_space<hbm>>) target(%arg11 : memref<16x1024xf32, #tpu.memory_space<vmem>>) target_semaphore(%arg15 : memref<!tpu.dma_semaphore, #tpu.memory_space<semaphore_mem>>)
        %dma_start3A_807 = tpu.memref_slice %arg7[%mul3A_801] : memref<512xi32, #tpu.memory_space<vmem>> -> memref<16xi32, #tpu.memory_space<vmem>>
        %dma_start3A_808 = arith.constant 0 : i32
        %dma_start3A_809 = arith.constant 0 : i32
        %dma_start3A_810 = tpu.memref_slice %arg4[%dma_start3A_808, %dma_start3A_809] : memref<1000x1024xf32, #tpu.memory_space<hbm>> -> memref<1000x1024xf32, #tpu.memory_space<hbm>>
        tpu.enqueue_indirect_dma source(%dma_start3A_810 : memref<1000x1024xf32, #tpu.memory_space<hbm>>) target(%arg13 : memref<16x1024xf32, #tpu.memory_space<vmem>>) offsets(%dma_start3A_807 : memref<16xi32, #tpu.memory_space<vmem>>) semaphore(%arg17 : memref<!tpu.dma_semaphore, #tpu.memory_space<semaphore_mem>>)
      } else {
      }
      %mul3A_413 = arith.constant 2 : i32
      %mul3A_414 = arith.muli %scan3A_31, %mul3A_413 : i32
      %add3A_415 = arith.constant 1 : i32
      %add3A_416 = arith.addi %mul3A_414, %add3A_415 : i32
      %mul3A_417 = arith.constant 16 : i32
      %mul3A_418 = arith.muli %add3A_416, %mul3A_417 : i32
      %add3A_419 = arith.addi %mul3A_2, %mul3A_418 : i32
      %dma_wait3A_420 = arith.constant 0 : i32
      %dma_wait3A_421 = tpu.memref_slice %arg2[%add3A_419, %dma_wait3A_420] : memref<16384x1024xf32, #tpu.memory_space<hbm>> -> memref<16x1024xf32, #tpu.memory_space<hbm>>
      %dma_wait3A_422 = arith.constant 0 : i32
      %dma_wait3A_423 = tpu.memref_slice %arg2[%add3A_419, %dma_wait3A_422] : memref<16384x1024xf32, #tpu.memory_space<hbm>> -> memref<16x1024xf32, #tpu.memory_space<hbm>>
      tpu.wait_dma2 semaphore(%arg16 : memref<!tpu.dma_semaphore, #tpu.memory_space<semaphore_mem>>) src(%dma_wait3A_423 : memref<16x1024xf32, #tpu.memory_space<hbm>>) dst(%arg12 : memref<16x1024xf32, #tpu.memory_space<vmem>>)
      %dma_wait3A_424 = tpu.memref_slice %arg7[%mul3A_418] : memref<512xi32, #tpu.memory_space<vmem>> -> memref<16xi32, #tpu.memory_space<vmem>>
      %dma_wait3A_425 = arith.constant 0 : i32
      %dma_wait3A_426 = arith.constant 0 : i32
      %dma_wait3A_427 = tpu.memref_slice %arg4[%dma_wait3A_425, %dma_wait3A_426] : memref<1000x1024xf32, #tpu.memory_space<hbm>> -> memref<1000x1024xf32, #tpu.memory_space<hbm>>
      tpu.wait_indirect_dma semaphore(%arg18 : memref<!tpu.dma_semaphore, #tpu.memory_space<semaphore_mem>>) src(%dma_wait3A_427 : memref<1000x1024xf32, #tpu.memory_space<hbm>>) dst(%arg14 : memref<16x1024xf32, #tpu.memory_space<vmem>>)
      %get3A_428 = arith.index_cast %mul3A_418 : i32 to index
      %get3A_429 = tpu.vector_load %arg7[%get3A_428] {strides = array<i32>} : memref<512xi32, #tpu.memory_space<vmem>>, vector<16xi32>,
      %gather3A_430 = tpu.vector_load_idx %arg8[%get3A_429] : memref<1000xf32, #tpu.memory_space<vmem>>[vector<16xi32>], vector<16xf32>,
      %mul3A_431 = arith.mulf %gather3A_430, %gather3A_430 : vector<16xf32>
      %swap3A_432 = arith.constant 0 : index
      %swap3A_433 = tpu.vector_load %arg9[%swap3A_432] {strides = array<i32>} : memref<16xf32, #tpu.memory_space<vmem>>, vector<16xf32>,
      tpu.vector_store %arg9[%swap3A_432], %mul3A_431 {strides = array<i32>} : memref<16xf32, #tpu.memory_space<vmem>>, vector<16xf32>,
      %broadcast_in_dim3A_434 = arith.constant 0.000000e+00 : f32
      %broadcast_in_dim3A_435 = vector.broadcast %broadcast_in_dim3A_434 : f32 to vector<16xf32>
      %broadcast_in_dim3A_436 = arith.constant 0.000000e+00 : f32
      %broadcast_in_dim3A_437 = vector.broadcast %broadcast_in_dim3A_436 : f32 to vector<16xf32>
      %broadcast_in_dim3A_438 = arith.constant 0.000000e+00 : f32
      %broadcast_in_dim3A_439 = vector.broadcast %broadcast_in_dim3A_438 : f32 to vector<16xf32>
      %broadcast_in_dim3A_440 = arith.constant 0.000000e+00 : f32
      %broadcast_in_dim3A_441 = vector.broadcast %broadcast_in_dim3A_440 : f32 to vector<16xf32>
      %broadcast_in_dim3A_442 = arith.constant 0.000000e+00 : f32
      %broadcast_in_dim3A_443 = vector.broadcast %broadcast_in_dim3A_442 : f32 to vector<16xf32>
      %scan3A_444 = arith.constant 0 : i32
      %scan3A_445 = arith.constant 8 : i32
      %scan3A_446 = arith.addi %scan3A_444, %scan3A_445 : i32
      %scan3A_447 = arith.constant 1 : i32
      %scan3A_448:4 = scf.for %scan3A_800 = %scan3A_444 to %scan3A_446 step %scan3A_447 iter_args(%scan3A_801 = %broadcast_in_dim3A_437, %scan3A_802 = %broadcast_in_dim3A_439, %scan3A_803 = %broadcast_in_dim3A_441, %scan3A_804 = %broadcast_in_dim3A_443) -> (vector<16xf32>, vector<16xf32>, vector<16xf32>, vector<16xf32>)  : i32 {
        %mul3A_805 = arith.constant 128 : i32
        %mul3A_806 = arith.muli %scan3A_800, %mul3A_805 : i32
        %add3A_807 = arith.constant 0 : i32
        %add3A_808 = arith.addi %mul3A_806, %add3A_807 : i32
        %get3A_809 = arith.constant 0 : i32
        %get3A_810 = arith.index_cast %get3A_809 : i32 to index
        %get3A_811 = arith.index_cast %add3A_808 : i32 to index
        %get3A_812 = tpu.vector_load %arg12[%get3A_810, %get3A_811] {strides = array<i32>} : memref<16x1024xf32, #tpu.memory_space<vmem>>, vector<16xf32>,
        %get3A_813 = arith.constant 0 : i32
        %get3A_814 = arith.index_cast %get3A_813 : i32 to index
        %get3A_815 = arith.index_cast %add3A_808 : i32 to index
        %get3A_816 = tpu.vector_load %arg14[%get3A_814, %get3A_815] {strides = array<i32>} : memref<16x1024xf32, #tpu.memory_space<vmem>>, vector<16xf32>,
        %sub3A = arith.subf %get3A_812, %get3A_816 : vector<16xf32>
        %mul3A_817 = arith.mulf %sub3A, %sub3A : vector<16xf32>
        %add3A_818 = arith.addf %scan3A_801, %mul3A_817 : vector<16xf32>
        %add3A_819 = arith.constant 16 : i32
        %add3A_820 = arith.addi %mul3A_806, %add3A_819 : i32
        %get3A_821 = arith.constant 0 : i32
        %get3A_822 = arith.index_cast %get3A_821 : i32 to index
        %get3A_823 = arith.index_cast %add3A_820 : i32 to index
        %get3A_824 = tpu.vector_load %arg12[%get3A_822, %get3A_823] {strides = array<i32>} : memref<16x1024xf32, #tpu.memory_space<vmem>>, vector<16xf32>,
        %get3A_825 = arith.constant 0 : i32
        %get3A_826 = arith.index_cast %get3A_825 : i32 to index
        %get3A_827 = arith.index_cast %add3A_820 : i32 to index
        %get3A_828 = tpu.vector_load %arg14[%get3A_826, %get3A_827] {strides = array<i32>} : memref<16x1024xf32, #tpu.memory_space<vmem>>, vector<16xf32>,
        %sub3A_829 = arith.subf %get3A_824, %get3A_828 : vector<16xf32>
        %mul3A_830 = arith.mulf %sub3A_829, %sub3A_829 : vector<16xf32>
        %add3A_831 = arith.addf %scan3A_802, %mul3A_830 : vector<16xf32>
        %add3A_832 = arith.constant 32 : i32
        %add3A_833 = arith.addi %mul3A_806, %add3A_832 : i32
        %get3A_834 = arith.constant 0 : i32
        %get3A_835 = arith.index_cast %get3A_834 : i32 to index
        %get3A_836 = arith.index_cast %add3A_833 : i32 to index
        %get3A_837 = tpu.vector_load %arg12[%get3A_835, %get3A_836] {strides = array<i32>} : memref<16x1024xf32, #tpu.memory_space<vmem>>, vector<16xf32>,
        %get3A_838 = arith.constant 0 : i32
        %get3A_839 = arith.index_cast %get3A_838 : i32 to index
        %get3A_840 = arith.index_cast %add3A_833 : i32 to index
        %get3A_841 = tpu.vector_load %arg14[%get3A_839, %get3A_840] {strides = array<i32>} : memref<16x1024xf32, #tpu.memory_space<vmem>>, vector<16xf32>,
        %sub3A_842 = arith.subf %get3A_837, %get3A_841 : vector<16xf32>
        %mul3A_843 = arith.mulf %sub3A_842, %sub3A_842 : vector<16xf32>
        %add3A_844 = arith.addf %scan3A_803, %mul3A_843 : vector<16xf32>
        %add3A_845 = arith.constant 48 : i32
        %add3A_846 = arith.addi %mul3A_806, %add3A_845 : i32
        %get3A_847 = arith.constant 0 : i32
        %get3A_848 = arith.index_cast %get3A_847 : i32 to index
        %get3A_849 = arith.index_cast %add3A_846 : i32 to index
        %get3A_850 = tpu.vector_load %arg12[%get3A_848, %get3A_849] {strides = array<i32>} : memref<16x1024xf32, #tpu.memory_space<vmem>>, vector<16xf32>,
        %get3A_851 = arith.constant 0 : i32
        %get3A_852 = arith.index_cast %get3A_851 : i32 to index
        %get3A_853 = arith.index_cast %add3A_846 : i32 to index
        %get3A_854 = tpu.vector_load %arg14[%get3A_852, %get3A_853] {strides = array<i32>} : memref<16x1024xf32, #tpu.memory_space<vmem>>, vector<16xf32>,
        %sub3A_855 = arith.subf %get3A_850, %get3A_854 : vector<16xf32>
        %mul3A_856 = arith.mulf %sub3A_855, %sub3A_855 : vector<16xf32>
        %add3A_857 = arith.addf %scan3A_804, %mul3A_856 : vector<16xf32>
        %add3A_858 = arith.constant 64 : i32
        %add3A_859 = arith.addi %mul3A_806, %add3A_858 : i32
        %get3A_860 = arith.constant 0 : i32
        %get3A_861 = arith.index_cast %get3A_860 : i32 to index
        %get3A_862 = arith.index_cast %add3A_859 : i32 to index
        %get3A_863 = tpu.vector_load %arg12[%get3A_861, %get3A_862] {strides = array<i32>} : memref<16x1024xf32, #tpu.memory_space<vmem>>, vector<16xf32>,
        %get3A_864 = arith.constant 0 : i32
        %get3A_865 = arith.index_cast %get3A_864 : i32 to index
        %get3A_866 = arith.index_cast %add3A_859 : i32 to index
        %get3A_867 = tpu.vector_load %arg14[%get3A_865, %get3A_866] {strides = array<i32>} : memref<16x1024xf32, #tpu.memory_space<vmem>>, vector<16xf32>,
        %sub3A_868 = arith.subf %get3A_863, %get3A_867 : vector<16xf32>
        %mul3A_869 = arith.mulf %sub3A_868, %sub3A_868 : vector<16xf32>
        %add3A_870 = arith.addf %add3A_818, %mul3A_869 : vector<16xf32>
        %add3A_871 = arith.constant 80 : i32
        %add3A_872 = arith.addi %mul3A_806, %add3A_871 : i32
        %get3A_873 = arith.constant 0 : i32
        %get3A_874 = arith.index_cast %get3A_873 : i32 to index
        %get3A_875 = arith.index_cast %add3A_872 : i32 to index
        %get3A_876 = tpu.vector_load %arg12[%get3A_874, %get3A_875] {strides = array<i32>} : memref<16x1024xf32, #tpu.memory_space<vmem>>, vector<16xf32>,
        %get3A_877 = arith.constant 0 : i32
        %get3A_878 = arith.index_cast %get3A_877 : i32 to index
        %get3A_879 = arith.index_cast %add3A_872 : i32 to index
        %get3A_880 = tpu.vector_load %arg14[%get3A_878, %get3A_879] {strides = array<i32>} : memref<16x1024xf32, #tpu.memory_space<vmem>>, vector<16xf32>,
        %sub3A_881 = arith.subf %get3A_876, %get3A_880 : vector<16xf32>
        %mul3A_882 = arith.mulf %sub3A_881, %sub3A_881 : vector<16xf32>
        %add3A_883 = arith.addf %add3A_831, %mul3A_882 : vector<16xf32>
        %add3A_884 = arith.constant 96 : i32
        %add3A_885 = arith.addi %mul3A_806, %add3A_884 : i32
        %get3A_886 = arith.constant 0 : i32
        %get3A_887 = arith.index_cast %get3A_886 : i32 to index
        %get3A_888 = arith.index_cast %add3A_885 : i32 to index
        %get3A_889 = tpu.vector_load %arg12[%get3A_887, %get3A_888] {strides = array<i32>} : memref<16x1024xf32, #tpu.memory_space<vmem>>, vector<16xf32>,
        %get3A_890 = arith.constant 0 : i32
        %get3A_891 = arith.index_cast %get3A_890 : i32 to index
        %get3A_892 = arith.index_cast %add3A_885 : i32 to index
        %get3A_893 = tpu.vector_load %arg14[%get3A_891, %get3A_892] {strides = array<i32>} : memref<16x1024xf32, #tpu.memory_space<vmem>>, vector<16xf32>,
        %sub3A_894 = arith.subf %get3A_889, %get3A_893 : vector<16xf32>
        %mul3A_895 = arith.mulf %sub3A_894, %sub3A_894 : vector<16xf32>
        %add3A_896 = arith.addf %add3A_844, %mul3A_895 : vector<16xf32>
        %add3A_897 = arith.constant 112 : i32
        %add3A_898 = arith.addi %mul3A_806, %add3A_897 : i32
        %get3A_899 = arith.constant 0 : i32
        %get3A_900 = arith.index_cast %get3A_899 : i32 to index
        %get3A_901 = arith.index_cast %add3A_898 : i32 to index
        %get3A_902 = tpu.vector_load %arg12[%get3A_900, %get3A_901] {strides = array<i32>} : memref<16x1024xf32, #tpu.memory_space<vmem>>, vector<16xf32>,
        %get3A_903 = arith.constant 0 : i32
        %get3A_904 = arith.index_cast %get3A_903 : i32 to index
        %get3A_905 = arith.index_cast %add3A_898 : i32 to index
        %get3A_906 = tpu.vector_load %arg14[%get3A_904, %get3A_905] {strides = array<i32>} : memref<16x1024xf32, #tpu.memory_space<vmem>>, vector<16xf32>,
        %sub3A_907 = arith.subf %get3A_902, %get3A_906 : vector<16xf32>
        %mul3A_908 = arith.mulf %sub3A_907, %sub3A_907 : vector<16xf32>
        %add3A_909 = arith.addf %add3A_857, %mul3A_908 : vector<16xf32>
        scf.yield %add3A_870, %add3A_883, %add3A_896, %add3A_909 : vector<16xf32>, vector<16xf32>, vector<16xf32>, vector<16xf32>
      }
      %scan3A_449 = arith.constant 8 : i32
      %add3A_450 = arith.addf %scan3A_448#0, %scan3A_448#1 : vector<16xf32>
      %add3A_451 = arith.addf %scan3A_448#2, %scan3A_448#3 : vector<16xf32>
      %add3A_452 = arith.addf %add3A_450, %add3A_451 : vector<16xf32>
      %broadcast_in_dim3A_453 = arith.constant 0 : i32
      %broadcast_in_dim3A_454 = vector.broadcast %broadcast_in_dim3A_453 : i32 to vector<16xi32>
      %gather3A_455 = tpu.vector_load_idx %arg9[%broadcast_in_dim3A_454] : memref<16xf32, #tpu.memory_space<vmem>>[vector<16xi32>], vector<16xf32>,
      %mul3A_456 = arith.mulf %add3A_452, %gather3A_455 : vector<16xf32>
      %add3A_457 = arith.addf %broadcast_in_dim3A_435, %mul3A_456 : vector<16xf32>
      %broadcast_in_dim3A_458 = arith.constant 0.000000e+00 : f32
      %broadcast_in_dim3A_459 = vector.broadcast %broadcast_in_dim3A_458 : f32 to vector<16xf32>
      %broadcast_in_dim3A_460 = arith.constant 0.000000e+00 : f32
      %broadcast_in_dim3A_461 = vector.broadcast %broadcast_in_dim3A_460 : f32 to vector<16xf32>
      %broadcast_in_dim3A_462 = arith.constant 0.000000e+00 : f32
      %broadcast_in_dim3A_463 = vector.broadcast %broadcast_in_dim3A_462 : f32 to vector<16xf32>
      %broadcast_in_dim3A_464 = arith.constant 0.000000e+00 : f32
      %broadcast_in_dim3A_465 = vector.broadcast %broadcast_in_dim3A_464 : f32 to vector<16xf32>
      %scan3A_466 = arith.constant 0 : i32
      %scan3A_467 = arith.constant 8 : i32
      %scan3A_468 = arith.addi %scan3A_466, %scan3A_467 : i32
      %scan3A_469 = arith.constant 1 : i32
      %scan3A_470:4 = scf.for %scan3A_800 = %scan3A_466 to %scan3A_468 step %scan3A_469 iter_args(%scan3A_801 = %broadcast_in_dim3A_459, %scan3A_802 = %broadcast_in_dim3A_461, %scan3A_803 = %broadcast_in_dim3A_463, %scan3A_804 = %broadcast_in_dim3A_465) -> (vector<16xf32>, vector<16xf32>, vector<16xf32>, vector<16xf32>)  : i32 {
        %mul3A_805 = arith.constant 128 : i32
        %mul3A_806 = arith.muli %scan3A_800, %mul3A_805 : i32
        %add3A_807 = arith.constant 0 : i32
        %add3A_808 = arith.addi %mul3A_806, %add3A_807 : i32
        %get3A_809 = arith.constant 1 : i32
        %get3A_810 = arith.index_cast %get3A_809 : i32 to index
        %get3A_811 = arith.index_cast %add3A_808 : i32 to index
        %get3A_812 = tpu.vector_load %arg12[%get3A_810, %get3A_811] {strides = array<i32>} : memref<16x1024xf32, #tpu.memory_space<vmem>>, vector<16xf32>,
        %get3A_813 = arith.constant 1 : i32
        %get3A_814 = arith.index_cast %get3A_813 : i32 to index
        %get3A_815 = arith.index_cast %add3A_808 : i32 to index
        %get3A_816 = tpu.vector_load %arg14[%get3A_814, %get3A_815] {strides = array<i32>} : memref<16x1024xf32, #tpu.memory_space<vmem>>, vector<16xf32>,
        %sub3A = arith.subf %get3A_812, %get3A_816 : vector<16xf32>
        %mul3A_817 = arith.mulf %sub3A, %sub3A : vector<16xf32>
        %add3A_818 = arith.addf %scan3A_801, %mul3A_817 : vector<16xf32>
        %add3A_819 = arith.constant 16 : i32
        %add3A_820 = arith.addi %mul3A_806, %add3A_819 : i32
        %get3A_821 = arith.constant 1 : i32
        %get3A_822 = arith.index_cast %get3A_821 : i32 to index
        %get3A_823 = arith.index_cast %add3A_820 : i32 to index
        %get3A_824 = tpu.vector_load %arg12[%get3A_822, %get3A_823] {strides = array<i32>} : memref<16x1024xf32, #tpu.memory_space<vmem>>, vector<16xf32>,
        %get3A_825 = arith.constant 1 : i32
        %get3A_826 = arith.index_cast %get3A_825 : i32 to index
        %get3A_827 = arith.index_cast %add3A_820 : i32 to index
        %get3A_828 = tpu.vector_load %arg14[%get3A_826, %get3A_827] {strides = array<i32>} : memref<16x1024xf32, #tpu.memory_space<vmem>>, vector<16xf32>,
        %sub3A_829 = arith.subf %get3A_824, %get3A_828 : vector<16xf32>
        %mul3A_830 = arith.mulf %sub3A_829, %sub3A_829 : vector<16xf32>
        %add3A_831 = arith.addf %scan3A_802, %mul3A_830 : vector<16xf32>
        %add3A_832 = arith.constant 32 : i32
        %add3A_833 = arith.addi %mul3A_806, %add3A_832 : i32
        %get3A_834 = arith.constant 1 : i32
        %get3A_835 = arith.index_cast %get3A_834 : i32 to index
        %get3A_836 = arith.index_cast %add3A_833 : i32 to index
        %get3A_837 = tpu.vector_load %arg12[%get3A_835, %get3A_836] {strides = array<i32>} : memref<16x1024xf32, #tpu.memory_space<vmem>>, vector<16xf32>,
        %get3A_838 = arith.constant 1 : i32
        %get3A_839 = arith.index_cast %get3A_838 : i32 to index
        %get3A_840 = arith.index_cast %add3A_833 : i32 to index
        %get3A_841 = tpu.vector_load %arg14[%get3A_839, %get3A_840] {strides = array<i32>} : memref<16x1024xf32, #tpu.memory_space<vmem>>, vector<16xf32>,
        %sub3A_842 = arith.subf %get3A_837, %get3A_841 : vector<16xf32>
        %mul3A_843 = arith.mulf %sub3A_842, %sub3A_842 : vector<16xf32>
        %add3A_844 = arith.addf %scan3A_803, %mul3A_843 : vector<16xf32>
        %add3A_845 = arith.constant 48 : i32
        %add3A_846 = arith.addi %mul3A_806, %add3A_845 : i32
        %get3A_847 = arith.constant 1 : i32
        %get3A_848 = arith.index_cast %get3A_847 : i32 to index
        %get3A_849 = arith.index_cast %add3A_846 : i32 to index
        %get3A_850 = tpu.vector_load %arg12[%get3A_848, %get3A_849] {strides = array<i32>} : memref<16x1024xf32, #tpu.memory_space<vmem>>, vector<16xf32>,
        %get3A_851 = arith.constant 1 : i32
        %get3A_852 = arith.index_cast %get3A_851 : i32 to index
        %get3A_853 = arith.index_cast %add3A_846 : i32 to index
        %get3A_854 = tpu.vector_load %arg14[%get3A_852, %get3A_853] {strides = array<i32>} : memref<16x1024xf32, #tpu.memory_space<vmem>>, vector<16xf32>,
        %sub3A_855 = arith.subf %get3A_850, %get3A_854 : vector<16xf32>
        %mul3A_856 = arith.mulf %sub3A_855, %sub3A_855 : vector<16xf32>
        %add3A_857 = arith.addf %scan3A_804, %mul3A_856 : vector<16xf32>
        %add3A_858 = arith.constant 64 : i32
        %add3A_859 = arith.addi %mul3A_806, %add3A_858 : i32
        %get3A_860 = arith.constant 1 : i32
        %get3A_861 = arith.index_cast %get3A_860 : i32 to index
        %get3A_862 = arith.index_cast %add3A_859 : i32 to index
        %get3A_863 = tpu.vector_load %arg12[%get3A_861, %get3A_862] {strides = array<i32>} : memref<16x1024xf32, #tpu.memory_space<vmem>>, vector<16xf32>,
        %get3A_864 = arith.constant 1 : i32
        %get3A_865 = arith.index_cast %get3A_864 : i32 to index
        %get3A_866 = arith.index_cast %add3A_859 : i32 to index
        %get3A_867 = tpu.vector_load %arg14[%get3A_865, %get3A_866] {strides = array<i32>} : memref<16x1024xf32, #tpu.memory_space<vmem>>, vector<16xf32>,
        %sub3A_868 = arith.subf %get3A_863, %get3A_867 : vector<16xf32>
        %mul3A_869 = arith.mulf %sub3A_868, %sub3A_868 : vector<16xf32>
        %add3A_870 = arith.addf %add3A_818, %mul3A_869 : vector<16xf32>
        %add3A_871 = arith.constant 80 : i32
        %add3A_872 = arith.addi %mul3A_806, %add3A_871 : i32
        %get3A_873 = arith.constant 1 : i32
        %get3A_874 = arith.index_cast %get3A_873 : i32 to index
        %get3A_875 = arith.index_cast %add3A_872 : i32 to index
        %get3A_876 = tpu.vector_load %arg12[%get3A_874, %get3A_875] {strides = array<i32>} : memref<16x1024xf32, #tpu.memory_space<vmem>>, vector<16xf32>,
        %get3A_877 = arith.constant 1 : i32
        %get3A_878 = arith.index_cast %get3A_877 : i32 to index
        %get3A_879 = arith.index_cast %add3A_872 : i32 to index
        %get3A_880 = tpu.vector_load %arg14[%get3A_878, %get3A_879] {strides = array<i32>} : memref<16x1024xf32, #tpu.memory_space<vmem>>, vector<16xf32>,
        %sub3A_881 = arith.subf %get3A_876, %get3A_880 : vector<16xf32>
        %mul3A_882 = arith.mulf %sub3A_881, %sub3A_881 : vector<16xf32>
        %add3A_883 = arith.addf %add3A_831, %mul3A_882 : vector<16xf32>
        %add3A_884 = arith.constant 96 : i32
        %add3A_885 = arith.addi %mul3A_806, %add3A_884 : i32
        %get3A_886 = arith.constant 1 : i32
        %get3A_887 = arith.index_cast %get3A_886 : i32 to index
        %get3A_888 = arith.index_cast %add3A_885 : i32 to index
        %get3A_889 = tpu.vector_load %arg12[%get3A_887, %get3A_888] {strides = array<i32>} : memref<16x1024xf32, #tpu.memory_space<vmem>>, vector<16xf32>,
        %get3A_890 = arith.constant 1 : i32
        %get3A_891 = arith.index_cast %get3A_890 : i32 to index
        %get3A_892 = arith.index_cast %add3A_885 : i32 to index
        %get3A_893 = tpu.vector_load %arg14[%get3A_891, %get3A_892] {strides = array<i32>} : memref<16x1024xf32, #tpu.memory_space<vmem>>, vector<16xf32>,
        %sub3A_894 = arith.subf %get3A_889, %get3A_893 : vector<16xf32>
        %mul3A_895 = arith.mulf %sub3A_894, %sub3A_894 : vector<16xf32>
        %add3A_896 = arith.addf %add3A_844, %mul3A_895 : vector<16xf32>
        %add3A_897 = arith.constant 112 : i32
        %add3A_898 = arith.addi %mul3A_806, %add3A_897 : i32
        %get3A_899 = arith.constant 1 : i32
        %get3A_900 = arith.index_cast %get3A_899 : i32 to index
        %get3A_901 = arith.index_cast %add3A_898 : i32 to index
        %get3A_902 = tpu.vector_load %arg12[%get3A_900, %get3A_901] {strides = array<i32>} : memref<16x1024xf32, #tpu.memory_space<vmem>>, vector<16xf32>,
        %get3A_903 = arith.constant 1 : i32
        %get3A_904 = arith.index_cast %get3A_903 : i32 to index
        %get3A_905 = arith.index_cast %add3A_898 : i32 to index
        %get3A_906 = tpu.vector_load %arg14[%get3A_904, %get3A_905] {strides = array<i32>} : memref<16x1024xf32, #tpu.memory_space<vmem>>, vector<16xf32>,
        %sub3A_907 = arith.subf %get3A_902, %get3A_906 : vector<16xf32>
        %mul3A_908 = arith.mulf %sub3A_907, %sub3A_907 : vector<16xf32>
        %add3A_909 = arith.addf %add3A_857, %mul3A_908 : vector<16xf32>
        scf.yield %add3A_870, %add3A_883, %add3A_896, %add3A_909 : vector<16xf32>, vector<16xf32>, vector<16xf32>, vector<16xf32>
      }
      %scan3A_471 = arith.constant 8 : i32
      %add3A_472 = arith.addf %scan3A_470#0, %scan3A_470#1 : vector<16xf32>
      %add3A_473 = arith.addf %scan3A_470#2, %scan3A_470#3 : vector<16xf32>
      %add3A_474 = arith.addf %add3A_472, %add3A_473 : vector<16xf32>
      %broadcast_in_dim3A_475 = arith.constant 1 : i32
      %broadcast_in_dim3A_476 = vector.broadcast %broadcast_in_dim3A_475 : i32 to vector<16xi32>
      %gather3A_477 = tpu.vector_load_idx %arg9[%broadcast_in_dim3A_476] : memref<16xf32, #tpu.memory_space<vmem>>[vector<16xi32>], vector<16xf32>,
      %mul3A_478 = arith.mulf %add3A_474, %gather3A_477 : vector<16xf32>
      %add3A_479 = arith.addf %add3A_457, %mul3A_478 : vector<16xf32>
      %broadcast_in_dim3A_480 = arith.constant 0.000000e+00 : f32
      %broadcast_in_dim3A_481 = vector.broadcast %broadcast_in_dim3A_480 : f32 to vector<16xf32>
      %broadcast_in_dim3A_482 = arith.constant 0.000000e+00 : f32
      %broadcast_in_dim3A_483 = vector.broadcast %broadcast_in_dim3A_482 : f32 to vector<16xf32>
      %broadcast_in_dim3A_484 = arith.constant 0.000000e+00 : f32
      %broadcast_in_dim3A_485 = vector.broadcast %broadcast_in_dim3A_484 : f32 to vector<16xf32>
      %broadcast_in_dim3A_486 = arith.constant 0.000000e+00 : f32
      %broadcast_in_dim3A_487 = vector.broadcast %broadcast_in_dim3A_486 : f32 to vector<16xf32>
      %scan3A_488 = arith.constant 0 : i32
      %scan3A_489 = arith.constant 8 : i32
      %scan3A_490 = arith.addi %scan3A_488, %scan3A_489 : i32
      %scan3A_491 = arith.constant 1 : i32
      %scan3A_492:4 = scf.for %scan3A_800 = %scan3A_488 to %scan3A_490 step %scan3A_491 iter_args(%scan3A_801 = %broadcast_in_dim3A_481, %scan3A_802 = %broadcast_in_dim3A_483, %scan3A_803 = %broadcast_in_dim3A_485, %scan3A_804 = %broadcast_in_dim3A_487) -> (vector<16xf32>, vector<16xf32>, vector<16xf32>, vector<16xf32>)  : i32 {
        %mul3A_805 = arith.constant 128 : i32
        %mul3A_806 = arith.muli %scan3A_800, %mul3A_805 : i32
        %add3A_807 = arith.constant 0 : i32
        %add3A_808 = arith.addi %mul3A_806, %add3A_807 : i32
        %get3A_809 = arith.constant 2 : i32
        %get3A_810 = arith.index_cast %get3A_809 : i32 to index
        %get3A_811 = arith.index_cast %add3A_808 : i32 to index
        %get3A_812 = tpu.vector_load %arg12[%get3A_810, %get3A_811] {strides = array<i32>} : memref<16x1024xf32, #tpu.memory_space<vmem>>, vector<16xf32>,
        %get3A_813 = arith.constant 2 : i32
        %get3A_814 = arith.index_cast %get3A_813 : i32 to index
        %get3A_815 = arith.index_cast %add3A_808 : i32 to index
        %get3A_816 = tpu.vector_load %arg14[%get3A_814, %get3A_815] {strides = array<i32>} : memref<16x1024xf32, #tpu.memory_space<vmem>>, vector<16xf32>,
        %sub3A = arith.subf %get3A_812, %get3A_816 : vector<16xf32>
        %mul3A_817 = arith.mulf %sub3A, %sub3A : vector<16xf32>
        %add3A_818 = arith.addf %scan3A_801, %mul3A_817 : vector<16xf32>
        %add3A_819 = arith.constant 16 : i32
        %add3A_820 = arith.addi %mul3A_806, %add3A_819 : i32
        %get3A_821 = arith.constant 2 : i32
        %get3A_822 = arith.index_cast %get3A_821 : i32 to index
        %get3A_823 = arith.index_cast %add3A_820 : i32 to index
        %get3A_824 = tpu.vector_load %arg12[%get3A_822, %get3A_823] {strides = array<i32>} : memref<16x1024xf32, #tpu.memory_space<vmem>>, vector<16xf32>,
        %get3A_825 = arith.constant 2 : i32
        %get3A_826 = arith.index_cast %get3A_825 : i32 to index
        %get3A_827 = arith.index_cast %add3A_820 : i32 to index
        %get3A_828 = tpu.vector_load %arg14[%get3A_826, %get3A_827] {strides = array<i32>} : memref<16x1024xf32, #tpu.memory_space<vmem>>, vector<16xf32>,
        %sub3A_829 = arith.subf %get3A_824, %get3A_828 : vector<16xf32>
        %mul3A_830 = arith.mulf %sub3A_829, %sub3A_829 : vector<16xf32>
        %add3A_831 = arith.addf %scan3A_802, %mul3A_830 : vector<16xf32>
        %add3A_832 = arith.constant 32 : i32
        %add3A_833 = arith.addi %mul3A_806, %add3A_832 : i32
        %get3A_834 = arith.constant 2 : i32
        %get3A_835 = arith.index_cast %get3A_834 : i32 to index
        %get3A_836 = arith.index_cast %add3A_833 : i32 to index
        %get3A_837 = tpu.vector_load %arg12[%get3A_835, %get3A_836] {strides = array<i32>} : memref<16x1024xf32, #tpu.memory_space<vmem>>, vector<16xf32>,
        %get3A_838 = arith.constant 2 : i32
        %get3A_839 = arith.index_cast %get3A_838 : i32 to index
        %get3A_840 = arith.index_cast %add3A_833 : i32 to index
        %get3A_841 = tpu.vector_load %arg14[%get3A_839, %get3A_840] {strides = array<i32>} : memref<16x1024xf32, #tpu.memory_space<vmem>>, vector<16xf32>,
        %sub3A_842 = arith.subf %get3A_837, %get3A_841 : vector<16xf32>
        %mul3A_843 = arith.mulf %sub3A_842, %sub3A_842 : vector<16xf32>
        %add3A_844 = arith.addf %scan3A_803, %mul3A_843 : vector<16xf32>
        %add3A_845 = arith.constant 48 : i32
        %add3A_846 = arith.addi %mul3A_806, %add3A_845 : i32
        %get3A_847 = arith.constant 2 : i32
        %get3A_848 = arith.index_cast %get3A_847 : i32 to index
        %get3A_849 = arith.index_cast %add3A_846 : i32 to index
        %get3A_850 = tpu.vector_load %arg12[%get3A_848, %get3A_849] {strides = array<i32>} : memref<16x1024xf32, #tpu.memory_space<vmem>>, vector<16xf32>,
        %get3A_851 = arith.constant 2 : i32
        %get3A_852 = arith.index_cast %get3A_851 : i32 to index
        %get3A_853 = arith.index_cast %add3A_846 : i32 to index
        %get3A_854 = tpu.vector_load %arg14[%get3A_852, %get3A_853] {strides = array<i32>} : memref<16x1024xf32, #tpu.memory_space<vmem>>, vector<16xf32>,
        %sub3A_855 = arith.subf %get3A_850, %get3A_854 : vector<16xf32>
        %mul3A_856 = arith.mulf %sub3A_855, %sub3A_855 : vector<16xf32>
        %add3A_857 = arith.addf %scan3A_804, %mul3A_856 : vector<16xf32>
        %add3A_858 = arith.constant 64 : i32
        %add3A_859 = arith.addi %mul3A_806, %add3A_858 : i32
        %get3A_860 = arith.constant 2 : i32
        %get3A_861 = arith.index_cast %get3A_860 : i32 to index
        %get3A_862 = arith.index_cast %add3A_859 : i32 to index
        %get3A_863 = tpu.vector_load %arg12[%get3A_861, %get3A_862] {strides = array<i32>} : memref<16x1024xf32, #tpu.memory_space<vmem>>, vector<16xf32>,
        %get3A_864 = arith.constant 2 : i32
        %get3A_865 = arith.index_cast %get3A_864 : i32 to index
        %get3A_866 = arith.index_cast %add3A_859 : i32 to index
        %get3A_867 = tpu.vector_load %arg14[%get3A_865, %get3A_866] {strides = array<i32>} : memref<16x1024xf32, #tpu.memory_space<vmem>>, vector<16xf32>,
        %sub3A_868 = arith.subf %get3A_863, %get3A_867 : vector<16xf32>
        %mul3A_869 = arith.mulf %sub3A_868, %sub3A_868 : vector<16xf32>
        %add3A_870 = arith.addf %add3A_818, %mul3A_869 : vector<16xf32>
        %add3A_871 = arith.constant 80 : i32
        %add3A_872 = arith.addi %mul3A_806, %add3A_871 : i32
        %get3A_873 = arith.constant 2 : i32
        %get3A_874 = arith.index_cast %get3A_873 : i32 to index
        %get3A_875 = arith.index_cast %add3A_872 : i32 to index
        %get3A_876 = tpu.vector_load %arg12[%get3A_874, %get3A_875] {strides = array<i32>} : memref<16x1024xf32, #tpu.memory_space<vmem>>, vector<16xf32>,
        %get3A_877 = arith.constant 2 : i32
        %get3A_878 = arith.index_cast %get3A_877 : i32 to index
        %get3A_879 = arith.index_cast %add3A_872 : i32 to index
        %get3A_880 = tpu.vector_load %arg14[%get3A_878, %get3A_879] {strides = array<i32>} : memref<16x1024xf32, #tpu.memory_space<vmem>>, vector<16xf32>,
        %sub3A_881 = arith.subf %get3A_876, %get3A_880 : vector<16xf32>
        %mul3A_882 = arith.mulf %sub3A_881, %sub3A_881 : vector<16xf32>
        %add3A_883 = arith.addf %add3A_831, %mul3A_882 : vector<16xf32>
        %add3A_884 = arith.constant 96 : i32
        %add3A_885 = arith.addi %mul3A_806, %add3A_884 : i32
        %get3A_886 = arith.constant 2 : i32
        %get3A_887 = arith.index_cast %get3A_886 : i32 to index
        %get3A_888 = arith.index_cast %add3A_885 : i32 to index
        %get3A_889 = tpu.vector_load %arg12[%get3A_887, %get3A_888] {strides = array<i32>} : memref<16x1024xf32, #tpu.memory_space<vmem>>, vector<16xf32>,
        %get3A_890 = arith.constant 2 : i32
        %get3A_891 = arith.index_cast %get3A_890 : i32 to index
        %get3A_892 = arith.index_cast %add3A_885 : i32 to index
        %get3A_893 = tpu.vector_load %arg14[%get3A_891, %get3A_892] {strides = array<i32>} : memref<16x1024xf32, #tpu.memory_space<vmem>>, vector<16xf32>,
        %sub3A_894 = arith.subf %get3A_889, %get3A_893 : vector<16xf32>
        %mul3A_895 = arith.mulf %sub3A_894, %sub3A_894 : vector<16xf32>
        %add3A_896 = arith.addf %add3A_844, %mul3A_895 : vector<16xf32>
        %add3A_897 = arith.constant 112 : i32
        %add3A_898 = arith.addi %mul3A_806, %add3A_897 : i32
        %get3A_899 = arith.constant 2 : i32
        %get3A_900 = arith.index_cast %get3A_899 : i32 to index
        %get3A_901 = arith.index_cast %add3A_898 : i32 to index
        %get3A_902 = tpu.vector_load %arg12[%get3A_900, %get3A_901] {strides = array<i32>} : memref<16x1024xf32, #tpu.memory_space<vmem>>, vector<16xf32>,
        %get3A_903 = arith.constant 2 : i32
        %get3A_904 = arith.index_cast %get3A_903 : i32 to index
        %get3A_905 = arith.index_cast %add3A_898 : i32 to index
        %get3A_906 = tpu.vector_load %arg14[%get3A_904, %get3A_905] {strides = array<i32>} : memref<16x1024xf32, #tpu.memory_space<vmem>>, vector<16xf32>,
        %sub3A_907 = arith.subf %get3A_902, %get3A_906 : vector<16xf32>
        %mul3A_908 = arith.mulf %sub3A_907, %sub3A_907 : vector<16xf32>
        %add3A_909 = arith.addf %add3A_857, %mul3A_908 : vector<16xf32>
        scf.yield %add3A_870, %add3A_883, %add3A_896, %add3A_909 : vector<16xf32>, vector<16xf32>, vector<16xf32>, vector<16xf32>
      }
      %scan3A_493 = arith.constant 8 : i32
      %add3A_494 = arith.addf %scan3A_492#0, %scan3A_492#1 : vector<16xf32>
      %add3A_495 = arith.addf %scan3A_492#2, %scan3A_492#3 : vector<16xf32>
      %add3A_496 = arith.addf %add3A_494, %add3A_495 : vector<16xf32>
      %broadcast_in_dim3A_497 = arith.constant 2 : i32
      %broadcast_in_dim3A_498 = vector.broadcast %broadcast_in_dim3A_497 : i32 to vector<16xi32>
      %gather3A_499 = tpu.vector_load_idx %arg9[%broadcast_in_dim3A_498] : memref<16xf32, #tpu.memory_space<vmem>>[vector<16xi32>], vector<16xf32>,
      %mul3A_500 = arith.mulf %add3A_496, %gather3A_499 : vector<16xf32>
      %add3A_501 = arith.addf %add3A_479, %mul3A_500 : vector<16xf32>
      %broadcast_in_dim3A_502 = arith.constant 0.000000e+00 : f32
      %broadcast_in_dim3A_503 = vector.broadcast %broadcast_in_dim3A_502 : f32 to vector<16xf32>
      %broadcast_in_dim3A_504 = arith.constant 0.000000e+00 : f32
      %broadcast_in_dim3A_505 = vector.broadcast %broadcast_in_dim3A_504 : f32 to vector<16xf32>
      %broadcast_in_dim3A_506 = arith.constant 0.000000e+00 : f32
      %broadcast_in_dim3A_507 = vector.broadcast %broadcast_in_dim3A_506 : f32 to vector<16xf32>
      %broadcast_in_dim3A_508 = arith.constant 0.000000e+00 : f32
      %broadcast_in_dim3A_509 = vector.broadcast %broadcast_in_dim3A_508 : f32 to vector<16xf32>
      %scan3A_510 = arith.constant 0 : i32
      %scan3A_511 = arith.constant 8 : i32
      %scan3A_512 = arith.addi %scan3A_510, %scan3A_511 : i32
      %scan3A_513 = arith.constant 1 : i32
      %scan3A_514:4 = scf.for %scan3A_800 = %scan3A_510 to %scan3A_512 step %scan3A_513 iter_args(%scan3A_801 = %broadcast_in_dim3A_503, %scan3A_802 = %broadcast_in_dim3A_505, %scan3A_803 = %broadcast_in_dim3A_507, %scan3A_804 = %broadcast_in_dim3A_509) -> (vector<16xf32>, vector<16xf32>, vector<16xf32>, vector<16xf32>)  : i32 {
        %mul3A_805 = arith.constant 128 : i32
        %mul3A_806 = arith.muli %scan3A_800, %mul3A_805 : i32
        %add3A_807 = arith.constant 0 : i32
        %add3A_808 = arith.addi %mul3A_806, %add3A_807 : i32
        %get3A_809 = arith.constant 3 : i32
        %get3A_810 = arith.index_cast %get3A_809 : i32 to index
        %get3A_811 = arith.index_cast %add3A_808 : i32 to index
        %get3A_812 = tpu.vector_load %arg12[%get3A_810, %get3A_811] {strides = array<i32>} : memref<16x1024xf32, #tpu.memory_space<vmem>>, vector<16xf32>,
        %get3A_813 = arith.constant 3 : i32
        %get3A_814 = arith.index_cast %get3A_813 : i32 to index
        %get3A_815 = arith.index_cast %add3A_808 : i32 to index
        %get3A_816 = tpu.vector_load %arg14[%get3A_814, %get3A_815] {strides = array<i32>} : memref<16x1024xf32, #tpu.memory_space<vmem>>, vector<16xf32>,
        %sub3A = arith.subf %get3A_812, %get3A_816 : vector<16xf32>
        %mul3A_817 = arith.mulf %sub3A, %sub3A : vector<16xf32>
        %add3A_818 = arith.addf %scan3A_801, %mul3A_817 : vector<16xf32>
        %add3A_819 = arith.constant 16 : i32
        %add3A_820 = arith.addi %mul3A_806, %add3A_819 : i32
        %get3A_821 = arith.constant 3 : i32
        %get3A_822 = arith.index_cast %get3A_821 : i32 to index
        %get3A_823 = arith.index_cast %add3A_820 : i32 to index
        %get3A_824 = tpu.vector_load %arg12[%get3A_822, %get3A_823] {strides = array<i32>} : memref<16x1024xf32, #tpu.memory_space<vmem>>, vector<16xf32>,
        %get3A_825 = arith.constant 3 : i32
        %get3A_826 = arith.index_cast %get3A_825 : i32 to index
        %get3A_827 = arith.index_cast %add3A_820 : i32 to index
        %get3A_828 = tpu.vector_load %arg14[%get3A_826, %get3A_827] {strides = array<i32>} : memref<16x1024xf32, #tpu.memory_space<vmem>>, vector<16xf32>,
        %sub3A_829 = arith.subf %get3A_824, %get3A_828 : vector<16xf32>
        %mul3A_830 = arith.mulf %sub3A_829, %sub3A_829 : vector<16xf32>
        %add3A_831 = arith.addf %scan3A_802, %mul3A_830 : vector<16xf32>
        %add3A_832 = arith.constant 32 : i32
        %add3A_833 = arith.addi %mul3A_806, %add3A_832 : i32
        %get3A_834 = arith.constant 3 : i32
        %get3A_835 = arith.index_cast %get3A_834 : i32 to index
        %get3A_836 = arith.index_cast %add3A_833 : i32 to index
        %get3A_837 = tpu.vector_load %arg12[%get3A_835, %get3A_836] {strides = array<i32>} : memref<16x1024xf32, #tpu.memory_space<vmem>>, vector<16xf32>,
        %get3A_838 = arith.constant 3 : i32
        %get3A_839 = arith.index_cast %get3A_838 : i32 to index
        %get3A_840 = arith.index_cast %add3A_833 : i32 to index
        %get3A_841 = tpu.vector_load %arg14[%get3A_839, %get3A_840] {strides = array<i32>} : memref<16x1024xf32, #tpu.memory_space<vmem>>, vector<16xf32>,
        %sub3A_842 = arith.subf %get3A_837, %get3A_841 : vector<16xf32>
        %mul3A_843 = arith.mulf %sub3A_842, %sub3A_842 : vector<16xf32>
        %add3A_844 = arith.addf %scan3A_803, %mul3A_843 : vector<16xf32>
        %add3A_845 = arith.constant 48 : i32
        %add3A_846 = arith.addi %mul3A_806, %add3A_845 : i32
        %get3A_847 = arith.constant 3 : i32
        %get3A_848 = arith.index_cast %get3A_847 : i32 to index
        %get3A_849 = arith.index_cast %add3A_846 : i32 to index
        %get3A_850 = tpu.vector_load %arg12[%get3A_848, %get3A_849] {strides = array<i32>} : memref<16x1024xf32, #tpu.memory_space<vmem>>, vector<16xf32>,
        %get3A_851 = arith.constant 3 : i32
        %get3A_852 = arith.index_cast %get3A_851 : i32 to index
        %get3A_853 = arith.index_cast %add3A_846 : i32 to index
        %get3A_854 = tpu.vector_load %arg14[%get3A_852, %get3A_853] {strides = array<i32>} : memref<16x1024xf32, #tpu.memory_space<vmem>>, vector<16xf32>,
        %sub3A_855 = arith.subf %get3A_850, %get3A_854 : vector<16xf32>
        %mul3A_856 = arith.mulf %sub3A_855, %sub3A_855 : vector<16xf32>
        %add3A_857 = arith.addf %scan3A_804, %mul3A_856 : vector<16xf32>
        %add3A_858 = arith.constant 64 : i32
        %add3A_859 = arith.addi %mul3A_806, %add3A_858 : i32
        %get3A_860 = arith.constant 3 : i32
        %get3A_861 = arith.index_cast %get3A_860 : i32 to index
        %get3A_862 = arith.index_cast %add3A_859 : i32 to index
        %get3A_863 = tpu.vector_load %arg12[%get3A_861, %get3A_862] {strides = array<i32>} : memref<16x1024xf32, #tpu.memory_space<vmem>>, vector<16xf32>,
        %get3A_864 = arith.constant 3 : i32
        %get3A_865 = arith.index_cast %get3A_864 : i32 to index
        %get3A_866 = arith.index_cast %add3A_859 : i32 to index
        %get3A_867 = tpu.vector_load %arg14[%get3A_865, %get3A_866] {strides = array<i32>} : memref<16x1024xf32, #tpu.memory_space<vmem>>, vector<16xf32>,
        %sub3A_868 = arith.subf %get3A_863, %get3A_867 : vector<16xf32>
        %mul3A_869 = arith.mulf %sub3A_868, %sub3A_868 : vector<16xf32>
        %add3A_870 = arith.addf %add3A_818, %mul3A_869 : vector<16xf32>
        %add3A_871 = arith.constant 80 : i32
        %add3A_872 = arith.addi %mul3A_806, %add3A_871 : i32
        %get3A_873 = arith.constant 3 : i32
        %get3A_874 = arith.index_cast %get3A_873 : i32 to index
        %get3A_875 = arith.index_cast %add3A_872 : i32 to index
        %get3A_876 = tpu.vector_load %arg12[%get3A_874, %get3A_875] {strides = array<i32>} : memref<16x1024xf32, #tpu.memory_space<vmem>>, vector<16xf32>,
        %get3A_877 = arith.constant 3 : i32
        %get3A_878 = arith.index_cast %get3A_877 : i32 to index
        %get3A_879 = arith.index_cast %add3A_872 : i32 to index
        %get3A_880 = tpu.vector_load %arg14[%get3A_878, %get3A_879] {strides = array<i32>} : memref<16x1024xf32, #tpu.memory_space<vmem>>, vector<16xf32>,
        %sub3A_881 = arith.subf %get3A_876, %get3A_880 : vector<16xf32>
        %mul3A_882 = arith.mulf %sub3A_881, %sub3A_881 : vector<16xf32>
        %add3A_883 = arith.addf %add3A_831, %mul3A_882 : vector<16xf32>
        %add3A_884 = arith.constant 96 : i32
        %add3A_885 = arith.addi %mul3A_806, %add3A_884 : i32
        %get3A_886 = arith.constant 3 : i32
        %get3A_887 = arith.index_cast %get3A_886 : i32 to index
        %get3A_888 = arith.index_cast %add3A_885 : i32 to index
        %get3A_889 = tpu.vector_load %arg12[%get3A_887, %get3A_888] {strides = array<i32>} : memref<16x1024xf32, #tpu.memory_space<vmem>>, vector<16xf32>,
        %get3A_890 = arith.constant 3 : i32
        %get3A_891 = arith.index_cast %get3A_890 : i32 to index
        %get3A_892 = arith.index_cast %add3A_885 : i32 to index
        %get3A_893 = tpu.vector_load %arg14[%get3A_891, %get3A_892] {strides = array<i32>} : memref<16x1024xf32, #tpu.memory_space<vmem>>, vector<16xf32>,
        %sub3A_894 = arith.subf %get3A_889, %get3A_893 : vector<16xf32>
        %mul3A_895 = arith.mulf %sub3A_894, %sub3A_894 : vector<16xf32>
        %add3A_896 = arith.addf %add3A_844, %mul3A_895 : vector<16xf32>
        %add3A_897 = arith.constant 112 : i32
        %add3A_898 = arith.addi %mul3A_806, %add3A_897 : i32
        %get3A_899 = arith.constant 3 : i32
        %get3A_900 = arith.index_cast %get3A_899 : i32 to index
        %get3A_901 = arith.index_cast %add3A_898 : i32 to index
        %get3A_902 = tpu.vector_load %arg12[%get3A_900, %get3A_901] {strides = array<i32>} : memref<16x1024xf32, #tpu.memory_space<vmem>>, vector<16xf32>,
        %get3A_903 = arith.constant 3 : i32
        %get3A_904 = arith.index_cast %get3A_903 : i32 to index
        %get3A_905 = arith.index_cast %add3A_898 : i32 to index
        %get3A_906 = tpu.vector_load %arg14[%get3A_904, %get3A_905] {strides = array<i32>} : memref<16x1024xf32, #tpu.memory_space<vmem>>, vector<16xf32>,
        %sub3A_907 = arith.subf %get3A_902, %get3A_906 : vector<16xf32>
        %mul3A_908 = arith.mulf %sub3A_907, %sub3A_907 : vector<16xf32>
        %add3A_909 = arith.addf %add3A_857, %mul3A_908 : vector<16xf32>
        scf.yield %add3A_870, %add3A_883, %add3A_896, %add3A_909 : vector<16xf32>, vector<16xf32>, vector<16xf32>, vector<16xf32>
      }
      %scan3A_515 = arith.constant 8 : i32
      %add3A_516 = arith.addf %scan3A_514#0, %scan3A_514#1 : vector<16xf32>
      %add3A_517 = arith.addf %scan3A_514#2, %scan3A_514#3 : vector<16xf32>
      %add3A_518 = arith.addf %add3A_516, %add3A_517 : vector<16xf32>
      %broadcast_in_dim3A_519 = arith.constant 3 : i32
      %broadcast_in_dim3A_520 = vector.broadcast %broadcast_in_dim3A_519 : i32 to vector<16xi32>
      %gather3A_521 = tpu.vector_load_idx %arg9[%broadcast_in_dim3A_520] : memref<16xf32, #tpu.memory_space<vmem>>[vector<16xi32>], vector<16xf32>,
      %mul3A_522 = arith.mulf %add3A_518, %gather3A_521 : vector<16xf32>
      %add3A_523 = arith.addf %add3A_501, %mul3A_522 : vector<16xf32>
      %broadcast_in_dim3A_524 = arith.constant 0.000000e+00 : f32
      %broadcast_in_dim3A_525 = vector.broadcast %broadcast_in_dim3A_524 : f32 to vector<16xf32>
      %broadcast_in_dim3A_526 = arith.constant 0.000000e+00 : f32
      %broadcast_in_dim3A_527 = vector.broadcast %broadcast_in_dim3A_526 : f32 to vector<16xf32>
      %broadcast_in_dim3A_528 = arith.constant 0.000000e+00 : f32
      %broadcast_in_dim3A_529 = vector.broadcast %broadcast_in_dim3A_528 : f32 to vector<16xf32>
      %broadcast_in_dim3A_530 = arith.constant 0.000000e+00 : f32
      %broadcast_in_dim3A_531 = vector.broadcast %broadcast_in_dim3A_530 : f32 to vector<16xf32>
      %scan3A_532 = arith.constant 0 : i32
      %scan3A_533 = arith.constant 8 : i32
      %scan3A_534 = arith.addi %scan3A_532, %scan3A_533 : i32
      %scan3A_535 = arith.constant 1 : i32
      %scan3A_536:4 = scf.for %scan3A_800 = %scan3A_532 to %scan3A_534 step %scan3A_535 iter_args(%scan3A_801 = %broadcast_in_dim3A_525, %scan3A_802 = %broadcast_in_dim3A_527, %scan3A_803 = %broadcast_in_dim3A_529, %scan3A_804 = %broadcast_in_dim3A_531) -> (vector<16xf32>, vector<16xf32>, vector<16xf32>, vector<16xf32>)  : i32 {
        %mul3A_805 = arith.constant 128 : i32
        %mul3A_806 = arith.muli %scan3A_800, %mul3A_805 : i32
        %add3A_807 = arith.constant 0 : i32
        %add3A_808 = arith.addi %mul3A_806, %add3A_807 : i32
        %get3A_809 = arith.constant 4 : i32
        %get3A_810 = arith.index_cast %get3A_809 : i32 to index
        %get3A_811 = arith.index_cast %add3A_808 : i32 to index
        %get3A_812 = tpu.vector_load %arg12[%get3A_810, %get3A_811] {strides = array<i32>} : memref<16x1024xf32, #tpu.memory_space<vmem>>, vector<16xf32>,
        %get3A_813 = arith.constant 4 : i32
        %get3A_814 = arith.index_cast %get3A_813 : i32 to index
        %get3A_815 = arith.index_cast %add3A_808 : i32 to index
        %get3A_816 = tpu.vector_load %arg14[%get3A_814, %get3A_815] {strides = array<i32>} : memref<16x1024xf32, #tpu.memory_space<vmem>>, vector<16xf32>,
        %sub3A = arith.subf %get3A_812, %get3A_816 : vector<16xf32>
        %mul3A_817 = arith.mulf %sub3A, %sub3A : vector<16xf32>
        %add3A_818 = arith.addf %scan3A_801, %mul3A_817 : vector<16xf32>
        %add3A_819 = arith.constant 16 : i32
        %add3A_820 = arith.addi %mul3A_806, %add3A_819 : i32
        %get3A_821 = arith.constant 4 : i32
        %get3A_822 = arith.index_cast %get3A_821 : i32 to index
        %get3A_823 = arith.index_cast %add3A_820 : i32 to index
        %get3A_824 = tpu.vector_load %arg12[%get3A_822, %get3A_823] {strides = array<i32>} : memref<16x1024xf32, #tpu.memory_space<vmem>>, vector<16xf32>,
        %get3A_825 = arith.constant 4 : i32
        %get3A_826 = arith.index_cast %get3A_825 : i32 to index
        %get3A_827 = arith.index_cast %add3A_820 : i32 to index
        %get3A_828 = tpu.vector_load %arg14[%get3A_826, %get3A_827] {strides = array<i32>} : memref<16x1024xf32, #tpu.memory_space<vmem>>, vector<16xf32>,
        %sub3A_829 = arith.subf %get3A_824, %get3A_828 : vector<16xf32>
        %mul3A_830 = arith.mulf %sub3A_829, %sub3A_829 : vector<16xf32>
        %add3A_831 = arith.addf %scan3A_802, %mul3A_830 : vector<16xf32>
        %add3A_832 = arith.constant 32 : i32
        %add3A_833 = arith.addi %mul3A_806, %add3A_832 : i32
        %get3A_834 = arith.constant 4 : i32
        %get3A_835 = arith.index_cast %get3A_834 : i32 to index
        %get3A_836 = arith.index_cast %add3A_833 : i32 to index
        %get3A_837 = tpu.vector_load %arg12[%get3A_835, %get3A_836] {strides = array<i32>} : memref<16x1024xf32, #tpu.memory_space<vmem>>, vector<16xf32>,
        %get3A_838 = arith.constant 4 : i32
        %get3A_839 = arith.index_cast %get3A_838 : i32 to index
        %get3A_840 = arith.index_cast %add3A_833 : i32 to index
        %get3A_841 = tpu.vector_load %arg14[%get3A_839, %get3A_840] {strides = array<i32>} : memref<16x1024xf32, #tpu.memory_space<vmem>>, vector<16xf32>,
        %sub3A_842 = arith.subf %get3A_837, %get3A_841 : vector<16xf32>
        %mul3A_843 = arith.mulf %sub3A_842, %sub3A_842 : vector<16xf32>
        %add3A_844 = arith.addf %scan3A_803, %mul3A_843 : vector<16xf32>
        %add3A_845 = arith.constant 48 : i32
        %add3A_846 = arith.addi %mul3A_806, %add3A_845 : i32
        %get3A_847 = arith.constant 4 : i32
        %get3A_848 = arith.index_cast %get3A_847 : i32 to index
        %get3A_849 = arith.index_cast %add3A_846 : i32 to index
        %get3A_850 = tpu.vector_load %arg12[%get3A_848, %get3A_849] {strides = array<i32>} : memref<16x1024xf32, #tpu.memory_space<vmem>>, vector<16xf32>,
        %get3A_851 = arith.constant 4 : i32
        %get3A_852 = arith.index_cast %get3A_851 : i32 to index
        %get3A_853 = arith.index_cast %add3A_846 : i32 to index
        %get3A_854 = tpu.vector_load %arg14[%get3A_852, %get3A_853] {strides = array<i32>} : memref<16x1024xf32, #tpu.memory_space<vmem>>, vector<16xf32>,
        %sub3A_855 = arith.subf %get3A_850, %get3A_854 : vector<16xf32>
        %mul3A_856 = arith.mulf %sub3A_855, %sub3A_855 : vector<16xf32>
        %add3A_857 = arith.addf %scan3A_804, %mul3A_856 : vector<16xf32>
        %add3A_858 = arith.constant 64 : i32
        %add3A_859 = arith.addi %mul3A_806, %add3A_858 : i32
        %get3A_860 = arith.constant 4 : i32
        %get3A_861 = arith.index_cast %get3A_860 : i32 to index
        %get3A_862 = arith.index_cast %add3A_859 : i32 to index
        %get3A_863 = tpu.vector_load %arg12[%get3A_861, %get3A_862] {strides = array<i32>} : memref<16x1024xf32, #tpu.memory_space<vmem>>, vector<16xf32>,
        %get3A_864 = arith.constant 4 : i32
        %get3A_865 = arith.index_cast %get3A_864 : i32 to index
        %get3A_866 = arith.index_cast %add3A_859 : i32 to index
        %get3A_867 = tpu.vector_load %arg14[%get3A_865, %get3A_866] {strides = array<i32>} : memref<16x1024xf32, #tpu.memory_space<vmem>>, vector<16xf32>,
        %sub3A_868 = arith.subf %get3A_863, %get3A_867 : vector<16xf32>
        %mul3A_869 = arith.mulf %sub3A_868, %sub3A_868 : vector<16xf32>
        %add3A_870 = arith.addf %add3A_818, %mul3A_869 : vector<16xf32>
        %add3A_871 = arith.constant 80 : i32
        %add3A_872 = arith.addi %mul3A_806, %add3A_871 : i32
        %get3A_873 = arith.constant 4 : i32
        %get3A_874 = arith.index_cast %get3A_873 : i32 to index
        %get3A_875 = arith.index_cast %add3A_872 : i32 to index
        %get3A_876 = tpu.vector_load %arg12[%get3A_874, %get3A_875] {strides = array<i32>} : memref<16x1024xf32, #tpu.memory_space<vmem>>, vector<16xf32>,
        %get3A_877 = arith.constant 4 : i32
        %get3A_878 = arith.index_cast %get3A_877 : i32 to index
        %get3A_879 = arith.index_cast %add3A_872 : i32 to index
        %get3A_880 = tpu.vector_load %arg14[%get3A_878, %get3A_879] {strides = array<i32>} : memref<16x1024xf32, #tpu.memory_space<vmem>>, vector<16xf32>,
        %sub3A_881 = arith.subf %get3A_876, %get3A_880 : vector<16xf32>
        %mul3A_882 = arith.mulf %sub3A_881, %sub3A_881 : vector<16xf32>
        %add3A_883 = arith.addf %add3A_831, %mul3A_882 : vector<16xf32>
        %add3A_884 = arith.constant 96 : i32
        %add3A_885 = arith.addi %mul3A_806, %add3A_884 : i32
        %get3A_886 = arith.constant 4 : i32
        %get3A_887 = arith.index_cast %get3A_886 : i32 to index
        %get3A_888 = arith.index_cast %add3A_885 : i32 to index
        %get3A_889 = tpu.vector_load %arg12[%get3A_887, %get3A_888] {strides = array<i32>} : memref<16x1024xf32, #tpu.memory_space<vmem>>, vector<16xf32>,
        %get3A_890 = arith.constant 4 : i32
        %get3A_891 = arith.index_cast %get3A_890 : i32 to index
        %get3A_892 = arith.index_cast %add3A_885 : i32 to index
        %get3A_893 = tpu.vector_load %arg14[%get3A_891, %get3A_892] {strides = array<i32>} : memref<16x1024xf32, #tpu.memory_space<vmem>>, vector<16xf32>,
        %sub3A_894 = arith.subf %get3A_889, %get3A_893 : vector<16xf32>
        %mul3A_895 = arith.mulf %sub3A_894, %sub3A_894 : vector<16xf32>
        %add3A_896 = arith.addf %add3A_844, %mul3A_895 : vector<16xf32>
        %add3A_897 = arith.constant 112 : i32
        %add3A_898 = arith.addi %mul3A_806, %add3A_897 : i32
        %get3A_899 = arith.constant 4 : i32
        %get3A_900 = arith.index_cast %get3A_899 : i32 to index
        %get3A_901 = arith.index_cast %add3A_898 : i32 to index
        %get3A_902 = tpu.vector_load %arg12[%get3A_900, %get3A_901] {strides = array<i32>} : memref<16x1024xf32, #tpu.memory_space<vmem>>, vector<16xf32>,
        %get3A_903 = arith.constant 4 : i32
        %get3A_904 = arith.index_cast %get3A_903 : i32 to index
        %get3A_905 = arith.index_cast %add3A_898 : i32 to index
        %get3A_906 = tpu.vector_load %arg14[%get3A_904, %get3A_905] {strides = array<i32>} : memref<16x1024xf32, #tpu.memory_space<vmem>>, vector<16xf32>,
        %sub3A_907 = arith.subf %get3A_902, %get3A_906 : vector<16xf32>
        %mul3A_908 = arith.mulf %sub3A_907, %sub3A_907 : vector<16xf32>
        %add3A_909 = arith.addf %add3A_857, %mul3A_908 : vector<16xf32>
        scf.yield %add3A_870, %add3A_883, %add3A_896, %add3A_909 : vector<16xf32>, vector<16xf32>, vector<16xf32>, vector<16xf32>
      }
      %scan3A_537 = arith.constant 8 : i32
      %add3A_538 = arith.addf %scan3A_536#0, %scan3A_536#1 : vector<16xf32>
      %add3A_539 = arith.addf %scan3A_536#2, %scan3A_536#3 : vector<16xf32>
      %add3A_540 = arith.addf %add3A_538, %add3A_539 : vector<16xf32>
      %broadcast_in_dim3A_541 = arith.constant 4 : i32
      %broadcast_in_dim3A_542 = vector.broadcast %broadcast_in_dim3A_541 : i32 to vector<16xi32>
      %gather3A_543 = tpu.vector_load_idx %arg9[%broadcast_in_dim3A_542] : memref<16xf32, #tpu.memory_space<vmem>>[vector<16xi32>], vector<16xf32>,
      %mul3A_544 = arith.mulf %add3A_540, %gather3A_543 : vector<16xf32>
      %add3A_545 = arith.addf %add3A_523, %mul3A_544 : vector<16xf32>
      %broadcast_in_dim3A_546 = arith.constant 0.000000e+00 : f32
      %broadcast_in_dim3A_547 = vector.broadcast %broadcast_in_dim3A_546 : f32 to vector<16xf32>
      %broadcast_in_dim3A_548 = arith.constant 0.000000e+00 : f32
      %broadcast_in_dim3A_549 = vector.broadcast %broadcast_in_dim3A_548 : f32 to vector<16xf32>
      %broadcast_in_dim3A_550 = arith.constant 0.000000e+00 : f32
      %broadcast_in_dim3A_551 = vector.broadcast %broadcast_in_dim3A_550 : f32 to vector<16xf32>
      %broadcast_in_dim3A_552 = arith.constant 0.000000e+00 : f32
      %broadcast_in_dim3A_553 = vector.broadcast %broadcast_in_dim3A_552 : f32 to vector<16xf32>
      %scan3A_554 = arith.constant 0 : i32
      %scan3A_555 = arith.constant 8 : i32
      %scan3A_556 = arith.addi %scan3A_554, %scan3A_555 : i32
      %scan3A_557 = arith.constant 1 : i32
      %scan3A_558:4 = scf.for %scan3A_800 = %scan3A_554 to %scan3A_556 step %scan3A_557 iter_args(%scan3A_801 = %broadcast_in_dim3A_547, %scan3A_802 = %broadcast_in_dim3A_549, %scan3A_803 = %broadcast_in_dim3A_551, %scan3A_804 = %broadcast_in_dim3A_553) -> (vector<16xf32>, vector<16xf32>, vector<16xf32>, vector<16xf32>)  : i32 {
        %mul3A_805 = arith.constant 128 : i32
        %mul3A_806 = arith.muli %scan3A_800, %mul3A_805 : i32
        %add3A_807 = arith.constant 0 : i32
        %add3A_808 = arith.addi %mul3A_806, %add3A_807 : i32
        %get3A_809 = arith.constant 5 : i32
        %get3A_810 = arith.index_cast %get3A_809 : i32 to index
        %get3A_811 = arith.index_cast %add3A_808 : i32 to index
        %get3A_812 = tpu.vector_load %arg12[%get3A_810, %get3A_811] {strides = array<i32>} : memref<16x1024xf32, #tpu.memory_space<vmem>>, vector<16xf32>,
        %get3A_813 = arith.constant 5 : i32
        %get3A_814 = arith.index_cast %get3A_813 : i32 to index
        %get3A_815 = arith.index_cast %add3A_808 : i32 to index
        %get3A_816 = tpu.vector_load %arg14[%get3A_814, %get3A_815] {strides = array<i32>} : memref<16x1024xf32, #tpu.memory_space<vmem>>, vector<16xf32>,
        %sub3A = arith.subf %get3A_812, %get3A_816 : vector<16xf32>
        %mul3A_817 = arith.mulf %sub3A, %sub3A : vector<16xf32>
        %add3A_818 = arith.addf %scan3A_801, %mul3A_817 : vector<16xf32>
        %add3A_819 = arith.constant 16 : i32
        %add3A_820 = arith.addi %mul3A_806, %add3A_819 : i32
        %get3A_821 = arith.constant 5 : i32
        %get3A_822 = arith.index_cast %get3A_821 : i32 to index
        %get3A_823 = arith.index_cast %add3A_820 : i32 to index
        %get3A_824 = tpu.vector_load %arg12[%get3A_822, %get3A_823] {strides = array<i32>} : memref<16x1024xf32, #tpu.memory_space<vmem>>, vector<16xf32>,
        %get3A_825 = arith.constant 5 : i32
        %get3A_826 = arith.index_cast %get3A_825 : i32 to index
        %get3A_827 = arith.index_cast %add3A_820 : i32 to index
        %get3A_828 = tpu.vector_load %arg14[%get3A_826, %get3A_827] {strides = array<i32>} : memref<16x1024xf32, #tpu.memory_space<vmem>>, vector<16xf32>,
        %sub3A_829 = arith.subf %get3A_824, %get3A_828 : vector<16xf32>
        %mul3A_830 = arith.mulf %sub3A_829, %sub3A_829 : vector<16xf32>
        %add3A_831 = arith.addf %scan3A_802, %mul3A_830 : vector<16xf32>
        %add3A_832 = arith.constant 32 : i32
        %add3A_833 = arith.addi %mul3A_806, %add3A_832 : i32
        %get3A_834 = arith.constant 5 : i32
        %get3A_835 = arith.index_cast %get3A_834 : i32 to index
        %get3A_836 = arith.index_cast %add3A_833 : i32 to index
        %get3A_837 = tpu.vector_load %arg12[%get3A_835, %get3A_836] {strides = array<i32>} : memref<16x1024xf32, #tpu.memory_space<vmem>>, vector<16xf32>,
        %get3A_838 = arith.constant 5 : i32
        %get3A_839 = arith.index_cast %get3A_838 : i32 to index
        %get3A_840 = arith.index_cast %add3A_833 : i32 to index
        %get3A_841 = tpu.vector_load %arg14[%get3A_839, %get3A_840] {strides = array<i32>} : memref<16x1024xf32, #tpu.memory_space<vmem>>, vector<16xf32>,
        %sub3A_842 = arith.subf %get3A_837, %get3A_841 : vector<16xf32>
        %mul3A_843 = arith.mulf %sub3A_842, %sub3A_842 : vector<16xf32>
        %add3A_844 = arith.addf %scan3A_803, %mul3A_843 : vector<16xf32>
        %add3A_845 = arith.constant 48 : i32
        %add3A_846 = arith.addi %mul3A_806, %add3A_845 : i32
        %get3A_847 = arith.constant 5 : i32
        %get3A_848 = arith.index_cast %get3A_847 : i32 to index
        %get3A_849 = arith.index_cast %add3A_846 : i32 to index
        %get3A_850 = tpu.vector_load %arg12[%get3A_848, %get3A_849] {strides = array<i32>} : memref<16x1024xf32, #tpu.memory_space<vmem>>, vector<16xf32>,
        %get3A_851 = arith.constant 5 : i32
        %get3A_852 = arith.index_cast %get3A_851 : i32 to index
        %get3A_853 = arith.index_cast %add3A_846 : i32 to index
        %get3A_854 = tpu.vector_load %arg14[%get3A_852, %get3A_853] {strides = array<i32>} : memref<16x1024xf32, #tpu.memory_space<vmem>>, vector<16xf32>,
        %sub3A_855 = arith.subf %get3A_850, %get3A_854 : vector<16xf32>
        %mul3A_856 = arith.mulf %sub3A_855, %sub3A_855 : vector<16xf32>
        %add3A_857 = arith.addf %scan3A_804, %mul3A_856 : vector<16xf32>
        %add3A_858 = arith.constant 64 : i32
        %add3A_859 = arith.addi %mul3A_806, %add3A_858 : i32
        %get3A_860 = arith.constant 5 : i32
        %get3A_861 = arith.index_cast %get3A_860 : i32 to index
        %get3A_862 = arith.index_cast %add3A_859 : i32 to index
        %get3A_863 = tpu.vector_load %arg12[%get3A_861, %get3A_862] {strides = array<i32>} : memref<16x1024xf32, #tpu.memory_space<vmem>>, vector<16xf32>,
        %get3A_864 = arith.constant 5 : i32
        %get3A_865 = arith.index_cast %get3A_864 : i32 to index
        %get3A_866 = arith.index_cast %add3A_859 : i32 to index
        %get3A_867 = tpu.vector_load %arg14[%get3A_865, %get3A_866] {strides = array<i32>} : memref<16x1024xf32, #tpu.memory_space<vmem>>, vector<16xf32>,
        %sub3A_868 = arith.subf %get3A_863, %get3A_867 : vector<16xf32>
        %mul3A_869 = arith.mulf %sub3A_868, %sub3A_868 : vector<16xf32>
        %add3A_870 = arith.addf %add3A_818, %mul3A_869 : vector<16xf32>
        %add3A_871 = arith.constant 80 : i32
        %add3A_872 = arith.addi %mul3A_806, %add3A_871 : i32
        %get3A_873 = arith.constant 5 : i32
        %get3A_874 = arith.index_cast %get3A_873 : i32 to index
        %get3A_875 = arith.index_cast %add3A_872 : i32 to index
        %get3A_876 = tpu.vector_load %arg12[%get3A_874, %get3A_875] {strides = array<i32>} : memref<16x1024xf32, #tpu.memory_space<vmem>>, vector<16xf32>,
        %get3A_877 = arith.constant 5 : i32
        %get3A_878 = arith.index_cast %get3A_877 : i32 to index
        %get3A_879 = arith.index_cast %add3A_872 : i32 to index
        %get3A_880 = tpu.vector_load %arg14[%get3A_878, %get3A_879] {strides = array<i32>} : memref<16x1024xf32, #tpu.memory_space<vmem>>, vector<16xf32>,
        %sub3A_881 = arith.subf %get3A_876, %get3A_880 : vector<16xf32>
        %mul3A_882 = arith.mulf %sub3A_881, %sub3A_881 : vector<16xf32>
        %add3A_883 = arith.addf %add3A_831, %mul3A_882 : vector<16xf32>
        %add3A_884 = arith.constant 96 : i32
        %add3A_885 = arith.addi %mul3A_806, %add3A_884 : i32
        %get3A_886 = arith.constant 5 : i32
        %get3A_887 = arith.index_cast %get3A_886 : i32 to index
        %get3A_888 = arith.index_cast %add3A_885 : i32 to index
        %get3A_889 = tpu.vector_load %arg12[%get3A_887, %get3A_888] {strides = array<i32>} : memref<16x1024xf32, #tpu.memory_space<vmem>>, vector<16xf32>,
        %get3A_890 = arith.constant 5 : i32
        %get3A_891 = arith.index_cast %get3A_890 : i32 to index
        %get3A_892 = arith.index_cast %add3A_885 : i32 to index
        %get3A_893 = tpu.vector_load %arg14[%get3A_891, %get3A_892] {strides = array<i32>} : memref<16x1024xf32, #tpu.memory_space<vmem>>, vector<16xf32>,
        %sub3A_894 = arith.subf %get3A_889, %get3A_893 : vector<16xf32>
        %mul3A_895 = arith.mulf %sub3A_894, %sub3A_894 : vector<16xf32>
        %add3A_896 = arith.addf %add3A_844, %mul3A_895 : vector<16xf32>
        %add3A_897 = arith.constant 112 : i32
        %add3A_898 = arith.addi %mul3A_806, %add3A_897 : i32
        %get3A_899 = arith.constant 5 : i32
        %get3A_900 = arith.index_cast %get3A_899 : i32 to index
        %get3A_901 = arith.index_cast %add3A_898 : i32 to index
        %get3A_902 = tpu.vector_load %arg12[%get3A_900, %get3A_901] {strides = array<i32>} : memref<16x1024xf32, #tpu.memory_space<vmem>>, vector<16xf32>,
        %get3A_903 = arith.constant 5 : i32
        %get3A_904 = arith.index_cast %get3A_903 : i32 to index
        %get3A_905 = arith.index_cast %add3A_898 : i32 to index
        %get3A_906 = tpu.vector_load %arg14[%get3A_904, %get3A_905] {strides = array<i32>} : memref<16x1024xf32, #tpu.memory_space<vmem>>, vector<16xf32>,
        %sub3A_907 = arith.subf %get3A_902, %get3A_906 : vector<16xf32>
        %mul3A_908 = arith.mulf %sub3A_907, %sub3A_907 : vector<16xf32>
        %add3A_909 = arith.addf %add3A_857, %mul3A_908 : vector<16xf32>
        scf.yield %add3A_870, %add3A_883, %add3A_896, %add3A_909 : vector<16xf32>, vector<16xf32>, vector<16xf32>, vector<16xf32>
      }
      %scan3A_559 = arith.constant 8 : i32
      %add3A_560 = arith.addf %scan3A_558#0, %scan3A_558#1 : vector<16xf32>
      %add3A_561 = arith.addf %scan3A_558#2, %scan3A_558#3 : vector<16xf32>
      %add3A_562 = arith.addf %add3A_560, %add3A_561 : vector<16xf32>
      %broadcast_in_dim3A_563 = arith.constant 5 : i32
      %broadcast_in_dim3A_564 = vector.broadcast %broadcast_in_dim3A_563 : i32 to vector<16xi32>
      %gather3A_565 = tpu.vector_load_idx %arg9[%broadcast_in_dim3A_564] : memref<16xf32, #tpu.memory_space<vmem>>[vector<16xi32>], vector<16xf32>,
      %mul3A_566 = arith.mulf %add3A_562, %gather3A_565 : vector<16xf32>
      %add3A_567 = arith.addf %add3A_545, %mul3A_566 : vector<16xf32>
      %broadcast_in_dim3A_568 = arith.constant 0.000000e+00 : f32
      %broadcast_in_dim3A_569 = vector.broadcast %broadcast_in_dim3A_568 : f32 to vector<16xf32>
      %broadcast_in_dim3A_570 = arith.constant 0.000000e+00 : f32
      %broadcast_in_dim3A_571 = vector.broadcast %broadcast_in_dim3A_570 : f32 to vector<16xf32>
      %broadcast_in_dim3A_572 = arith.constant 0.000000e+00 : f32
      %broadcast_in_dim3A_573 = vector.broadcast %broadcast_in_dim3A_572 : f32 to vector<16xf32>
      %broadcast_in_dim3A_574 = arith.constant 0.000000e+00 : f32
      %broadcast_in_dim3A_575 = vector.broadcast %broadcast_in_dim3A_574 : f32 to vector<16xf32>
      %scan3A_576 = arith.constant 0 : i32
      %scan3A_577 = arith.constant 8 : i32
      %scan3A_578 = arith.addi %scan3A_576, %scan3A_577 : i32
      %scan3A_579 = arith.constant 1 : i32
      %scan3A_580:4 = scf.for %scan3A_800 = %scan3A_576 to %scan3A_578 step %scan3A_579 iter_args(%scan3A_801 = %broadcast_in_dim3A_569, %scan3A_802 = %broadcast_in_dim3A_571, %scan3A_803 = %broadcast_in_dim3A_573, %scan3A_804 = %broadcast_in_dim3A_575) -> (vector<16xf32>, vector<16xf32>, vector<16xf32>, vector<16xf32>)  : i32 {
        %mul3A_805 = arith.constant 128 : i32
        %mul3A_806 = arith.muli %scan3A_800, %mul3A_805 : i32
        %add3A_807 = arith.constant 0 : i32
        %add3A_808 = arith.addi %mul3A_806, %add3A_807 : i32
        %get3A_809 = arith.constant 6 : i32
        %get3A_810 = arith.index_cast %get3A_809 : i32 to index
        %get3A_811 = arith.index_cast %add3A_808 : i32 to index
        %get3A_812 = tpu.vector_load %arg12[%get3A_810, %get3A_811] {strides = array<i32>} : memref<16x1024xf32, #tpu.memory_space<vmem>>, vector<16xf32>,
        %get3A_813 = arith.constant 6 : i32
        %get3A_814 = arith.index_cast %get3A_813 : i32 to index
        %get3A_815 = arith.index_cast %add3A_808 : i32 to index
        %get3A_816 = tpu.vector_load %arg14[%get3A_814, %get3A_815] {strides = array<i32>} : memref<16x1024xf32, #tpu.memory_space<vmem>>, vector<16xf32>,
        %sub3A = arith.subf %get3A_812, %get3A_816 : vector<16xf32>
        %mul3A_817 = arith.mulf %sub3A, %sub3A : vector<16xf32>
        %add3A_818 = arith.addf %scan3A_801, %mul3A_817 : vector<16xf32>
        %add3A_819 = arith.constant 16 : i32
        %add3A_820 = arith.addi %mul3A_806, %add3A_819 : i32
        %get3A_821 = arith.constant 6 : i32
        %get3A_822 = arith.index_cast %get3A_821 : i32 to index
        %get3A_823 = arith.index_cast %add3A_820 : i32 to index
        %get3A_824 = tpu.vector_load %arg12[%get3A_822, %get3A_823] {strides = array<i32>} : memref<16x1024xf32, #tpu.memory_space<vmem>>, vector<16xf32>,
        %get3A_825 = arith.constant 6 : i32
        %get3A_826 = arith.index_cast %get3A_825 : i32 to index
        %get3A_827 = arith.index_cast %add3A_820 : i32 to index
        %get3A_828 = tpu.vector_load %arg14[%get3A_826, %get3A_827] {strides = array<i32>} : memref<16x1024xf32, #tpu.memory_space<vmem>>, vector<16xf32>,
        %sub3A_829 = arith.subf %get3A_824, %get3A_828 : vector<16xf32>
        %mul3A_830 = arith.mulf %sub3A_829, %sub3A_829 : vector<16xf32>
        %add3A_831 = arith.addf %scan3A_802, %mul3A_830 : vector<16xf32>
        %add3A_832 = arith.constant 32 : i32
        %add3A_833 = arith.addi %mul3A_806, %add3A_832 : i32
        %get3A_834 = arith.constant 6 : i32
        %get3A_835 = arith.index_cast %get3A_834 : i32 to index
        %get3A_836 = arith.index_cast %add3A_833 : i32 to index
        %get3A_837 = tpu.vector_load %arg12[%get3A_835, %get3A_836] {strides = array<i32>} : memref<16x1024xf32, #tpu.memory_space<vmem>>, vector<16xf32>,
        %get3A_838 = arith.constant 6 : i32
        %get3A_839 = arith.index_cast %get3A_838 : i32 to index
        %get3A_840 = arith.index_cast %add3A_833 : i32 to index
        %get3A_841 = tpu.vector_load %arg14[%get3A_839, %get3A_840] {strides = array<i32>} : memref<16x1024xf32, #tpu.memory_space<vmem>>, vector<16xf32>,
        %sub3A_842 = arith.subf %get3A_837, %get3A_841 : vector<16xf32>
        %mul3A_843 = arith.mulf %sub3A_842, %sub3A_842 : vector<16xf32>
        %add3A_844 = arith.addf %scan3A_803, %mul3A_843 : vector<16xf32>
        %add3A_845 = arith.constant 48 : i32
        %add3A_846 = arith.addi %mul3A_806, %add3A_845 : i32
        %get3A_847 = arith.constant 6 : i32
        %get3A_848 = arith.index_cast %get3A_847 : i32 to index
        %get3A_849 = arith.index_cast %add3A_846 : i32 to index
        %get3A_850 = tpu.vector_load %arg12[%get3A_848, %get3A_849] {strides = array<i32>} : memref<16x1024xf32, #tpu.memory_space<vmem>>, vector<16xf32>,
        %get3A_851 = arith.constant 6 : i32
        %get3A_852 = arith.index_cast %get3A_851 : i32 to index
        %get3A_853 = arith.index_cast %add3A_846 : i32 to index
        %get3A_854 = tpu.vector_load %arg14[%get3A_852, %get3A_853] {strides = array<i32>} : memref<16x1024xf32, #tpu.memory_space<vmem>>, vector<16xf32>,
        %sub3A_855 = arith.subf %get3A_850, %get3A_854 : vector<16xf32>
        %mul3A_856 = arith.mulf %sub3A_855, %sub3A_855 : vector<16xf32>
        %add3A_857 = arith.addf %scan3A_804, %mul3A_856 : vector<16xf32>
        %add3A_858 = arith.constant 64 : i32
        %add3A_859 = arith.addi %mul3A_806, %add3A_858 : i32
        %get3A_860 = arith.constant 6 : i32
        %get3A_861 = arith.index_cast %get3A_860 : i32 to index
        %get3A_862 = arith.index_cast %add3A_859 : i32 to index
        %get3A_863 = tpu.vector_load %arg12[%get3A_861, %get3A_862] {strides = array<i32>} : memref<16x1024xf32, #tpu.memory_space<vmem>>, vector<16xf32>,
        %get3A_864 = arith.constant 6 : i32
        %get3A_865 = arith.index_cast %get3A_864 : i32 to index
        %get3A_866 = arith.index_cast %add3A_859 : i32 to index
        %get3A_867 = tpu.vector_load %arg14[%get3A_865, %get3A_866] {strides = array<i32>} : memref<16x1024xf32, #tpu.memory_space<vmem>>, vector<16xf32>,
        %sub3A_868 = arith.subf %get3A_863, %get3A_867 : vector<16xf32>
        %mul3A_869 = arith.mulf %sub3A_868, %sub3A_868 : vector<16xf32>
        %add3A_870 = arith.addf %add3A_818, %mul3A_869 : vector<16xf32>
        %add3A_871 = arith.constant 80 : i32
        %add3A_872 = arith.addi %mul3A_806, %add3A_871 : i32
        %get3A_873 = arith.constant 6 : i32
        %get3A_874 = arith.index_cast %get3A_873 : i32 to index
        %get3A_875 = arith.index_cast %add3A_872 : i32 to index
        %get3A_876 = tpu.vector_load %arg12[%get3A_874, %get3A_875] {strides = array<i32>} : memref<16x1024xf32, #tpu.memory_space<vmem>>, vector<16xf32>,
        %get3A_877 = arith.constant 6 : i32
        %get3A_878 = arith.index_cast %get3A_877 : i32 to index
        %get3A_879 = arith.index_cast %add3A_872 : i32 to index
        %get3A_880 = tpu.vector_load %arg14[%get3A_878, %get3A_879] {strides = array<i32>} : memref<16x1024xf32, #tpu.memory_space<vmem>>, vector<16xf32>,
        %sub3A_881 = arith.subf %get3A_876, %get3A_880 : vector<16xf32>
        %mul3A_882 = arith.mulf %sub3A_881, %sub3A_881 : vector<16xf32>
        %add3A_883 = arith.addf %add3A_831, %mul3A_882 : vector<16xf32>
        %add3A_884 = arith.constant 96 : i32
        %add3A_885 = arith.addi %mul3A_806, %add3A_884 : i32
        %get3A_886 = arith.constant 6 : i32
        %get3A_887 = arith.index_cast %get3A_886 : i32 to index
        %get3A_888 = arith.index_cast %add3A_885 : i32 to index
        %get3A_889 = tpu.vector_load %arg12[%get3A_887, %get3A_888] {strides = array<i32>} : memref<16x1024xf32, #tpu.memory_space<vmem>>, vector<16xf32>,
        %get3A_890 = arith.constant 6 : i32
        %get3A_891 = arith.index_cast %get3A_890 : i32 to index
        %get3A_892 = arith.index_cast %add3A_885 : i32 to index
        %get3A_893 = tpu.vector_load %arg14[%get3A_891, %get3A_892] {strides = array<i32>} : memref<16x1024xf32, #tpu.memory_space<vmem>>, vector<16xf32>,
        %sub3A_894 = arith.subf %get3A_889, %get3A_893 : vector<16xf32>
        %mul3A_895 = arith.mulf %sub3A_894, %sub3A_894 : vector<16xf32>
        %add3A_896 = arith.addf %add3A_844, %mul3A_895 : vector<16xf32>
        %add3A_897 = arith.constant 112 : i32
        %add3A_898 = arith.addi %mul3A_806, %add3A_897 : i32
        %get3A_899 = arith.constant 6 : i32
        %get3A_900 = arith.index_cast %get3A_899 : i32 to index
        %get3A_901 = arith.index_cast %add3A_898 : i32 to index
        %get3A_902 = tpu.vector_load %arg12[%get3A_900, %get3A_901] {strides = array<i32>} : memref<16x1024xf32, #tpu.memory_space<vmem>>, vector<16xf32>,
        %get3A_903 = arith.constant 6 : i32
        %get3A_904 = arith.index_cast %get3A_903 : i32 to index
        %get3A_905 = arith.index_cast %add3A_898 : i32 to index
        %get3A_906 = tpu.vector_load %arg14[%get3A_904, %get3A_905] {strides = array<i32>} : memref<16x1024xf32, #tpu.memory_space<vmem>>, vector<16xf32>,
        %sub3A_907 = arith.subf %get3A_902, %get3A_906 : vector<16xf32>
        %mul3A_908 = arith.mulf %sub3A_907, %sub3A_907 : vector<16xf32>
        %add3A_909 = arith.addf %add3A_857, %mul3A_908 : vector<16xf32>
        scf.yield %add3A_870, %add3A_883, %add3A_896, %add3A_909 : vector<16xf32>, vector<16xf32>, vector<16xf32>, vector<16xf32>
      }
      %scan3A_581 = arith.constant 8 : i32
      %add3A_582 = arith.addf %scan3A_580#0, %scan3A_580#1 : vector<16xf32>
      %add3A_583 = arith.addf %scan3A_580#2, %scan3A_580#3 : vector<16xf32>
      %add3A_584 = arith.addf %add3A_582, %add3A_583 : vector<16xf32>
      %broadcast_in_dim3A_585 = arith.constant 6 : i32
      %broadcast_in_dim3A_586 = vector.broadcast %broadcast_in_dim3A_585 : i32 to vector<16xi32>
      %gather3A_587 = tpu.vector_load_idx %arg9[%broadcast_in_dim3A_586] : memref<16xf32, #tpu.memory_space<vmem>>[vector<16xi32>], vector<16xf32>,
      %mul3A_588 = arith.mulf %add3A_584, %gather3A_587 : vector<16xf32>
      %add3A_589 = arith.addf %add3A_567, %mul3A_588 : vector<16xf32>
      %broadcast_in_dim3A_590 = arith.constant 0.000000e+00 : f32
      %broadcast_in_dim3A_591 = vector.broadcast %broadcast_in_dim3A_590 : f32 to vector<16xf32>
      %broadcast_in_dim3A_592 = arith.constant 0.000000e+00 : f32
      %broadcast_in_dim3A_593 = vector.broadcast %broadcast_in_dim3A_592 : f32 to vector<16xf32>
      %broadcast_in_dim3A_594 = arith.constant 0.000000e+00 : f32
      %broadcast_in_dim3A_595 = vector.broadcast %broadcast_in_dim3A_594 : f32 to vector<16xf32>
      %broadcast_in_dim3A_596 = arith.constant 0.000000e+00 : f32
      %broadcast_in_dim3A_597 = vector.broadcast %broadcast_in_dim3A_596 : f32 to vector<16xf32>
      %scan3A_598 = arith.constant 0 : i32
      %scan3A_599 = arith.constant 8 : i32
      %scan3A_600 = arith.addi %scan3A_598, %scan3A_599 : i32
      %scan3A_601 = arith.constant 1 : i32
      %scan3A_602:4 = scf.for %scan3A_800 = %scan3A_598 to %scan3A_600 step %scan3A_601 iter_args(%scan3A_801 = %broadcast_in_dim3A_591, %scan3A_802 = %broadcast_in_dim3A_593, %scan3A_803 = %broadcast_in_dim3A_595, %scan3A_804 = %broadcast_in_dim3A_597) -> (vector<16xf32>, vector<16xf32>, vector<16xf32>, vector<16xf32>)  : i32 {
        %mul3A_805 = arith.constant 128 : i32
        %mul3A_806 = arith.muli %scan3A_800, %mul3A_805 : i32
        %add3A_807 = arith.constant 0 : i32
        %add3A_808 = arith.addi %mul3A_806, %add3A_807 : i32
        %get3A_809 = arith.constant 7 : i32
        %get3A_810 = arith.index_cast %get3A_809 : i32 to index
        %get3A_811 = arith.index_cast %add3A_808 : i32 to index
        %get3A_812 = tpu.vector_load %arg12[%get3A_810, %get3A_811] {strides = array<i32>} : memref<16x1024xf32, #tpu.memory_space<vmem>>, vector<16xf32>,
        %get3A_813 = arith.constant 7 : i32
        %get3A_814 = arith.index_cast %get3A_813 : i32 to index
        %get3A_815 = arith.index_cast %add3A_808 : i32 to index
        %get3A_816 = tpu.vector_load %arg14[%get3A_814, %get3A_815] {strides = array<i32>} : memref<16x1024xf32, #tpu.memory_space<vmem>>, vector<16xf32>,
        %sub3A = arith.subf %get3A_812, %get3A_816 : vector<16xf32>
        %mul3A_817 = arith.mulf %sub3A, %sub3A : vector<16xf32>
        %add3A_818 = arith.addf %scan3A_801, %mul3A_817 : vector<16xf32>
        %add3A_819 = arith.constant 16 : i32
        %add3A_820 = arith.addi %mul3A_806, %add3A_819 : i32
        %get3A_821 = arith.constant 7 : i32
        %get3A_822 = arith.index_cast %get3A_821 : i32 to index
        %get3A_823 = arith.index_cast %add3A_820 : i32 to index
        %get3A_824 = tpu.vector_load %arg12[%get3A_822, %get3A_823] {strides = array<i32>} : memref<16x1024xf32, #tpu.memory_space<vmem>>, vector<16xf32>,
        %get3A_825 = arith.constant 7 : i32
        %get3A_826 = arith.index_cast %get3A_825 : i32 to index
        %get3A_827 = arith.index_cast %add3A_820 : i32 to index
        %get3A_828 = tpu.vector_load %arg14[%get3A_826, %get3A_827] {strides = array<i32>} : memref<16x1024xf32, #tpu.memory_space<vmem>>, vector<16xf32>,
        %sub3A_829 = arith.subf %get3A_824, %get3A_828 : vector<16xf32>
        %mul3A_830 = arith.mulf %sub3A_829, %sub3A_829 : vector<16xf32>
        %add3A_831 = arith.addf %scan3A_802, %mul3A_830 : vector<16xf32>
        %add3A_832 = arith.constant 32 : i32
        %add3A_833 = arith.addi %mul3A_806, %add3A_832 : i32
        %get3A_834 = arith.constant 7 : i32
        %get3A_835 = arith.index_cast %get3A_834 : i32 to index
        %get3A_836 = arith.index_cast %add3A_833 : i32 to index
        %get3A_837 = tpu.vector_load %arg12[%get3A_835, %get3A_836] {strides = array<i32>} : memref<16x1024xf32, #tpu.memory_space<vmem>>, vector<16xf32>,
        %get3A_838 = arith.constant 7 : i32
        %get3A_839 = arith.index_cast %get3A_838 : i32 to index
        %get3A_840 = arith.index_cast %add3A_833 : i32 to index
        %get3A_841 = tpu.vector_load %arg14[%get3A_839, %get3A_840] {strides = array<i32>} : memref<16x1024xf32, #tpu.memory_space<vmem>>, vector<16xf32>,
        %sub3A_842 = arith.subf %get3A_837, %get3A_841 : vector<16xf32>
        %mul3A_843 = arith.mulf %sub3A_842, %sub3A_842 : vector<16xf32>
        %add3A_844 = arith.addf %scan3A_803, %mul3A_843 : vector<16xf32>
        %add3A_845 = arith.constant 48 : i32
        %add3A_846 = arith.addi %mul3A_806, %add3A_845 : i32
        %get3A_847 = arith.constant 7 : i32
        %get3A_848 = arith.index_cast %get3A_847 : i32 to index
        %get3A_849 = arith.index_cast %add3A_846 : i32 to index
        %get3A_850 = tpu.vector_load %arg12[%get3A_848, %get3A_849] {strides = array<i32>} : memref<16x1024xf32, #tpu.memory_space<vmem>>, vector<16xf32>,
        %get3A_851 = arith.constant 7 : i32
        %get3A_852 = arith.index_cast %get3A_851 : i32 to index
        %get3A_853 = arith.index_cast %add3A_846 : i32 to index
        %get3A_854 = tpu.vector_load %arg14[%get3A_852, %get3A_853] {strides = array<i32>} : memref<16x1024xf32, #tpu.memory_space<vmem>>, vector<16xf32>,
        %sub3A_855 = arith.subf %get3A_850, %get3A_854 : vector<16xf32>
        %mul3A_856 = arith.mulf %sub3A_855, %sub3A_855 : vector<16xf32>
        %add3A_857 = arith.addf %scan3A_804, %mul3A_856 : vector<16xf32>
        %add3A_858 = arith.constant 64 : i32
        %add3A_859 = arith.addi %mul3A_806, %add3A_858 : i32
        %get3A_860 = arith.constant 7 : i32
        %get3A_861 = arith.index_cast %get3A_860 : i32 to index
        %get3A_862 = arith.index_cast %add3A_859 : i32 to index
        %get3A_863 = tpu.vector_load %arg12[%get3A_861, %get3A_862] {strides = array<i32>} : memref<16x1024xf32, #tpu.memory_space<vmem>>, vector<16xf32>,
        %get3A_864 = arith.constant 7 : i32
        %get3A_865 = arith.index_cast %get3A_864 : i32 to index
        %get3A_866 = arith.index_cast %add3A_859 : i32 to index
        %get3A_867 = tpu.vector_load %arg14[%get3A_865, %get3A_866] {strides = array<i32>} : memref<16x1024xf32, #tpu.memory_space<vmem>>, vector<16xf32>,
        %sub3A_868 = arith.subf %get3A_863, %get3A_867 : vector<16xf32>
        %mul3A_869 = arith.mulf %sub3A_868, %sub3A_868 : vector<16xf32>
        %add3A_870 = arith.addf %add3A_818, %mul3A_869 : vector<16xf32>
        %add3A_871 = arith.constant 80 : i32
        %add3A_872 = arith.addi %mul3A_806, %add3A_871 : i32
        %get3A_873 = arith.constant 7 : i32
        %get3A_874 = arith.index_cast %get3A_873 : i32 to index
        %get3A_875 = arith.index_cast %add3A_872 : i32 to index
        %get3A_876 = tpu.vector_load %arg12[%get3A_874, %get3A_875] {strides = array<i32>} : memref<16x1024xf32, #tpu.memory_space<vmem>>, vector<16xf32>,
        %get3A_877 = arith.constant 7 : i32
        %get3A_878 = arith.index_cast %get3A_877 : i32 to index
        %get3A_879 = arith.index_cast %add3A_872 : i32 to index
        %get3A_880 = tpu.vector_load %arg14[%get3A_878, %get3A_879] {strides = array<i32>} : memref<16x1024xf32, #tpu.memory_space<vmem>>, vector<16xf32>,
        %sub3A_881 = arith.subf %get3A_876, %get3A_880 : vector<16xf32>
        %mul3A_882 = arith.mulf %sub3A_881, %sub3A_881 : vector<16xf32>
        %add3A_883 = arith.addf %add3A_831, %mul3A_882 : vector<16xf32>
        %add3A_884 = arith.constant 96 : i32
        %add3A_885 = arith.addi %mul3A_806, %add3A_884 : i32
        %get3A_886 = arith.constant 7 : i32
        %get3A_887 = arith.index_cast %get3A_886 : i32 to index
        %get3A_888 = arith.index_cast %add3A_885 : i32 to index
        %get3A_889 = tpu.vector_load %arg12[%get3A_887, %get3A_888] {strides = array<i32>} : memref<16x1024xf32, #tpu.memory_space<vmem>>, vector<16xf32>,
        %get3A_890 = arith.constant 7 : i32
        %get3A_891 = arith.index_cast %get3A_890 : i32 to index
        %get3A_892 = arith.index_cast %add3A_885 : i32 to index
        %get3A_893 = tpu.vector_load %arg14[%get3A_891, %get3A_892] {strides = array<i32>} : memref<16x1024xf32, #tpu.memory_space<vmem>>, vector<16xf32>,
        %sub3A_894 = arith.subf %get3A_889, %get3A_893 : vector<16xf32>
        %mul3A_895 = arith.mulf %sub3A_894, %sub3A_894 : vector<16xf32>
        %add3A_896 = arith.addf %add3A_844, %mul3A_895 : vector<16xf32>
        %add3A_897 = arith.constant 112 : i32
        %add3A_898 = arith.addi %mul3A_806, %add3A_897 : i32
        %get3A_899 = arith.constant 7 : i32
        %get3A_900 = arith.index_cast %get3A_899 : i32 to index
        %get3A_901 = arith.index_cast %add3A_898 : i32 to index
        %get3A_902 = tpu.vector_load %arg12[%get3A_900, %get3A_901] {strides = array<i32>} : memref<16x1024xf32, #tpu.memory_space<vmem>>, vector<16xf32>,
        %get3A_903 = arith.constant 7 : i32
        %get3A_904 = arith.index_cast %get3A_903 : i32 to index
        %get3A_905 = arith.index_cast %add3A_898 : i32 to index
        %get3A_906 = tpu.vector_load %arg14[%get3A_904, %get3A_905] {strides = array<i32>} : memref<16x1024xf32, #tpu.memory_space<vmem>>, vector<16xf32>,
        %sub3A_907 = arith.subf %get3A_902, %get3A_906 : vector<16xf32>
        %mul3A_908 = arith.mulf %sub3A_907, %sub3A_907 : vector<16xf32>
        %add3A_909 = arith.addf %add3A_857, %mul3A_908 : vector<16xf32>
        scf.yield %add3A_870, %add3A_883, %add3A_896, %add3A_909 : vector<16xf32>, vector<16xf32>, vector<16xf32>, vector<16xf32>
      }
      %scan3A_603 = arith.constant 8 : i32
      %add3A_604 = arith.addf %scan3A_602#0, %scan3A_602#1 : vector<16xf32>
      %add3A_605 = arith.addf %scan3A_602#2, %scan3A_602#3 : vector<16xf32>
      %add3A_606 = arith.addf %add3A_604, %add3A_605 : vector<16xf32>
      %broadcast_in_dim3A_607 = arith.constant 7 : i32
      %broadcast_in_dim3A_608 = vector.broadcast %broadcast_in_dim3A_607 : i32 to vector<16xi32>
      %gather3A_609 = tpu.vector_load_idx %arg9[%broadcast_in_dim3A_608] : memref<16xf32, #tpu.memory_space<vmem>>[vector<16xi32>], vector<16xf32>,
      %mul3A_610 = arith.mulf %add3A_606, %gather3A_609 : vector<16xf32>
      %add3A_611 = arith.addf %add3A_589, %mul3A_610 : vector<16xf32>
      %broadcast_in_dim3A_612 = arith.constant 0.000000e+00 : f32
      %broadcast_in_dim3A_613 = vector.broadcast %broadcast_in_dim3A_612 : f32 to vector<16xf32>
      %broadcast_in_dim3A_614 = arith.constant 0.000000e+00 : f32
      %broadcast_in_dim3A_615 = vector.broadcast %broadcast_in_dim3A_614 : f32 to vector<16xf32>
      %broadcast_in_dim3A_616 = arith.constant 0.000000e+00 : f32
      %broadcast_in_dim3A_617 = vector.broadcast %broadcast_in_dim3A_616 : f32 to vector<16xf32>
      %broadcast_in_dim3A_618 = arith.constant 0.000000e+00 : f32
      %broadcast_in_dim3A_619 = vector.broadcast %broadcast_in_dim3A_618 : f32 to vector<16xf32>
      %scan3A_620 = arith.constant 0 : i32
      %scan3A_621 = arith.constant 8 : i32
      %scan3A_622 = arith.addi %scan3A_620, %scan3A_621 : i32
      %scan3A_623 = arith.constant 1 : i32
      %scan3A_624:4 = scf.for %scan3A_800 = %scan3A_620 to %scan3A_622 step %scan3A_623 iter_args(%scan3A_801 = %broadcast_in_dim3A_613, %scan3A_802 = %broadcast_in_dim3A_615, %scan3A_803 = %broadcast_in_dim3A_617, %scan3A_804 = %broadcast_in_dim3A_619) -> (vector<16xf32>, vector<16xf32>, vector<16xf32>, vector<16xf32>)  : i32 {
        %mul3A_805 = arith.constant 128 : i32
        %mul3A_806 = arith.muli %scan3A_800, %mul3A_805 : i32
        %add3A_807 = arith.constant 0 : i32
        %add3A_808 = arith.addi %mul3A_806, %add3A_807 : i32
        %get3A_809 = arith.constant 8 : i32
        %get3A_810 = arith.index_cast %get3A_809 : i32 to index
        %get3A_811 = arith.index_cast %add3A_808 : i32 to index
        %get3A_812 = tpu.vector_load %arg12[%get3A_810, %get3A_811] {strides = array<i32>} : memref<16x1024xf32, #tpu.memory_space<vmem>>, vector<16xf32>,
        %get3A_813 = arith.constant 8 : i32
        %get3A_814 = arith.index_cast %get3A_813 : i32 to index
        %get3A_815 = arith.index_cast %add3A_808 : i32 to index
        %get3A_816 = tpu.vector_load %arg14[%get3A_814, %get3A_815] {strides = array<i32>} : memref<16x1024xf32, #tpu.memory_space<vmem>>, vector<16xf32>,
        %sub3A = arith.subf %get3A_812, %get3A_816 : vector<16xf32>
        %mul3A_817 = arith.mulf %sub3A, %sub3A : vector<16xf32>
        %add3A_818 = arith.addf %scan3A_801, %mul3A_817 : vector<16xf32>
        %add3A_819 = arith.constant 16 : i32
        %add3A_820 = arith.addi %mul3A_806, %add3A_819 : i32
        %get3A_821 = arith.constant 8 : i32
        %get3A_822 = arith.index_cast %get3A_821 : i32 to index
        %get3A_823 = arith.index_cast %add3A_820 : i32 to index
        %get3A_824 = tpu.vector_load %arg12[%get3A_822, %get3A_823] {strides = array<i32>} : memref<16x1024xf32, #tpu.memory_space<vmem>>, vector<16xf32>,
        %get3A_825 = arith.constant 8 : i32
        %get3A_826 = arith.index_cast %get3A_825 : i32 to index
        %get3A_827 = arith.index_cast %add3A_820 : i32 to index
        %get3A_828 = tpu.vector_load %arg14[%get3A_826, %get3A_827] {strides = array<i32>} : memref<16x1024xf32, #tpu.memory_space<vmem>>, vector<16xf32>,
        %sub3A_829 = arith.subf %get3A_824, %get3A_828 : vector<16xf32>
        %mul3A_830 = arith.mulf %sub3A_829, %sub3A_829 : vector<16xf32>
        %add3A_831 = arith.addf %scan3A_802, %mul3A_830 : vector<16xf32>
        %add3A_832 = arith.constant 32 : i32
        %add3A_833 = arith.addi %mul3A_806, %add3A_832 : i32
        %get3A_834 = arith.constant 8 : i32
        %get3A_835 = arith.index_cast %get3A_834 : i32 to index
        %get3A_836 = arith.index_cast %add3A_833 : i32 to index
        %get3A_837 = tpu.vector_load %arg12[%get3A_835, %get3A_836] {strides = array<i32>} : memref<16x1024xf32, #tpu.memory_space<vmem>>, vector<16xf32>,
        %get3A_838 = arith.constant 8 : i32
        %get3A_839 = arith.index_cast %get3A_838 : i32 to index
        %get3A_840 = arith.index_cast %add3A_833 : i32 to index
        %get3A_841 = tpu.vector_load %arg14[%get3A_839, %get3A_840] {strides = array<i32>} : memref<16x1024xf32, #tpu.memory_space<vmem>>, vector<16xf32>,
        %sub3A_842 = arith.subf %get3A_837, %get3A_841 : vector<16xf32>
        %mul3A_843 = arith.mulf %sub3A_842, %sub3A_842 : vector<16xf32>
        %add3A_844 = arith.addf %scan3A_803, %mul3A_843 : vector<16xf32>
        %add3A_845 = arith.constant 48 : i32
        %add3A_846 = arith.addi %mul3A_806, %add3A_845 : i32
        %get3A_847 = arith.constant 8 : i32
        %get3A_848 = arith.index_cast %get3A_847 : i32 to index
        %get3A_849 = arith.index_cast %add3A_846 : i32 to index
        %get3A_850 = tpu.vector_load %arg12[%get3A_848, %get3A_849] {strides = array<i32>} : memref<16x1024xf32, #tpu.memory_space<vmem>>, vector<16xf32>,
        %get3A_851 = arith.constant 8 : i32
        %get3A_852 = arith.index_cast %get3A_851 : i32 to index
        %get3A_853 = arith.index_cast %add3A_846 : i32 to index
        %get3A_854 = tpu.vector_load %arg14[%get3A_852, %get3A_853] {strides = array<i32>} : memref<16x1024xf32, #tpu.memory_space<vmem>>, vector<16xf32>,
        %sub3A_855 = arith.subf %get3A_850, %get3A_854 : vector<16xf32>
        %mul3A_856 = arith.mulf %sub3A_855, %sub3A_855 : vector<16xf32>
        %add3A_857 = arith.addf %scan3A_804, %mul3A_856 : vector<16xf32>
        %add3A_858 = arith.constant 64 : i32
        %add3A_859 = arith.addi %mul3A_806, %add3A_858 : i32
        %get3A_860 = arith.constant 8 : i32
        %get3A_861 = arith.index_cast %get3A_860 : i32 to index
        %get3A_862 = arith.index_cast %add3A_859 : i32 to index
        %get3A_863 = tpu.vector_load %arg12[%get3A_861, %get3A_862] {strides = array<i32>} : memref<16x1024xf32, #tpu.memory_space<vmem>>, vector<16xf32>,
        %get3A_864 = arith.constant 8 : i32
        %get3A_865 = arith.index_cast %get3A_864 : i32 to index
        %get3A_866 = arith.index_cast %add3A_859 : i32 to index
        %get3A_867 = tpu.vector_load %arg14[%get3A_865, %get3A_866] {strides = array<i32>} : memref<16x1024xf32, #tpu.memory_space<vmem>>, vector<16xf32>,
        %sub3A_868 = arith.subf %get3A_863, %get3A_867 : vector<16xf32>
        %mul3A_869 = arith.mulf %sub3A_868, %sub3A_868 : vector<16xf32>
        %add3A_870 = arith.addf %add3A_818, %mul3A_869 : vector<16xf32>
        %add3A_871 = arith.constant 80 : i32
        %add3A_872 = arith.addi %mul3A_806, %add3A_871 : i32
        %get3A_873 = arith.constant 8 : i32
        %get3A_874 = arith.index_cast %get3A_873 : i32 to index
        %get3A_875 = arith.index_cast %add3A_872 : i32 to index
        %get3A_876 = tpu.vector_load %arg12[%get3A_874, %get3A_875] {strides = array<i32>} : memref<16x1024xf32, #tpu.memory_space<vmem>>, vector<16xf32>,
        %get3A_877 = arith.constant 8 : i32
        %get3A_878 = arith.index_cast %get3A_877 : i32 to index
        %get3A_879 = arith.index_cast %add3A_872 : i32 to index
        %get3A_880 = tpu.vector_load %arg14[%get3A_878, %get3A_879] {strides = array<i32>} : memref<16x1024xf32, #tpu.memory_space<vmem>>, vector<16xf32>,
        %sub3A_881 = arith.subf %get3A_876, %get3A_880 : vector<16xf32>
        %mul3A_882 = arith.mulf %sub3A_881, %sub3A_881 : vector<16xf32>
        %add3A_883 = arith.addf %add3A_831, %mul3A_882 : vector<16xf32>
        %add3A_884 = arith.constant 96 : i32
        %add3A_885 = arith.addi %mul3A_806, %add3A_884 : i32
        %get3A_886 = arith.constant 8 : i32
        %get3A_887 = arith.index_cast %get3A_886 : i32 to index
        %get3A_888 = arith.index_cast %add3A_885 : i32 to index
        %get3A_889 = tpu.vector_load %arg12[%get3A_887, %get3A_888] {strides = array<i32>} : memref<16x1024xf32, #tpu.memory_space<vmem>>, vector<16xf32>,
        %get3A_890 = arith.constant 8 : i32
        %get3A_891 = arith.index_cast %get3A_890 : i32 to index
        %get3A_892 = arith.index_cast %add3A_885 : i32 to index
        %get3A_893 = tpu.vector_load %arg14[%get3A_891, %get3A_892] {strides = array<i32>} : memref<16x1024xf32, #tpu.memory_space<vmem>>, vector<16xf32>,
        %sub3A_894 = arith.subf %get3A_889, %get3A_893 : vector<16xf32>
        %mul3A_895 = arith.mulf %sub3A_894, %sub3A_894 : vector<16xf32>
        %add3A_896 = arith.addf %add3A_844, %mul3A_895 : vector<16xf32>
        %add3A_897 = arith.constant 112 : i32
        %add3A_898 = arith.addi %mul3A_806, %add3A_897 : i32
        %get3A_899 = arith.constant 8 : i32
        %get3A_900 = arith.index_cast %get3A_899 : i32 to index
        %get3A_901 = arith.index_cast %add3A_898 : i32 to index
        %get3A_902 = tpu.vector_load %arg12[%get3A_900, %get3A_901] {strides = array<i32>} : memref<16x1024xf32, #tpu.memory_space<vmem>>, vector<16xf32>,
        %get3A_903 = arith.constant 8 : i32
        %get3A_904 = arith.index_cast %get3A_903 : i32 to index
        %get3A_905 = arith.index_cast %add3A_898 : i32 to index
        %get3A_906 = tpu.vector_load %arg14[%get3A_904, %get3A_905] {strides = array<i32>} : memref<16x1024xf32, #tpu.memory_space<vmem>>, vector<16xf32>,
        %sub3A_907 = arith.subf %get3A_902, %get3A_906 : vector<16xf32>
        %mul3A_908 = arith.mulf %sub3A_907, %sub3A_907 : vector<16xf32>
        %add3A_909 = arith.addf %add3A_857, %mul3A_908 : vector<16xf32>
        scf.yield %add3A_870, %add3A_883, %add3A_896, %add3A_909 : vector<16xf32>, vector<16xf32>, vector<16xf32>, vector<16xf32>
      }
      %scan3A_625 = arith.constant 8 : i32
      %add3A_626 = arith.addf %scan3A_624#0, %scan3A_624#1 : vector<16xf32>
      %add3A_627 = arith.addf %scan3A_624#2, %scan3A_624#3 : vector<16xf32>
      %add3A_628 = arith.addf %add3A_626, %add3A_627 : vector<16xf32>
      %broadcast_in_dim3A_629 = arith.constant 8 : i32
      %broadcast_in_dim3A_630 = vector.broadcast %broadcast_in_dim3A_629 : i32 to vector<16xi32>
      %gather3A_631 = tpu.vector_load_idx %arg9[%broadcast_in_dim3A_630] : memref<16xf32, #tpu.memory_space<vmem>>[vector<16xi32>], vector<16xf32>,
      %mul3A_632 = arith.mulf %add3A_628, %gather3A_631 : vector<16xf32>
      %add3A_633 = arith.addf %add3A_611, %mul3A_632 : vector<16xf32>
      %broadcast_in_dim3A_634 = arith.constant 0.000000e+00 : f32
      %broadcast_in_dim3A_635 = vector.broadcast %broadcast_in_dim3A_634 : f32 to vector<16xf32>
      %broadcast_in_dim3A_636 = arith.constant 0.000000e+00 : f32
      %broadcast_in_dim3A_637 = vector.broadcast %broadcast_in_dim3A_636 : f32 to vector<16xf32>
      %broadcast_in_dim3A_638 = arith.constant 0.000000e+00 : f32
      %broadcast_in_dim3A_639 = vector.broadcast %broadcast_in_dim3A_638 : f32 to vector<16xf32>
      %broadcast_in_dim3A_640 = arith.constant 0.000000e+00 : f32
      %broadcast_in_dim3A_641 = vector.broadcast %broadcast_in_dim3A_640 : f32 to vector<16xf32>
      %scan3A_642 = arith.constant 0 : i32
      %scan3A_643 = arith.constant 8 : i32
      %scan3A_644 = arith.addi %scan3A_642, %scan3A_643 : i32
      %scan3A_645 = arith.constant 1 : i32
      %scan3A_646:4 = scf.for %scan3A_800 = %scan3A_642 to %scan3A_644 step %scan3A_645 iter_args(%scan3A_801 = %broadcast_in_dim3A_635, %scan3A_802 = %broadcast_in_dim3A_637, %scan3A_803 = %broadcast_in_dim3A_639, %scan3A_804 = %broadcast_in_dim3A_641) -> (vector<16xf32>, vector<16xf32>, vector<16xf32>, vector<16xf32>)  : i32 {
        %mul3A_805 = arith.constant 128 : i32
        %mul3A_806 = arith.muli %scan3A_800, %mul3A_805 : i32
        %add3A_807 = arith.constant 0 : i32
        %add3A_808 = arith.addi %mul3A_806, %add3A_807 : i32
        %get3A_809 = arith.constant 9 : i32
        %get3A_810 = arith.index_cast %get3A_809 : i32 to index
        %get3A_811 = arith.index_cast %add3A_808 : i32 to index
        %get3A_812 = tpu.vector_load %arg12[%get3A_810, %get3A_811] {strides = array<i32>} : memref<16x1024xf32, #tpu.memory_space<vmem>>, vector<16xf32>,
        %get3A_813 = arith.constant 9 : i32
        %get3A_814 = arith.index_cast %get3A_813 : i32 to index
        %get3A_815 = arith.index_cast %add3A_808 : i32 to index
        %get3A_816 = tpu.vector_load %arg14[%get3A_814, %get3A_815] {strides = array<i32>} : memref<16x1024xf32, #tpu.memory_space<vmem>>, vector<16xf32>,
        %sub3A = arith.subf %get3A_812, %get3A_816 : vector<16xf32>
        %mul3A_817 = arith.mulf %sub3A, %sub3A : vector<16xf32>
        %add3A_818 = arith.addf %scan3A_801, %mul3A_817 : vector<16xf32>
        %add3A_819 = arith.constant 16 : i32
        %add3A_820 = arith.addi %mul3A_806, %add3A_819 : i32
        %get3A_821 = arith.constant 9 : i32
        %get3A_822 = arith.index_cast %get3A_821 : i32 to index
        %get3A_823 = arith.index_cast %add3A_820 : i32 to index
        %get3A_824 = tpu.vector_load %arg12[%get3A_822, %get3A_823] {strides = array<i32>} : memref<16x1024xf32, #tpu.memory_space<vmem>>, vector<16xf32>,
        %get3A_825 = arith.constant 9 : i32
        %get3A_826 = arith.index_cast %get3A_825 : i32 to index
        %get3A_827 = arith.index_cast %add3A_820 : i32 to index
        %get3A_828 = tpu.vector_load %arg14[%get3A_826, %get3A_827] {strides = array<i32>} : memref<16x1024xf32, #tpu.memory_space<vmem>>, vector<16xf32>,
        %sub3A_829 = arith.subf %get3A_824, %get3A_828 : vector<16xf32>
        %mul3A_830 = arith.mulf %sub3A_829, %sub3A_829 : vector<16xf32>
        %add3A_831 = arith.addf %scan3A_802, %mul3A_830 : vector<16xf32>
        %add3A_832 = arith.constant 32 : i32
        %add3A_833 = arith.addi %mul3A_806, %add3A_832 : i32
        %get3A_834 = arith.constant 9 : i32
        %get3A_835 = arith.index_cast %get3A_834 : i32 to index
        %get3A_836 = arith.index_cast %add3A_833 : i32 to index
        %get3A_837 = tpu.vector_load %arg12[%get3A_835, %get3A_836] {strides = array<i32>} : memref<16x1024xf32, #tpu.memory_space<vmem>>, vector<16xf32>,
        %get3A_838 = arith.constant 9 : i32
        %get3A_839 = arith.index_cast %get3A_838 : i32 to index
        %get3A_840 = arith.index_cast %add3A_833 : i32 to index
        %get3A_841 = tpu.vector_load %arg14[%get3A_839, %get3A_840] {strides = array<i32>} : memref<16x1024xf32, #tpu.memory_space<vmem>>, vector<16xf32>,
        %sub3A_842 = arith.subf %get3A_837, %get3A_841 : vector<16xf32>
        %mul3A_843 = arith.mulf %sub3A_842, %sub3A_842 : vector<16xf32>
        %add3A_844 = arith.addf %scan3A_803, %mul3A_843 : vector<16xf32>
        %add3A_845 = arith.constant 48 : i32
        %add3A_846 = arith.addi %mul3A_806, %add3A_845 : i32
        %get3A_847 = arith.constant 9 : i32
        %get3A_848 = arith.index_cast %get3A_847 : i32 to index
        %get3A_849 = arith.index_cast %add3A_846 : i32 to index
        %get3A_850 = tpu.vector_load %arg12[%get3A_848, %get3A_849] {strides = array<i32>} : memref<16x1024xf32, #tpu.memory_space<vmem>>, vector<16xf32>,
        %get3A_851 = arith.constant 9 : i32
        %get3A_852 = arith.index_cast %get3A_851 : i32 to index
        %get3A_853 = arith.index_cast %add3A_846 : i32 to index
        %get3A_854 = tpu.vector_load %arg14[%get3A_852, %get3A_853] {strides = array<i32>} : memref<16x1024xf32, #tpu.memory_space<vmem>>, vector<16xf32>,
        %sub3A_855 = arith.subf %get3A_850, %get3A_854 : vector<16xf32>
        %mul3A_856 = arith.mulf %sub3A_855, %sub3A_855 : vector<16xf32>
        %add3A_857 = arith.addf %scan3A_804, %mul3A_856 : vector<16xf32>
        %add3A_858 = arith.constant 64 : i32
        %add3A_859 = arith.addi %mul3A_806, %add3A_858 : i32
        %get3A_860 = arith.constant 9 : i32
        %get3A_861 = arith.index_cast %get3A_860 : i32 to index
        %get3A_862 = arith.index_cast %add3A_859 : i32 to index
        %get3A_863 = tpu.vector_load %arg12[%get3A_861, %get3A_862] {strides = array<i32>} : memref<16x1024xf32, #tpu.memory_space<vmem>>, vector<16xf32>,
        %get3A_864 = arith.constant 9 : i32
        %get3A_865 = arith.index_cast %get3A_864 : i32 to index
        %get3A_866 = arith.index_cast %add3A_859 : i32 to index
        %get3A_867 = tpu.vector_load %arg14[%get3A_865, %get3A_866] {strides = array<i32>} : memref<16x1024xf32, #tpu.memory_space<vmem>>, vector<16xf32>,
        %sub3A_868 = arith.subf %get3A_863, %get3A_867 : vector<16xf32>
        %mul3A_869 = arith.mulf %sub3A_868, %sub3A_868 : vector<16xf32>
        %add3A_870 = arith.addf %add3A_818, %mul3A_869 : vector<16xf32>
        %add3A_871 = arith.constant 80 : i32
        %add3A_872 = arith.addi %mul3A_806, %add3A_871 : i32
        %get3A_873 = arith.constant 9 : i32
        %get3A_874 = arith.index_cast %get3A_873 : i32 to index
        %get3A_875 = arith.index_cast %add3A_872 : i32 to index
        %get3A_876 = tpu.vector_load %arg12[%get3A_874, %get3A_875] {strides = array<i32>} : memref<16x1024xf32, #tpu.memory_space<vmem>>, vector<16xf32>,
        %get3A_877 = arith.constant 9 : i32
        %get3A_878 = arith.index_cast %get3A_877 : i32 to index
        %get3A_879 = arith.index_cast %add3A_872 : i32 to index
        %get3A_880 = tpu.vector_load %arg14[%get3A_878, %get3A_879] {strides = array<i32>} : memref<16x1024xf32, #tpu.memory_space<vmem>>, vector<16xf32>,
        %sub3A_881 = arith.subf %get3A_876, %get3A_880 : vector<16xf32>
        %mul3A_882 = arith.mulf %sub3A_881, %sub3A_881 : vector<16xf32>
        %add3A_883 = arith.addf %add3A_831, %mul3A_882 : vector<16xf32>
        %add3A_884 = arith.constant 96 : i32
        %add3A_885 = arith.addi %mul3A_806, %add3A_884 : i32
        %get3A_886 = arith.constant 9 : i32
        %get3A_887 = arith.index_cast %get3A_886 : i32 to index
        %get3A_888 = arith.index_cast %add3A_885 : i32 to index
        %get3A_889 = tpu.vector_load %arg12[%get3A_887, %get3A_888] {strides = array<i32>} : memref<16x1024xf32, #tpu.memory_space<vmem>>, vector<16xf32>,
        %get3A_890 = arith.constant 9 : i32
        %get3A_891 = arith.index_cast %get3A_890 : i32 to index
        %get3A_892 = arith.index_cast %add3A_885 : i32 to index
        %get3A_893 = tpu.vector_load %arg14[%get3A_891, %get3A_892] {strides = array<i32>} : memref<16x1024xf32, #tpu.memory_space<vmem>>, vector<16xf32>,
        %sub3A_894 = arith.subf %get3A_889, %get3A_893 : vector<16xf32>
        %mul3A_895 = arith.mulf %sub3A_894, %sub3A_894 : vector<16xf32>
        %add3A_896 = arith.addf %add3A_844, %mul3A_895 : vector<16xf32>
        %add3A_897 = arith.constant 112 : i32
        %add3A_898 = arith.addi %mul3A_806, %add3A_897 : i32
        %get3A_899 = arith.constant 9 : i32
        %get3A_900 = arith.index_cast %get3A_899 : i32 to index
        %get3A_901 = arith.index_cast %add3A_898 : i32 to index
        %get3A_902 = tpu.vector_load %arg12[%get3A_900, %get3A_901] {strides = array<i32>} : memref<16x1024xf32, #tpu.memory_space<vmem>>, vector<16xf32>,
        %get3A_903 = arith.constant 9 : i32
        %get3A_904 = arith.index_cast %get3A_903 : i32 to index
        %get3A_905 = arith.index_cast %add3A_898 : i32 to index
        %get3A_906 = tpu.vector_load %arg14[%get3A_904, %get3A_905] {strides = array<i32>} : memref<16x1024xf32, #tpu.memory_space<vmem>>, vector<16xf32>,
        %sub3A_907 = arith.subf %get3A_902, %get3A_906 : vector<16xf32>
        %mul3A_908 = arith.mulf %sub3A_907, %sub3A_907 : vector<16xf32>
        %add3A_909 = arith.addf %add3A_857, %mul3A_908 : vector<16xf32>
        scf.yield %add3A_870, %add3A_883, %add3A_896, %add3A_909 : vector<16xf32>, vector<16xf32>, vector<16xf32>, vector<16xf32>
      }
      %scan3A_647 = arith.constant 8 : i32
      %add3A_648 = arith.addf %scan3A_646#0, %scan3A_646#1 : vector<16xf32>
      %add3A_649 = arith.addf %scan3A_646#2, %scan3A_646#3 : vector<16xf32>
      %add3A_650 = arith.addf %add3A_648, %add3A_649 : vector<16xf32>
      %broadcast_in_dim3A_651 = arith.constant 9 : i32
      %broadcast_in_dim3A_652 = vector.broadcast %broadcast_in_dim3A_651 : i32 to vector<16xi32>
      %gather3A_653 = tpu.vector_load_idx %arg9[%broadcast_in_dim3A_652] : memref<16xf32, #tpu.memory_space<vmem>>[vector<16xi32>], vector<16xf32>,
      %mul3A_654 = arith.mulf %add3A_650, %gather3A_653 : vector<16xf32>
      %add3A_655 = arith.addf %add3A_633, %mul3A_654 : vector<16xf32>
      %broadcast_in_dim3A_656 = arith.constant 0.000000e+00 : f32
      %broadcast_in_dim3A_657 = vector.broadcast %broadcast_in_dim3A_656 : f32 to vector<16xf32>
      %broadcast_in_dim3A_658 = arith.constant 0.000000e+00 : f32
      %broadcast_in_dim3A_659 = vector.broadcast %broadcast_in_dim3A_658 : f32 to vector<16xf32>
      %broadcast_in_dim3A_660 = arith.constant 0.000000e+00 : f32
      %broadcast_in_dim3A_661 = vector.broadcast %broadcast_in_dim3A_660 : f32 to vector<16xf32>
      %broadcast_in_dim3A_662 = arith.constant 0.000000e+00 : f32
      %broadcast_in_dim3A_663 = vector.broadcast %broadcast_in_dim3A_662 : f32 to vector<16xf32>
      %scan3A_664 = arith.constant 0 : i32
      %scan3A_665 = arith.constant 8 : i32
      %scan3A_666 = arith.addi %scan3A_664, %scan3A_665 : i32
      %scan3A_667 = arith.constant 1 : i32
      %scan3A_668:4 = scf.for %scan3A_800 = %scan3A_664 to %scan3A_666 step %scan3A_667 iter_args(%scan3A_801 = %broadcast_in_dim3A_657, %scan3A_802 = %broadcast_in_dim3A_659, %scan3A_803 = %broadcast_in_dim3A_661, %scan3A_804 = %broadcast_in_dim3A_663) -> (vector<16xf32>, vector<16xf32>, vector<16xf32>, vector<16xf32>)  : i32 {
        %mul3A_805 = arith.constant 128 : i32
        %mul3A_806 = arith.muli %scan3A_800, %mul3A_805 : i32
        %add3A_807 = arith.constant 0 : i32
        %add3A_808 = arith.addi %mul3A_806, %add3A_807 : i32
        %get3A_809 = arith.constant 10 : i32
        %get3A_810 = arith.index_cast %get3A_809 : i32 to index
        %get3A_811 = arith.index_cast %add3A_808 : i32 to index
        %get3A_812 = tpu.vector_load %arg12[%get3A_810, %get3A_811] {strides = array<i32>} : memref<16x1024xf32, #tpu.memory_space<vmem>>, vector<16xf32>,
        %get3A_813 = arith.constant 10 : i32
        %get3A_814 = arith.index_cast %get3A_813 : i32 to index
        %get3A_815 = arith.index_cast %add3A_808 : i32 to index
        %get3A_816 = tpu.vector_load %arg14[%get3A_814, %get3A_815] {strides = array<i32>} : memref<16x1024xf32, #tpu.memory_space<vmem>>, vector<16xf32>,
        %sub3A = arith.subf %get3A_812, %get3A_816 : vector<16xf32>
        %mul3A_817 = arith.mulf %sub3A, %sub3A : vector<16xf32>
        %add3A_818 = arith.addf %scan3A_801, %mul3A_817 : vector<16xf32>
        %add3A_819 = arith.constant 16 : i32
        %add3A_820 = arith.addi %mul3A_806, %add3A_819 : i32
        %get3A_821 = arith.constant 10 : i32
        %get3A_822 = arith.index_cast %get3A_821 : i32 to index
        %get3A_823 = arith.index_cast %add3A_820 : i32 to index
        %get3A_824 = tpu.vector_load %arg12[%get3A_822, %get3A_823] {strides = array<i32>} : memref<16x1024xf32, #tpu.memory_space<vmem>>, vector<16xf32>,
        %get3A_825 = arith.constant 10 : i32
        %get3A_826 = arith.index_cast %get3A_825 : i32 to index
        %get3A_827 = arith.index_cast %add3A_820 : i32 to index
        %get3A_828 = tpu.vector_load %arg14[%get3A_826, %get3A_827] {strides = array<i32>} : memref<16x1024xf32, #tpu.memory_space<vmem>>, vector<16xf32>,
        %sub3A_829 = arith.subf %get3A_824, %get3A_828 : vector<16xf32>
        %mul3A_830 = arith.mulf %sub3A_829, %sub3A_829 : vector<16xf32>
        %add3A_831 = arith.addf %scan3A_802, %mul3A_830 : vector<16xf32>
        %add3A_832 = arith.constant 32 : i32
        %add3A_833 = arith.addi %mul3A_806, %add3A_832 : i32
        %get3A_834 = arith.constant 10 : i32
        %get3A_835 = arith.index_cast %get3A_834 : i32 to index
        %get3A_836 = arith.index_cast %add3A_833 : i32 to index
        %get3A_837 = tpu.vector_load %arg12[%get3A_835, %get3A_836] {strides = array<i32>} : memref<16x1024xf32, #tpu.memory_space<vmem>>, vector<16xf32>,
        %get3A_838 = arith.constant 10 : i32
        %get3A_839 = arith.index_cast %get3A_838 : i32 to index
        %get3A_840 = arith.index_cast %add3A_833 : i32 to index
        %get3A_841 = tpu.vector_load %arg14[%get3A_839, %get3A_840] {strides = array<i32>} : memref<16x1024xf32, #tpu.memory_space<vmem>>, vector<16xf32>,
        %sub3A_842 = arith.subf %get3A_837, %get3A_841 : vector<16xf32>
        %mul3A_843 = arith.mulf %sub3A_842, %sub3A_842 : vector<16xf32>
        %add3A_844 = arith.addf %scan3A_803, %mul3A_843 : vector<16xf32>
        %add3A_845 = arith.constant 48 : i32
        %add3A_846 = arith.addi %mul3A_806, %add3A_845 : i32
        %get3A_847 = arith.constant 10 : i32
        %get3A_848 = arith.index_cast %get3A_847 : i32 to index
        %get3A_849 = arith.index_cast %add3A_846 : i32 to index
        %get3A_850 = tpu.vector_load %arg12[%get3A_848, %get3A_849] {strides = array<i32>} : memref<16x1024xf32, #tpu.memory_space<vmem>>, vector<16xf32>,
        %get3A_851 = arith.constant 10 : i32
        %get3A_852 = arith.index_cast %get3A_851 : i32 to index
        %get3A_853 = arith.index_cast %add3A_846 : i32 to index
        %get3A_854 = tpu.vector_load %arg14[%get3A_852, %get3A_853] {strides = array<i32>} : memref<16x1024xf32, #tpu.memory_space<vmem>>, vector<16xf32>,
        %sub3A_855 = arith.subf %get3A_850, %get3A_854 : vector<16xf32>
        %mul3A_856 = arith.mulf %sub3A_855, %sub3A_855 : vector<16xf32>
        %add3A_857 = arith.addf %scan3A_804, %mul3A_856 : vector<16xf32>
        %add3A_858 = arith.constant 64 : i32
        %add3A_859 = arith.addi %mul3A_806, %add3A_858 : i32
        %get3A_860 = arith.constant 10 : i32
        %get3A_861 = arith.index_cast %get3A_860 : i32 to index
        %get3A_862 = arith.index_cast %add3A_859 : i32 to index
        %get3A_863 = tpu.vector_load %arg12[%get3A_861, %get3A_862] {strides = array<i32>} : memref<16x1024xf32, #tpu.memory_space<vmem>>, vector<16xf32>,
        %get3A_864 = arith.constant 10 : i32
        %get3A_865 = arith.index_cast %get3A_864 : i32 to index
        %get3A_866 = arith.index_cast %add3A_859 : i32 to index
        %get3A_867 = tpu.vector_load %arg14[%get3A_865, %get3A_866] {strides = array<i32>} : memref<16x1024xf32, #tpu.memory_space<vmem>>, vector<16xf32>,
        %sub3A_868 = arith.subf %get3A_863, %get3A_867 : vector<16xf32>
        %mul3A_869 = arith.mulf %sub3A_868, %sub3A_868 : vector<16xf32>
        %add3A_870 = arith.addf %add3A_818, %mul3A_869 : vector<16xf32>
        %add3A_871 = arith.constant 80 : i32
        %add3A_872 = arith.addi %mul3A_806, %add3A_871 : i32
        %get3A_873 = arith.constant 10 : i32
        %get3A_874 = arith.index_cast %get3A_873 : i32 to index
        %get3A_875 = arith.index_cast %add3A_872 : i32 to index
        %get3A_876 = tpu.vector_load %arg12[%get3A_874, %get3A_875] {strides = array<i32>} : memref<16x1024xf32, #tpu.memory_space<vmem>>, vector<16xf32>,
        %get3A_877 = arith.constant 10 : i32
        %get3A_878 = arith.index_cast %get3A_877 : i32 to index
        %get3A_879 = arith.index_cast %add3A_872 : i32 to index
        %get3A_880 = tpu.vector_load %arg14[%get3A_878, %get3A_879] {strides = array<i32>} : memref<16x1024xf32, #tpu.memory_space<vmem>>, vector<16xf32>,
        %sub3A_881 = arith.subf %get3A_876, %get3A_880 : vector<16xf32>
        %mul3A_882 = arith.mulf %sub3A_881, %sub3A_881 : vector<16xf32>
        %add3A_883 = arith.addf %add3A_831, %mul3A_882 : vector<16xf32>
        %add3A_884 = arith.constant 96 : i32
        %add3A_885 = arith.addi %mul3A_806, %add3A_884 : i32
        %get3A_886 = arith.constant 10 : i32
        %get3A_887 = arith.index_cast %get3A_886 : i32 to index
        %get3A_888 = arith.index_cast %add3A_885 : i32 to index
        %get3A_889 = tpu.vector_load %arg12[%get3A_887, %get3A_888] {strides = array<i32>} : memref<16x1024xf32, #tpu.memory_space<vmem>>, vector<16xf32>,
        %get3A_890 = arith.constant 10 : i32
        %get3A_891 = arith.index_cast %get3A_890 : i32 to index
        %get3A_892 = arith.index_cast %add3A_885 : i32 to index
        %get3A_893 = tpu.vector_load %arg14[%get3A_891, %get3A_892] {strides = array<i32>} : memref<16x1024xf32, #tpu.memory_space<vmem>>, vector<16xf32>,
        %sub3A_894 = arith.subf %get3A_889, %get3A_893 : vector<16xf32>
        %mul3A_895 = arith.mulf %sub3A_894, %sub3A_894 : vector<16xf32>
        %add3A_896 = arith.addf %add3A_844, %mul3A_895 : vector<16xf32>
        %add3A_897 = arith.constant 112 : i32
        %add3A_898 = arith.addi %mul3A_806, %add3A_897 : i32
        %get3A_899 = arith.constant 10 : i32
        %get3A_900 = arith.index_cast %get3A_899 : i32 to index
        %get3A_901 = arith.index_cast %add3A_898 : i32 to index
        %get3A_902 = tpu.vector_load %arg12[%get3A_900, %get3A_901] {strides = array<i32>} : memref<16x1024xf32, #tpu.memory_space<vmem>>, vector<16xf32>,
        %get3A_903 = arith.constant 10 : i32
        %get3A_904 = arith.index_cast %get3A_903 : i32 to index
        %get3A_905 = arith.index_cast %add3A_898 : i32 to index
        %get3A_906 = tpu.vector_load %arg14[%get3A_904, %get3A_905] {strides = array<i32>} : memref<16x1024xf32, #tpu.memory_space<vmem>>, vector<16xf32>,
        %sub3A_907 = arith.subf %get3A_902, %get3A_906 : vector<16xf32>
        %mul3A_908 = arith.mulf %sub3A_907, %sub3A_907 : vector<16xf32>
        %add3A_909 = arith.addf %add3A_857, %mul3A_908 : vector<16xf32>
        scf.yield %add3A_870, %add3A_883, %add3A_896, %add3A_909 : vector<16xf32>, vector<16xf32>, vector<16xf32>, vector<16xf32>
      }
      %scan3A_669 = arith.constant 8 : i32
      %add3A_670 = arith.addf %scan3A_668#0, %scan3A_668#1 : vector<16xf32>
      %add3A_671 = arith.addf %scan3A_668#2, %scan3A_668#3 : vector<16xf32>
      %add3A_672 = arith.addf %add3A_670, %add3A_671 : vector<16xf32>
      %broadcast_in_dim3A_673 = arith.constant 10 : i32
      %broadcast_in_dim3A_674 = vector.broadcast %broadcast_in_dim3A_673 : i32 to vector<16xi32>
      %gather3A_675 = tpu.vector_load_idx %arg9[%broadcast_in_dim3A_674] : memref<16xf32, #tpu.memory_space<vmem>>[vector<16xi32>], vector<16xf32>,
      %mul3A_676 = arith.mulf %add3A_672, %gather3A_675 : vector<16xf32>
      %add3A_677 = arith.addf %add3A_655, %mul3A_676 : vector<16xf32>
      %broadcast_in_dim3A_678 = arith.constant 0.000000e+00 : f32
      %broadcast_in_dim3A_679 = vector.broadcast %broadcast_in_dim3A_678 : f32 to vector<16xf32>
      %broadcast_in_dim3A_680 = arith.constant 0.000000e+00 : f32
      %broadcast_in_dim3A_681 = vector.broadcast %broadcast_in_dim3A_680 : f32 to vector<16xf32>
      %broadcast_in_dim3A_682 = arith.constant 0.000000e+00 : f32
      %broadcast_in_dim3A_683 = vector.broadcast %broadcast_in_dim3A_682 : f32 to vector<16xf32>
      %broadcast_in_dim3A_684 = arith.constant 0.000000e+00 : f32
      %broadcast_in_dim3A_685 = vector.broadcast %broadcast_in_dim3A_684 : f32 to vector<16xf32>
      %scan3A_686 = arith.constant 0 : i32
      %scan3A_687 = arith.constant 8 : i32
      %scan3A_688 = arith.addi %scan3A_686, %scan3A_687 : i32
      %scan3A_689 = arith.constant 1 : i32
      %scan3A_690:4 = scf.for %scan3A_800 = %scan3A_686 to %scan3A_688 step %scan3A_689 iter_args(%scan3A_801 = %broadcast_in_dim3A_679, %scan3A_802 = %broadcast_in_dim3A_681, %scan3A_803 = %broadcast_in_dim3A_683, %scan3A_804 = %broadcast_in_dim3A_685) -> (vector<16xf32>, vector<16xf32>, vector<16xf32>, vector<16xf32>)  : i32 {
        %mul3A_805 = arith.constant 128 : i32
        %mul3A_806 = arith.muli %scan3A_800, %mul3A_805 : i32
        %add3A_807 = arith.constant 0 : i32
        %add3A_808 = arith.addi %mul3A_806, %add3A_807 : i32
        %get3A_809 = arith.constant 11 : i32
        %get3A_810 = arith.index_cast %get3A_809 : i32 to index
        %get3A_811 = arith.index_cast %add3A_808 : i32 to index
        %get3A_812 = tpu.vector_load %arg12[%get3A_810, %get3A_811] {strides = array<i32>} : memref<16x1024xf32, #tpu.memory_space<vmem>>, vector<16xf32>,
        %get3A_813 = arith.constant 11 : i32
        %get3A_814 = arith.index_cast %get3A_813 : i32 to index
        %get3A_815 = arith.index_cast %add3A_808 : i32 to index
        %get3A_816 = tpu.vector_load %arg14[%get3A_814, %get3A_815] {strides = array<i32>} : memref<16x1024xf32, #tpu.memory_space<vmem>>, vector<16xf32>,
        %sub3A = arith.subf %get3A_812, %get3A_816 : vector<16xf32>
        %mul3A_817 = arith.mulf %sub3A, %sub3A : vector<16xf32>
        %add3A_818 = arith.addf %scan3A_801, %mul3A_817 : vector<16xf32>
        %add3A_819 = arith.constant 16 : i32
        %add3A_820 = arith.addi %mul3A_806, %add3A_819 : i32
        %get3A_821 = arith.constant 11 : i32
        %get3A_822 = arith.index_cast %get3A_821 : i32 to index
        %get3A_823 = arith.index_cast %add3A_820 : i32 to index
        %get3A_824 = tpu.vector_load %arg12[%get3A_822, %get3A_823] {strides = array<i32>} : memref<16x1024xf32, #tpu.memory_space<vmem>>, vector<16xf32>,
        %get3A_825 = arith.constant 11 : i32
        %get3A_826 = arith.index_cast %get3A_825 : i32 to index
        %get3A_827 = arith.index_cast %add3A_820 : i32 to index
        %get3A_828 = tpu.vector_load %arg14[%get3A_826, %get3A_827] {strides = array<i32>} : memref<16x1024xf32, #tpu.memory_space<vmem>>, vector<16xf32>,
        %sub3A_829 = arith.subf %get3A_824, %get3A_828 : vector<16xf32>
        %mul3A_830 = arith.mulf %sub3A_829, %sub3A_829 : vector<16xf32>
        %add3A_831 = arith.addf %scan3A_802, %mul3A_830 : vector<16xf32>
        %add3A_832 = arith.constant 32 : i32
        %add3A_833 = arith.addi %mul3A_806, %add3A_832 : i32
        %get3A_834 = arith.constant 11 : i32
        %get3A_835 = arith.index_cast %get3A_834 : i32 to index
        %get3A_836 = arith.index_cast %add3A_833 : i32 to index
        %get3A_837 = tpu.vector_load %arg12[%get3A_835, %get3A_836] {strides = array<i32>} : memref<16x1024xf32, #tpu.memory_space<vmem>>, vector<16xf32>,
        %get3A_838 = arith.constant 11 : i32
        %get3A_839 = arith.index_cast %get3A_838 : i32 to index
        %get3A_840 = arith.index_cast %add3A_833 : i32 to index
        %get3A_841 = tpu.vector_load %arg14[%get3A_839, %get3A_840] {strides = array<i32>} : memref<16x1024xf32, #tpu.memory_space<vmem>>, vector<16xf32>,
        %sub3A_842 = arith.subf %get3A_837, %get3A_841 : vector<16xf32>
        %mul3A_843 = arith.mulf %sub3A_842, %sub3A_842 : vector<16xf32>
        %add3A_844 = arith.addf %scan3A_803, %mul3A_843 : vector<16xf32>
        %add3A_845 = arith.constant 48 : i32
        %add3A_846 = arith.addi %mul3A_806, %add3A_845 : i32
        %get3A_847 = arith.constant 11 : i32
        %get3A_848 = arith.index_cast %get3A_847 : i32 to index
        %get3A_849 = arith.index_cast %add3A_846 : i32 to index
        %get3A_850 = tpu.vector_load %arg12[%get3A_848, %get3A_849] {strides = array<i32>} : memref<16x1024xf32, #tpu.memory_space<vmem>>, vector<16xf32>,
        %get3A_851 = arith.constant 11 : i32
        %get3A_852 = arith.index_cast %get3A_851 : i32 to index
        %get3A_853 = arith.index_cast %add3A_846 : i32 to index
        %get3A_854 = tpu.vector_load %arg14[%get3A_852, %get3A_853] {strides = array<i32>} : memref<16x1024xf32, #tpu.memory_space<vmem>>, vector<16xf32>,
        %sub3A_855 = arith.subf %get3A_850, %get3A_854 : vector<16xf32>
        %mul3A_856 = arith.mulf %sub3A_855, %sub3A_855 : vector<16xf32>
        %add3A_857 = arith.addf %scan3A_804, %mul3A_856 : vector<16xf32>
        %add3A_858 = arith.constant 64 : i32
        %add3A_859 = arith.addi %mul3A_806, %add3A_858 : i32
        %get3A_860 = arith.constant 11 : i32
        %get3A_861 = arith.index_cast %get3A_860 : i32 to index
        %get3A_862 = arith.index_cast %add3A_859 : i32 to index
        %get3A_863 = tpu.vector_load %arg12[%get3A_861, %get3A_862] {strides = array<i32>} : memref<16x1024xf32, #tpu.memory_space<vmem>>, vector<16xf32>,
        %get3A_864 = arith.constant 11 : i32
        %get3A_865 = arith.index_cast %get3A_864 : i32 to index
        %get3A_866 = arith.index_cast %add3A_859 : i32 to index
        %get3A_867 = tpu.vector_load %arg14[%get3A_865, %get3A_866] {strides = array<i32>} : memref<16x1024xf32, #tpu.memory_space<vmem>>, vector<16xf32>,
        %sub3A_868 = arith.subf %get3A_863, %get3A_867 : vector<16xf32>
        %mul3A_869 = arith.mulf %sub3A_868, %sub3A_868 : vector<16xf32>
        %add3A_870 = arith.addf %add3A_818, %mul3A_869 : vector<16xf32>
        %add3A_871 = arith.constant 80 : i32
        %add3A_872 = arith.addi %mul3A_806, %add3A_871 : i32
        %get3A_873 = arith.constant 11 : i32
        %get3A_874 = arith.index_cast %get3A_873 : i32 to index
        %get3A_875 = arith.index_cast %add3A_872 : i32 to index
        %get3A_876 = tpu.vector_load %arg12[%get3A_874, %get3A_875] {strides = array<i32>} : memref<16x1024xf32, #tpu.memory_space<vmem>>, vector<16xf32>,
        %get3A_877 = arith.constant 11 : i32
        %get3A_878 = arith.index_cast %get3A_877 : i32 to index
        %get3A_879 = arith.index_cast %add3A_872 : i32 to index
        %get3A_880 = tpu.vector_load %arg14[%get3A_878, %get3A_879] {strides = array<i32>} : memref<16x1024xf32, #tpu.memory_space<vmem>>, vector<16xf32>,
        %sub3A_881 = arith.subf %get3A_876, %get3A_880 : vector<16xf32>
        %mul3A_882 = arith.mulf %sub3A_881, %sub3A_881 : vector<16xf32>
        %add3A_883 = arith.addf %add3A_831, %mul3A_882 : vector<16xf32>
        %add3A_884 = arith.constant 96 : i32
        %add3A_885 = arith.addi %mul3A_806, %add3A_884 : i32
        %get3A_886 = arith.constant 11 : i32
        %get3A_887 = arith.index_cast %get3A_886 : i32 to index
        %get3A_888 = arith.index_cast %add3A_885 : i32 to index
        %get3A_889 = tpu.vector_load %arg12[%get3A_887, %get3A_888] {strides = array<i32>} : memref<16x1024xf32, #tpu.memory_space<vmem>>, vector<16xf32>,
        %get3A_890 = arith.constant 11 : i32
        %get3A_891 = arith.index_cast %get3A_890 : i32 to index
        %get3A_892 = arith.index_cast %add3A_885 : i32 to index
        %get3A_893 = tpu.vector_load %arg14[%get3A_891, %get3A_892] {strides = array<i32>} : memref<16x1024xf32, #tpu.memory_space<vmem>>, vector<16xf32>,
        %sub3A_894 = arith.subf %get3A_889, %get3A_893 : vector<16xf32>
        %mul3A_895 = arith.mulf %sub3A_894, %sub3A_894 : vector<16xf32>
        %add3A_896 = arith.addf %add3A_844, %mul3A_895 : vector<16xf32>
        %add3A_897 = arith.constant 112 : i32
        %add3A_898 = arith.addi %mul3A_806, %add3A_897 : i32
        %get3A_899 = arith.constant 11 : i32
        %get3A_900 = arith.index_cast %get3A_899 : i32 to index
        %get3A_901 = arith.index_cast %add3A_898 : i32 to index
        %get3A_902 = tpu.vector_load %arg12[%get3A_900, %get3A_901] {strides = array<i32>} : memref<16x1024xf32, #tpu.memory_space<vmem>>, vector<16xf32>,
        %get3A_903 = arith.constant 11 : i32
        %get3A_904 = arith.index_cast %get3A_903 : i32 to index
        %get3A_905 = arith.index_cast %add3A_898 : i32 to index
        %get3A_906 = tpu.vector_load %arg14[%get3A_904, %get3A_905] {strides = array<i32>} : memref<16x1024xf32, #tpu.memory_space<vmem>>, vector<16xf32>,
        %sub3A_907 = arith.subf %get3A_902, %get3A_906 : vector<16xf32>
        %mul3A_908 = arith.mulf %sub3A_907, %sub3A_907 : vector<16xf32>
        %add3A_909 = arith.addf %add3A_857, %mul3A_908 : vector<16xf32>
        scf.yield %add3A_870, %add3A_883, %add3A_896, %add3A_909 : vector<16xf32>, vector<16xf32>, vector<16xf32>, vector<16xf32>
      }
      %scan3A_691 = arith.constant 8 : i32
      %add3A_692 = arith.addf %scan3A_690#0, %scan3A_690#1 : vector<16xf32>
      %add3A_693 = arith.addf %scan3A_690#2, %scan3A_690#3 : vector<16xf32>
      %add3A_694 = arith.addf %add3A_692, %add3A_693 : vector<16xf32>
      %broadcast_in_dim3A_695 = arith.constant 11 : i32
      %broadcast_in_dim3A_696 = vector.broadcast %broadcast_in_dim3A_695 : i32 to vector<16xi32>
      %gather3A_697 = tpu.vector_load_idx %arg9[%broadcast_in_dim3A_696] : memref<16xf32, #tpu.memory_space<vmem>>[vector<16xi32>], vector<16xf32>,
      %mul3A_698 = arith.mulf %add3A_694, %gather3A_697 : vector<16xf32>
      %add3A_699 = arith.addf %add3A_677, %mul3A_698 : vector<16xf32>
      %broadcast_in_dim3A_700 = arith.constant 0.000000e+00 : f32
      %broadcast_in_dim3A_701 = vector.broadcast %broadcast_in_dim3A_700 : f32 to vector<16xf32>
      %broadcast_in_dim3A_702 = arith.constant 0.000000e+00 : f32
      %broadcast_in_dim3A_703 = vector.broadcast %broadcast_in_dim3A_702 : f32 to vector<16xf32>
      %broadcast_in_dim3A_704 = arith.constant 0.000000e+00 : f32
      %broadcast_in_dim3A_705 = vector.broadcast %broadcast_in_dim3A_704 : f32 to vector<16xf32>
      %broadcast_in_dim3A_706 = arith.constant 0.000000e+00 : f32
      %broadcast_in_dim3A_707 = vector.broadcast %broadcast_in_dim3A_706 : f32 to vector<16xf32>
      %scan3A_708 = arith.constant 0 : i32
      %scan3A_709 = arith.constant 8 : i32
      %scan3A_710 = arith.addi %scan3A_708, %scan3A_709 : i32
      %scan3A_711 = arith.constant 1 : i32
      %scan3A_712:4 = scf.for %scan3A_800 = %scan3A_708 to %scan3A_710 step %scan3A_711 iter_args(%scan3A_801 = %broadcast_in_dim3A_701, %scan3A_802 = %broadcast_in_dim3A_703, %scan3A_803 = %broadcast_in_dim3A_705, %scan3A_804 = %broadcast_in_dim3A_707) -> (vector<16xf32>, vector<16xf32>, vector<16xf32>, vector<16xf32>)  : i32 {
        %mul3A_805 = arith.constant 128 : i32
        %mul3A_806 = arith.muli %scan3A_800, %mul3A_805 : i32
        %add3A_807 = arith.constant 0 : i32
        %add3A_808 = arith.addi %mul3A_806, %add3A_807 : i32
        %get3A_809 = arith.constant 12 : i32
        %get3A_810 = arith.index_cast %get3A_809 : i32 to index
        %get3A_811 = arith.index_cast %add3A_808 : i32 to index
        %get3A_812 = tpu.vector_load %arg12[%get3A_810, %get3A_811] {strides = array<i32>} : memref<16x1024xf32, #tpu.memory_space<vmem>>, vector<16xf32>,
        %get3A_813 = arith.constant 12 : i32
        %get3A_814 = arith.index_cast %get3A_813 : i32 to index
        %get3A_815 = arith.index_cast %add3A_808 : i32 to index
        %get3A_816 = tpu.vector_load %arg14[%get3A_814, %get3A_815] {strides = array<i32>} : memref<16x1024xf32, #tpu.memory_space<vmem>>, vector<16xf32>,
        %sub3A = arith.subf %get3A_812, %get3A_816 : vector<16xf32>
        %mul3A_817 = arith.mulf %sub3A, %sub3A : vector<16xf32>
        %add3A_818 = arith.addf %scan3A_801, %mul3A_817 : vector<16xf32>
        %add3A_819 = arith.constant 16 : i32
        %add3A_820 = arith.addi %mul3A_806, %add3A_819 : i32
        %get3A_821 = arith.constant 12 : i32
        %get3A_822 = arith.index_cast %get3A_821 : i32 to index
        %get3A_823 = arith.index_cast %add3A_820 : i32 to index
        %get3A_824 = tpu.vector_load %arg12[%get3A_822, %get3A_823] {strides = array<i32>} : memref<16x1024xf32, #tpu.memory_space<vmem>>, vector<16xf32>,
        %get3A_825 = arith.constant 12 : i32
        %get3A_826 = arith.index_cast %get3A_825 : i32 to index
        %get3A_827 = arith.index_cast %add3A_820 : i32 to index
        %get3A_828 = tpu.vector_load %arg14[%get3A_826, %get3A_827] {strides = array<i32>} : memref<16x1024xf32, #tpu.memory_space<vmem>>, vector<16xf32>,
        %sub3A_829 = arith.subf %get3A_824, %get3A_828 : vector<16xf32>
        %mul3A_830 = arith.mulf %sub3A_829, %sub3A_829 : vector<16xf32>
        %add3A_831 = arith.addf %scan3A_802, %mul3A_830 : vector<16xf32>
        %add3A_832 = arith.constant 32 : i32
        %add3A_833 = arith.addi %mul3A_806, %add3A_832 : i32
        %get3A_834 = arith.constant 12 : i32
        %get3A_835 = arith.index_cast %get3A_834 : i32 to index
        %get3A_836 = arith.index_cast %add3A_833 : i32 to index
        %get3A_837 = tpu.vector_load %arg12[%get3A_835, %get3A_836] {strides = array<i32>} : memref<16x1024xf32, #tpu.memory_space<vmem>>, vector<16xf32>,
        %get3A_838 = arith.constant 12 : i32
        %get3A_839 = arith.index_cast %get3A_838 : i32 to index
        %get3A_840 = arith.index_cast %add3A_833 : i32 to index
        %get3A_841 = tpu.vector_load %arg14[%get3A_839, %get3A_840] {strides = array<i32>} : memref<16x1024xf32, #tpu.memory_space<vmem>>, vector<16xf32>,
        %sub3A_842 = arith.subf %get3A_837, %get3A_841 : vector<16xf32>
        %mul3A_843 = arith.mulf %sub3A_842, %sub3A_842 : vector<16xf32>
        %add3A_844 = arith.addf %scan3A_803, %mul3A_843 : vector<16xf32>
        %add3A_845 = arith.constant 48 : i32
        %add3A_846 = arith.addi %mul3A_806, %add3A_845 : i32
        %get3A_847 = arith.constant 12 : i32
        %get3A_848 = arith.index_cast %get3A_847 : i32 to index
        %get3A_849 = arith.index_cast %add3A_846 : i32 to index
        %get3A_850 = tpu.vector_load %arg12[%get3A_848, %get3A_849] {strides = array<i32>} : memref<16x1024xf32, #tpu.memory_space<vmem>>, vector<16xf32>,
        %get3A_851 = arith.constant 12 : i32
        %get3A_852 = arith.index_cast %get3A_851 : i32 to index
        %get3A_853 = arith.index_cast %add3A_846 : i32 to index
        %get3A_854 = tpu.vector_load %arg14[%get3A_852, %get3A_853] {strides = array<i32>} : memref<16x1024xf32, #tpu.memory_space<vmem>>, vector<16xf32>,
        %sub3A_855 = arith.subf %get3A_850, %get3A_854 : vector<16xf32>
        %mul3A_856 = arith.mulf %sub3A_855, %sub3A_855 : vector<16xf32>
        %add3A_857 = arith.addf %scan3A_804, %mul3A_856 : vector<16xf32>
        %add3A_858 = arith.constant 64 : i32
        %add3A_859 = arith.addi %mul3A_806, %add3A_858 : i32
        %get3A_860 = arith.constant 12 : i32
        %get3A_861 = arith.index_cast %get3A_860 : i32 to index
        %get3A_862 = arith.index_cast %add3A_859 : i32 to index
        %get3A_863 = tpu.vector_load %arg12[%get3A_861, %get3A_862] {strides = array<i32>} : memref<16x1024xf32, #tpu.memory_space<vmem>>, vector<16xf32>,
        %get3A_864 = arith.constant 12 : i32
        %get3A_865 = arith.index_cast %get3A_864 : i32 to index
        %get3A_866 = arith.index_cast %add3A_859 : i32 to index
        %get3A_867 = tpu.vector_load %arg14[%get3A_865, %get3A_866] {strides = array<i32>} : memref<16x1024xf32, #tpu.memory_space<vmem>>, vector<16xf32>,
        %sub3A_868 = arith.subf %get3A_863, %get3A_867 : vector<16xf32>
        %mul3A_869 = arith.mulf %sub3A_868, %sub3A_868 : vector<16xf32>
        %add3A_870 = arith.addf %add3A_818, %mul3A_869 : vector<16xf32>
        %add3A_871 = arith.constant 80 : i32
        %add3A_872 = arith.addi %mul3A_806, %add3A_871 : i32
        %get3A_873 = arith.constant 12 : i32
        %get3A_874 = arith.index_cast %get3A_873 : i32 to index
        %get3A_875 = arith.index_cast %add3A_872 : i32 to index
        %get3A_876 = tpu.vector_load %arg12[%get3A_874, %get3A_875] {strides = array<i32>} : memref<16x1024xf32, #tpu.memory_space<vmem>>, vector<16xf32>,
        %get3A_877 = arith.constant 12 : i32
        %get3A_878 = arith.index_cast %get3A_877 : i32 to index
        %get3A_879 = arith.index_cast %add3A_872 : i32 to index
        %get3A_880 = tpu.vector_load %arg14[%get3A_878, %get3A_879] {strides = array<i32>} : memref<16x1024xf32, #tpu.memory_space<vmem>>, vector<16xf32>,
        %sub3A_881 = arith.subf %get3A_876, %get3A_880 : vector<16xf32>
        %mul3A_882 = arith.mulf %sub3A_881, %sub3A_881 : vector<16xf32>
        %add3A_883 = arith.addf %add3A_831, %mul3A_882 : vector<16xf32>
        %add3A_884 = arith.constant 96 : i32
        %add3A_885 = arith.addi %mul3A_806, %add3A_884 : i32
        %get3A_886 = arith.constant 12 : i32
        %get3A_887 = arith.index_cast %get3A_886 : i32 to index
        %get3A_888 = arith.index_cast %add3A_885 : i32 to index
        %get3A_889 = tpu.vector_load %arg12[%get3A_887, %get3A_888] {strides = array<i32>} : memref<16x1024xf32, #tpu.memory_space<vmem>>, vector<16xf32>,
        %get3A_890 = arith.constant 12 : i32
        %get3A_891 = arith.index_cast %get3A_890 : i32 to index
        %get3A_892 = arith.index_cast %add3A_885 : i32 to index
        %get3A_893 = tpu.vector_load %arg14[%get3A_891, %get3A_892] {strides = array<i32>} : memref<16x1024xf32, #tpu.memory_space<vmem>>, vector<16xf32>,
        %sub3A_894 = arith.subf %get3A_889, %get3A_893 : vector<16xf32>
        %mul3A_895 = arith.mulf %sub3A_894, %sub3A_894 : vector<16xf32>
        %add3A_896 = arith.addf %add3A_844, %mul3A_895 : vector<16xf32>
        %add3A_897 = arith.constant 112 : i32
        %add3A_898 = arith.addi %mul3A_806, %add3A_897 : i32
        %get3A_899 = arith.constant 12 : i32
        %get3A_900 = arith.index_cast %get3A_899 : i32 to index
        %get3A_901 = arith.index_cast %add3A_898 : i32 to index
        %get3A_902 = tpu.vector_load %arg12[%get3A_900, %get3A_901] {strides = array<i32>} : memref<16x1024xf32, #tpu.memory_space<vmem>>, vector<16xf32>,
        %get3A_903 = arith.constant 12 : i32
        %get3A_904 = arith.index_cast %get3A_903 : i32 to index
        %get3A_905 = arith.index_cast %add3A_898 : i32 to index
        %get3A_906 = tpu.vector_load %arg14[%get3A_904, %get3A_905] {strides = array<i32>} : memref<16x1024xf32, #tpu.memory_space<vmem>>, vector<16xf32>,
        %sub3A_907 = arith.subf %get3A_902, %get3A_906 : vector<16xf32>
        %mul3A_908 = arith.mulf %sub3A_907, %sub3A_907 : vector<16xf32>
        %add3A_909 = arith.addf %add3A_857, %mul3A_908 : vector<16xf32>
        scf.yield %add3A_870, %add3A_883, %add3A_896, %add3A_909 : vector<16xf32>, vector<16xf32>, vector<16xf32>, vector<16xf32>
      }
      %scan3A_713 = arith.constant 8 : i32
      %add3A_714 = arith.addf %scan3A_712#0, %scan3A_712#1 : vector<16xf32>
      %add3A_715 = arith.addf %scan3A_712#2, %scan3A_712#3 : vector<16xf32>
      %add3A_716 = arith.addf %add3A_714, %add3A_715 : vector<16xf32>
      %broadcast_in_dim3A_717 = arith.constant 12 : i32
      %broadcast_in_dim3A_718 = vector.broadcast %broadcast_in_dim3A_717 : i32 to vector<16xi32>
      %gather3A_719 = tpu.vector_load_idx %arg9[%broadcast_in_dim3A_718] : memref<16xf32, #tpu.memory_space<vmem>>[vector<16xi32>], vector<16xf32>,
      %mul3A_720 = arith.mulf %add3A_716, %gather3A_719 : vector<16xf32>
      %add3A_721 = arith.addf %add3A_699, %mul3A_720 : vector<16xf32>
      %broadcast_in_dim3A_722 = arith.constant 0.000000e+00 : f32
      %broadcast_in_dim3A_723 = vector.broadcast %broadcast_in_dim3A_722 : f32 to vector<16xf32>
      %broadcast_in_dim3A_724 = arith.constant 0.000000e+00 : f32
      %broadcast_in_dim3A_725 = vector.broadcast %broadcast_in_dim3A_724 : f32 to vector<16xf32>
      %broadcast_in_dim3A_726 = arith.constant 0.000000e+00 : f32
      %broadcast_in_dim3A_727 = vector.broadcast %broadcast_in_dim3A_726 : f32 to vector<16xf32>
      %broadcast_in_dim3A_728 = arith.constant 0.000000e+00 : f32
      %broadcast_in_dim3A_729 = vector.broadcast %broadcast_in_dim3A_728 : f32 to vector<16xf32>
      %scan3A_730 = arith.constant 0 : i32
      %scan3A_731 = arith.constant 8 : i32
      %scan3A_732 = arith.addi %scan3A_730, %scan3A_731 : i32
      %scan3A_733 = arith.constant 1 : i32
      %scan3A_734:4 = scf.for %scan3A_800 = %scan3A_730 to %scan3A_732 step %scan3A_733 iter_args(%scan3A_801 = %broadcast_in_dim3A_723, %scan3A_802 = %broadcast_in_dim3A_725, %scan3A_803 = %broadcast_in_dim3A_727, %scan3A_804 = %broadcast_in_dim3A_729) -> (vector<16xf32>, vector<16xf32>, vector<16xf32>, vector<16xf32>)  : i32 {
        %mul3A_805 = arith.constant 128 : i32
        %mul3A_806 = arith.muli %scan3A_800, %mul3A_805 : i32
        %add3A_807 = arith.constant 0 : i32
        %add3A_808 = arith.addi %mul3A_806, %add3A_807 : i32
        %get3A_809 = arith.constant 13 : i32
        %get3A_810 = arith.index_cast %get3A_809 : i32 to index
        %get3A_811 = arith.index_cast %add3A_808 : i32 to index
        %get3A_812 = tpu.vector_load %arg12[%get3A_810, %get3A_811] {strides = array<i32>} : memref<16x1024xf32, #tpu.memory_space<vmem>>, vector<16xf32>,
        %get3A_813 = arith.constant 13 : i32
        %get3A_814 = arith.index_cast %get3A_813 : i32 to index
        %get3A_815 = arith.index_cast %add3A_808 : i32 to index
        %get3A_816 = tpu.vector_load %arg14[%get3A_814, %get3A_815] {strides = array<i32>} : memref<16x1024xf32, #tpu.memory_space<vmem>>, vector<16xf32>,
        %sub3A = arith.subf %get3A_812, %get3A_816 : vector<16xf32>
        %mul3A_817 = arith.mulf %sub3A, %sub3A : vector<16xf32>
        %add3A_818 = arith.addf %scan3A_801, %mul3A_817 : vector<16xf32>
        %add3A_819 = arith.constant 16 : i32
        %add3A_820 = arith.addi %mul3A_806, %add3A_819 : i32
        %get3A_821 = arith.constant 13 : i32
        %get3A_822 = arith.index_cast %get3A_821 : i32 to index
        %get3A_823 = arith.index_cast %add3A_820 : i32 to index
        %get3A_824 = tpu.vector_load %arg12[%get3A_822, %get3A_823] {strides = array<i32>} : memref<16x1024xf32, #tpu.memory_space<vmem>>, vector<16xf32>,
        %get3A_825 = arith.constant 13 : i32
        %get3A_826 = arith.index_cast %get3A_825 : i32 to index
        %get3A_827 = arith.index_cast %add3A_820 : i32 to index
        %get3A_828 = tpu.vector_load %arg14[%get3A_826, %get3A_827] {strides = array<i32>} : memref<16x1024xf32, #tpu.memory_space<vmem>>, vector<16xf32>,
        %sub3A_829 = arith.subf %get3A_824, %get3A_828 : vector<16xf32>
        %mul3A_830 = arith.mulf %sub3A_829, %sub3A_829 : vector<16xf32>
        %add3A_831 = arith.addf %scan3A_802, %mul3A_830 : vector<16xf32>
        %add3A_832 = arith.constant 32 : i32
        %add3A_833 = arith.addi %mul3A_806, %add3A_832 : i32
        %get3A_834 = arith.constant 13 : i32
        %get3A_835 = arith.index_cast %get3A_834 : i32 to index
        %get3A_836 = arith.index_cast %add3A_833 : i32 to index
        %get3A_837 = tpu.vector_load %arg12[%get3A_835, %get3A_836] {strides = array<i32>} : memref<16x1024xf32, #tpu.memory_space<vmem>>, vector<16xf32>,
        %get3A_838 = arith.constant 13 : i32
        %get3A_839 = arith.index_cast %get3A_838 : i32 to index
        %get3A_840 = arith.index_cast %add3A_833 : i32 to index
        %get3A_841 = tpu.vector_load %arg14[%get3A_839, %get3A_840] {strides = array<i32>} : memref<16x1024xf32, #tpu.memory_space<vmem>>, vector<16xf32>,
        %sub3A_842 = arith.subf %get3A_837, %get3A_841 : vector<16xf32>
        %mul3A_843 = arith.mulf %sub3A_842, %sub3A_842 : vector<16xf32>
        %add3A_844 = arith.addf %scan3A_803, %mul3A_843 : vector<16xf32>
        %add3A_845 = arith.constant 48 : i32
        %add3A_846 = arith.addi %mul3A_806, %add3A_845 : i32
        %get3A_847 = arith.constant 13 : i32
        %get3A_848 = arith.index_cast %get3A_847 : i32 to index
        %get3A_849 = arith.index_cast %add3A_846 : i32 to index
        %get3A_850 = tpu.vector_load %arg12[%get3A_848, %get3A_849] {strides = array<i32>} : memref<16x1024xf32, #tpu.memory_space<vmem>>, vector<16xf32>,
        %get3A_851 = arith.constant 13 : i32
        %get3A_852 = arith.index_cast %get3A_851 : i32 to index
        %get3A_853 = arith.index_cast %add3A_846 : i32 to index
        %get3A_854 = tpu.vector_load %arg14[%get3A_852, %get3A_853] {strides = array<i32>} : memref<16x1024xf32, #tpu.memory_space<vmem>>, vector<16xf32>,
        %sub3A_855 = arith.subf %get3A_850, %get3A_854 : vector<16xf32>
        %mul3A_856 = arith.mulf %sub3A_855, %sub3A_855 : vector<16xf32>
        %add3A_857 = arith.addf %scan3A_804, %mul3A_856 : vector<16xf32>
        %add3A_858 = arith.constant 64 : i32
        %add3A_859 = arith.addi %mul3A_806, %add3A_858 : i32
        %get3A_860 = arith.constant 13 : i32
        %get3A_861 = arith.index_cast %get3A_860 : i32 to index
        %get3A_862 = arith.index_cast %add3A_859 : i32 to index
        %get3A_863 = tpu.vector_load %arg12[%get3A_861, %get3A_862] {strides = array<i32>} : memref<16x1024xf32, #tpu.memory_space<vmem>>, vector<16xf32>,
        %get3A_864 = arith.constant 13 : i32
        %get3A_865 = arith.index_cast %get3A_864 : i32 to index
        %get3A_866 = arith.index_cast %add3A_859 : i32 to index
        %get3A_867 = tpu.vector_load %arg14[%get3A_865, %get3A_866] {strides = array<i32>} : memref<16x1024xf32, #tpu.memory_space<vmem>>, vector<16xf32>,
        %sub3A_868 = arith.subf %get3A_863, %get3A_867 : vector<16xf32>
        %mul3A_869 = arith.mulf %sub3A_868, %sub3A_868 : vector<16xf32>
        %add3A_870 = arith.addf %add3A_818, %mul3A_869 : vector<16xf32>
        %add3A_871 = arith.constant 80 : i32
        %add3A_872 = arith.addi %mul3A_806, %add3A_871 : i32
        %get3A_873 = arith.constant 13 : i32
        %get3A_874 = arith.index_cast %get3A_873 : i32 to index
        %get3A_875 = arith.index_cast %add3A_872 : i32 to index
        %get3A_876 = tpu.vector_load %arg12[%get3A_874, %get3A_875] {strides = array<i32>} : memref<16x1024xf32, #tpu.memory_space<vmem>>, vector<16xf32>,
        %get3A_877 = arith.constant 13 : i32
        %get3A_878 = arith.index_cast %get3A_877 : i32 to index
        %get3A_879 = arith.index_cast %add3A_872 : i32 to index
        %get3A_880 = tpu.vector_load %arg14[%get3A_878, %get3A_879] {strides = array<i32>} : memref<16x1024xf32, #tpu.memory_space<vmem>>, vector<16xf32>,
        %sub3A_881 = arith.subf %get3A_876, %get3A_880 : vector<16xf32>
        %mul3A_882 = arith.mulf %sub3A_881, %sub3A_881 : vector<16xf32>
        %add3A_883 = arith.addf %add3A_831, %mul3A_882 : vector<16xf32>
        %add3A_884 = arith.constant 96 : i32
        %add3A_885 = arith.addi %mul3A_806, %add3A_884 : i32
        %get3A_886 = arith.constant 13 : i32
        %get3A_887 = arith.index_cast %get3A_886 : i32 to index
        %get3A_888 = arith.index_cast %add3A_885 : i32 to index
        %get3A_889 = tpu.vector_load %arg12[%get3A_887, %get3A_888] {strides = array<i32>} : memref<16x1024xf32, #tpu.memory_space<vmem>>, vector<16xf32>,
        %get3A_890 = arith.constant 13 : i32
        %get3A_891 = arith.index_cast %get3A_890 : i32 to index
        %get3A_892 = arith.index_cast %add3A_885 : i32 to index
        %get3A_893 = tpu.vector_load %arg14[%get3A_891, %get3A_892] {strides = array<i32>} : memref<16x1024xf32, #tpu.memory_space<vmem>>, vector<16xf32>,
        %sub3A_894 = arith.subf %get3A_889, %get3A_893 : vector<16xf32>
        %mul3A_895 = arith.mulf %sub3A_894, %sub3A_894 : vector<16xf32>
        %add3A_896 = arith.addf %add3A_844, %mul3A_895 : vector<16xf32>
        %add3A_897 = arith.constant 112 : i32
        %add3A_898 = arith.addi %mul3A_806, %add3A_897 : i32
        %get3A_899 = arith.constant 13 : i32
        %get3A_900 = arith.index_cast %get3A_899 : i32 to index
        %get3A_901 = arith.index_cast %add3A_898 : i32 to index
        %get3A_902 = tpu.vector_load %arg12[%get3A_900, %get3A_901] {strides = array<i32>} : memref<16x1024xf32, #tpu.memory_space<vmem>>, vector<16xf32>,
        %get3A_903 = arith.constant 13 : i32
        %get3A_904 = arith.index_cast %get3A_903 : i32 to index
        %get3A_905 = arith.index_cast %add3A_898 : i32 to index
        %get3A_906 = tpu.vector_load %arg14[%get3A_904, %get3A_905] {strides = array<i32>} : memref<16x1024xf32, #tpu.memory_space<vmem>>, vector<16xf32>,
        %sub3A_907 = arith.subf %get3A_902, %get3A_906 : vector<16xf32>
        %mul3A_908 = arith.mulf %sub3A_907, %sub3A_907 : vector<16xf32>
        %add3A_909 = arith.addf %add3A_857, %mul3A_908 : vector<16xf32>
        scf.yield %add3A_870, %add3A_883, %add3A_896, %add3A_909 : vector<16xf32>, vector<16xf32>, vector<16xf32>, vector<16xf32>
      }
      %scan3A_735 = arith.constant 8 : i32
      %add3A_736 = arith.addf %scan3A_734#0, %scan3A_734#1 : vector<16xf32>
      %add3A_737 = arith.addf %scan3A_734#2, %scan3A_734#3 : vector<16xf32>
      %add3A_738 = arith.addf %add3A_736, %add3A_737 : vector<16xf32>
      %broadcast_in_dim3A_739 = arith.constant 13 : i32
      %broadcast_in_dim3A_740 = vector.broadcast %broadcast_in_dim3A_739 : i32 to vector<16xi32>
      %gather3A_741 = tpu.vector_load_idx %arg9[%broadcast_in_dim3A_740] : memref<16xf32, #tpu.memory_space<vmem>>[vector<16xi32>], vector<16xf32>,
      %mul3A_742 = arith.mulf %add3A_738, %gather3A_741 : vector<16xf32>
      %add3A_743 = arith.addf %add3A_721, %mul3A_742 : vector<16xf32>
      %broadcast_in_dim3A_744 = arith.constant 0.000000e+00 : f32
      %broadcast_in_dim3A_745 = vector.broadcast %broadcast_in_dim3A_744 : f32 to vector<16xf32>
      %broadcast_in_dim3A_746 = arith.constant 0.000000e+00 : f32
      %broadcast_in_dim3A_747 = vector.broadcast %broadcast_in_dim3A_746 : f32 to vector<16xf32>
      %broadcast_in_dim3A_748 = arith.constant 0.000000e+00 : f32
      %broadcast_in_dim3A_749 = vector.broadcast %broadcast_in_dim3A_748 : f32 to vector<16xf32>
      %broadcast_in_dim3A_750 = arith.constant 0.000000e+00 : f32
      %broadcast_in_dim3A_751 = vector.broadcast %broadcast_in_dim3A_750 : f32 to vector<16xf32>
      %scan3A_752 = arith.constant 0 : i32
      %scan3A_753 = arith.constant 8 : i32
      %scan3A_754 = arith.addi %scan3A_752, %scan3A_753 : i32
      %scan3A_755 = arith.constant 1 : i32
      %scan3A_756:4 = scf.for %scan3A_800 = %scan3A_752 to %scan3A_754 step %scan3A_755 iter_args(%scan3A_801 = %broadcast_in_dim3A_745, %scan3A_802 = %broadcast_in_dim3A_747, %scan3A_803 = %broadcast_in_dim3A_749, %scan3A_804 = %broadcast_in_dim3A_751) -> (vector<16xf32>, vector<16xf32>, vector<16xf32>, vector<16xf32>)  : i32 {
        %mul3A_805 = arith.constant 128 : i32
        %mul3A_806 = arith.muli %scan3A_800, %mul3A_805 : i32
        %add3A_807 = arith.constant 0 : i32
        %add3A_808 = arith.addi %mul3A_806, %add3A_807 : i32
        %get3A_809 = arith.constant 14 : i32
        %get3A_810 = arith.index_cast %get3A_809 : i32 to index
        %get3A_811 = arith.index_cast %add3A_808 : i32 to index
        %get3A_812 = tpu.vector_load %arg12[%get3A_810, %get3A_811] {strides = array<i32>} : memref<16x1024xf32, #tpu.memory_space<vmem>>, vector<16xf32>,
        %get3A_813 = arith.constant 14 : i32
        %get3A_814 = arith.index_cast %get3A_813 : i32 to index
        %get3A_815 = arith.index_cast %add3A_808 : i32 to index
        %get3A_816 = tpu.vector_load %arg14[%get3A_814, %get3A_815] {strides = array<i32>} : memref<16x1024xf32, #tpu.memory_space<vmem>>, vector<16xf32>,
        %sub3A = arith.subf %get3A_812, %get3A_816 : vector<16xf32>
        %mul3A_817 = arith.mulf %sub3A, %sub3A : vector<16xf32>
        %add3A_818 = arith.addf %scan3A_801, %mul3A_817 : vector<16xf32>
        %add3A_819 = arith.constant 16 : i32
        %add3A_820 = arith.addi %mul3A_806, %add3A_819 : i32
        %get3A_821 = arith.constant 14 : i32
        %get3A_822 = arith.index_cast %get3A_821 : i32 to index
        %get3A_823 = arith.index_cast %add3A_820 : i32 to index
        %get3A_824 = tpu.vector_load %arg12[%get3A_822, %get3A_823] {strides = array<i32>} : memref<16x1024xf32, #tpu.memory_space<vmem>>, vector<16xf32>,
        %get3A_825 = arith.constant 14 : i32
        %get3A_826 = arith.index_cast %get3A_825 : i32 to index
        %get3A_827 = arith.index_cast %add3A_820 : i32 to index
        %get3A_828 = tpu.vector_load %arg14[%get3A_826, %get3A_827] {strides = array<i32>} : memref<16x1024xf32, #tpu.memory_space<vmem>>, vector<16xf32>,
        %sub3A_829 = arith.subf %get3A_824, %get3A_828 : vector<16xf32>
        %mul3A_830 = arith.mulf %sub3A_829, %sub3A_829 : vector<16xf32>
        %add3A_831 = arith.addf %scan3A_802, %mul3A_830 : vector<16xf32>
        %add3A_832 = arith.constant 32 : i32
        %add3A_833 = arith.addi %mul3A_806, %add3A_832 : i32
        %get3A_834 = arith.constant 14 : i32
        %get3A_835 = arith.index_cast %get3A_834 : i32 to index
        %get3A_836 = arith.index_cast %add3A_833 : i32 to index
        %get3A_837 = tpu.vector_load %arg12[%get3A_835, %get3A_836] {strides = array<i32>} : memref<16x1024xf32, #tpu.memory_space<vmem>>, vector<16xf32>,
        %get3A_838 = arith.constant 14 : i32
        %get3A_839 = arith.index_cast %get3A_838 : i32 to index
        %get3A_840 = arith.index_cast %add3A_833 : i32 to index
        %get3A_841 = tpu.vector_load %arg14[%get3A_839, %get3A_840] {strides = array<i32>} : memref<16x1024xf32, #tpu.memory_space<vmem>>, vector<16xf32>,
        %sub3A_842 = arith.subf %get3A_837, %get3A_841 : vector<16xf32>
        %mul3A_843 = arith.mulf %sub3A_842, %sub3A_842 : vector<16xf32>
        %add3A_844 = arith.addf %scan3A_803, %mul3A_843 : vector<16xf32>
        %add3A_845 = arith.constant 48 : i32
        %add3A_846 = arith.addi %mul3A_806, %add3A_845 : i32
        %get3A_847 = arith.constant 14 : i32
        %get3A_848 = arith.index_cast %get3A_847 : i32 to index
        %get3A_849 = arith.index_cast %add3A_846 : i32 to index
        %get3A_850 = tpu.vector_load %arg12[%get3A_848, %get3A_849] {strides = array<i32>} : memref<16x1024xf32, #tpu.memory_space<vmem>>, vector<16xf32>,
        %get3A_851 = arith.constant 14 : i32
        %get3A_852 = arith.index_cast %get3A_851 : i32 to index
        %get3A_853 = arith.index_cast %add3A_846 : i32 to index
        %get3A_854 = tpu.vector_load %arg14[%get3A_852, %get3A_853] {strides = array<i32>} : memref<16x1024xf32, #tpu.memory_space<vmem>>, vector<16xf32>,
        %sub3A_855 = arith.subf %get3A_850, %get3A_854 : vector<16xf32>
        %mul3A_856 = arith.mulf %sub3A_855, %sub3A_855 : vector<16xf32>
        %add3A_857 = arith.addf %scan3A_804, %mul3A_856 : vector<16xf32>
        %add3A_858 = arith.constant 64 : i32
        %add3A_859 = arith.addi %mul3A_806, %add3A_858 : i32
        %get3A_860 = arith.constant 14 : i32
        %get3A_861 = arith.index_cast %get3A_860 : i32 to index
        %get3A_862 = arith.index_cast %add3A_859 : i32 to index
        %get3A_863 = tpu.vector_load %arg12[%get3A_861, %get3A_862] {strides = array<i32>} : memref<16x1024xf32, #tpu.memory_space<vmem>>, vector<16xf32>,
        %get3A_864 = arith.constant 14 : i32
        %get3A_865 = arith.index_cast %get3A_864 : i32 to index
        %get3A_866 = arith.index_cast %add3A_859 : i32 to index
        %get3A_867 = tpu.vector_load %arg14[%get3A_865, %get3A_866] {strides = array<i32>} : memref<16x1024xf32, #tpu.memory_space<vmem>>, vector<16xf32>,
        %sub3A_868 = arith.subf %get3A_863, %get3A_867 : vector<16xf32>
        %mul3A_869 = arith.mulf %sub3A_868, %sub3A_868 : vector<16xf32>
        %add3A_870 = arith.addf %add3A_818, %mul3A_869 : vector<16xf32>
        %add3A_871 = arith.constant 80 : i32
        %add3A_872 = arith.addi %mul3A_806, %add3A_871 : i32
        %get3A_873 = arith.constant 14 : i32
        %get3A_874 = arith.index_cast %get3A_873 : i32 to index
        %get3A_875 = arith.index_cast %add3A_872 : i32 to index
        %get3A_876 = tpu.vector_load %arg12[%get3A_874, %get3A_875] {strides = array<i32>} : memref<16x1024xf32, #tpu.memory_space<vmem>>, vector<16xf32>,
        %get3A_877 = arith.constant 14 : i32
        %get3A_878 = arith.index_cast %get3A_877 : i32 to index
        %get3A_879 = arith.index_cast %add3A_872 : i32 to index
        %get3A_880 = tpu.vector_load %arg14[%get3A_878, %get3A_879] {strides = array<i32>} : memref<16x1024xf32, #tpu.memory_space<vmem>>, vector<16xf32>,
        %sub3A_881 = arith.subf %get3A_876, %get3A_880 : vector<16xf32>
        %mul3A_882 = arith.mulf %sub3A_881, %sub3A_881 : vector<16xf32>
        %add3A_883 = arith.addf %add3A_831, %mul3A_882 : vector<16xf32>
        %add3A_884 = arith.constant 96 : i32
        %add3A_885 = arith.addi %mul3A_806, %add3A_884 : i32
        %get3A_886 = arith.constant 14 : i32
        %get3A_887 = arith.index_cast %get3A_886 : i32 to index
        %get3A_888 = arith.index_cast %add3A_885 : i32 to index
        %get3A_889 = tpu.vector_load %arg12[%get3A_887, %get3A_888] {strides = array<i32>} : memref<16x1024xf32, #tpu.memory_space<vmem>>, vector<16xf32>,
        %get3A_890 = arith.constant 14 : i32
        %get3A_891 = arith.index_cast %get3A_890 : i32 to index
        %get3A_892 = arith.index_cast %add3A_885 : i32 to index
        %get3A_893 = tpu.vector_load %arg14[%get3A_891, %get3A_892] {strides = array<i32>} : memref<16x1024xf32, #tpu.memory_space<vmem>>, vector<16xf32>,
        %sub3A_894 = arith.subf %get3A_889, %get3A_893 : vector<16xf32>
        %mul3A_895 = arith.mulf %sub3A_894, %sub3A_894 : vector<16xf32>
        %add3A_896 = arith.addf %add3A_844, %mul3A_895 : vector<16xf32>
        %add3A_897 = arith.constant 112 : i32
        %add3A_898 = arith.addi %mul3A_806, %add3A_897 : i32
        %get3A_899 = arith.constant 14 : i32
        %get3A_900 = arith.index_cast %get3A_899 : i32 to index
        %get3A_901 = arith.index_cast %add3A_898 : i32 to index
        %get3A_902 = tpu.vector_load %arg12[%get3A_900, %get3A_901] {strides = array<i32>} : memref<16x1024xf32, #tpu.memory_space<vmem>>, vector<16xf32>,
        %get3A_903 = arith.constant 14 : i32
        %get3A_904 = arith.index_cast %get3A_903 : i32 to index
        %get3A_905 = arith.index_cast %add3A_898 : i32 to index
        %get3A_906 = tpu.vector_load %arg14[%get3A_904, %get3A_905] {strides = array<i32>} : memref<16x1024xf32, #tpu.memory_space<vmem>>, vector<16xf32>,
        %sub3A_907 = arith.subf %get3A_902, %get3A_906 : vector<16xf32>
        %mul3A_908 = arith.mulf %sub3A_907, %sub3A_907 : vector<16xf32>
        %add3A_909 = arith.addf %add3A_857, %mul3A_908 : vector<16xf32>
        scf.yield %add3A_870, %add3A_883, %add3A_896, %add3A_909 : vector<16xf32>, vector<16xf32>, vector<16xf32>, vector<16xf32>
      }
      %scan3A_757 = arith.constant 8 : i32
      %add3A_758 = arith.addf %scan3A_756#0, %scan3A_756#1 : vector<16xf32>
      %add3A_759 = arith.addf %scan3A_756#2, %scan3A_756#3 : vector<16xf32>
      %add3A_760 = arith.addf %add3A_758, %add3A_759 : vector<16xf32>
      %broadcast_in_dim3A_761 = arith.constant 14 : i32
      %broadcast_in_dim3A_762 = vector.broadcast %broadcast_in_dim3A_761 : i32 to vector<16xi32>
      %gather3A_763 = tpu.vector_load_idx %arg9[%broadcast_in_dim3A_762] : memref<16xf32, #tpu.memory_space<vmem>>[vector<16xi32>], vector<16xf32>,
      %mul3A_764 = arith.mulf %add3A_760, %gather3A_763 : vector<16xf32>
      %add3A_765 = arith.addf %add3A_743, %mul3A_764 : vector<16xf32>
      %broadcast_in_dim3A_766 = arith.constant 0.000000e+00 : f32
      %broadcast_in_dim3A_767 = vector.broadcast %broadcast_in_dim3A_766 : f32 to vector<16xf32>
      %broadcast_in_dim3A_768 = arith.constant 0.000000e+00 : f32
      %broadcast_in_dim3A_769 = vector.broadcast %broadcast_in_dim3A_768 : f32 to vector<16xf32>
      %broadcast_in_dim3A_770 = arith.constant 0.000000e+00 : f32
      %broadcast_in_dim3A_771 = vector.broadcast %broadcast_in_dim3A_770 : f32 to vector<16xf32>
      %broadcast_in_dim3A_772 = arith.constant 0.000000e+00 : f32
      %broadcast_in_dim3A_773 = vector.broadcast %broadcast_in_dim3A_772 : f32 to vector<16xf32>
      %scan3A_774 = arith.constant 0 : i32
      %scan3A_775 = arith.constant 8 : i32
      %scan3A_776 = arith.addi %scan3A_774, %scan3A_775 : i32
      %scan3A_777 = arith.constant 1 : i32
      %scan3A_778:4 = scf.for %scan3A_800 = %scan3A_774 to %scan3A_776 step %scan3A_777 iter_args(%scan3A_801 = %broadcast_in_dim3A_767, %scan3A_802 = %broadcast_in_dim3A_769, %scan3A_803 = %broadcast_in_dim3A_771, %scan3A_804 = %broadcast_in_dim3A_773) -> (vector<16xf32>, vector<16xf32>, vector<16xf32>, vector<16xf32>)  : i32 {
        %mul3A_805 = arith.constant 128 : i32
        %mul3A_806 = arith.muli %scan3A_800, %mul3A_805 : i32
        %add3A_807 = arith.constant 0 : i32
        %add3A_808 = arith.addi %mul3A_806, %add3A_807 : i32
        %get3A_809 = arith.constant 15 : i32
        %get3A_810 = arith.index_cast %get3A_809 : i32 to index
        %get3A_811 = arith.index_cast %add3A_808 : i32 to index
        %get3A_812 = tpu.vector_load %arg12[%get3A_810, %get3A_811] {strides = array<i32>} : memref<16x1024xf32, #tpu.memory_space<vmem>>, vector<16xf32>,
        %get3A_813 = arith.constant 15 : i32
        %get3A_814 = arith.index_cast %get3A_813 : i32 to index
        %get3A_815 = arith.index_cast %add3A_808 : i32 to index
        %get3A_816 = tpu.vector_load %arg14[%get3A_814, %get3A_815] {strides = array<i32>} : memref<16x1024xf32, #tpu.memory_space<vmem>>, vector<16xf32>,
        %sub3A = arith.subf %get3A_812, %get3A_816 : vector<16xf32>
        %mul3A_817 = arith.mulf %sub3A, %sub3A : vector<16xf32>
        %add3A_818 = arith.addf %scan3A_801, %mul3A_817 : vector<16xf32>
        %add3A_819 = arith.constant 16 : i32
        %add3A_820 = arith.addi %mul3A_806, %add3A_819 : i32
        %get3A_821 = arith.constant 15 : i32
        %get3A_822 = arith.index_cast %get3A_821 : i32 to index
        %get3A_823 = arith.index_cast %add3A_820 : i32 to index
        %get3A_824 = tpu.vector_load %arg12[%get3A_822, %get3A_823] {strides = array<i32>} : memref<16x1024xf32, #tpu.memory_space<vmem>>, vector<16xf32>,
        %get3A_825 = arith.constant 15 : i32
        %get3A_826 = arith.index_cast %get3A_825 : i32 to index
        %get3A_827 = arith.index_cast %add3A_820 : i32 to index
        %get3A_828 = tpu.vector_load %arg14[%get3A_826, %get3A_827] {strides = array<i32>} : memref<16x1024xf32, #tpu.memory_space<vmem>>, vector<16xf32>,
        %sub3A_829 = arith.subf %get3A_824, %get3A_828 : vector<16xf32>
        %mul3A_830 = arith.mulf %sub3A_829, %sub3A_829 : vector<16xf32>
        %add3A_831 = arith.addf %scan3A_802, %mul3A_830 : vector<16xf32>
        %add3A_832 = arith.constant 32 : i32
        %add3A_833 = arith.addi %mul3A_806, %add3A_832 : i32
        %get3A_834 = arith.constant 15 : i32
        %get3A_835 = arith.index_cast %get3A_834 : i32 to index
        %get3A_836 = arith.index_cast %add3A_833 : i32 to index
        %get3A_837 = tpu.vector_load %arg12[%get3A_835, %get3A_836] {strides = array<i32>} : memref<16x1024xf32, #tpu.memory_space<vmem>>, vector<16xf32>,
        %get3A_838 = arith.constant 15 : i32
        %get3A_839 = arith.index_cast %get3A_838 : i32 to index
        %get3A_840 = arith.index_cast %add3A_833 : i32 to index
        %get3A_841 = tpu.vector_load %arg14[%get3A_839, %get3A_840] {strides = array<i32>} : memref<16x1024xf32, #tpu.memory_space<vmem>>, vector<16xf32>,
        %sub3A_842 = arith.subf %get3A_837, %get3A_841 : vector<16xf32>
        %mul3A_843 = arith.mulf %sub3A_842, %sub3A_842 : vector<16xf32>
        %add3A_844 = arith.addf %scan3A_803, %mul3A_843 : vector<16xf32>
        %add3A_845 = arith.constant 48 : i32
        %add3A_846 = arith.addi %mul3A_806, %add3A_845 : i32
        %get3A_847 = arith.constant 15 : i32
        %get3A_848 = arith.index_cast %get3A_847 : i32 to index
        %get3A_849 = arith.index_cast %add3A_846 : i32 to index
        %get3A_850 = tpu.vector_load %arg12[%get3A_848, %get3A_849] {strides = array<i32>} : memref<16x1024xf32, #tpu.memory_space<vmem>>, vector<16xf32>,
        %get3A_851 = arith.constant 15 : i32
        %get3A_852 = arith.index_cast %get3A_851 : i32 to index
        %get3A_853 = arith.index_cast %add3A_846 : i32 to index
        %get3A_854 = tpu.vector_load %arg14[%get3A_852, %get3A_853] {strides = array<i32>} : memref<16x1024xf32, #tpu.memory_space<vmem>>, vector<16xf32>,
        %sub3A_855 = arith.subf %get3A_850, %get3A_854 : vector<16xf32>
        %mul3A_856 = arith.mulf %sub3A_855, %sub3A_855 : vector<16xf32>
        %add3A_857 = arith.addf %scan3A_804, %mul3A_856 : vector<16xf32>
        %add3A_858 = arith.constant 64 : i32
        %add3A_859 = arith.addi %mul3A_806, %add3A_858 : i32
        %get3A_860 = arith.constant 15 : i32
        %get3A_861 = arith.index_cast %get3A_860 : i32 to index
        %get3A_862 = arith.index_cast %add3A_859 : i32 to index
        %get3A_863 = tpu.vector_load %arg12[%get3A_861, %get3A_862] {strides = array<i32>} : memref<16x1024xf32, #tpu.memory_space<vmem>>, vector<16xf32>,
        %get3A_864 = arith.constant 15 : i32
        %get3A_865 = arith.index_cast %get3A_864 : i32 to index
        %get3A_866 = arith.index_cast %add3A_859 : i32 to index
        %get3A_867 = tpu.vector_load %arg14[%get3A_865, %get3A_866] {strides = array<i32>} : memref<16x1024xf32, #tpu.memory_space<vmem>>, vector<16xf32>,
        %sub3A_868 = arith.subf %get3A_863, %get3A_867 : vector<16xf32>
        %mul3A_869 = arith.mulf %sub3A_868, %sub3A_868 : vector<16xf32>
        %add3A_870 = arith.addf %add3A_818, %mul3A_869 : vector<16xf32>
        %add3A_871 = arith.constant 80 : i32
        %add3A_872 = arith.addi %mul3A_806, %add3A_871 : i32
        %get3A_873 = arith.constant 15 : i32
        %get3A_874 = arith.index_cast %get3A_873 : i32 to index
        %get3A_875 = arith.index_cast %add3A_872 : i32 to index
        %get3A_876 = tpu.vector_load %arg12[%get3A_874, %get3A_875] {strides = array<i32>} : memref<16x1024xf32, #tpu.memory_space<vmem>>, vector<16xf32>,
        %get3A_877 = arith.constant 15 : i32
        %get3A_878 = arith.index_cast %get3A_877 : i32 to index
        %get3A_879 = arith.index_cast %add3A_872 : i32 to index
        %get3A_880 = tpu.vector_load %arg14[%get3A_878, %get3A_879] {strides = array<i32>} : memref<16x1024xf32, #tpu.memory_space<vmem>>, vector<16xf32>,
        %sub3A_881 = arith.subf %get3A_876, %get3A_880 : vector<16xf32>
        %mul3A_882 = arith.mulf %sub3A_881, %sub3A_881 : vector<16xf32>
        %add3A_883 = arith.addf %add3A_831, %mul3A_882 : vector<16xf32>
        %add3A_884 = arith.constant 96 : i32
        %add3A_885 = arith.addi %mul3A_806, %add3A_884 : i32
        %get3A_886 = arith.constant 15 : i32
        %get3A_887 = arith.index_cast %get3A_886 : i32 to index
        %get3A_888 = arith.index_cast %add3A_885 : i32 to index
        %get3A_889 = tpu.vector_load %arg12[%get3A_887, %get3A_888] {strides = array<i32>} : memref<16x1024xf32, #tpu.memory_space<vmem>>, vector<16xf32>,
        %get3A_890 = arith.constant 15 : i32
        %get3A_891 = arith.index_cast %get3A_890 : i32 to index
        %get3A_892 = arith.index_cast %add3A_885 : i32 to index
        %get3A_893 = tpu.vector_load %arg14[%get3A_891, %get3A_892] {strides = array<i32>} : memref<16x1024xf32, #tpu.memory_space<vmem>>, vector<16xf32>,
        %sub3A_894 = arith.subf %get3A_889, %get3A_893 : vector<16xf32>
        %mul3A_895 = arith.mulf %sub3A_894, %sub3A_894 : vector<16xf32>
        %add3A_896 = arith.addf %add3A_844, %mul3A_895 : vector<16xf32>
        %add3A_897 = arith.constant 112 : i32
        %add3A_898 = arith.addi %mul3A_806, %add3A_897 : i32
        %get3A_899 = arith.constant 15 : i32
        %get3A_900 = arith.index_cast %get3A_899 : i32 to index
        %get3A_901 = arith.index_cast %add3A_898 : i32 to index
        %get3A_902 = tpu.vector_load %arg12[%get3A_900, %get3A_901] {strides = array<i32>} : memref<16x1024xf32, #tpu.memory_space<vmem>>, vector<16xf32>,
        %get3A_903 = arith.constant 15 : i32
        %get3A_904 = arith.index_cast %get3A_903 : i32 to index
        %get3A_905 = arith.index_cast %add3A_898 : i32 to index
        %get3A_906 = tpu.vector_load %arg14[%get3A_904, %get3A_905] {strides = array<i32>} : memref<16x1024xf32, #tpu.memory_space<vmem>>, vector<16xf32>,
        %sub3A_907 = arith.subf %get3A_902, %get3A_906 : vector<16xf32>
        %mul3A_908 = arith.mulf %sub3A_907, %sub3A_907 : vector<16xf32>
        %add3A_909 = arith.addf %add3A_857, %mul3A_908 : vector<16xf32>
        scf.yield %add3A_870, %add3A_883, %add3A_896, %add3A_909 : vector<16xf32>, vector<16xf32>, vector<16xf32>, vector<16xf32>
      }
      %scan3A_779 = arith.constant 8 : i32
      %add3A_780 = arith.addf %scan3A_778#0, %scan3A_778#1 : vector<16xf32>
      %add3A_781 = arith.addf %scan3A_778#2, %scan3A_778#3 : vector<16xf32>
      %add3A_782 = arith.addf %add3A_780, %add3A_781 : vector<16xf32>
      %broadcast_in_dim3A_783 = arith.constant 15 : i32
      %broadcast_in_dim3A_784 = vector.broadcast %broadcast_in_dim3A_783 : i32 to vector<16xi32>
      %gather3A_785 = tpu.vector_load_idx %arg9[%broadcast_in_dim3A_784] : memref<16xf32, #tpu.memory_space<vmem>>[vector<16xi32>], vector<16xf32>,
      %mul3A_786 = arith.mulf %add3A_782, %gather3A_785 : vector<16xf32>
      %add3A_787 = arith.addf %add3A_765, %mul3A_786 : vector<16xf32>
      %get3A_788 = arith.constant 0 : index
      %get3A_789 = tpu.vector_load %arg10[%get3A_788] {strides = array<i32>} : memref<16xf32, #tpu.memory_space<vmem>>, vector<16xf32>,
      %add3A_790 = arith.addf %get3A_789, %add3A_787 : vector<16xf32>
      %swap3A_791 = arith.constant 0 : index
      %swap3A_792 = tpu.vector_load %arg10[%swap3A_791] {strides = array<i32>} : memref<16xf32, #tpu.memory_space<vmem>>, vector<16xf32>,
      tpu.vector_store %arg10[%swap3A_791], %add3A_790 {strides = array<i32>} : memref<16xf32, #tpu.memory_space<vmem>>, vector<16xf32>,
      %add3A_793 = arith.constant 2 : i32
      %add3A_794 = arith.addi %add3A_416, %add3A_793 : i32
      %lt3A_795 = arith.constant 32 : i32
      %lt3A_796 = arith.cmpi slt, %add3A_794, %lt3A_795 : i32
      %convert_element_type3A_797 = arith.extui %lt3A_796 : i1 to i32
      %cond3A_798 = arith.constant 0 : i32
      %cond3A_799 = arith.cmpi ne, %convert_element_type3A_797, %cond3A_798 : i32
      scf.if %cond3A_799 {
        %mul3A_800 = arith.constant 16 : i32
        %mul3A_801 = arith.muli %add3A_794, %mul3A_800 : i32
        %add3A_802 = arith.addi %mul3A_2, %mul3A_801 : i32
        %dma_start3A_803 = arith.constant 0 : i32
        %dma_start3A_804 = tpu.memref_slice %arg2[%add3A_802, %dma_start3A_803] : memref<16384x1024xf32, #tpu.memory_space<hbm>> -> memref<16x1024xf32, #tpu.memory_space<hbm>>
        %dma_start3A_805 = arith.constant 0 : i32
        %dma_start3A_806 = tpu.memref_slice %arg2[%add3A_802, %dma_start3A_805] : memref<16384x1024xf32, #tpu.memory_space<hbm>> -> memref<16x1024xf32, #tpu.memory_space<hbm>>
        tpu.enqueue_dma source(%dma_start3A_806 : memref<16x1024xf32, #tpu.memory_space<hbm>>) target(%arg12 : memref<16x1024xf32, #tpu.memory_space<vmem>>) target_semaphore(%arg16 : memref<!tpu.dma_semaphore, #tpu.memory_space<semaphore_mem>>)
        %dma_start3A_807 = tpu.memref_slice %arg7[%mul3A_801] : memref<512xi32, #tpu.memory_space<vmem>> -> memref<16xi32, #tpu.memory_space<vmem>>
        %dma_start3A_808 = arith.constant 0 : i32
        %dma_start3A_809 = arith.constant 0 : i32
        %dma_start3A_810 = tpu.memref_slice %arg4[%dma_start3A_808, %dma_start3A_809] : memref<1000x1024xf32, #tpu.memory_space<hbm>> -> memref<1000x1024xf32, #tpu.memory_space<hbm>>
        tpu.enqueue_indirect_dma source(%dma_start3A_810 : memref<1000x1024xf32, #tpu.memory_space<hbm>>) target(%arg14 : memref<16x1024xf32, #tpu.memory_space<vmem>>) offsets(%dma_start3A_807 : memref<16xi32, #tpu.memory_space<vmem>>) semaphore(%arg18 : memref<!tpu.dma_semaphore, #tpu.memory_space<semaphore_mem>>)
      } else {
      }
    }
    %scan3A_30 = arith.constant 16 : i32
    "tpu.region"() ({
      %run_scoped3A = tpu.sem_alloc : memref<!tpu.dma_semaphore, #tpu.memory_space<semaphore_mem>>
      %dma_start3A_31 = arith.constant 0 : i32
      %dma_start3A_32 = tpu.memref_slice %arg6[%add3A, %dma_start3A_31] : memref<32x16xf32, #tpu.memory_space<hbm>> -> memref<1x16xf32, #tpu.memory_space<hbm>>
      %dma_start3A_33 = tpu.memref_squeeze %dma_start3A_32 : memref<1x16xf32, #tpu.memory_space<hbm>> -> memref<16xf32, #tpu.memory_space<hbm>>
      %dma_start3A_34 = arith.constant 0 : i32
      %dma_start3A_35 = tpu.memref_slice %arg6[%add3A, %dma_start3A_34] : memref<32x16xf32, #tpu.memory_space<hbm>> -> memref<1x16xf32, #tpu.memory_space<hbm>>
      %dma_start3A_36 = tpu.memref_squeeze %dma_start3A_35 : memref<1x16xf32, #tpu.memory_space<hbm>> -> memref<16xf32, #tpu.memory_space<hbm>>
      tpu.enqueue_dma source(%arg10 : memref<16xf32, #tpu.memory_space<vmem>>) target(%dma_start3A_36 : memref<16xf32, #tpu.memory_space<hbm>>) target_semaphore(%run_scoped3A : memref<!tpu.dma_semaphore, #tpu.memory_space<semaphore_mem>>)
      %dma_wait3A = arith.constant 0 : i32
      %dma_wait3A_37 = tpu.memref_slice %arg6[%add3A, %dma_wait3A] : memref<32x16xf32, #tpu.memory_space<hbm>> -> memref<1x16xf32, #tpu.memory_space<hbm>>
      %dma_wait3A_38 = tpu.memref_squeeze %dma_wait3A_37 : memref<1x16xf32, #tpu.memory_space<hbm>> -> memref<16xf32, #tpu.memory_space<hbm>>
      %dma_wait3A_39 = arith.constant 0 : i32
      %dma_wait3A_40 = tpu.memref_slice %arg6[%add3A, %dma_wait3A_39] : memref<32x16xf32, #tpu.memory_space<hbm>> -> memref<1x16xf32, #tpu.memory_space<hbm>>
      %dma_wait3A_41 = tpu.memref_squeeze %dma_wait3A_40 : memref<1x16xf32, #tpu.memory_space<hbm>> -> memref<16xf32, #tpu.memory_space<hbm>>
      tpu.wait_dma2 semaphore(%run_scoped3A : memref<!tpu.dma_semaphore, #tpu.memory_space<semaphore_mem>>) src(%arg10 : memref<16xf32, #tpu.memory_space<vmem>>) dst(%dma_wait3A_41 : memref<16xf32, #tpu.memory_space<hbm>>)
      tpu.yield
    }) : () -> ()
    return
  }
}

</mosaic_0001>

<sc_bundles>
// kernel: kernel.3.cloned.1.call-start
scs
__scs_entry_jumppad:
0x0: {  	(pc) =	sbr.rel $0x88, $3  }
0x1: {  	(tag) =	ssettag $0x0;
	lr =	simm.s32 $0x1  }
0x2: {  	[smem:$0x3F9D] =	sst lr;
	_ =	strace $0xD0000000  }
0x3: {  	_ = 	snop  }
0x4: {  	_ = 	snop  }
0x5: {  	_ = 	snop  }
0x6: {  	_ = 	snop  }
0x7: {  	_ = 	snop  }
__scs_overlays_trampoline_lowered:
0x8: {  	[smem:$0x3FAC] =	sst s0  }
0x9: {  	[smem:$0x3FAD] =	sst s1  }
0xa: {  	[smem:$0x3FAE] =	sst s2  }
0xb: {  	[smem:$0x3FAF] =	sst s3  }
0xc: {  	[smem:$0x3FB0] =	sst s4  }
0xd: {  	[smem:$0x3FB1] =	sst s5  }
0xe: {  	[smem:$0x3FB2] =	sst s6  }
0xf: {  	[smem:$0x3FB3] =	sst s7  }
0x10: {  	[smem:$0x3FB4] =	sst s8  }
0x11: {  	[smem:$0x3FB5] =	sst s9;
	s0 =	simm.s32 @!p0 $0x0  }
0x12: {  	s1 =	sld [smem:$0x3F9B];
	s0 =	simm.s32 @p0 $0x1  }
0x13: {  	[smem:$0x3FB6] =	sst s0;
	s0 =	simm.s32 @!p1 $0x0  }
0x14: {  	s2 =	sld [smem:$0x3F9A];
	s0 =	simm.s32 @p1 $0x1  }
0x15: {  	[smem:$0x3FB7] =	sst s0;
	s0 =	simm.s32 @!p2 $0x0  }
0x16: {  	s3 =	sld [smem:$0x3FDB];
	s0 =	simm.s32 @p2 $0x1  }
0x17: {  	s4 =	simm.s32 $0x1BF5;
	[smem:$0x3FB9] =	sst s0  }
0x18: {  	s0 =	sld [smem:$0x3F9C];
	_ =	swait.ge [sflag:s4], $0x0  }
0x19: {  	s7 =	sld [smem:$0x3F9D]  }
0x1a: {  	s8 =	sadd.s32 $0xFFFFE003, lr  }
0x1b: {  	s9 =	sadd.s32 $0xFFFFFEF7, lr;
	s5 =	simm.s32 $0xFFFFFFFF;
	p2 =	slt.u32 s8, $0xFFFFF086  }
0x1c: {  	p1 =	slt.u32 s9, $0xF7A;
	s5 =	simm.s32 @!p2 $0x0  }
0x1d: {  	s5 =	simm.s32 @p1 $0x1;
	p0 =	seq.s32 s7, s2  }
0x1e: {  	s7 =	smul.u32 @!p0 $0xF7A, s2;
	p2 =	seq.s32 @!p0 s5, $0x0  }
0x1f: {  	s9 =	smul.u32 $0xF7A, s1;
	s8 =	simm.s32 @!p0 $0x1BF5;
	p2 =	por !p2, p0  }
0x20: {  	[sflag:s8] =	ssyncset.s32 @!p0 $0xFFFFF086;
	s6 =	sadd.s32 @!p0 s3, s7;
	s7 =	simm.s32 @!p0 $0x108  }
0x21: {  	s3 =	sadd.s32 s3, s9;
	s6 =	sadd.s32 @!p0 $0x88, s6;
	s7 =	simm.s32 @p2 $0x1082  }
0x22: {  	[simem:s7], [sflag:s8] =	dma.local @!p0 [hbm:s6], $0xF7A  }
0x23: {  	s9 =	sor.u32 $0xD0000000, s2;
	s6 =	simm.s32 $0x108;
	_ =	swait.ge @!p0 [sflag:s8], $0x0  }
0x24: {  	s3 =	sadd.s32 $0x88, s3;
	s6 =	simm.s32 @!p1 $0x1082;
	[sflag:s4] =	ssyncset.s32 $0xFFFFF086  }
0x25: {  	[simem:s6], [sflag:s4] =	dma.local [hbm:s3], $0xF7A  }
0x26: {  	[smem:$0x3F9D] =	sst s1;
	(tag) =	ssettag s2;
	_ =	strace s9  }
0x27: {  	s1 =	sld [smem:$0x3FAD]  }
0x28: {  	s2 =	sld [smem:$0x3FAE]  }
0x29: {  	s4 =	sld [smem:$0x3FB0]  }
0x2a: {  	p0 =	seq.s32 s5, $0x0;
	s5 =	sld [smem:$0x3FB1]  }
0x2b: {  	s6 =	sld [smem:$0x3FB2]  }
0x2c: {  	s7 =	sld [smem:$0x3FB3]  }
0x2d: {  	s3 =	simm.s32 $0x108;
	s8 =	sld [smem:$0x3FB4]  }
0x2e: {  	s3 =	simm.s32 @!p0 $0x1082;
	s9 =	sld [smem:$0x3FB5]  }
0x2f: {  	lr =	sadd.s32 s0, s3;
	s0 =	sld [smem:$0x3FAC]  }
0x30: {  	s3 =	sld [smem:$0x3FAF]  }
0x31: {  	[smem:$0x3FB8] =	sst s10  }
0x32: {  	s10 =	sld [smem:$0x3FB6];
	_ =	sdelay $0x3  }
0x33: {  	p0 =	seq.s32 s10, $0x1;
	s10 =	sld [smem:$0x3FB8];
	_ =	sdelay $0x3  }
0x34: {  	[smem:$0x3FB8] =	sst s10  }
0x35: {  	s10 =	sld [smem:$0x3FB7];
	_ =	sdelay $0x3  }
0x36: {  	p1 =	seq.s32 s10, $0x1;
	s10 =	sld [smem:$0x3FB8];
	_ =	sdelay $0x3  }
0x37: {  	[smem:$0x3FB8] =	sst s10  }
0x38: {  	s10 =	sld [smem:$0x3FB9]  }
0x39: {  	_ = 	snop;
	(pc) =	sbr.ind lr, $3  }
0x3a: {  	_ = 	snop  }
0x3b: {  	_ = 	snop  }
0x3c: {  	p2 =	seq.s32 s10, $0x1;
	s10 =	sld [smem:$0x3FB8]  }
0x3d: {  	_ =	shalt  }
0x3e: {  	_ =	shalt  }
0x3f: {  	_ =	shalt  }
0x40: {  	_ =	shalt  }
0x41: {  	_ =	shalt  }
0x42: {  	_ =	shalt  }
0x43: {  	_ =	shalt  }
0x44: {  	_ =	shalt  }
0x45: {  	_ =	shalt  }
0x46: {  	_ =	shalt  }
0x47: {  	_ =	shalt  }
0x48: {  	_ =	shalt  }
0x49: {  	_ =	shalt  }
0x4a: {  	_ =	shalt  }
0x4b: {  	_ =	shalt  }
0x4c: {  	_ =	shalt  }
0x4d: {  	_ =	shalt  }
0x4e: {  	_ =	shalt  }
0x4f: {  	_ =	shalt  }
0x50: {  	_ =	shalt  }
0x51: {  	_ =	shalt  }
0x52: {  	_ =	shalt  }
0x53: {  	_ =	shalt  }
0x54: {  	_ =	shalt  }
0x55: {  	_ =	shalt  }
0x56: {  	_ =	shalt  }
0x57: {  	_ =	shalt  }
0x58: {  	_ =	shalt  }
0x59: {  	_ =	shalt  }
0x5a: {  	_ =	shalt  }
0x5b: {  	_ =	shalt  }
0x5c: {  	_ =	shalt  }
0x5d: {  	_ =	shalt  }
0x5e: {  	_ =	shalt  }
0x5f: {  	_ =	shalt  }
0x60: {  	_ =	shalt  }
0x61: {  	_ =	shalt  }
0x62: {  	_ =	shalt  }
0x63: {  	_ =	shalt  }
0x64: {  	_ =	shalt  }
0x65: {  	_ =	shalt  }
0x66: {  	_ =	shalt  }
0x67: {  	_ =	shalt  }
0x68: {  	_ =	shalt  }
0x69: {  	_ =	shalt  }
0x6a: {  	_ =	shalt  }
0x6b: {  	_ =	shalt  }
0x6c: {  	_ =	shalt  }
0x6d: {  	_ =	shalt  }
0x6e: {  	_ =	shalt  }
0x6f: {  	_ =	shalt  }
0x70: {  	_ =	shalt  }
0x71: {  	_ =	shalt  }
0x72: {  	_ =	shalt  }
0x73: {  	_ =	shalt  }
0x74: {  	_ =	shalt  }
0x75: {  	_ =	shalt  }
0x76: {  	_ =	shalt  }
0x77: {  	_ =	shalt  }
0x78: {  	_ =	shalt  }
0x79: {  	_ =	shalt  }
0x7a: {  	_ =	shalt  }
0x7b: {  	_ =	shalt  }
0x7c: {  	_ =	shalt  }
0x7d: {  	_ =	shalt  }
0x7e: {  	_ =	shalt  }
0x7f: {  	_ =	shalt  }
0x80: {  	_ =	shalt  }
0x81: {  	_ =	shalt  }
0x82: {  	_ =	shalt  }
0x83: {  	_ =	shalt  }
0x84: {  	_ =	shalt  }
0x85: {  	_ =	shalt  }
0x86: {  	_ =	shalt  }
0x87: {  	_ =	shalt  }
.Lfunc_end0:
.L_simem_size_0:
called_computation_lowered:
.L_overlay_start_0:
0x88: {  	s2 =	sld [smem:$0x3FD9]  }
0x89: {  	s3 =	sld [smem:$0x3FFE];
	_ =	sdelay $0x1  }
0x8a: {  	s1 =	srdreg.scid  }
0x8b: {  	s0 =	sand.u32 $0x1, s1  }
0x8c: {  	s17 =	sshll.u32 s0, $0xA;
	s2 =	sadd.s32 s3, s2  }
0x8d: {  	s2 =	sadd.s32 s2, s17  }
0x8e: {  	[smem:$0x3FC4] =	sst s2  }
0x8f: {  	_ = 	snop  }
0x90: {  	s2 =	sld [smem:$0x3FC9]  }
0x91: {  	s18 =	sld [smem:$0x3FC8]  }
0x92: {  	s4 =	sld [smem:$0x3FC7]  }
0x93: {  	s5 =	sld [smem:$0x3FC6];
	(tm) =	ssettm $0x1  }
0x94: {  	s6 =	sld [smem:$0x3FFB];
	_ =	sdelay $0x3  }
0x95: {  	_ =	strace s6  }
0x96: {  	s6 =	sld [smem:$0x3FFC];
	_ =	sdelay $0x3  }
0x97: {  	_ =	strace s6  }
0x98: {  	s6 =	sld [smem:$0x3FFD];
	_ =	sdelay $0x3  }
0x99: {  	_ =	strace s6  }
0x9a: {  	_ =	strace $0x8FFFFFFF  }
0x9b: {  	s19 =	sld [smem:$0x3FDB];
	_ =	sdelay $0x1  }
0x9c: {  	s7 =	simm.s32 $_scs_section_size  }
0x9d: {  	s8 =	simm.s32 $_size__tile_overlayer_lowered;
	s9 =	simm.s32 $_tile_overlayer_lowered  }
0x9e: {  	s22 =	simm.s32 $0x1BFF;
	s21 =	sshll.u32 s9, $0x1;
	s6 =	sadd.s32 s7, s19  }
0x9f: {  	s10 =	simm.s32 $0x0;
	s20 =	sshll.u32 s8, $0x1;
	s8 =	sadd.s32 s21, s6  }
0xa0: {  	[timem:s10], [sflag:s22] =	dma.local [hbm:s8], s20  }
0xa1: {  	_ =	swait.ge [sflag:s22], s20  }
0xa2: {  	s7 =	ssub.s32 $0x0, s20;
	[sflag:s22] =	ssyncset.done $0x0  }
0xa3: {  	[sflag:s22] =	ssyncadd.s32 s7;
	_ =	sdelay $0x1  }
0xa4: {  	s23 =	simm.s32 $0x1B8B  }
0xa5: {  	_ =	swait.ge [sflag:s23], $0x1  }
0xa6: {  	[sflag:s23] =	ssyncset.done $0x0  }
0xa7: {  	s25 =	simm.s32 $0x1B8E;
	s24 =	sld [smem:$0x3FFE];
	[sflag:s23] =	ssyncadd.s32 $0xFFFFFFFF  }
0xa8: {  	s26 =	simm.s32 $execute0_lowered;
	[smem:$0x3FD2] =	sst s25  }
0xa9: {  	s8 =	sshll.u32 s26, $0x1;
	_ =	strace $0x80000046;
	[dreg:$0x1] =	wrdreg $0xFFFFFFFF  }
0xaa: {  	s28 =	simm.s32 $_size_execute0_lowered;
	s6 =	sadd.s32 s6, s8;
	[dreg:$0x0] =	wrdreg $0x0  }
0xab: {  	s8 =	sshll.u32 s28, $0x1;
	[dreg:$0x2] =	wrdreg s6  }
0xac: {  	[dreg:$0x3] =	wrdreg s8  }
0xad: {  	[dreg:$0x4] =	wrdreg $0xC0  }
0xae: {  	_ =	task [dreg:s10], $0x5FFFF  }
0xaf: {  	[dreg:$0x1] =	wrdreg $0xFFFFFFFF  }
0xb0: {  	[dreg:$0x0] =	wrdreg $0x60  }
0xb1: {  	[dreg:$0x2] =	wrdreg s2  }
0xb2: {  	[dreg:$0x3] =	wrdreg s18  }
0xb3: {  	[dreg:$0x4] =	wrdreg s4  }
0xb4: {  	[dreg:$0x5] =	wrdreg s5  }
0xb5: {  	[dreg:$0x6] =	wrdreg s24  }
0xb6: {  	[dreg:$0x7] =	wrdreg $0x9  }
0xb7: {  	_ =	task.clear_ibuf [dreg:s10], $0x8FFFF;
	_ =	strace $0x90000046  }
0xb8: {  	s29 =	simm.s32 $0x9;
	_ =	strace $0x80000048  }
0xb9: {  	_ =	swait.ge [sflag:s29], $0x1  }
0xba: {  	[sflag:s29] =	ssyncadd.s32 $0xFFFFFFFF  }
0xbb: {  	_ =	strace $0x90000048  }
0xbc: {  	_ =	sfence  }
0xbd: {  	s30 =	sld [smem:$0x0];
	_ =	sdelay $0x2  }
0xbe: {  	s31 =	sshll.u32 s1, $0xD;
	s1 =	sshrl.u32 s1, $0x2  }
0xbf: {  	s3 =	sand.u32 $0x4000, s31;
	s1 =	sadd.s32 s1, s30  }
0xc0: {  	s0 =	sor.u32 s3, s0;
	s1 =	sshll.u32 s1, $0x11  }
0xc1: {  	s0 =	sor.u32 s1, s0  }
0xc2: {  	s0 =	sadd.s32 $0x8F2B, s0  }
0xc3: {  	[sflag:s0] =	ssyncadd.remote.s32 $0x1  }
0xc4: {  	_ =	sfence.sel $0xFFFF  }
0xc5: {  	[dreg:$0x0] =	wrdreg $0xFFFFFFFF;
	(pc) =	sbr.abs _section_cstart, $3  }
0xc6: {  	[dreg:$0x1] =	wrdreg $0xFFFFFFFF  }
0xc7: {  	_ =	task.clear_ibuf [dreg:s10], $0x2FFFF;
	_ =	strace $0x9FFFFFFF  }
0xc8: {  	(tm) =	ssettm $0x7FFFFFFF  }
0xc9: {  	_ =	shalt  }
tec
execute0_lowered:
.L_overlay_start_1:
0x0: {  	(tag) =	ssettag $0x1  }
0x1: {  	s1 =	rddreg [dreg:$0x0]  }
0x2: {  	s0 =	rddreg [dreg:$0x1]  }
0x3: {  	s2 =	rddreg [dreg:$0x2]  }
0x4: {  	s3 =	rddreg [dreg:$0x4]  }
0x5: {  	s4 =	srdreg.scid;
	s5 =	simm.s32 $0x0;
	s8 =	stileid.u32  }
0x6: {  	s15 =	simm.s32 $0x5;
	s16 =	simm.s32 $0x200;
	s28 =	simm.s32 $0xC700  }
0x7: {  	s29 =	simm.s32 $0xCF00;
	s30 =	simm.s32 $0xD700;
	s31 =	simm.s32 $0xDF00  }
0x8: {  	s17 =	simm.s32 $0xFF00;
	s18 =	simm.s32 $0x1;
	s19 =	simm.s32 $0x3  }
0x9: {  	s20 =	simm.s32 $0x600;
	s21 =	simm.s32 $0x2;
	s22 =	simm.s32 $0x4  }
0xa: {  	s4 =	sand.u32 $0x1, s4;
	[smem:$0x7FF] =	sst s5;
	s8 =	sshll.u32 s8, $0x1  }
0xb: {  	s10 =	sadd.s32 $0x200, s2;
	s11 =	sadd.s32 $0x300, s2;
	s6 =	ssub.s32 $0x2, s4  }
0xc: {  	_ =	strace $0x80000047;
	s4 =	sor.u32 s4, s8;
	s7 =	sshrl.u32 s6, $0x1  }
0xd: {  	s8 =	sshll.u32 s4, $0x6;
	s9 =	sshll.u32 s4, $0x10;
	s24 =	sshll.u32 s4, $0x4  }
0xe: {  	s7 =	ssub.s32 s6, s7;
	s6 =	sshll.u32 s4, $0x9;
	s0 =	sadd.s32 s0, s8  }
.Ltmp0:
0xf: {  	v0 =	vlaneseq.u32;
	s8 =	sadd.s32 s1, s9;
	s9 =	sadd.s32 $0x100, s2;
	(pc) =	sbr.rel .LBB2_1-.Ltmp0, $4  }
0x10: {  	v1 =	vshrl.u32 v0, $0x3;
	v2 =	vand.u32 $0x7, v0;
	s4 =	simm.s32 $0xEF00;
	[dreg:$0x6] =	wrdreg s0;
	s25 =	sadd.s32 $0x800, s8  }
0x11: {  	v0 =	vor.u32 $0x8, v0;
	[tilespmem:$0x1FFD0] =	vst v2;
	v1 =	vmul.u32 $0x8, v1;
	s0 =	sadd.s32 s3, s24;
	s26 =	smax.u32 s7, $0x1;
	[dreg:$0x7] =	wrdreg s25  }
0x12: {  	[tilespmem:$0x1FFF0] =	vst v0;
	s3 =	simm.s32 $0xF700;
	s24 =	simm.s32 $0x0;
	[dreg:$0x8] =	wrdreg s0  }
0x13: {  	vm0 =	vmmov $0xffff;
	[tilespmem:$0x1FFE0] =	vst v1;
	[dreg:$0x9] =	wrdreg s26;
	s26 =	simm.s32 $0x4700;
	s0 =	simm.s32 $0xE700  }
.LBB2_68:
0x14: {  	s7 =	rddreg [dreg:$0x8];
	s12 =	simm.s32 $0x680  }
0x15: {  	[hbm4b:s7+s5] =	stream.linear.scatter [tilespmem:s12], [sflag:$0x5], $0x80, $0x38;
	[tilespmem:$0x10700] =	vst v63  }
0x16: {  	_ =	swait.ge [sflag:s15], $0x80  }
0x17: {  	s24 =	sadd.s32 $0x1, s24;
	s25 =	rddreg [dreg:$0x9]  }
0x18: {  	p0 =	sne.s32 s24, s25  }
.Ltmp1:
0x19: {  	_ = 	snop;
	(pc) =	sbr.rel @!p0 .LBB2_69-.Ltmp1, $3  }
0x1a: {  	_ =	sdelay $0x1  }
0x1b: {  	[sflag:s15] =	ssyncset.done $0x0  }
0x1c: {  	[sflag:s15] =	ssyncadd.s32 $0xFFFFFF80  }
.LBB2_1:
0x1d: {  	s7 =	rddreg [dreg:$0x6]  }
0x1e: {  	[tilespmem:s5], [sflag:$0x5] =	stream.linear.gather [hbm4b:s7+s5], $0x200, $0x38;
	[tilespmem:$0x10700] =	vst v63  }
0x1f: {  	_ =	swait.ge [sflag:s15], $0x200  }
0x20: {  	[sflag:s15] =	ssyncset.done $0x0  }
0x21: {  	[sflag:s15] =	ssyncadd.s32 $0xFFFFFE00  }
0x22: {  	s25 =	rddreg [dreg:$0x3]  }
0x23: {  	[tilespmem:s16], [sflag:$0x5] =	stream.linear.gather [hbm4b:s25+s5], $0x400, $0x38;
	[tilespmem:$0x10700] =	vst v63  }
0x24: {  	_ =	swait.ge [sflag:s15], $0x400  }
0x25: {  	[sflag:s15] =	ssyncset.done $0x0  }
0x26: {  	s12 =	simm.s32 $0x700;
	[sflag:s15] =	ssyncadd.s32 $0xFFFFFC00  }
0x27: {  	[tilespmem:s12], [sflag:$0x1] =	stream.linear.gather [hbm4b:s8+s5], $0x4000, $0x38;
	[tilespmem:$0x10700] =	vst v63  }
0x28: {  	v0 =	vld [tilespmem:$0x0];
	_ =	sdelay $0x2  }
0x29: {  	v2 =	vld [tilespmem:$0x1FFD0];
	_ =	sdelay $0x1  }
0x2a: {  	v3 =	vld [tilespmem:$0x1FFE0];
	v1 =	vshll.u32 v0, $0x3  }
0x2b: {  	v0 =	vand.u32 $0x7, v0;
	v1 =	vand.u32 $0xFFFFFFC0, v1  }
0x2c: {  	v0 =	vor.u32 v0, v1  }
0x2d: {  	v1 =	vperm.xlane v0, v2;
	_ =	sdelay $0x1  }
0x2e: {  	v1 =	vadd.s32 v3, v1  }
0x2f: {  	v4 =	vld [tilespmem:$0x1FFF0];
	_ =	sdelay $0x2  }
0x30: {  	s13 =	simm.s32 $0x8700  }
0x31: {  	[tilespmem:s13], [sflag:$0x3] =	stream.indirect_vreg.gather [hbm4b:s2+s5], $0x80, v1, vm0, $0xb8;
	[tilespmem:$0x10700] =	vst v63  }
0x32: {  	s14 =	simm.s32 $0x8F00;
	v0 =	vperm.xlane v0, v4  }
0x33: {  	[tilespmem:s14], [sflag:$0x3] =	stream.indirect_vreg.gather [hbm4b:s9+s5], $0x80, v1, vm0, $0xb8;
	[tilespmem:$0x10700] =	vst v63  }
0x34: {  	s23 =	simm.s32 $0x9700;
	v0 =	vadd.s32 v3, v0  }
0x35: {  	[tilespmem:s23], [sflag:$0x3] =	stream.indirect_vreg.gather [hbm4b:s10+s5], $0x80, v1, vm0, $0xb8;
	[tilespmem:$0x10700] =	vst v63  }
0x36: {  	s25 =	simm.s32 $0x9F00  }
0x37: {  	[tilespmem:s25], [sflag:$0x3] =	stream.indirect_vreg.gather [hbm4b:s11+s5], $0x80, v1, vm0, $0xb8;
	[tilespmem:$0x10700] =	vst v63  }
0x38: {  	s12 =	simm.s32 $0xA700  }
0x39: {  	[tilespmem:s12], [sflag:$0x3] =	stream.indirect_vreg.gather [hbm4b:s2+s5], $0x80, v0, vm0, $0xb8;
	[tilespmem:$0x10700] =	vst v63  }
0x3a: {  	s13 =	simm.s32 $0xAF00  }
0x3b: {  	[tilespmem:s13], [sflag:$0x3] =	stream.indirect_vreg.gather [hbm4b:s9+s5], $0x80, v0, vm0, $0xb8;
	[tilespmem:$0x10700] =	vst v63  }
0x3c: {  	s14 =	simm.s32 $0xB700  }
0x3d: {  	[tilespmem:s14], [sflag:$0x3] =	stream.indirect_vreg.gather [hbm4b:s10+s5], $0x80, v0, vm0, $0xb8;
	[tilespmem:$0x10700] =	vst v63  }
0x3e: {  	s23 =	simm.s32 $0xBF00  }
0x3f: {  	[tilespmem:s23], [sflag:$0x3] =	stream.indirect_vreg.gather [hbm4b:s11+s5], $0x80, v0, vm0, $0xb8;
	[tilespmem:$0x10700] =	vst v63  }
0x40: {  	s25 =	rddreg [dreg:$0x7]  }
0x41: {  	[tilespmem:s26], [sflag:$0x2] =	stream.linear.gather [hbm4b:s25+s5], $0x4000, $0x38;
	[tilespmem:$0x10700] =	vst v63  }
0x42: {  	v0 =	vld [tilespmem:$0x10];
	_ =	sdelay $0x4  }
0x43: {  	v62 =	vshll.u32 v0, $0x3  }
0x44: {  	v0 =	vand.u32 $0x7, v0;
	v1 =	vand.u32 $0xFFFFFFC0, v62  }
0x45: {  	v0 =	vor.u32 v0, v1  }
0x46: {  	v1 =	vperm.xlane v0, v2;
	_ =	sdelay $0x1  }
0x47: {  	v1 =	vadd.s32 v3, v1;
	_ =	sdelay $0x4  }
0x48: {  	[tilespmem:s28], [sflag:$0x4] =	stream.indirect_vreg.gather [hbm4b:s2+s5], $0x80, v1, vm0, $0xb8;
	[tilespmem:$0x10700] =	vst v63  }
0x49: {  	v0 =	vperm.xlane v0, v4  }
0x4a: {  	[tilespmem:s29], [sflag:$0x4] =	stream.indirect_vreg.gather [hbm4b:s9+s5], $0x80, v1, vm0, $0xb8;
	[tilespmem:$0x10700] =	vst v63  }
0x4b: {  	v0 =	vadd.s32 v3, v0  }
0x4c: {  	[tilespmem:s30], [sflag:$0x4] =	stream.indirect_vreg.gather [hbm4b:s10+s5], $0x80, v1, vm0, $0xb8;
	[tilespmem:$0x10700] =	vst v63  }
0x4d: {  	_ = 	snop  }
0x4e: {  	[tilespmem:s31], [sflag:$0x4] =	stream.indirect_vreg.gather [hbm4b:s11+s5], $0x80, v1, vm0, $0xb8;
	[tilespmem:$0x10700] =	vst v63  }
0x4f: {  	_ = 	snop  }
0x50: {  	[tilespmem:s0], [sflag:$0x4] =	stream.indirect_vreg.gather [hbm4b:s2+s5], $0x80, v0, vm0, $0xb8;
	[tilespmem:$0x10700] =	vst v63  }
0x51: {  	_ = 	snop  }
0x52: {  	[tilespmem:s4], [sflag:$0x4] =	stream.indirect_vreg.gather [hbm4b:s9+s5], $0x80, v0, vm0, $0xb8;
	[tilespmem:$0x10700] =	vst v63  }
0x53: {  	_ = 	snop  }
0x54: {  	[tilespmem:s3], [sflag:$0x4] =	stream.indirect_vreg.gather [hbm4b:s10+s5], $0x80, v0, vm0, $0xb8;
	[tilespmem:$0x10700] =	vst v63  }
0x55: {  	_ = 	snop  }
0x56: {  	v63 =	vimm.f32 $0.0e+00;
	[tilespmem:s17], [sflag:$0x4] =	stream.indirect_vreg.gather [hbm4b:s11+s5], $0x80, v0, vm0, $0xb8;
	[tilespmem:$0x10700] =	vst v63  }
0x57: {  	s25 =	simm.s32 $0x0;
	[tilespmem:$0x680] =	vst v63  }
.LBB2_2:
0x58: {  	_ =	swait.ge [sflag:s18], $0x4000  }
0x59: {  	[sflag:s18] =	ssyncset.done $0x0  }
0x5a: {  	[sflag:s18] =	ssyncadd.s32 $0xFFFFC000  }
0x5b: {  	_ =	swait.ge [sflag:s19], $0x4000  }
0x5c: {  	s23 =	sshll.u32 s25, $0x5;
	[sflag:s19] =	ssyncset.done $0x0  }
0x5d: {  	s7 =	sand.u32 $0x3FFFFFE0, s23;
	[sflag:s19] =	ssyncadd.s32 $0xFFFFC000  }
0x5e: {  	v0 =	vld [tilespmem:s7+$0x0];
	_ =	sdelay $0x7  }
0x5f: {  	v0 =	vld.idx.msk [tilespmem:v0+s16+$0x0], $0xffff;
	_ =	sdelay $0x4  }
0x60: {  	v0 =	vmul.f32 v0, v0;
	_ =	sdelay $0x1  }
0x61: {  	s12 =	simm.s32 $0x0;
	[tilespmem:$0x600] =	vst v0  }
0x62: {  	v0 =	vld [tilespmem:s12+$0x740]  }
0x63: {  	v3 =	vld [tilespmem:s12+$0x8740]  }
0x64: {  	v4 =	vld [tilespmem:s12+$0x750]  }
0x65: {  	v6 =	vld [tilespmem:s12+$0x8750]  }
0x66: {  	v2 =	vld [tilespmem:s12+$0x760]  }
0x67: {  	v7 =	vld [tilespmem:s12+$0x8760]  }
0x68: {  	v12 =	vld [tilespmem:s12+$0x700]  }
0x69: {  	v14 =	vld [tilespmem:s12+$0x8700]  }
0x6a: {  	v13 =	vld [tilespmem:s12+$0x710]  }
0x6b: {  	v15 =	vld [tilespmem:s12+$0x8710]  }
0x6c: {  	v16 =	vld [tilespmem:s12+$0x720]  }
0x6d: {  	v8 =	vimm.f32 $0.0e+00;
	v18 =	vld [tilespmem:s12+$0x8720]  }
0x6e: {  	s13 =	simm.s32 $0x1000;
	v11 =	vimm.f32 $0.0e+00;
	v9 =	vimm.f32 $0.0e+00;
	v10 =	vimm.f32 $0.0e+00;
	v17 =	vld [tilespmem:s12+$0x730]  }
.LBB2_3:
0x6f: {  	p0 =	sne.s32 s13, $0x7000;
	v1 =	vld [tilespmem:s12+$0x8730]  }
0x70: {  	v5 =	vld [tilespmem:s12+$0x770]  }
0x71: {  	v19 =	vsub.f32 v0, v3;
	v20 =	vld [tilespmem:s12+$0x8770];
	s12 =	sshra.s32 s13, $0x2  }
0x72: {  	v12 =	vsub.f32 v12, v14;
	v6 =	vsub.f32 v4, v6;
	v0 =	vld [tilespmem:s12+$0x740]  }
0x73: {  	v13 =	vsub.f32 v13, v15;
	v14 =	vsub.f32 v16, v18;
	v3 =	vld [tilespmem:s12+$0x8740]  }
0x74: {  	v15 =	vmul.f32 v19, v19;
	v16 =	vmul.f32 v6, v6;
	v4 =	vld [tilespmem:s12+$0x750];
	v1 =	vsub.f32 v17, v1  }
0x75: {  	v12 =	vmul.f32 v12, v12;
	v13 =	vmul.f32 v13, v13;
	v17 =	vsub.f32 v2, v7;
	v6 =	vld [tilespmem:s12+$0x8750]  }
0x76: {  	v14 =	vmul.f32 v14, v14;
	v2 =	vld [tilespmem:s12+$0x760];
	v1 =	vmul.f32 v1, v1;
	v5 =	vsub.f32 v5, v20  }
0x77: {  	v8 =	vadd.f32 v12, v8;
	v11 =	vadd.f32 v13, v11;
	v17 =	vmul.f32 v17, v17;
	v7 =	vld [tilespmem:s12+$0x8760]  }
0x78: {  	v9 =	vadd.f32 v14, v9;
	v12 =	vld [tilespmem:s12+$0x700];
	v1 =	vadd.f32 v1, v10;
	v5 =	vmul.f32 v5, v5  }
0x79: {  	v8 =	vadd.f32 v15, v8;
	v11 =	vadd.f32 v16, v11;
	v14 =	vld [tilespmem:s12+$0x8700]  }
.Ltmp2:
0x7a: {  	v9 =	vadd.f32 v17, v9;
	v13 =	vld [tilespmem:s12+$0x710];
	v10 =	vadd.f32 v5, v1;
	(pc) =	sbr.rel @p0 .LBB2_3-.Ltmp2, $4  }
0x7b: {  	v15 =	vld [tilespmem:s12+$0x8710]  }
0x7c: {  	v16 =	vld [tilespmem:s12+$0x720]  }
0x7d: {  	v18 =	vld [tilespmem:s12+$0x8720]  }
0x7e: {  	s13 =	sadd.s32 $0x1000, s13;
	v17 =	vld [tilespmem:s12+$0x730]  }
0x7f: {  	v19 =	vld [tilespmem:s12+$0x8730]  }
0x80: {  	v20 =	vld [tilespmem:s12+$0x770]  }
0x81: {  	v21 =	vld [tilespmem:s12+$0x8770]  }
0x82: {  	v1 =	vld.msk [tilespmem:s20+$0x0], $0xffff;
	s12 =	simm.s32 $0x0  }
0x83: {  	v22 =	vsub.f32 v0, v3;
	v5 =	vld [tilespmem:s12+$0x87C0]  }
0x84: {  	v12 =	vsub.f32 v12, v14;
	v2 =	vsub.f32 v2, v7;
	v3 =	vld [tilespmem:s12+$0x7D0]  }
0x85: {  	v4 =	vsub.f32 v4, v6;
	v6 =	vld [tilespmem:s12+$0x87D0];
	v14 =	vsub.f32 v16, v18  }
0x86: {  	v13 =	vsub.f32 v13, v15;
	v0 =	vld [tilespmem:s12+$0x7E0];
	v12 =	vmul.f32 v12, v12;
	v2 =	vmul.f32 v2, v2  }
0x87: {  	v18 =	vmul.f32 v4, v4;
	v4 =	vld [tilespmem:s12+$0x87E0];
	v15 =	vsub.f32 v17, v19;
	v7 =	vmul.f32 v14, v14  }
0x88: {  	v16 =	vmul.f32 v13, v13;
	v13 =	vld [tilespmem:s12+$0x780];
	v8 =	vadd.f32 v12, v8;
	v17 =	vmul.f32 v22, v22  }
0x89: {  	[tilespmem:$0x1FF80] =	vst v1;
	v1 =	vld [tilespmem:s12+$0x7C0];
	v20 =	vsub.f32 v20, v21;
	v19 =	vmul.f32 v15, v15;
	v7 =	vadd.f32 v7, v9  }
0x8a: {  	v14 =	vld [tilespmem:s12+$0x8780];
	v11 =	vadd.f32 v16, v11;
	v8 =	vadd.f32 v17, v8  }
0x8b: {  	v16 =	vld [tilespmem:s12+$0x8790];
	v9 =	vadd.f32 v19, v10;
	v10 =	vmul.f32 v20, v20;
	v2 =	vadd.f32 v2, v7  }
0x8c: {  	v15 =	vld [tilespmem:s12+$0x790];
	[tilespmem:$0x1FF90] =	vst v8;
	v8 =	vadd.f32 v18, v11  }
0x8d: {  	v17 =	vld [tilespmem:s12+$0x7A0];
	[tilespmem:$0x1FFB0] =	vst v2;
	v2 =	vadd.f32 v10, v9  }
0x8e: {  	v12 =	vimm.f32 $0.0e+00;
	v19 =	vld [tilespmem:s12+$0x87A0];
	[tilespmem:$0x1FFA0] =	vst v8  }
0x8f: {  	s13 =	simm.s32 $0x1000;
	v18 =	vld [tilespmem:s12+$0x7B0];
	v11 =	vimm.f32 $0.0e+00;
	v8 =	vimm.f32 $0.0e+00;
	v10 =	vimm.f32 $0.0e+00;
	[tilespmem:$0x1FFC0] =	vst v2  }
.LBB2_5:
0x90: {  	p0 =	sne.s32 s13, $0x7000;
	v2 =	vld [tilespmem:s12+$0x87B0]  }
0x91: {  	v7 =	vld [tilespmem:s12+$0x7F0]  }
0x92: {  	v9 =	vsub.f32 v1, v5;
	v20 =	vld [tilespmem:s12+$0x87F0];
	s12 =	sshra.s32 s13, $0x2  }
0x93: {  	v13 =	vsub.f32 v13, v14;
	v6 =	vsub.f32 v3, v6;
	v1 =	vld [tilespmem:s12+$0x7C0]  }
0x94: {  	v14 =	vsub.f32 v15, v16;
	v15 =	vsub.f32 v17, v19;
	v5 =	vld [tilespmem:s12+$0x87C0]  }
0x95: {  	v9 =	vmul.f32 v9, v9;
	v16 =	vmul.f32 v6, v6;
	v3 =	vld [tilespmem:s12+$0x7D0];
	v2 =	vsub.f32 v18, v2  }
0x96: {  	v13 =	vmul.f32 v13, v13;
	v14 =	vmul.f32 v14, v14;
	v17 =	vsub.f32 v0, v4;
	v6 =	vld [tilespmem:s12+$0x87D0]  }
0x97: {  	v15 =	vmul.f32 v15, v15;
	v0 =	vld [tilespmem:s12+$0x7E0];
	v2 =	vmul.f32 v2, v2;
	v7 =	vsub.f32 v7, v20  }
0x98: {  	v8 =	vadd.f32 v13, v8;
	v12 =	vadd.f32 v14, v12;
	v17 =	vmul.f32 v17, v17;
	v4 =	vld [tilespmem:s12+$0x87E0]  }
0x99: {  	v10 =	vadd.f32 v15, v10;
	v13 =	vld [tilespmem:s12+$0x780];
	v2 =	vadd.f32 v2, v11;
	v7 =	vmul.f32 v7, v7  }
0x9a: {  	v8 =	vadd.f32 v9, v8;
	v12 =	vadd.f32 v16, v12;
	v14 =	vld [tilespmem:s12+$0x8780]  }
.Ltmp3:
0x9b: {  	v10 =	vadd.f32 v17, v10;
	v15 =	vld [tilespmem:s12+$0x790];
	v11 =	vadd.f32 v7, v2;
	(pc) =	sbr.rel @p0 .LBB2_5-.Ltmp3, $4  }
0x9c: {  	v16 =	vld [tilespmem:s12+$0x8790]  }
0x9d: {  	v17 =	vld [tilespmem:s12+$0x7A0]  }
0x9e: {  	v19 =	vld [tilespmem:s12+$0x87A0]  }
0x9f: {  	s13 =	sadd.s32 $0x1000, s13;
	v18 =	vld [tilespmem:s12+$0x7B0]  }
0xa0: {  	v20 =	vld [tilespmem:s12+$0x87B0]  }
0xa1: {  	v21 =	vld [tilespmem:s12+$0x7F0]  }
0xa2: {  	v22 =	vld [tilespmem:s12+$0x87F0];
	s12 =	simm.s32 $0x0  }
0xa3: {  	v2 =	vimm.s32 $0x1;
	v23 =	vsub.f32 v1, v5;
	v7 =	vld [tilespmem:s12+$0x8840]  }
0xa4: {  	v13 =	vsub.f32 v13, v14;
	v5 =	vld [tilespmem:s12+$0x850];
	v14 =	vsub.f32 v15, v16  }
0xa5: {  	v3 =	vsub.f32 v3, v6;
	v4 =	vsub.f32 v0, v4;
	v9 =	vld [tilespmem:s12+$0x8850]  }
0xa6: {  	v1 =	vld [tilespmem:s12+$0x860];
	v15 =	vsub.f32 v17, v19;
	v16 =	vsub.f32 v18, v20;
	v18 =	vmul.f32 v14, v14  }
0xa7: {  	v6 =	vld [tilespmem:s12+$0x8860];
	v3 =	vmul.f32 v3, v3;
	v13 =	vmul.f32 v13, v13  }
0xa8: {  	v4 =	vmul.f32 v4, v4;
	v2 =	vld.idx.msk [tilespmem:v2+s20+$0x0], $0xffff;
	v19 =	vmul.f32 v15, v15;
	v12 =	vadd.f32 v18, v12  }
0xa9: {  	v0 =	vld [tilespmem:s12+$0x800];
	v17 =	vmul.f32 v23, v23;
	v8 =	vadd.f32 v13, v8;
	v20 =	vsub.f32 v21, v22  }
0xaa: {  	v14 =	vld [tilespmem:s12+$0x8800];
	v16 =	vmul.f32 v16, v16;
	v10 =	vadd.f32 v19, v10;
	v3 =	vadd.f32 v3, v12  }
0xab: {  	v15 =	vld [tilespmem:s12+$0x810];
	v51 =	vadd.f32 v17, v8  }
0xac: {  	v17 =	vld [tilespmem:s12+$0x820];
	v13 =	vmul.f32 v20, v20;
	v11 =	vadd.f32 v16, v11;
	[tilespmem:$0x1FF50] =	vst v3;
	v3 =	vadd.f32 v4, v10  }
0xad: {  	v19 =	vld [tilespmem:s12+$0x8820];
	[tilespmem:$0x1FF40] =	vst v2  }
0xae: {  	v2 =	vld [tilespmem:s12+$0x840];
	[tilespmem:$0x1FF60] =	vst v3;
	v3 =	vadd.f32 v13, v11  }
0xaf: {  	v18 =	vld [tilespmem:s12+$0x830];
	v12 =	vimm.f32 $0.0e+00  }
0xb0: {  	s13 =	simm.s32 $0x1000;
	v16 =	vld [tilespmem:s12+$0x8810];
	v10 =	vimm.f32 $0.0e+00;
	v13 =	vimm.f32 $0.0e+00;
	v11 =	vimm.f32 $0.0e+00;
	[tilespmem:$0x1FF70] =	vst v3  }
.LBB2_7:
0xb1: {  	p0 =	sne.s32 s13, $0x7000;
	v3 =	vld [tilespmem:s12+$0x8830]  }
0xb2: {  	v4 =	vld [tilespmem:s12+$0x870]  }
0xb3: {  	v8 =	vsub.f32 v2, v7;
	v20 =	vld [tilespmem:s12+$0x8870];
	s12 =	sshra.s32 s13, $0x2  }
0xb4: {  	v0 =	vsub.f32 v0, v14;
	v9 =	vsub.f32 v5, v9;
	v2 =	vld [tilespmem:s12+$0x840]  }
0xb5: {  	v14 =	vsub.f32 v15, v16;
	v15 =	vsub.f32 v17, v19;
	v7 =	vld [tilespmem:s12+$0x8840]  }
0xb6: {  	v8 =	vmul.f32 v8, v8;
	v16 =	vmul.f32 v9, v9;
	v5 =	vld [tilespmem:s12+$0x850];
	v3 =	vsub.f32 v18, v3  }
0xb7: {  	v0 =	vmul.f32 v0, v0;
	v14 =	vmul.f32 v14, v14;
	v17 =	vsub.f32 v1, v6;
	v9 =	vld [tilespmem:s12+$0x8850]  }
0xb8: {  	v15 =	vmul.f32 v15, v15;
	v1 =	vld [tilespmem:s12+$0x860];
	v3 =	vmul.f32 v3, v3;
	v4 =	vsub.f32 v4, v20  }
0xb9: {  	v10 =	vadd.f32 v0, v10;
	v13 =	vadd.f32 v14, v13;
	v17 =	vmul.f32 v17, v17;
	v6 =	vld [tilespmem:s12+$0x8860]  }
0xba: {  	v11 =	vadd.f32 v15, v11;
	v0 =	vld [tilespmem:s12+$0x800];
	v3 =	vadd.f32 v3, v12;
	v4 =	vmul.f32 v4, v4  }
0xbb: {  	v10 =	vadd.f32 v8, v10;
	v13 =	vadd.f32 v16, v13;
	v14 =	vld [tilespmem:s12+$0x8800]  }
.Ltmp4:
0xbc: {  	v11 =	vadd.f32 v17, v11;
	v15 =	vld [tilespmem:s12+$0x810];
	v12 =	vadd.f32 v4, v3;
	(pc) =	sbr.rel @p0 .LBB2_7-.Ltmp4, $4  }
0xbd: {  	v16 =	vld [tilespmem:s12+$0x8810]  }
0xbe: {  	v17 =	vld [tilespmem:s12+$0x820]  }
0xbf: {  	v19 =	vld [tilespmem:s12+$0x8820]  }
0xc0: {  	s13 =	sadd.s32 $0x1000, s13;
	v18 =	vld [tilespmem:s12+$0x830]  }
0xc1: {  	v20 =	vld [tilespmem:s12+$0x8830]  }
0xc2: {  	v21 =	vld [tilespmem:s12+$0x870]  }
0xc3: {  	v22 =	vld [tilespmem:s12+$0x8870];
	s12 =	simm.s32 $0x0;
	v2 =	vsub.f32 v2, v7;
	v7 =	vsub.f32 v0, v14  }
0xc4: {  	v3 =	vimm.s32 $0x2;
	v8 =	vld [tilespmem:s12+$0x88C0]  }
0xc5: {  	v4 =	vld [tilespmem:s12+$0x8D0];
	v14 =	vsub.f32 v15, v16;
	v7 =	vmul.f32 v7, v7  }
0xc6: {  	v5 =	vsub.f32 v5, v9;
	v9 =	vld [tilespmem:s12+$0x88D0];
	v2 =	vmul.f32 v2, v2;
	v15 =	vsub.f32 v17, v19  }
0xc7: {  	v0 =	vld [tilespmem:s12+$0x8E0];
	v7 =	vadd.f32 v7, v10;
	v16 =	vsub.f32 v18, v20;
	v18 =	vmul.f32 v14, v14  }
0xc8: {  	v6 =	vsub.f32 v1, v6;
	v1 =	vld [tilespmem:s12+$0x880];
	v17 =	vmul.f32 v5, v5  }
0xc9: {  	v3 =	vld.idx.msk [tilespmem:v3+s20+$0x0], $0xffff;
	v19 =	vmul.f32 v15, v15;
	v2 =	vadd.f32 v2, v7;
	v10 =	vadd.f32 v18, v13  }
0xca: {  	v6 =	vmul.f32 v6, v6;
	v5 =	vld [tilespmem:s12+$0x88E0];
	v20 =	vsub.f32 v21, v22  }
0xcb: {  	v14 =	vld [tilespmem:s12+$0x8880];
	v16 =	vmul.f32 v16, v16;
	v11 =	vadd.f32 v19, v11;
	[tilespmem:$0x1FF00] =	vst v2;
	v2 =	vadd.f32 v17, v10  }
0xcc: {  	v15 =	vld [tilespmem:s12+$0x890]  }
0xcd: {  	v13 =	vmul.f32 v20, v20;
	v19 =	vld [tilespmem:s12+$0x88A0];
	v12 =	vadd.f32 v16, v12;
	[tilespmem:$0x1FF10] =	vst v2;
	v2 =	vadd.f32 v6, v11  }
0xce: {  	v18 =	vld [tilespmem:s12+$0x8B0];
	[tilespmem:$0x1FEF0] =	vst v3  }
0xcf: {  	v3 =	vld [tilespmem:s12+$0x8C0];
	[tilespmem:$0x1FF20] =	vst v2;
	v2 =	vadd.f32 v13, v12  }
0xd0: {  	v16 =	vld [tilespmem:s12+$0x8890];
	v10 =	vimm.f32 $0.0e+00  }
0xd1: {  	s13 =	simm.s32 $0x1000;
	v17 =	vld [tilespmem:s12+$0x8A0];
	v11 =	vimm.f32 $0.0e+00;
	v13 =	vimm.f32 $0.0e+00;
	v12 =	vimm.f32 $0.0e+00;
	[tilespmem:$0x1FF30] =	vst v2  }
.LBB2_9:
0xd2: {  	p0 =	sne.s32 s13, $0x7000;
	v2 =	vld [tilespmem:s12+$0x88B0]  }
0xd3: {  	v6 =	vld [tilespmem:s12+$0x8F0]  }
0xd4: {  	v7 =	vsub.f32 v3, v8;
	v20 =	vld [tilespmem:s12+$0x88F0];
	s12 =	sshra.s32 s13, $0x2  }
0xd5: {  	v1 =	vsub.f32 v1, v14;
	v9 =	vsub.f32 v4, v9;
	v3 =	vld [tilespmem:s12+$0x8C0]  }
0xd6: {  	v14 =	vsub.f32 v15, v16;
	v15 =	vsub.f32 v17, v19;
	v8 =	vld [tilespmem:s12+$0x88C0]  }
0xd7: {  	v7 =	vmul.f32 v7, v7;
	v16 =	vmul.f32 v9, v9;
	v4 =	vld [tilespmem:s12+$0x8D0];
	v2 =	vsub.f32 v18, v2  }
0xd8: {  	v1 =	vmul.f32 v1, v1;
	v14 =	vmul.f32 v14, v14;
	v17 =	vsub.f32 v0, v5;
	v9 =	vld [tilespmem:s12+$0x88D0]  }
0xd9: {  	v15 =	vmul.f32 v15, v15;
	v0 =	vld [tilespmem:s12+$0x8E0];
	v2 =	vmul.f32 v2, v2;
	v6 =	vsub.f32 v6, v20  }
0xda: {  	v10 =	vadd.f32 v1, v10;
	v13 =	vadd.f32 v14, v13;
	v17 =	vmul.f32 v17, v17;
	v5 =	vld [tilespmem:s12+$0x88E0]  }
0xdb: {  	v11 =	vadd.f32 v15, v11;
	v1 =	vld [tilespmem:s12+$0x880];
	v2 =	vadd.f32 v2, v12;
	v6 =	vmul.f32 v6, v6  }
0xdc: {  	v10 =	vadd.f32 v7, v10;
	v13 =	vadd.f32 v16, v13;
	v14 =	vld [tilespmem:s12+$0x8880]  }
.Ltmp5:
0xdd: {  	v11 =	vadd.f32 v17, v11;
	v15 =	vld [tilespmem:s12+$0x890];
	v12 =	vadd.f32 v6, v2;
	(pc) =	sbr.rel @p0 .LBB2_9-.Ltmp5, $4  }
0xde: {  	v16 =	vld [tilespmem:s12+$0x8890]  }
0xdf: {  	v17 =	vld [tilespmem:s12+$0x8A0]  }
0xe0: {  	v19 =	vld [tilespmem:s12+$0x88A0]  }
0xe1: {  	s13 =	sadd.s32 $0x1000, s13;
	v18 =	vld [tilespmem:s12+$0x8B0]  }
0xe2: {  	v20 =	vld [tilespmem:s12+$0x88B0]  }
0xe3: {  	v21 =	vld [tilespmem:s12+$0x8F0]  }
0xe4: {  	v22 =	vld [tilespmem:s12+$0x88F0];
	s12 =	simm.s32 $0x0;
	v3 =	vsub.f32 v3, v8;
	v8 =	vsub.f32 v1, v14  }
0xe5: {  	v2 =	vimm.s32 $0x3;
	v7 =	vld [tilespmem:s12+$0x8940]  }
0xe6: {  	v6 =	vld [tilespmem:s12+$0x950];
	v14 =	vsub.f32 v15, v16;
	v8 =	vmul.f32 v8, v8  }
0xe7: {  	v4 =	vsub.f32 v4, v9;
	v9 =	vld [tilespmem:s12+$0x8950];
	v3 =	vmul.f32 v3, v3;
	v15 =	vsub.f32 v17, v19  }
0xe8: {  	v1 =	vld [tilespmem:s12+$0x960];
	v8 =	vadd.f32 v8, v10;
	v16 =	vsub.f32 v18, v20;
	v18 =	vmul.f32 v14, v14  }
0xe9: {  	v5 =	vsub.f32 v0, v5;
	v0 =	vld [tilespmem:s12+$0x900];
	v17 =	vmul.f32 v4, v4  }
0xea: {  	v2 =	vld.idx.msk [tilespmem:v2+s20+$0x0], $0xffff;
	v19 =	vmul.f32 v15, v15;
	v3 =	vadd.f32 v3, v8;
	v10 =	vadd.f32 v18, v13  }
0xeb: {  	v5 =	vmul.f32 v5, v5;
	v4 =	vld [tilespmem:s12+$0x8960];
	v20 =	vsub.f32 v21, v22  }
0xec: {  	v14 =	vld [tilespmem:s12+$0x8900];
	v16 =	vmul.f32 v16, v16;
	v11 =	vadd.f32 v19, v11;
	[tilespmem:$0x1FEB0] =	vst v3;
	v3 =	vadd.f32 v17, v10  }
0xed: {  	v15 =	vld [tilespmem:s12+$0x910]  }
0xee: {  	v13 =	vmul.f32 v20, v20;
	v19 =	vld [tilespmem:s12+$0x8920];
	v12 =	vadd.f32 v16, v12;
	[tilespmem:$0x1FEC0] =	vst v3;
	v3 =	vadd.f32 v5, v11  }
0xef: {  	v18 =	vld [tilespmem:s12+$0x930];
	[tilespmem:$0x1FEA0] =	vst v2  }
0xf0: {  	v2 =	vld [tilespmem:s12+$0x940];
	[tilespmem:$0x1FED0] =	vst v3;
	v3 =	vadd.f32 v13, v12  }
0xf1: {  	v16 =	vld [tilespmem:s12+$0x8910];
	v10 =	vimm.f32 $0.0e+00  }
0xf2: {  	s13 =	simm.s32 $0x1000;
	v17 =	vld [tilespmem:s12+$0x920];
	v11 =	vimm.f32 $0.0e+00;
	v13 =	vimm.f32 $0.0e+00;
	v12 =	vimm.f32 $0.0e+00;
	[tilespmem:$0x1FEE0] =	vst v3  }
.LBB2_11:
0xf3: {  	p0 =	sne.s32 s13, $0x7000;
	v3 =	vld [tilespmem:s12+$0x8930]  }
0xf4: {  	v5 =	vld [tilespmem:s12+$0x970]  }
0xf5: {  	v8 =	vsub.f32 v2, v7;
	v20 =	vld [tilespmem:s12+$0x8970];
	s12 =	sshra.s32 s13, $0x2  }
0xf6: {  	v0 =	vsub.f32 v0, v14;
	v9 =	vsub.f32 v6, v9;
	v2 =	vld [tilespmem:s12+$0x940]  }
0xf7: {  	v14 =	vsub.f32 v15, v16;
	v15 =	vsub.f32 v17, v19;
	v7 =	vld [tilespmem:s12+$0x8940]  }
0xf8: {  	v8 =	vmul.f32 v8, v8;
	v16 =	vmul.f32 v9, v9;
	v6 =	vld [tilespmem:s12+$0x950];
	v3 =	vsub.f32 v18, v3  }
0xf9: {  	v0 =	vmul.f32 v0, v0;
	v14 =	vmul.f32 v14, v14;
	v17 =	vsub.f32 v1, v4;
	v9 =	vld [tilespmem:s12+$0x8950]  }
0xfa: {  	v15 =	vmul.f32 v15, v15;
	v1 =	vld [tilespmem:s12+$0x960];
	v3 =	vmul.f32 v3, v3;
	v5 =	vsub.f32 v5, v20  }
0xfb: {  	v10 =	vadd.f32 v0, v10;
	v13 =	vadd.f32 v14, v13;
	v17 =	vmul.f32 v17, v17;
	v4 =	vld [tilespmem:s12+$0x8960]  }
0xfc: {  	v11 =	vadd.f32 v15, v11;
	v0 =	vld [tilespmem:s12+$0x900];
	v3 =	vadd.f32 v3, v12;
	v5 =	vmul.f32 v5, v5  }
0xfd: {  	v10 =	vadd.f32 v8, v10;
	v13 =	vadd.f32 v16, v13;
	v14 =	vld [tilespmem:s12+$0x8900]  }
.Ltmp6:
0xfe: {  	v11 =	vadd.f32 v17, v11;
	v15 =	vld [tilespmem:s12+$0x910];
	v12 =	vadd.f32 v5, v3;
	(pc) =	sbr.rel @p0 .LBB2_11-.Ltmp6, $4  }
0xff: {  	v16 =	vld [tilespmem:s12+$0x8910]  }
0x100: {  	v17 =	vld [tilespmem:s12+$0x920]  }
0x101: {  	v19 =	vld [tilespmem:s12+$0x8920]  }
0x102: {  	s13 =	sadd.s32 $0x1000, s13;
	v18 =	vld [tilespmem:s12+$0x930]  }
0x103: {  	v20 =	vld [tilespmem:s12+$0x8930]  }
0x104: {  	v21 =	vld [tilespmem:s12+$0x970]  }
0x105: {  	v22 =	vld [tilespmem:s12+$0x8970];
	s12 =	simm.s32 $0x0;
	v2 =	vsub.f32 v2, v7;
	v7 =	vsub.f32 v0, v14  }
0x106: {  	v3 =	vimm.s32 $0x4;
	v8 =	vld [tilespmem:s12+$0x89C0]  }
0x107: {  	v5 =	vld [tilespmem:s12+$0x9D0];
	v14 =	vsub.f32 v15, v16;
	v7 =	vmul.f32 v7, v7  }
0x108: {  	v6 =	vsub.f32 v6, v9;
	v9 =	vld [tilespmem:s12+$0x89D0];
	v2 =	vmul.f32 v2, v2;
	v15 =	vsub.f32 v17, v19  }
0x109: {  	v0 =	vld [tilespmem:s12+$0x9E0];
	v7 =	vadd.f32 v7, v10;
	v16 =	vsub.f32 v18, v20;
	v18 =	vmul.f32 v14, v14  }
0x10a: {  	v4 =	vsub.f32 v1, v4;
	v1 =	vld [tilespmem:s12+$0x980];
	v17 =	vmul.f32 v6, v6  }
0x10b: {  	v3 =	vld.idx.msk [tilespmem:v3+s20+$0x0], $0xffff;
	v19 =	vmul.f32 v15, v15;
	v2 =	vadd.f32 v2, v7;
	v10 =	vadd.f32 v18, v13  }
0x10c: {  	v4 =	vmul.f32 v4, v4;
	v6 =	vld [tilespmem:s12+$0x89E0];
	v20 =	vsub.f32 v21, v22  }
0x10d: {  	v14 =	vld [tilespmem:s12+$0x8980];
	v16 =	vmul.f32 v16, v16;
	v11 =	vadd.f32 v19, v11;
	[tilespmem:$0x1FE60] =	vst v2;
	v2 =	vadd.f32 v17, v10  }
0x10e: {  	v15 =	vld [tilespmem:s12+$0x990]  }
0x10f: {  	v13 =	vmul.f32 v20, v20;
	v19 =	vld [tilespmem:s12+$0x89A0];
	v12 =	vadd.f32 v16, v12;
	[tilespmem:$0x1FE70] =	vst v2;
	v2 =	vadd.f32 v4, v11  }
0x110: {  	v18 =	vld [tilespmem:s12+$0x9B0];
	[tilespmem:$0x1FE50] =	vst v3  }
0x111: {  	v3 =	vld [tilespmem:s12+$0x9C0];
	[tilespmem:$0x1FE80] =	vst v2;
	v2 =	vadd.f32 v13, v12  }
0x112: {  	v16 =	vld [tilespmem:s12+$0x8990];
	v10 =	vimm.f32 $0.0e+00  }
0x113: {  	s13 =	simm.s32 $0x1000;
	v17 =	vld [tilespmem:s12+$0x9A0];
	v11 =	vimm.f32 $0.0e+00;
	v13 =	vimm.f32 $0.0e+00;
	v12 =	vimm.f32 $0.0e+00;
	[tilespmem:$0x1FE90] =	vst v2  }
.LBB2_13:
0x114: {  	p0 =	sne.s32 s13, $0x7000;
	v2 =	vld [tilespmem:s12+$0x89B0]  }
0x115: {  	v4 =	vld [tilespmem:s12+$0x9F0]  }
0x116: {  	v7 =	vsub.f32 v3, v8;
	v20 =	vld [tilespmem:s12+$0x89F0];
	s12 =	sshra.s32 s13, $0x2  }
0x117: {  	v1 =	vsub.f32 v1, v14;
	v9 =	vsub.f32 v5, v9;
	v3 =	vld [tilespmem:s12+$0x9C0]  }
0x118: {  	v14 =	vsub.f32 v15, v16;
	v15 =	vsub.f32 v17, v19;
	v8 =	vld [tilespmem:s12+$0x89C0]  }
0x119: {  	v7 =	vmul.f32 v7, v7;
	v16 =	vmul.f32 v9, v9;
	v5 =	vld [tilespmem:s12+$0x9D0];
	v2 =	vsub.f32 v18, v2  }
0x11a: {  	v1 =	vmul.f32 v1, v1;
	v14 =	vmul.f32 v14, v14;
	v17 =	vsub.f32 v0, v6;
	v9 =	vld [tilespmem:s12+$0x89D0]  }
0x11b: {  	v15 =	vmul.f32 v15, v15;
	v0 =	vld [tilespmem:s12+$0x9E0];
	v2 =	vmul.f32 v2, v2;
	v4 =	vsub.f32 v4, v20  }
0x11c: {  	v10 =	vadd.f32 v1, v10;
	v13 =	vadd.f32 v14, v13;
	v17 =	vmul.f32 v17, v17;
	v6 =	vld [tilespmem:s12+$0x89E0]  }
0x11d: {  	v11 =	vadd.f32 v15, v11;
	v1 =	vld [tilespmem:s12+$0x980];
	v2 =	vadd.f32 v2, v12;
	v4 =	vmul.f32 v4, v4  }
0x11e: {  	v10 =	vadd.f32 v7, v10;
	v13 =	vadd.f32 v16, v13;
	v14 =	vld [tilespmem:s12+$0x8980]  }
.Ltmp7:
0x11f: {  	v11 =	vadd.f32 v17, v11;
	v15 =	vld [tilespmem:s12+$0x990];
	v12 =	vadd.f32 v4, v2;
	(pc) =	sbr.rel @p0 .LBB2_13-.Ltmp7, $4  }
0x120: {  	v16 =	vld [tilespmem:s12+$0x8990]  }
0x121: {  	v17 =	vld [tilespmem:s12+$0x9A0]  }
0x122: {  	v19 =	vld [tilespmem:s12+$0x89A0]  }
0x123: {  	s13 =	sadd.s32 $0x1000, s13;
	v18 =	vld [tilespmem:s12+$0x9B0]  }
0x124: {  	v20 =	vld [tilespmem:s12+$0x89B0]  }
0x125: {  	v21 =	vld [tilespmem:s12+$0x9F0]  }
0x126: {  	v22 =	vld [tilespmem:s12+$0x89F0];
	s12 =	simm.s32 $0x0;
	v3 =	vsub.f32 v3, v8;
	v8 =	vsub.f32 v1, v14  }
0x127: {  	v2 =	vimm.s32 $0x5;
	v7 =	vld [tilespmem:s12+$0x8A40]  }
0x128: {  	v4 =	vld [tilespmem:s12+$0xA50];
	v14 =	vsub.f32 v15, v16;
	v8 =	vmul.f32 v8, v8  }
0x129: {  	v5 =	vsub.f32 v5, v9;
	v9 =	vld [tilespmem:s12+$0x8A50];
	v3 =	vmul.f32 v3, v3;
	v15 =	vsub.f32 v17, v19  }
0x12a: {  	v1 =	vld [tilespmem:s12+$0xA60];
	v8 =	vadd.f32 v8, v10;
	v16 =	vsub.f32 v18, v20;
	v18 =	vmul.f32 v14, v14  }
0x12b: {  	v6 =	vsub.f32 v0, v6;
	v0 =	vld [tilespmem:s12+$0xA00];
	v17 =	vmul.f32 v5, v5  }
0x12c: {  	v2 =	vld.idx.msk [tilespmem:v2+s20+$0x0], $0xffff;
	v19 =	vmul.f32 v15, v15;
	v3 =	vadd.f32 v3, v8;
	v10 =	vadd.f32 v18, v13  }
0x12d: {  	v6 =	vmul.f32 v6, v6;
	v5 =	vld [tilespmem:s12+$0x8A60];
	v20 =	vsub.f32 v21, v22  }
0x12e: {  	v14 =	vld [tilespmem:s12+$0x8A00];
	v16 =	vmul.f32 v16, v16;
	v11 =	vadd.f32 v19, v11;
	[tilespmem:$0x1FE10] =	vst v3;
	v3 =	vadd.f32 v17, v10  }
0x12f: {  	v15 =	vld [tilespmem:s12+$0xA10]  }
0x130: {  	v13 =	vmul.f32 v20, v20;
	v19 =	vld [tilespmem:s12+$0x8A20];
	v12 =	vadd.f32 v16, v12;
	[tilespmem:$0x1FE20] =	vst v3;
	v3 =	vadd.f32 v6, v11  }
0x131: {  	v18 =	vld [tilespmem:s12+$0xA30];
	[tilespmem:$0x1FE00] =	vst v2  }
0x132: {  	v2 =	vld [tilespmem:s12+$0xA40];
	[tilespmem:$0x1FE30] =	vst v3;
	v3 =	vadd.f32 v13, v12  }
0x133: {  	v16 =	vld [tilespmem:s12+$0x8A10];
	v10 =	vimm.f32 $0.0e+00  }
0x134: {  	s13 =	simm.s32 $0x1000;
	v17 =	vld [tilespmem:s12+$0xA20];
	v11 =	vimm.f32 $0.0e+00;
	v13 =	vimm.f32 $0.0e+00;
	v12 =	vimm.f32 $0.0e+00;
	[tilespmem:$0x1FE40] =	vst v3  }
.LBB2_15:
0x135: {  	p0 =	sne.s32 s13, $0x7000;
	v3 =	vld [tilespmem:s12+$0x8A30]  }
0x136: {  	v6 =	vld [tilespmem:s12+$0xA70]  }
0x137: {  	v8 =	vsub.f32 v2, v7;
	v20 =	vld [tilespmem:s12+$0x8A70];
	s12 =	sshra.s32 s13, $0x2  }
0x138: {  	v0 =	vsub.f32 v0, v14;
	v9 =	vsub.f32 v4, v9;
	v2 =	vld [tilespmem:s12+$0xA40]  }
0x139: {  	v14 =	vsub.f32 v15, v16;
	v15 =	vsub.f32 v17, v19;
	v7 =	vld [tilespmem:s12+$0x8A40]  }
0x13a: {  	v8 =	vmul.f32 v8, v8;
	v16 =	vmul.f32 v9, v9;
	v4 =	vld [tilespmem:s12+$0xA50];
	v3 =	vsub.f32 v18, v3  }
0x13b: {  	v0 =	vmul.f32 v0, v0;
	v14 =	vmul.f32 v14, v14;
	v17 =	vsub.f32 v1, v5;
	v9 =	vld [tilespmem:s12+$0x8A50]  }
0x13c: {  	v15 =	vmul.f32 v15, v15;
	v1 =	vld [tilespmem:s12+$0xA60];
	v3 =	vmul.f32 v3, v3;
	v6 =	vsub.f32 v6, v20  }
0x13d: {  	v10 =	vadd.f32 v0, v10;
	v13 =	vadd.f32 v14, v13;
	v17 =	vmul.f32 v17, v17;
	v5 =	vld [tilespmem:s12+$0x8A60]  }
0x13e: {  	v11 =	vadd.f32 v15, v11;
	v0 =	vld [tilespmem:s12+$0xA00];
	v3 =	vadd.f32 v3, v12;
	v6 =	vmul.f32 v6, v6  }
0x13f: {  	v10 =	vadd.f32 v8, v10;
	v13 =	vadd.f32 v16, v13;
	v14 =	vld [tilespmem:s12+$0x8A00]  }
.Ltmp8:
0x140: {  	v11 =	vadd.f32 v17, v11;
	v15 =	vld [tilespmem:s12+$0xA10];
	v12 =	vadd.f32 v6, v3;
	(pc) =	sbr.rel @p0 .LBB2_15-.Ltmp8, $4  }
0x141: {  	v16 =	vld [tilespmem:s12+$0x8A10]  }
0x142: {  	v17 =	vld [tilespmem:s12+$0xA20]  }
0x143: {  	v19 =	vld [tilespmem:s12+$0x8A20]  }
0x144: {  	s13 =	sadd.s32 $0x1000, s13;
	v18 =	vld [tilespmem:s12+$0xA30]  }
0x145: {  	v20 =	vld [tilespmem:s12+$0x8A30]  }
0x146: {  	v21 =	vld [tilespmem:s12+$0xA70]  }
0x147: {  	v22 =	vld [tilespmem:s12+$0x8A70];
	s12 =	simm.s32 $0x0  }
0x148: {  	v3 =	vimm.s32 $0x6;
	v8 =	vld [tilespmem:s12+$0x8AC0]  }
0x149: {  	v2 =	vsub.f32 v2, v7;
	v7 =	vsub.f32 v0, v14;
	v6 =	vld [tilespmem:s12+$0xAD0]  }
0x14a: {  	v4 =	vsub.f32 v4, v9;
	v9 =	vld [tilespmem:s12+$0x8AD0]  }
0x14b: {  	v0 =	vld [tilespmem:s12+$0xAE0];
	v7 =	vmul.f32 v7, v7  }
0x14c: {  	v14 =	vsub.f32 v15, v16;
	v15 =	vsub.f32 v17, v19;
	v17 =	vmul.f32 v4, v4;
	v4 =	vld [tilespmem:s12+$0x8AE0]  }
0x14d: {  	v2 =	vmul.f32 v2, v2;
	v7 =	vadd.f32 v7, v10;
	v3 =	vld.idx.msk [tilespmem:v3+s20+$0x0], $0xffff  }
0x14e: {  	v14 =	vmul.f32 v14, v14;
	v16 =	vsub.f32 v18, v20;
	v18 =	vsub.f32 v1, v5;
	v1 =	vld [tilespmem:s12+$0xA80]  }
0x14f: {  	v15 =	vmul.f32 v15, v15;
	v5 =	vld [tilespmem:s12+$0x8A80]  }
0x150: {  	v10 =	vadd.f32 v14, v13;
	v14 =	vld [tilespmem:s12+$0xA90];
	v2 =	vadd.f32 v2, v7  }
0x151: {  	v19 =	vsub.f32 v21, v22;
	v16 =	vmul.f32 v16, v16;
	v11 =	vadd.f32 v15, v11;
	v15 =	vld [tilespmem:s12+$0x8A90]  }
0x152: {  	v13 =	vmul.f32 v18, v18;
	[tilespmem:$0x1FDE0] =	vst v2;
	v2 =	vadd.f32 v17, v10;
	v17 =	vld [tilespmem:s12+$0xAB0]  }
0x153: {  	v18 =	vmul.f32 v19, v19;
	v12 =	vadd.f32 v16, v12;
	[tilespmem:$0x1FDD0] =	vst v3;
	v3 =	vld [tilespmem:s12+$0xAC0]  }
0x154: {  	v10 =	vimm.f32 $0.0e+00;
	v16 =	vld [tilespmem:s12+$0xAA0];
	v52 =	vadd.f32 v13, v11;
	v13 =	vimm.f32 $0.0e+00  }
0x155: {  	s13 =	simm.s32 $0x1000;
	v11 =	vimm.f32 $0.0e+00;
	[tilespmem:$0x1FDF0] =	vst v2;
	v53 =	vadd.f32 v18, v12;
	v18 =	vld [tilespmem:s12+$0x8AA0];
	v12 =	vimm.f32 $0.0e+00  }
.LBB2_17:
0x156: {  	p0 =	sne.s32 s13, $0x7000;
	v2 =	vld [tilespmem:s12+$0x8AB0]  }
0x157: {  	v7 =	vld [tilespmem:s12+$0xAF0]  }
0x158: {  	v19 =	vsub.f32 v3, v8;
	v20 =	vld [tilespmem:s12+$0x8AF0];
	s12 =	sshra.s32 s13, $0x2  }
0x159: {  	v1 =	vsub.f32 v1, v5;
	v5 =	vsub.f32 v6, v9;
	v3 =	vld [tilespmem:s12+$0xAC0]  }
0x15a: {  	v14 =	vsub.f32 v14, v15;
	v15 =	vsub.f32 v16, v18;
	v8 =	vld [tilespmem:s12+$0x8AC0]  }
0x15b: {  	v16 =	vmul.f32 v19, v19;
	v6 =	vld [tilespmem:s12+$0xAD0];
	v2 =	vsub.f32 v17, v2;
	v17 =	vmul.f32 v5, v5  }
0x15c: {  	v1 =	vmul.f32 v1, v1;
	v5 =	vmul.f32 v14, v14;
	v14 =	vsub.f32 v0, v4;
	v9 =	vld [tilespmem:s12+$0x8AD0]  }
0x15d: {  	v15 =	vmul.f32 v15, v15;
	v0 =	vld [tilespmem:s12+$0xAE0];
	v2 =	vmul.f32 v2, v2;
	v7 =	vsub.f32 v7, v20  }
0x15e: {  	v10 =	vadd.f32 v1, v10;
	v13 =	vadd.f32 v5, v13;
	v18 =	vmul.f32 v14, v14;
	v4 =	vld [tilespmem:s12+$0x8AE0]  }
0x15f: {  	v11 =	vadd.f32 v15, v11;
	v1 =	vld [tilespmem:s12+$0xA80];
	v2 =	vadd.f32 v2, v12;
	v7 =	vmul.f32 v7, v7  }
0x160: {  	v10 =	vadd.f32 v16, v10;
	v13 =	vadd.f32 v17, v13;
	v5 =	vld [tilespmem:s12+$0x8A80]  }
.Ltmp9:
0x161: {  	v11 =	vadd.f32 v18, v11;
	v14 =	vld [tilespmem:s12+$0xA90];
	v12 =	vadd.f32 v7, v2;
	(pc) =	sbr.rel @p0 .LBB2_17-.Ltmp9, $4  }
0x162: {  	v15 =	vld [tilespmem:s12+$0x8A90]  }
0x163: {  	v16 =	vld [tilespmem:s12+$0xAA0]  }
0x164: {  	v18 =	vld [tilespmem:s12+$0x8AA0]  }
0x165: {  	s13 =	sadd.s32 $0x1000, s13;
	v17 =	vld [tilespmem:s12+$0xAB0]  }
0x166: {  	v19 =	vld [tilespmem:s12+$0x8AB0]  }
0x167: {  	v20 =	vld [tilespmem:s12+$0xAF0]  }
0x168: {  	v21 =	vld [tilespmem:s12+$0x8AF0];
	s12 =	simm.s32 $0x0  }
0x169: {  	v7 =	vld [tilespmem:s12+$0xA740]  }
0x16a: {  	v2 =	vimm.s32 $0x7;
	v8 =	vsub.f32 v3, v8;
	v3 =	vld [tilespmem:s12+$0x2750]  }
0x16b: {  	v22 =	vsub.f32 v1, v5;
	v5 =	vsub.f32 v6, v9;
	v9 =	vld [tilespmem:s12+$0xA750]  }
0x16c: {  	v1 =	vld [tilespmem:s12+$0x2760]  }
0x16d: {  	v4 =	vsub.f32 v0, v4;
	v0 =	vld [tilespmem:s12+$0x2700]  }
0x16e: {  	v6 =	vsub.f32 v14, v15;
	v14 =	vsub.f32 v16, v18;
	v18 =	vmul.f32 v5, v5;
	v5 =	vld [tilespmem:s12+$0xA760]  }
0x16f: {  	v16 =	vmul.f32 v22, v22;
	v54 =	vld.idx.msk [tilespmem:v2+s20+$0x0], $0xffff  }
0x170: {  	v6 =	vmul.f32 v6, v6;
	v2 =	vld [tilespmem:s12+$0x2740];
	v15 =	vsub.f32 v17, v19  }
0x171: {  	v8 =	vmul.f32 v8, v8;
	v14 =	vmul.f32 v14, v14;
	v10 =	vadd.f32 v16, v10;
	v16 =	vld [tilespmem:s12+$0x2710]  }
0x172: {  	v19 =	vsub.f32 v20, v21;
	v6 =	vadd.f32 v6, v13;
	v20 =	vld [tilespmem:s12+$0xA720];
	v17 =	vmul.f32 v15, v15  }
0x173: {  	v4 =	vmul.f32 v4, v4;
	v15 =	vld [tilespmem:s12+$0xA700];
	v11 =	vadd.f32 v14, v11;
	v55 =	vadd.f32 v8, v10  }
0x174: {  	v13 =	vmul.f32 v19, v19;
	v56 =	vadd.f32 v18, v6;
	v18 =	vld [tilespmem:s12+$0x2720];
	v12 =	vadd.f32 v17, v12  }
0x175: {  	v19 =	vld [tilespmem:s12+$0x2730];
	v14 =	vimm.f32 $0.0e+00;
	v57 =	vadd.f32 v4, v11;
	v11 =	vimm.f32 $0.0e+00  }
0x176: {  	s13 =	simm.s32 $0x1000;
	v17 =	vld [tilespmem:s12+$0xA710];
	v58 =	vadd.f32 v13, v12;
	v12 =	vimm.f32 $0.0e+00;
	v13 =	vimm.f32 $0.0e+00  }
.LBB2_19:
0x177: {  	p0 =	sne.s32 s13, $0x7000;
	v4 =	vld [tilespmem:s12+$0xA730]  }
0x178: {  	v6 =	vld [tilespmem:s12+$0x2770]  }
0x179: {  	v8 =	vsub.f32 v2, v7;
	v10 =	vld [tilespmem:s12+$0xA770];
	s12 =	sshra.s32 s13, $0x2  }
0x17a: {  	v0 =	vsub.f32 v0, v15;
	v9 =	vsub.f32 v3, v9;
	v2 =	vld [tilespmem:s12+$0x2740]  }
0x17b: {  	v15 =	vsub.f32 v16, v17;
	v16 =	vsub.f32 v18, v20;
	v7 =	vld [tilespmem:s12+$0xA740]  }
0x17c: {  	v8 =	vmul.f32 v8, v8;
	v17 =	vmul.f32 v9, v9;
	v3 =	vld [tilespmem:s12+$0x2750];
	v4 =	vsub.f32 v19, v4  }
0x17d: {  	v0 =	vmul.f32 v0, v0;
	v15 =	vmul.f32 v15, v15;
	v18 =	vsub.f32 v1, v5;
	v9 =	vld [tilespmem:s12+$0xA750]  }
0x17e: {  	v16 =	vmul.f32 v16, v16;
	v1 =	vld [tilespmem:s12+$0x2760];
	v4 =	vmul.f32 v4, v4;
	v6 =	vsub.f32 v6, v10  }
0x17f: {  	v14 =	vadd.f32 v15, v14;
	v18 =	vmul.f32 v18, v18;
	v10 =	vadd.f32 v0, v11;
	v5 =	vld [tilespmem:s12+$0xA760]  }
0x180: {  	v12 =	vadd.f32 v16, v12;
	v0 =	vld [tilespmem:s12+$0x2700];
	v4 =	vadd.f32 v4, v13;
	v6 =	vmul.f32 v6, v6  }
0x181: {  	v14 =	vadd.f32 v17, v14;
	v11 =	vadd.f32 v8, v10;
	v15 =	vld [tilespmem:s12+$0xA700]  }
.Ltmp10:
0x182: {  	v12 =	vadd.f32 v18, v12;
	v16 =	vld [tilespmem:s12+$0x2710];
	v13 =	vadd.f32 v6, v4;
	(pc) =	sbr.rel @p0 .LBB2_19-.Ltmp10, $4  }
0x183: {  	v17 =	vld [tilespmem:s12+$0xA710]  }
0x184: {  	v18 =	vld [tilespmem:s12+$0x2720]  }
0x185: {  	v20 =	vld [tilespmem:s12+$0xA720]  }
0x186: {  	s13 =	sadd.s32 $0x1000, s13;
	v19 =	vld [tilespmem:s12+$0x2730]  }
0x187: {  	v21 =	vld [tilespmem:s12+$0xA730]  }
0x188: {  	v22 =	vld [tilespmem:s12+$0x2770]  }
0x189: {  	v23 =	vld [tilespmem:s12+$0xA770];
	s12 =	simm.s32 $0x0  }
0x18a: {  	v8 =	vld [tilespmem:s12+$0xA7C0]  }
0x18b: {  	v4 =	vimm.s32 $0x8;
	v6 =	vld [tilespmem:s12+$0x27D0]  }
0x18c: {  	v10 =	vld [tilespmem:s12+$0xA7D0]  }
0x18d: {  	v15 =	vsub.f32 v0, v15;
	v0 =	vld [tilespmem:s12+$0x27E0]  }
0x18e: {  	v2 =	vsub.f32 v2, v7;
	v3 =	vsub.f32 v3, v9;
	v7 =	vld [tilespmem:s12+$0xA7E0]  }
0x18f: {  	v5 =	vsub.f32 v1, v5;
	v9 =	vsub.f32 v16, v17;
	v1 =	vld [tilespmem:s12+$0x2780]  }
0x190: {  	v2 =	vmul.f32 v2, v2;
	v3 =	vmul.f32 v3, v3;
	v16 =	vsub.f32 v18, v20;
	v59 =	vld.idx.msk [tilespmem:v4+s20+$0x0], $0xffff  }
0x191: {  	v15 =	vmul.f32 v15, v15;
	v5 =	vmul.f32 v5, v5;
	v4 =	vld [tilespmem:s12+$0x27C0];
	v17 =	vsub.f32 v19, v21  }
0x192: {  	v9 =	vmul.f32 v9, v9;
	v18 =	vmul.f32 v16, v16;
	v16 =	vld [tilespmem:s12+$0xA780]  }
0x193: {  	v11 =	vadd.f32 v15, v11;
	v20 =	vsub.f32 v22, v23;
	v21 =	vld [tilespmem:s12+$0xA7A0];
	v19 =	vmul.f32 v17, v17  }
0x194: {  	v15 =	vimm.f32 $0.0e+00;
	v9 =	vadd.f32 v9, v14;
	v17 =	vld [tilespmem:s12+$0x2790];
	v12 =	vadd.f32 v18, v12  }
0x195: {  	v60 =	vadd.f32 v2, v11;
	v14 =	vmul.f32 v20, v20;
	v18 =	vld [tilespmem:s12+$0xA790];
	v13 =	vadd.f32 v19, v13  }
0x196: {  	v61 =	vadd.f32 v3, v9;
	v20 =	vld [tilespmem:s12+$0x27B0];
	v62 =	vadd.f32 v5, v12;
	v5 =	vimm.f32 $0.0e+00  }
0x197: {  	s13 =	simm.s32 $0x1000;
	v19 =	vld [tilespmem:s12+$0x27A0];
	v63 =	vadd.f32 v14, v13;
	v13 =	vimm.f32 $0.0e+00;
	v14 =	vimm.f32 $0.0e+00  }
.LBB2_21:
0x198: {  	p0 =	sne.s32 s13, $0x7000;
	v2 =	vld [tilespmem:s12+$0xA7B0]  }
0x199: {  	v3 =	vld [tilespmem:s12+$0x27F0]  }
0x19a: {  	v9 =	vsub.f32 v4, v8;
	v11 =	vld [tilespmem:s12+$0xA7F0];
	s12 =	sshra.s32 s13, $0x2  }
0x19b: {  	v1 =	vsub.f32 v1, v16;
	v10 =	vsub.f32 v6, v10;
	v4 =	vld [tilespmem:s12+$0x27C0]  }
0x19c: {  	v12 =	vsub.f32 v17, v18;
	v16 =	vsub.f32 v19, v21;
	v8 =	vld [tilespmem:s12+$0xA7C0]  }
0x19d: {  	v9 =	vmul.f32 v9, v9;
	v17 =	vmul.f32 v10, v10;
	v6 =	vld [tilespmem:s12+$0x27D0];
	v2 =	vsub.f32 v20, v2  }
0x19e: {  	v18 =	vsub.f32 v0, v7;
	v1 =	vmul.f32 v1, v1;
	v12 =	vmul.f32 v12, v12;
	v10 =	vld [tilespmem:s12+$0xA7D0]  }
0x19f: {  	v16 =	vmul.f32 v16, v16;
	v0 =	vld [tilespmem:s12+$0x27E0];
	v2 =	vmul.f32 v2, v2;
	v3 =	vsub.f32 v3, v11  }
0x1a0: {  	v5 =	vadd.f32 v1, v5;
	v11 =	vadd.f32 v12, v15;
	v12 =	vmul.f32 v18, v18;
	v7 =	vld [tilespmem:s12+$0xA7E0]  }
0x1a1: {  	v13 =	vadd.f32 v16, v13;
	v1 =	vld [tilespmem:s12+$0x2780];
	v2 =	vadd.f32 v2, v14;
	v3 =	vmul.f32 v3, v3  }
0x1a2: {  	v5 =	vadd.f32 v9, v5;
	v15 =	vadd.f32 v17, v11;
	v16 =	vld [tilespmem:s12+$0xA780]  }
.Ltmp11:
0x1a3: {  	v13 =	vadd.f32 v12, v13;
	v17 =	vld [tilespmem:s12+$0x2790];
	v14 =	vadd.f32 v3, v2;
	(pc) =	sbr.rel @p0 .LBB2_21-.Ltmp11, $4  }
0x1a4: {  	v18 =	vld [tilespmem:s12+$0xA790]  }
0x1a5: {  	v19 =	vld [tilespmem:s12+$0x27A0]  }
0x1a6: {  	v21 =	vld [tilespmem:s12+$0xA7A0]  }
0x1a7: {  	s13 =	sadd.s32 $0x1000, s13;
	v20 =	vld [tilespmem:s12+$0x27B0]  }
0x1a8: {  	v22 =	vld [tilespmem:s12+$0xA7B0]  }
0x1a9: {  	v23 =	vld [tilespmem:s12+$0x27F0]  }
0x1aa: {  	v24 =	vld [tilespmem:s12+$0xA7F0];
	s12 =	simm.s32 $0x0  }
0x1ab: {  	v11 =	vld [tilespmem:s12+$0xA840]  }
0x1ac: {  	v9 =	vld [tilespmem:s12+$0x2850]  }
0x1ad: {  	v12 =	vld [tilespmem:s12+$0xA850]  }
0x1ae: {  	v4 =	vsub.f32 v4, v8;
	v8 =	vsub.f32 v1, v16;
	v1 =	vld [tilespmem:s12+$0x2860]  }
0x1af: {  	v2 =	vimm.s32 $0x9;
	v6 =	vsub.f32 v6, v10;
	v10 =	vld [tilespmem:s12+$0xA860]  }
0x1b0: {  	v7 =	vsub.f32 v0, v7;
	v0 =	vld [tilespmem:s12+$0x2800]  }
0x1b1: {  	v16 =	vsub.f32 v17, v18;
	v26 =	vld [tilespmem:s12+$0xA820];
	v4 =	vmul.f32 v4, v4;
	v6 =	vmul.f32 v6, v6  }
0x1b2: {  	v25 =	vld [tilespmem:s12+$0x2830];
	v8 =	vmul.f32 v8, v8;
	v17 =	vsub.f32 v19, v21;
	v18 =	vsub.f32 v20, v22  }
0x1b3: {  	v7 =	vmul.f32 v7, v7;
	v19 =	vmul.f32 v16, v16;
	v16 =	vld [tilespmem:s12+$0xA800];
	v21 =	vimm.f32 $0.0e+00  }
0x1b4: {  	v3 =	vld.idx.msk [tilespmem:v2+s20+$0x0], $0xffff;
	v17 =	vmul.f32 v17, v17;
	v20 =	vsub.f32 v23, v24;
	v18 =	vmul.f32 v18, v18  }
0x1b5: {  	v5 =	vadd.f32 v8, v5;
	v2 =	vld [tilespmem:s12+$0x2840];
	v8 =	vadd.f32 v19, v15;
	v19 =	vimm.f32 $0.0e+00  }
0x1b6: {  	v22 =	vld [tilespmem:s12+$0x2810];
	v13 =	vadd.f32 v17, v13;
	v15 =	vmul.f32 v20, v20;
	v14 =	vadd.f32 v18, v14  }
0x1b7: {  	v23 =	vld [tilespmem:s12+$0xA810];
	v4 =	vadd.f32 v4, v5;
	v5 =	vadd.f32 v6, v8;
	v20 =	vimm.f32 $0.0e+00  }
0x1b8: {  	s13 =	simm.s32 $0x1000;
	v24 =	vld [tilespmem:s12+$0x2820];
	v6 =	vadd.f32 v7, v13;
	v13 =	vimm.f32 $0.0e+00;
	v7 =	vadd.f32 v15, v14  }
.LBB2_23:
0x1b9: {  	p0 =	sne.s32 s13, $0x7000;
	v8 =	vld [tilespmem:s12+$0xA830]  }
0x1ba: {  	v14 =	vld [tilespmem:s12+$0x2870]  }
0x1bb: {  	v15 =	vsub.f32 v2, v11;
	v17 =	vld [tilespmem:s12+$0xA870];
	s12 =	sshra.s32 s13, $0x2  }
0x1bc: {  	v0 =	vsub.f32 v0, v16;
	v12 =	vsub.f32 v9, v12;
	v2 =	vld [tilespmem:s12+$0x2840]  }
0x1bd: {  	v16 =	vsub.f32 v22, v23;
	v18 =	vsub.f32 v24, v26;
	v11 =	vld [tilespmem:s12+$0xA840]  }
0x1be: {  	v15 =	vmul.f32 v15, v15;
	v22 =	vmul.f32 v12, v12;
	v9 =	vld [tilespmem:s12+$0x2850];
	v8 =	vsub.f32 v25, v8  }
0x1bf: {  	v23 =	vsub.f32 v1, v10;
	v0 =	vmul.f32 v0, v0;
	v16 =	vmul.f32 v16, v16;
	v12 =	vld [tilespmem:s12+$0xA850]  }
0x1c0: {  	v18 =	vmul.f32 v18, v18;
	v1 =	vld [tilespmem:s12+$0x2860];
	v8 =	vmul.f32 v8, v8;
	v14 =	vsub.f32 v14, v17  }
0x1c1: {  	v23 =	vmul.f32 v23, v23;
	v13 =	vadd.f32 v0, v13;
	v17 =	vadd.f32 v16, v21;
	v10 =	vld [tilespmem:s12+$0xA860]  }
0x1c2: {  	v18 =	vadd.f32 v18, v19;
	v0 =	vld [tilespmem:s12+$0x2800];
	v8 =	vadd.f32 v8, v20;
	v14 =	vmul.f32 v14, v14  }
0x1c3: {  	v13 =	vadd.f32 v15, v13;
	v21 =	vadd.f32 v22, v17;
	v16 =	vld [tilespmem:s12+$0xA800]  }
.Ltmp12:
0x1c4: {  	v19 =	vadd.f32 v23, v18;
	v22 =	vld [tilespmem:s12+$0x2810];
	v20 =	vadd.f32 v14, v8;
	(pc) =	sbr.rel @p0 .LBB2_23-.Ltmp12, $4  }
0x1c5: {  	v23 =	vld [tilespmem:s12+$0xA810]  }
0x1c6: {  	v24 =	vld [tilespmem:s12+$0x2820]  }
0x1c7: {  	v26 =	vld [tilespmem:s12+$0xA820]  }
0x1c8: {  	s13 =	sadd.s32 $0x1000, s13;
	v25 =	vld [tilespmem:s12+$0x2830]  }
0x1c9: {  	v27 =	vld [tilespmem:s12+$0xA830]  }
0x1ca: {  	v28 =	vld [tilespmem:s12+$0x2870]  }
0x1cb: {  	v29 =	vld [tilespmem:s12+$0xA870];
	s12 =	simm.s32 $0x0  }
0x1cc: {  	v14 =	vld [tilespmem:s12+$0x28C0]  }
0x1cd: {  	v17 =	vld [tilespmem:s12+$0xA8C0]  }
0x1ce: {  	v15 =	vld [tilespmem:s12+$0x28D0]  }
0x1cf: {  	v18 =	vld [tilespmem:s12+$0xA8D0]  }
0x1d0: {  	v8 =	vimm.s32 $0xA;
	v2 =	vsub.f32 v2, v11;
	v11 =	vsub.f32 v0, v16;
	v0 =	vld [tilespmem:s12+$0x28E0]  }
0x1d1: {  	v9 =	vsub.f32 v9, v12;
	v10 =	vsub.f32 v1, v10;
	v16 =	vld [tilespmem:s12+$0xA8E0]  }
0x1d2: {  	v12 =	vsub.f32 v22, v23;
	v1 =	vld [tilespmem:s12+$0x2880];
	v2 =	vmul.f32 v2, v2;
	v22 =	vsub.f32 v24, v26  }
0x1d3: {  	v30 =	vld [tilespmem:s12+$0xA8A0];
	v23 =	vsub.f32 v25, v27;
	v25 =	vmul.f32 v9, v9;
	v9 =	vmul.f32 v11, v11  }
0x1d4: {  	v24 =	vld [tilespmem:s12+$0xA880];
	v26 =	vimm.f32 $0.0e+00;
	v11 =	vmul.f32 v12, v12;
	v12 =	vmul.f32 v22, v22  }
0x1d5: {  	v8 =	vld.idx.msk [tilespmem:v8+s20+$0x0], $0xffff;
	v22 =	vmul.f32 v23, v23;
	v23 =	vsub.f32 v28, v29;
	v9 =	vadd.f32 v9, v13  }
0x1d6: {  	v27 =	vld [tilespmem:s12+$0x2890];
	v11 =	vadd.f32 v11, v21;
	v13 =	vmul.f32 v10, v10;
	v12 =	vadd.f32 v12, v19  }
0x1d7: {  	v28 =	vld [tilespmem:s12+$0x28A0];
	v19 =	vadd.f32 v22, v20;
	v21 =	vmul.f32 v23, v23;
	v9 =	vadd.f32 v2, v9  }
0x1d8: {  	v29 =	vld [tilespmem:s12+$0x28B0];
	v10 =	vadd.f32 v25, v11;
	v11 =	vadd.f32 v13, v12;
	v22 =	vimm.f32 $0.0e+00  }
0x1d9: {  	s13 =	simm.s32 $0x1000;
	v20 =	vld [tilespmem:s12+$0xA890];
	v23 =	vimm.f32 $0.0e+00;
	v25 =	vimm.f32 $0.0e+00;
	v12 =	vadd.f32 v21, v19  }
.LBB2_25:
0x1da: {  	p0 =	sne.s32 s13, $0x7000;
	v2 =	vld [tilespmem:s12+$0xA8B0]  }
0x1db: {  	v13 =	vld [tilespmem:s12+$0x28F0]  }
0x1dc: {  	v19 =	vsub.f32 v14, v17;
	v21 =	vld [tilespmem:s12+$0xA8F0];
	s12 =	sshra.s32 s13, $0x2  }
0x1dd: {  	v1 =	vsub.f32 v1, v24;
	v18 =	vsub.f32 v15, v18;
	v14 =	vld [tilespmem:s12+$0x28C0]  }
0x1de: {  	v20 =	vsub.f32 v27, v20;
	v24 =	vsub.f32 v28, v30;
	v17 =	vld [tilespmem:s12+$0xA8C0]  }
0x1df: {  	v19 =	vmul.f32 v19, v19;
	v27 =	vmul.f32 v18, v18;
	v15 =	vld [tilespmem:s12+$0x28D0];
	v2 =	vsub.f32 v29, v2  }
0x1e0: {  	v1 =	vmul.f32 v1, v1;
	v20 =	vmul.f32 v20, v20;
	v28 =	vsub.f32 v0, v16;
	v18 =	vld [tilespmem:s12+$0xA8D0]  }
0x1e1: {  	v24 =	vmul.f32 v24, v24;
	v0 =	vld [tilespmem:s12+$0x28E0];
	v2 =	vmul.f32 v2, v2;
	v13 =	vsub.f32 v13, v21  }
0x1e2: {  	v20 =	vadd.f32 v20, v26;
	v28 =	vmul.f32 v28, v28;
	v21 =	vadd.f32 v1, v22;
	v16 =	vld [tilespmem:s12+$0xA8E0]  }
0x1e3: {  	v23 =	vadd.f32 v24, v23;
	v1 =	vld [tilespmem:s12+$0x2880];
	v2 =	vadd.f32 v2, v25;
	v13 =	vmul.f32 v13, v13  }
0x1e4: {  	v26 =	vadd.f32 v27, v20;
	v22 =	vadd.f32 v19, v21;
	v24 =	vld [tilespmem:s12+$0xA880]  }
.Ltmp13:
0x1e5: {  	v23 =	vadd.f32 v28, v23;
	v27 =	vld [tilespmem:s12+$0x2890];
	v25 =	vadd.f32 v13, v2;
	(pc) =	sbr.rel @p0 .LBB2_25-.Ltmp13, $4  }
0x1e6: {  	v20 =	vld [tilespmem:s12+$0xA890]  }
0x1e7: {  	v28 =	vld [tilespmem:s12+$0x28A0]  }
0x1e8: {  	v30 =	vld [tilespmem:s12+$0xA8A0]  }
0x1e9: {  	s13 =	sadd.s32 $0x1000, s13;
	v29 =	vld [tilespmem:s12+$0x28B0]  }
0x1ea: {  	v31 =	vld [tilespmem:s12+$0xA8B0]  }
0x1eb: {  	v32 =	vld [tilespmem:s12+$0x28F0]  }
0x1ec: {  	v33 =	vld [tilespmem:s12+$0xA8F0];
	s12 =	simm.s32 $0x0  }
0x1ed: {  	v21 =	vld [tilespmem:s12+$0xA940]  }
0x1ee: {  	v19 =	vld [tilespmem:s12+$0x2950]  }
0x1ef: {  	v14 =	vsub.f32 v14, v17;
	v17 =	vsub.f32 v1, v24;
	v24 =	vld [tilespmem:s12+$0xA950]  }
0x1f0: {  	v1 =	vld [tilespmem:s12+$0x2960]  }
0x1f1: {  	v2 =	vimm.s32 $0xB;
	v15 =	vsub.f32 v15, v18;
	v18 =	vsub.f32 v27, v20;
	v20 =	vld [tilespmem:s12+$0xA960]  }
0x1f2: {  	v0 =	vsub.f32 v0, v16;
	v34 =	vld [tilespmem:s12+$0x2920]  }
0x1f3: {  	v36 =	vld [tilespmem:s12+$0xA920];
	v14 =	vmul.f32 v14, v14;
	v15 =	vmul.f32 v15, v15;
	v27 =	vsub.f32 v28, v30  }
0x1f4: {  	v35 =	vld [tilespmem:s12+$0x2930];
	v17 =	vmul.f32 v17, v17;
	v0 =	vmul.f32 v0, v0;
	v28 =	vsub.f32 v29, v31  }
0x1f5: {  	v18 =	vmul.f32 v18, v18;
	v30 =	vld [tilespmem:s12+$0x2900];
	v16 =	vmul.f32 v27, v27  }
0x1f6: {  	v17 =	vadd.f32 v17, v22;
	v13 =	vld.idx.msk [tilespmem:v2+s20+$0x0], $0xffff;
	v27 =	vmul.f32 v28, v28;
	v28 =	vsub.f32 v32, v33  }
0x1f7: {  	v2 =	vld [tilespmem:s12+$0x2940];
	v18 =	vadd.f32 v18, v26;
	v29 =	vimm.f32 $0.0e+00;
	v16 =	vadd.f32 v16, v23  }
0x1f8: {  	v31 =	vld [tilespmem:s12+$0xA900];
	v14 =	vadd.f32 v14, v17;
	v22 =	vadd.f32 v27, v25;
	v23 =	vmul.f32 v28, v28  }
0x1f9: {  	v32 =	vld [tilespmem:s12+$0x2910];
	v15 =	vadd.f32 v15, v18;
	v16 =	vadd.f32 v0, v16;
	v0 =	vimm.f32 $0.0e+00  }
0x1fa: {  	s13 =	simm.s32 $0x1000;
	v33 =	vld [tilespmem:s12+$0xA910];
	v27 =	vimm.f32 $0.0e+00;
	v28 =	vimm.f32 $0.0e+00;
	v17 =	vadd.f32 v23, v22  }
.LBB2_27:
0x1fb: {  	p0 =	sne.s32 s13, $0x7000;
	v18 =	vld [tilespmem:s12+$0xA930]  }
0x1fc: {  	v22 =	vld [tilespmem:s12+$0x2970]  }
0x1fd: {  	v23 =	vsub.f32 v2, v21;
	v25 =	vld [tilespmem:s12+$0xA970];
	s12 =	sshra.s32 s13, $0x2  }
0x1fe: {  	v26 =	vsub.f32 v30, v31;
	v24 =	vsub.f32 v19, v24;
	v2 =	vld [tilespmem:s12+$0x2940]  }
0x1ff: {  	v30 =	vsub.f32 v32, v33;
	v31 =	vsub.f32 v34, v36;
	v21 =	vld [tilespmem:s12+$0xA940]  }
0x200: {  	v23 =	vmul.f32 v23, v23;
	v32 =	vmul.f32 v24, v24;
	v19 =	vld [tilespmem:s12+$0x2950];
	v18 =	vsub.f32 v35, v18  }
0x201: {  	v33 =	vsub.f32 v1, v20;
	v26 =	vmul.f32 v26, v26;
	v30 =	vmul.f32 v30, v30;
	v24 =	vld [tilespmem:s12+$0xA950]  }
0x202: {  	v31 =	vmul.f32 v31, v31;
	v1 =	vld [tilespmem:s12+$0x2960];
	v18 =	vmul.f32 v18, v18;
	v22 =	vsub.f32 v22, v25  }
0x203: {  	v0 =	vadd.f32 v26, v0;
	v26 =	vmul.f32 v33, v33;
	v25 =	vadd.f32 v30, v29;
	v20 =	vld [tilespmem:s12+$0xA960]  }
0x204: {  	v27 =	vadd.f32 v31, v27;
	v30 =	vld [tilespmem:s12+$0x2900];
	v18 =	vadd.f32 v18, v28;
	v22 =	vmul.f32 v22, v22  }
0x205: {  	v0 =	vadd.f32 v23, v0;
	v29 =	vadd.f32 v32, v25;
	v31 =	vld [tilespmem:s12+$0xA900]  }
.Ltmp14:
0x206: {  	v27 =	vadd.f32 v26, v27;
	v32 =	vld [tilespmem:s12+$0x2910];
	v28 =	vadd.f32 v22, v18;
	(pc) =	sbr.rel @p0 .LBB2_27-.Ltmp14, $4  }
0x207: {  	v33 =	vld [tilespmem:s12+$0xA910]  }
0x208: {  	v34 =	vld [tilespmem:s12+$0x2920]  }
0x209: {  	v36 =	vld [tilespmem:s12+$0xA920]  }
0x20a: {  	s13 =	sadd.s32 $0x1000, s13;
	v35 =	vld [tilespmem:s12+$0x2930]  }
0x20b: {  	v37 =	vld [tilespmem:s12+$0xA930]  }
0x20c: {  	v38 =	vld [tilespmem:s12+$0x2970]  }
0x20d: {  	v39 =	vld [tilespmem:s12+$0xA970];
	s12 =	simm.s32 $0x0  }
0x20e: {  	v22 =	vld [tilespmem:s12+$0x29C0]  }
0x20f: {  	v25 =	vld [tilespmem:s12+$0xA9C0]  }
0x210: {  	v23 =	vld [tilespmem:s12+$0x29D0]  }
0x211: {  	v26 =	vld [tilespmem:s12+$0xA9D0]  }
0x212: {  	v18 =	vimm.s32 $0xC;
	v2 =	vsub.f32 v2, v21;
	v30 =	vsub.f32 v30, v31;
	v21 =	vld [tilespmem:s12+$0x29E0]  }
0x213: {  	v19 =	vsub.f32 v19, v24;
	v31 =	vsub.f32 v32, v33;
	v24 =	vld [tilespmem:s12+$0xA9E0]  }
0x214: {  	v1 =	vsub.f32 v1, v20;
	v32 =	vimm.f32 $0.0e+00;
	v40 =	vld [tilespmem:s12+$0xA9A0];
	v2 =	vmul.f32 v2, v2  }
0x215: {  	v46 =	vsub.f32 v34, v36;
	v48 =	vmul.f32 v31, v31;
	v31 =	vld [tilespmem:s12+$0x2980];
	v47 =	vsub.f32 v35, v37  }
0x216: {  	v33 =	vimm.f32 $0.0e+00;
	v19 =	vmul.f32 v19, v19;
	v30 =	vmul.f32 v30, v30;
	v36 =	vld [tilespmem:s12+$0xA980]  }
0x217: {  	v18 =	vld.idx.msk [tilespmem:v18+s20+$0x0], $0xffff;
	v20 =	vmul.f32 v46, v46;
	v50 =	vsub.f32 v38, v39;
	v49 =	vmul.f32 v47, v47  }
0x218: {  	v1 =	vmul.f32 v1, v1;
	v0 =	vadd.f32 v30, v0;
	v30 =	vadd.f32 v48, v29;
	v29 =	vld [tilespmem:s12+$0x2990]  }
0x219: {  	v37 =	vld [tilespmem:s12+$0xA990];
	v20 =	vadd.f32 v20, v27;
	v27 =	vadd.f32 v49, v28;
	v28 =	vmul.f32 v50, v50  }
0x21a: {  	v34 =	vimm.f32 $0.0e+00;
	v38 =	vld [tilespmem:s12+$0x29A0];
	v0 =	vadd.f32 v2, v0;
	v2 =	vadd.f32 v19, v30  }
0x21b: {  	s13 =	simm.s32 $0x1000;
	v39 =	vld [tilespmem:s12+$0x29B0];
	v35 =	vimm.f32 $0.0e+00;
	v1 =	vadd.f32 v1, v20;
	v19 =	vadd.f32 v28, v27  }
.LBB2_29:
0x21c: {  	p0 =	sne.s32 s13, $0x7000;
	v20 =	vld [tilespmem:s12+$0xA9B0]  }
0x21d: {  	v27 =	vld [tilespmem:s12+$0x29F0]  }
0x21e: {  	v28 =	vsub.f32 v22, v25;
	v30 =	vld [tilespmem:s12+$0xA9F0];
	s12 =	sshra.s32 s13, $0x2  }
0x21f: {  	v31 =	vsub.f32 v31, v36;
	v26 =	vsub.f32 v23, v26;
	v22 =	vld [tilespmem:s12+$0x29C0]  }
0x220: {  	v29 =	vsub.f32 v29, v37;
	v36 =	vsub.f32 v38, v40;
	v25 =	vld [tilespmem:s12+$0xA9C0]  }
0x221: {  	v28 =	vmul.f32 v28, v28;
	v37 =	vmul.f32 v26, v26;
	v23 =	vld [tilespmem:s12+$0x29D0];
	v20 =	vsub.f32 v39, v20  }
0x222: {  	v31 =	vmul.f32 v31, v31;
	v29 =	vmul.f32 v29, v29;
	v38 =	vsub.f32 v21, v24;
	v26 =	vld [tilespmem:s12+$0xA9D0]  }
0x223: {  	v36 =	vmul.f32 v36, v36;
	v21 =	vld [tilespmem:s12+$0x29E0];
	v20 =	vmul.f32 v20, v20;
	v27 =	vsub.f32 v27, v30  }
0x224: {  	v29 =	vadd.f32 v29, v35;
	v38 =	vmul.f32 v38, v38;
	v30 =	vadd.f32 v31, v32;
	v24 =	vld [tilespmem:s12+$0xA9E0]  }
0x225: {  	v33 =	vadd.f32 v36, v33;
	v31 =	vld [tilespmem:s12+$0x2980];
	v20 =	vadd.f32 v20, v34;
	v27 =	vmul.f32 v27, v27  }
0x226: {  	v35 =	vadd.f32 v37, v29;
	v32 =	vadd.f32 v28, v30;
	v36 =	vld [tilespmem:s12+$0xA980]  }
.Ltmp15:
0x227: {  	v33 =	vadd.f32 v38, v33;
	v29 =	vld [tilespmem:s12+$0x2990];
	v34 =	vadd.f32 v27, v20;
	(pc) =	sbr.rel @p0 .LBB2_29-.Ltmp15, $4  }
0x228: {  	v37 =	vld [tilespmem:s12+$0xA990]  }
0x229: {  	v38 =	vld [tilespmem:s12+$0x29A0]  }
0x22a: {  	v40 =	vld [tilespmem:s12+$0xA9A0]  }
0x22b: {  	s13 =	sadd.s32 $0x1000, s13;
	v39 =	vld [tilespmem:s12+$0x29B0]  }
0x22c: {  	v41 =	vld [tilespmem:s12+$0xA9B0]  }
0x22d: {  	v42 =	vld [tilespmem:s12+$0x29F0]  }
0x22e: {  	v43 =	vld [tilespmem:s12+$0xA9F0];
	s12 =	simm.s32 $0x0  }
0x22f: {  	v27 =	vld [tilespmem:s12+$0x2A40]  }
0x230: {  	v30 =	vld [tilespmem:s12+$0xAA40]  }
0x231: {  	v20 =	vimm.s32 $0xD;
	v22 =	vsub.f32 v22, v25;
	v25 =	vsub.f32 v31, v36;
	v28 =	vld [tilespmem:s12+$0x2A50]  }
0x232: {  	v31 =	vld [tilespmem:s12+$0xAA50]  }
0x233: {  	v23 =	vsub.f32 v23, v26;
	v26 =	vld [tilespmem:s12+$0x2A60];
	v25 =	vmul.f32 v25, v25  }
0x234: {  	v50 =	vsub.f32 v29, v37;
	v29 =	vld [tilespmem:s12+$0xAA60]  }
0x235: {  	v21 =	vsub.f32 v21, v24;
	v25 =	vadd.f32 v25, v32;
	v32 =	vld [tilespmem:s12+$0x2A10]  }
0x236: {  	v22 =	vmul.f32 v22, v22;
	v44 =	vsub.f32 v38, v40;
	v20 =	vld.idx.msk [tilespmem:v20+s20+$0x0], $0xffff;
	v45 =	vsub.f32 v39, v41  }
0x237: {  	v37 =	vimm.f32 $0.0e+00;
	v23 =	vmul.f32 v23, v23;
	v36 =	vmul.f32 v50, v50;
	v39 =	vld [tilespmem:s12+$0x2A00]  }
0x238: {  	v24 =	vmul.f32 v44, v44;
	v47 =	vsub.f32 v42, v43;
	v41 =	vld [tilespmem:s12+$0xAA00];
	v46 =	vmul.f32 v45, v45  }
0x239: {  	v48 =	vmul.f32 v21, v21;
	v40 =	vimm.f32 $0.0e+00;
	v35 =	vadd.f32 v36, v35;
	v42 =	vld [tilespmem:s12+$0xAA10]  }
0x23a: {  	v43 =	vld [tilespmem:s12+$0x2A20];
	v24 =	vadd.f32 v24, v33;
	v50 =	vmul.f32 v47, v47;
	v49 =	vadd.f32 v46, v34  }
0x23b: {  	v44 =	vld [tilespmem:s12+$0x2A30];
	v21 =	vadd.f32 v22, v25;
	v22 =	vadd.f32 v23, v35;
	v33 =	vimm.f32 $0.0e+00  }
0x23c: {  	s13 =	simm.s32 $0x1000;
	v45 =	vld [tilespmem:s12+$0xAA20];
	v35 =	vimm.f32 $0.0e+00;
	v23 =	vadd.f32 v48, v24;
	v24 =	vadd.f32 v50, v49  }
.LBB2_31:
0x23d: {  	p0 =	sne.s32 s13, $0x7000;
	v25 =	vld [tilespmem:s12+$0xAA30]  }
0x23e: {  	v34 =	vld [tilespmem:s12+$0x2A70]  }
0x23f: {  	v36 =	vsub.f32 v27, v30;
	v38 =	vld [tilespmem:s12+$0xAA70];
	s12 =	sshra.s32 s13, $0x2  }
0x240: {  	v39 =	vsub.f32 v39, v41;
	v31 =	vsub.f32 v28, v31;
	v27 =	vld [tilespmem:s12+$0x2A40]  }
0x241: {  	v32 =	vsub.f32 v32, v42;
	v41 =	vsub.f32 v43, v45;
	v30 =	vld [tilespmem:s12+$0xAA40]  }
0x242: {  	v36 =	vmul.f32 v36, v36;
	v42 =	vmul.f32 v31, v31;
	v28 =	vld [tilespmem:s12+$0x2A50];
	v25 =	vsub.f32 v44, v25  }
0x243: {  	v39 =	vmul.f32 v39, v39;
	v32 =	vmul.f32 v32, v32;
	v43 =	vsub.f32 v26, v29;
	v31 =	vld [tilespmem:s12+$0xAA50]  }
0x244: {  	v41 =	vmul.f32 v41, v41;
	v26 =	vld [tilespmem:s12+$0x2A60];
	v25 =	vmul.f32 v25, v25;
	v34 =	vsub.f32 v34, v38  }
0x245: {  	v33 =	vadd.f32 v39, v33;
	v32 =	vadd.f32 v32, v40;
	v38 =	vmul.f32 v43, v43;
	v29 =	vld [tilespmem:s12+$0xAA60]  }
0x246: {  	v35 =	vadd.f32 v41, v35;
	v39 =	vld [tilespmem:s12+$0x2A00];
	v25 =	vadd.f32 v25, v37;
	v34 =	vmul.f32 v34, v34  }
0x247: {  	v33 =	vadd.f32 v36, v33;
	v40 =	vadd.f32 v42, v32;
	v41 =	vld [tilespmem:s12+$0xAA00]  }
.Ltmp16:
0x248: {  	v35 =	vadd.f32 v38, v35;
	v32 =	vld [tilespmem:s12+$0x2A10];
	v37 =	vadd.f32 v34, v25;
	(pc) =	sbr.rel @p0 .LBB2_31-.Ltmp16, $4  }
0x249: {  	v42 =	vld [tilespmem:s12+$0xAA10]  }
0x24a: {  	v43 =	vld [tilespmem:s12+$0x2A20]  }
0x24b: {  	v45 =	vld [tilespmem:s12+$0xAA20]  }
0x24c: {  	s13 =	sadd.s32 $0x1000, s13;
	v44 =	vld [tilespmem:s12+$0x2A30]  }
0x24d: {  	v46 =	vld [tilespmem:s12+$0xAA30]  }
0x24e: {  	v47 =	vld [tilespmem:s12+$0x2A70]  }
0x24f: {  	v48 =	vld [tilespmem:s12+$0xAA70];
	s12 =	simm.s32 $0x0  }
0x250: {  	v36 =	vld [tilespmem:s12+$0x2AC0]  }
0x251: {  	v38 =	vld [tilespmem:s12+$0xAAC0]  }
0x252: {  	v34 =	vld [tilespmem:s12+$0x2AD0]  }
0x253: {  	v27 =	vsub.f32 v27, v30;
	v41 =	vsub.f32 v39, v41;
	v39 =	vld [tilespmem:s12+$0xAAD0]  }
0x254: {  	v25 =	vimm.s32 $0xE;
	v28 =	vsub.f32 v28, v31;
	v31 =	vsub.f32 v32, v42;
	v30 =	vld [tilespmem:s12+$0x2AE0]  }
0x255: {  	v32 =	vld [tilespmem:s12+$0xAAE0]  }
0x256: {  	v26 =	vsub.f32 v26, v29;
	v42 =	vld [tilespmem:s12+$0x2AB0];
	v49 =	vsub.f32 v43, v45;
	v31 =	vmul.f32 v31, v31  }
0x257: {  	v27 =	vmul.f32 v27, v27;
	v43 =	vld [tilespmem:s12+$0xAA80];
	v50 =	vsub.f32 v44, v46;
	v44 =	vmul.f32 v41, v41  }
0x258: {  	v28 =	vmul.f32 v28, v28;
	v45 =	vld [tilespmem:s12+$0xAA90];
	v29 =	vmul.f32 v49, v49;
	v31 =	vadd.f32 v31, v40  }
0x259: {  	v25 =	vld.idx.msk [tilespmem:v25+s20+$0x0], $0xffff;
	v49 =	vmul.f32 v50, v50;
	v50 =	vsub.f32 v47, v48;
	v33 =	vadd.f32 v44, v33  }
0x25a: {  	v41 =	vld [tilespmem:s12+$0x2A80];
	v48 =	vmul.f32 v26, v26;
	v29 =	vadd.f32 v29, v35;
	v35 =	vimm.f32 $0.0e+00  }
0x25b: {  	v40 =	vld [tilespmem:s12+$0x2A90];
	v49 =	vadd.f32 v49, v37;
	v50 =	vmul.f32 v50, v50;
	v26 =	vadd.f32 v27, v33  }
0x25c: {  	v46 =	vld [tilespmem:s12+$0xAAA0];
	v27 =	vadd.f32 v28, v31;
	v28 =	vadd.f32 v48, v29;
	v37 =	vimm.f32 $0.0e+00  }
0x25d: {  	s13 =	simm.s32 $0x1000;
	v44 =	vld [tilespmem:s12+$0x2AA0];
	v33 =	vimm.f32 $0.0e+00;
	v31 =	vimm.f32 $0.0e+00;
	v29 =	vadd.f32 v50, v49  }
.LBB2_33:
0x25e: {  	p0 =	sne.s32 s13, $0x7000;
	v47 =	vld [tilespmem:s12+$0xAAB0]  }
0x25f: {  	v48 =	vld [tilespmem:s12+$0x2AF0]  }
0x260: {  	v49 =	vsub.f32 v36, v38;
	v50 =	vld [tilespmem:s12+$0xAAF0];
	s12 =	sshra.s32 s13, $0x2  }
0x261: {  	v41 =	vsub.f32 v41, v43;
	v39 =	vsub.f32 v34, v39;
	v36 =	vld [tilespmem:s12+$0x2AC0]  }
0x262: {  	v40 =	vsub.f32 v40, v45;
	v43 =	vsub.f32 v44, v46;
	v38 =	vld [tilespmem:s12+$0xAAC0]  }
0x263: {  	v45 =	vmul.f32 v39, v39;
	v44 =	vmul.f32 v49, v49;
	v34 =	vld [tilespmem:s12+$0x2AD0];
	v42 =	vsub.f32 v42, v47  }
0x264: {  	v41 =	vmul.f32 v41, v41;
	v40 =	vmul.f32 v40, v40;
	v46 =	vsub.f32 v30, v32;
	v39 =	vld [tilespmem:s12+$0xAAD0]  }
0x265: {  	v43 =	vmul.f32 v43, v43;
	v30 =	vld [tilespmem:s12+$0x2AE0];
	v42 =	vmul.f32 v42, v42;
	v47 =	vsub.f32 v48, v50  }
0x266: {  	v37 =	vadd.f32 v41, v37;
	v35 =	vadd.f32 v40, v35;
	v46 =	vmul.f32 v46, v46;
	v32 =	vld [tilespmem:s12+$0xAAE0]  }
0x267: {  	v33 =	vadd.f32 v43, v33;
	v41 =	vld [tilespmem:s12+$0x2A80];
	v31 =	vadd.f32 v42, v31;
	v42 =	vmul.f32 v47, v47  }
0x268: {  	v37 =	vadd.f32 v44, v37;
	v35 =	vadd.f32 v45, v35;
	v43 =	vld [tilespmem:s12+$0xAA80]  }
.Ltmp17:
0x269: {  	v33 =	vadd.f32 v46, v33;
	v40 =	vld [tilespmem:s12+$0x2A90];
	v31 =	vadd.f32 v42, v31;
	(pc) =	sbr.rel @p0 .LBB2_33-.Ltmp17, $4  }
0x26a: {  	v45 =	vld [tilespmem:s12+$0xAA90]  }
0x26b: {  	v44 =	vld [tilespmem:s12+$0x2AA0]  }
0x26c: {  	v46 =	vld [tilespmem:s12+$0xAAA0]  }
0x26d: {  	s13 =	sadd.s32 $0x1000, s13;
	v42 =	vld [tilespmem:s12+$0x2AB0]  }
0x26e: {  	v47 =	vld [tilespmem:$0x1FF90]  }
0x26f: {  	v48 =	vld [tilespmem:$0x1FFA0];
	_ =	sdelay $0x3  }
0x270: {  	v49 =	vld [tilespmem:$0x1FFC0]  }
0x271: {  	v47 =	vadd.f32 v48, v47;
	v48 =	vld [tilespmem:$0x1FFB0];
	_ =	sdelay $0x3  }
0x272: {  	v50 =	vld [tilespmem:$0x1FF70]  }
0x273: {  	v48 =	vadd.f32 v49, v48;
	v49 =	vld [tilespmem:$0x1FF60];
	_ =	sdelay $0x1  }
0x274: {  	v47 =	vadd.f32 v48, v47;
	v48 =	vld [tilespmem:$0x1FF50];
	_ =	sdelay $0x2  }
0x275: {  	v49 =	vadd.f32 v50, v49;
	v50 =	vld [tilespmem:$0x1FF80];
	_ =	sdelay $0x1  }
0x276: {  	v48 =	vadd.f32 v48, v51;
	_ =	sdelay $0x1  }
0x277: {  	v48 =	vadd.f32 v49, v48;
	v49 =	vld [tilespmem:$0x1FF00]  }
0x278: {  	v47 =	vmul.f32 v50, v47;
	v50 =	vld [tilespmem:$0x1FF10];
	_ =	sdelay $0x3  }
0x279: {  	v51 =	vld [tilespmem:$0x1FF30]  }
0x27a: {  	v49 =	vadd.f32 v50, v49;
	v50 =	vld [tilespmem:$0x1FF20];
	_ =	sdelay $0x4  }
0x27b: {  	v50 =	vadd.f32 v51, v50;
	v51 =	vld [tilespmem:$0x1FF40];
	_ =	sdelay $0x4  }
0x27c: {  	v47 =	vadd.f32 $0.0e+00, v47;
	v48 =	vmul.f32 v51, v48;
	_ =	sdelay $0x1  }
0x27d: {  	v41 =	vsub.f32 v41, v43;
	v43 =	vadd.f32 v48, v47;
	v47 =	vld [tilespmem:$0x1FEB0]  }
0x27e: {  	v48 =	vld [tilespmem:$0x1FEC0];
	_ =	sdelay $0x3  }
0x27f: {  	v50 =	vadd.f32 v50, v49;
	v49 =	vld [tilespmem:$0x1FEE0]  }
0x280: {  	v47 =	vadd.f32 v48, v47;
	v48 =	vld [tilespmem:$0x1FED0];
	_ =	sdelay $0x4  }
0x281: {  	v51 =	vld [tilespmem:$0x1FEF0];
	v48 =	vadd.f32 v49, v48  }
0x282: {  	v34 =	vsub.f32 v34, v39;
	v49 =	vld [tilespmem:$0x1FE70]  }
0x283: {  	v39 =	vsub.f32 v40, v45;
	v40 =	vadd.f32 v48, v47;
	v48 =	vld [tilespmem:$0x1FE60];
	_ =	sdelay $0x2  }
0x284: {  	v36 =	vsub.f32 v36, v38;
	v38 =	vmul.f32 v51, v50;
	_ =	sdelay $0x1  }
0x285: {  	v38 =	vadd.f32 v38, v43;
	v43 =	vadd.f32 v49, v48;
	v48 =	vld [tilespmem:$0x1FEA0];
	_ =	sdelay $0x1  }
0x286: {  	v50 =	vld [tilespmem:$0x1FE80]  }
0x287: {  	v51 =	vld [tilespmem:$0x1FE90]  }
0x288: {  	v49 =	vld [tilespmem:$0x1FE20]  }
0x289: {  	v40 =	vmul.f32 v48, v40;
	v48 =	vld [tilespmem:$0x1FE10];
	_ =	sdelay $0x3  }
0x28a: {  	v45 =	vadd.f32 v51, v50;
	v50 =	vld [tilespmem:$0x1FE40]  }
0x28b: {  	v48 =	vadd.f32 v49, v48;
	v49 =	vld [tilespmem:$0x1FE30];
	_ =	sdelay $0x4  }
0x28c: {  	v49 =	vadd.f32 v50, v49;
	_ =	sdelay $0x1  }
0x28d: {  	v38 =	vadd.f32 v40, v38;
	v40 =	vadd.f32 v49, v48;
	v48 =	vld [tilespmem:$0x1FE50];
	_ =	sdelay $0x2  }
0x28e: {  	v43 =	vadd.f32 v45, v43  }
0x28f: {  	v49 =	vld [tilespmem:$0x1FDF0]  }
0x290: {  	v43 =	vmul.f32 v48, v43;
	v48 =	vld [tilespmem:$0x1FDE0];
	_ =	sdelay $0x3  }
0x291: {  	v51 =	vld [tilespmem:$0x1FE00]  }
0x292: {  	v53 =	vadd.f32 v53, v52;
	v48 =	vadd.f32 v49, v48;
	_ =	sdelay $0x1  }
0x293: {  	v52 =	vadd.f32 v53, v48;
	v53 =	vadd.f32 v56, v55;
	v56 =	vld [tilespmem:$0x1FDD0];
	_ =	sdelay $0x1  }
0x294: {  	v30 =	vsub.f32 v30, v32;
	v50 =	vadd.f32 v43, v38;
	v38 =	vmul.f32 v51, v40  }
0x295: {  	v4 =	vadd.f32 v5, v4;
	v55 =	vadd.f32 v58, v57  }
0x296: {  	v32 =	vadd.f32 v38, v50;
	v58 =	vadd.f32 v61, v60  }
0x297: {  	v60 =	vadd.f32 v63, v62;
	v57 =	vadd.f32 v55, v53;
	v38 =	vmul.f32 v56, v52  }
0x298: {  	v5 =	vadd.f32 v7, v6;
	v9 =	vadd.f32 v10, v9  }
0x299: {  	v62 =	vadd.f32 v60, v58;
	v61 =	vmul.f32 v54, v57;
	v32 =	vadd.f32 v38, v32  }
0x29a: {  	v10 =	vadd.f32 v12, v11;
	v11 =	vadd.f32 v17, v16  }
0x29b: {  	v4 =	vadd.f32 v5, v4;
	v63 =	vmul.f32 v59, v62;
	v7 =	vadd.f32 v61, v32  }
0x29c: {  	v0 =	vadd.f32 v2, v0;
	v1 =	vadd.f32 v19, v1  }
0x29d: {  	v3 =	vmul.f32 v3, v4;
	v4 =	vadd.f32 v10, v9;
	v47 =	vld [tilespmem:s12+$0xAAB0];
	v7 =	vadd.f32 v63, v7  }
0x29e: {  	v0 =	vadd.f32 v1, v0;
	v44 =	vsub.f32 v44, v46  }
0x29f: {  	v46 =	vld [tilespmem:s12+$0xAAF0];
	v39 =	vmul.f32 v39, v39;
	v4 =	vmul.f32 v8, v4;
	v3 =	vadd.f32 v3, v7  }
0x2a0: {  	v41 =	vmul.f32 v41, v41;
	v1 =	vadd.f32 v22, v21;
	v10 =	vadd.f32 v15, v14;
	v45 =	vld [tilespmem:s12+$0x2AF0]  }
0x2a1: {  	v6 =	vadd.f32 v39, v35;
	v3 =	vadd.f32 v4, v3;
	v4 =	vmul.f32 v34, v34  }
0x2a2: {  	v5 =	vmul.f32 v44, v44;
	v8 =	vadd.f32 v11, v10;
	v42 =	vsub.f32 v42, v47  }
0x2a3: {  	v10 =	vmul.f32 v30, v30;
	v2 =	vadd.f32 v4, v6;
	v6 =	vadd.f32 v24, v23  }
0x2a4: {  	v5 =	vadd.f32 v5, v33;
	v8 =	vmul.f32 v13, v8;
	v9 =	vmul.f32 v42, v42  }
0x2a5: {  	v45 =	vsub.f32 v45, v46;
	v1 =	vadd.f32 v6, v1;
	v6 =	vimm.s32 $0xF  }
0x2a6: {  	v12 =	vmul.f32 v36, v36;
	v37 =	vadd.f32 v41, v37;
	v9 =	vadd.f32 v9, v31  }
0x2a7: {  	v4 =	vadd.f32 v10, v5;
	v3 =	vadd.f32 v8, v3;
	v5 =	vmul.f32 v45, v45  }
0x2a8: {  	v0 =	vmul.f32 v18, v0;
	v8 =	vadd.f32 v27, v26;
	v10 =	vadd.f32 v29, v28  }
0x2a9: {  	v7 =	vadd.f32 v12, v37;
	v5 =	vadd.f32 v5, v9  }
0x2aa: {  	v0 =	vadd.f32 v0, v3;
	v3 =	vadd.f32 v10, v8;
	v6 =	vld.idx.msk [tilespmem:v6+s20+$0x0], $0xffff  }
0x2ab: {  	v2 =	vadd.f32 v2, v7;
	v1 =	vmul.f32 v20, v1;
	v4 =	vadd.f32 v5, v4;
	_ =	sdelay $0x1  }
0x2ac: {  	v0 =	vadd.f32 v1, v0;
	v1 =	vmul.f32 v25, v3;
	v2 =	vadd.f32 v4, v2  }
0x2ad: {  	v3 =	vld [tilespmem:$0x680]  }
0x2ae: {  	v0 =	vadd.f32 v1, v0;
	v1 =	vmul.f32 v6, v2;
	_ =	sdelay $0x1  }
0x2af: {  	p0 =	seq.s32 s25, $0xF;
	v0 =	vadd.f32 v1, v0  }
0x2b0: {  	s12 =	sadd.s32 @!p0 $0x20, s23  }
0x2b1: {  	s12 =	sadd.s32 @!p0 s6, s12;
	v0 =	vadd.f32 v0, v3  }
0x2b2: {  	s12 =	sshll.u32 @!p0 s12, $0x7  }
0x2b3: {  	s13 =	simm.s32 @!p0 $0x0;
	s14 =	simm.s32 @!p0 $0x700;
	s12 =	sadd.s32 @!p0 s1, s12;
	[tilespmem:$0x680] =	vst v0  }
0x2b4: {  	[tilespmem:s14], [sflag:$0x1] =	stream.linear.gather @!p0 [hbm4b:s12+s13], $0x4000, $0x38;
	[tilespmem:$0x10700] =	vst v63  }
0x2b5: {  	v0 =	vld @!p0 [tilespmem:s23+$0x20];
	_ =	sdelay $0x4  }
0x2b6: {  	v1 =	vshll.u32 @!p0 v0, $0x3  }
0x2b7: {  	v2 =	vlaneseq.u32 @!p0;
	v0 =	vand.u32 @!p0 $0x7, v0;
	v1 =	vand.u32 @!p0 $0xFFFFFFC0, v1  }
0x2b8: {  	v3 =	vshrl.u32 @!p0 v2, $0x3;
	v0 =	vor.u32 @!p0 v0, v1;
	v1 =	vand.u32 @!p0 $0x7, v2  }
0x2b9: {  	v3 =	vmul.u32 @!p0 $0x8, v3;
	v1 =	vperm.xlane @!p0 v0, v1;
	_ =	sdelay $0x1  }
0x2ba: {  	v1 =	vadd.s32 @!p0 v3, v1;
	_ =	sdelay $0x3  }
0x2bb: {  	vm1 =	vmmov @!p0 $0xffff;
	s12 =	simm.s32 @!p0 $0x8700  }
0x2bc: {  	v2 =	vor.u32 @!p0 $0x8, v2;
	[tilespmem:s12], [sflag:$0x3] =	stream.indirect_vreg.gather @!p0 [hbm4b:s2+s13], $0x80, v1, vm1, $0xb8;
	[tilespmem:$0x10700] =	vst v63  }
0x2bd: {  	v0 =	vperm.xlane @!p0 v0, v2;
	s12 =	simm.s32 @!p0 $0x8F00  }
0x2be: {  	[tilespmem:s12], [sflag:$0x3] =	stream.indirect_vreg.gather @!p0 [hbm4b:s9+s13], $0x80, v1, vm1, $0xb8;
	[tilespmem:$0x10700] =	vst v63  }
0x2bf: {  	v0 =	vadd.s32 @!p0 v3, v0;
	s12 =	simm.s32 @!p0 $0x9700  }
0x2c0: {  	[tilespmem:s12], [sflag:$0x3] =	stream.indirect_vreg.gather @!p0 [hbm4b:s10+s13], $0x80, v1, vm1, $0xb8;
	[tilespmem:$0x10700] =	vst v63  }
0x2c1: {  	s12 =	simm.s32 @!p0 $0x9F00  }
0x2c2: {  	[tilespmem:s12], [sflag:$0x3] =	stream.indirect_vreg.gather @!p0 [hbm4b:s11+s13], $0x80, v1, vm1, $0xb8;
	[tilespmem:$0x10700] =	vst v63  }
0x2c3: {  	s12 =	simm.s32 @!p0 $0xA700  }
0x2c4: {  	[tilespmem:s12], [sflag:$0x3] =	stream.indirect_vreg.gather @!p0 [hbm4b:s2+s13], $0x80, v0, vm1, $0xb8;
	[tilespmem:$0x10700] =	vst v63  }
0x2c5: {  	s12 =	simm.s32 @!p0 $0xAF00  }
0x2c6: {  	[tilespmem:s12], [sflag:$0x3] =	stream.indirect_vreg.gather @!p0 [hbm4b:s9+s13], $0x80, v0, vm1, $0xb8;
	[tilespmem:$0x10700] =	vst v63  }
0x2c7: {  	s12 =	simm.s32 @!p0 $0xB700  }
0x2c8: {  	[tilespmem:s12], [sflag:$0x3] =	stream.indirect_vreg.gather @!p0 [hbm4b:s10+s13], $0x80, v0, vm1, $0xb8;
	[tilespmem:$0x10700] =	vst v63  }
0x2c9: {  	s12 =	simm.s32 @!p0 $0xBF00  }
0x2ca: {  	[tilespmem:s12], [sflag:$0x3] =	stream.indirect_vreg.gather @!p0 [hbm4b:s11+s13], $0x80, v0, vm1, $0xb8;
	[tilespmem:$0x10700] =	vst v63  }
0x2cb: {  	_ =	swait.ge [sflag:s21], $0x4000  }
0x2cc: {  	[sflag:s21] =	ssyncset.done $0x0  }
0x2cd: {  	[sflag:s21] =	ssyncadd.s32 $0xFFFFC000  }
0x2ce: {  	_ =	swait.ge [sflag:s22], $0x4000  }
0x2cf: {  	[sflag:s22] =	ssyncset.done $0x0  }
0x2d0: {  	[sflag:s22] =	ssyncadd.s32 $0xFFFFC000  }
0x2d1: {  	v0 =	vld [tilespmem:s7+$0x10];
	_ =	sdelay $0x7  }
0x2d2: {  	v0 =	vld.idx.msk [tilespmem:v0+s16+$0x0], $0xffff;
	_ =	sdelay $0x4  }
0x2d3: {  	v0 =	vmul.f32 v0, v0;
	_ =	sdelay $0x1  }
0x2d4: {  	s7 =	simm.s32 $0x0;
	[tilespmem:$0x600] =	vst v0  }
0x2d5: {  	v0 =	vld [tilespmem:s7+$0x4740]  }
0x2d6: {  	v3 =	vld [tilespmem:s7+$0xC740]  }
0x2d7: {  	v4 =	vld [tilespmem:s7+$0x4750]  }
0x2d8: {  	v6 =	vld [tilespmem:s7+$0xC750]  }
0x2d9: {  	v2 =	vld [tilespmem:s7+$0x4760]  }
0x2da: {  	v7 =	vld [tilespmem:s7+$0xC760]  }
0x2db: {  	v12 =	vld [tilespmem:s7+$0x4700]  }
0x2dc: {  	v14 =	vld [tilespmem:s7+$0xC700]  }
0x2dd: {  	v13 =	vld [tilespmem:s7+$0x4710]  }
0x2de: {  	v15 =	vld [tilespmem:s7+$0xC710]  }
0x2df: {  	v16 =	vld [tilespmem:s7+$0x4720]  }
0x2e0: {  	v11 =	vimm.f32 $0.0e+00;
	v18 =	vld [tilespmem:s7+$0xC720]  }
0x2e1: {  	v8 =	vimm.f32 $0.0e+00;
	v9 =	vimm.f32 $0.0e+00;
	v10 =	vimm.f32 $0.0e+00;
	s12 =	simm.s32 $0x1000;
	v17 =	vld [tilespmem:s7+$0x4730]  }
.LBB2_35:
0x2e2: {  	p1 =	sne.s32 s12, $0x7000;
	v1 =	vld [tilespmem:s7+$0xC730]  }
0x2e3: {  	v5 =	vld [tilespmem:s7+$0x4770]  }
0x2e4: {  	v19 =	vsub.f32 v0, v3;
	v20 =	vld [tilespmem:s7+$0xC770];
	s7 =	sshra.s32 s12, $0x2  }
0x2e5: {  	v12 =	vsub.f32 v12, v14;
	v6 =	vsub.f32 v4, v6;
	v0 =	vld [tilespmem:s7+$0x4740]  }
0x2e6: {  	v13 =	vsub.f32 v13, v15;
	v14 =	vsub.f32 v16, v18;
	v3 =	vld [tilespmem:s7+$0xC740]  }
0x2e7: {  	v15 =	vmul.f32 v19, v19;
	v16 =	vmul.f32 v6, v6;
	v4 =	vld [tilespmem:s7+$0x4750];
	v1 =	vsub.f32 v17, v1  }
0x2e8: {  	v12 =	vmul.f32 v12, v12;
	v13 =	vmul.f32 v13, v13;
	v17 =	vsub.f32 v2, v7;
	v6 =	vld [tilespmem:s7+$0xC750]  }
0x2e9: {  	v14 =	vmul.f32 v14, v14;
	v2 =	vld [tilespmem:s7+$0x4760];
	v1 =	vmul.f32 v1, v1;
	v5 =	vsub.f32 v5, v20  }
0x2ea: {  	v8 =	vadd.f32 v12, v8;
	v11 =	vadd.f32 v13, v11;
	v17 =	vmul.f32 v17, v17;
	v7 =	vld [tilespmem:s7+$0xC760]  }
0x2eb: {  	v9 =	vadd.f32 v14, v9;
	v12 =	vld [tilespmem:s7+$0x4700];
	v1 =	vadd.f32 v1, v10;
	v5 =	vmul.f32 v5, v5  }
0x2ec: {  	v8 =	vadd.f32 v15, v8;
	v11 =	vadd.f32 v16, v11;
	v14 =	vld [tilespmem:s7+$0xC700]  }
.Ltmp18:
0x2ed: {  	v9 =	vadd.f32 v17, v9;
	v13 =	vld [tilespmem:s7+$0x4710];
	v10 =	vadd.f32 v5, v1;
	(pc) =	sbr.rel @p1 .LBB2_35-.Ltmp18, $4  }
0x2ee: {  	v15 =	vld [tilespmem:s7+$0xC710]  }
0x2ef: {  	v16 =	vld [tilespmem:s7+$0x4720]  }
0x2f0: {  	v18 =	vld [tilespmem:s7+$0xC720]  }
0x2f1: {  	s12 =	sadd.s32 $0x1000, s12;
	v17 =	vld [tilespmem:s7+$0x4730]  }
0x2f2: {  	v19 =	vld [tilespmem:s7+$0xC730]  }
0x2f3: {  	v20 =	vld [tilespmem:s7+$0x4770]  }
0x2f4: {  	v21 =	vld [tilespmem:s7+$0xC770]  }
0x2f5: {  	v1 =	vld.msk [tilespmem:s20+$0x0], $0xffff;
	s7 =	simm.s32 $0x0  }
0x2f6: {  	v22 =	vsub.f32 v0, v3;
	v5 =	vld [tilespmem:s7+$0xC7C0]  }
0x2f7: {  	v12 =	vsub.f32 v12, v14;
	v2 =	vsub.f32 v2, v7;
	v3 =	vld [tilespmem:s7+$0x47D0]  }
0x2f8: {  	v4 =	vsub.f32 v4, v6;
	v6 =	vld [tilespmem:s7+$0xC7D0];
	v14 =	vsub.f32 v16, v18  }
0x2f9: {  	v13 =	vsub.f32 v13, v15;
	v0 =	vld [tilespmem:s7+$0x47E0];
	v12 =	vmul.f32 v12, v12;
	v2 =	vmul.f32 v2, v2  }
0x2fa: {  	v18 =	vmul.f32 v4, v4;
	v4 =	vld [tilespmem:s7+$0xC7E0];
	v15 =	vsub.f32 v17, v19;
	v7 =	vmul.f32 v14, v14  }
0x2fb: {  	v16 =	vmul.f32 v13, v13;
	v13 =	vld [tilespmem:s7+$0x4780];
	v8 =	vadd.f32 v12, v8;
	v17 =	vmul.f32 v22, v22  }
0x2fc: {  	[tilespmem:$0x1FD80] =	vst v1;
	v1 =	vld [tilespmem:s7+$0x47C0];
	v20 =	vsub.f32 v20, v21;
	v19 =	vmul.f32 v15, v15;
	v7 =	vadd.f32 v7, v9  }
0x2fd: {  	v14 =	vld [tilespmem:s7+$0xC780];
	v11 =	vadd.f32 v16, v11;
	v8 =	vadd.f32 v17, v8  }
0x2fe: {  	v16 =	vld [tilespmem:s7+$0xC790];
	v9 =	vadd.f32 v19, v10;
	v10 =	vmul.f32 v20, v20;
	v2 =	vadd.f32 v2, v7  }
0x2ff: {  	v15 =	vld [tilespmem:s7+$0x4790];
	[tilespmem:$0x1FD90] =	vst v8;
	v8 =	vadd.f32 v18, v11  }
0x300: {  	v17 =	vld [tilespmem:s7+$0x47A0];
	[tilespmem:$0x1FDB0] =	vst v2;
	v2 =	vadd.f32 v10, v9  }
0x301: {  	v12 =	vimm.f32 $0.0e+00;
	v19 =	vld [tilespmem:s7+$0xC7A0];
	[tilespmem:$0x1FDA0] =	vst v8  }
0x302: {  	s12 =	simm.s32 $0x1000;
	v18 =	vld [tilespmem:s7+$0x47B0];
	v11 =	vimm.f32 $0.0e+00;
	v8 =	vimm.f32 $0.0e+00;
	v10 =	vimm.f32 $0.0e+00;
	[tilespmem:$0x1FDC0] =	vst v2  }
.LBB2_37:
0x303: {  	p1 =	sne.s32 s12, $0x7000;
	v2 =	vld [tilespmem:s7+$0xC7B0]  }
0x304: {  	v7 =	vld [tilespmem:s7+$0x47F0]  }
0x305: {  	v9 =	vsub.f32 v1, v5;
	v20 =	vld [tilespmem:s7+$0xC7F0];
	s7 =	sshra.s32 s12, $0x2  }
0x306: {  	v13 =	vsub.f32 v13, v14;
	v6 =	vsub.f32 v3, v6;
	v1 =	vld [tilespmem:s7+$0x47C0]  }
0x307: {  	v14 =	vsub.f32 v15, v16;
	v15 =	vsub.f32 v17, v19;
	v5 =	vld [tilespmem:s7+$0xC7C0]  }
0x308: {  	v9 =	vmul.f32 v9, v9;
	v16 =	vmul.f32 v6, v6;
	v3 =	vld [tilespmem:s7+$0x47D0];
	v2 =	vsub.f32 v18, v2  }
0x309: {  	v13 =	vmul.f32 v13, v13;
	v14 =	vmul.f32 v14, v14;
	v17 =	vsub.f32 v0, v4;
	v6 =	vld [tilespmem:s7+$0xC7D0]  }
0x30a: {  	v15 =	vmul.f32 v15, v15;
	v0 =	vld [tilespmem:s7+$0x47E0];
	v2 =	vmul.f32 v2, v2;
	v7 =	vsub.f32 v7, v20  }
0x30b: {  	v8 =	vadd.f32 v13, v8;
	v12 =	vadd.f32 v14, v12;
	v17 =	vmul.f32 v17, v17;
	v4 =	vld [tilespmem:s7+$0xC7E0]  }
0x30c: {  	v10 =	vadd.f32 v15, v10;
	v13 =	vld [tilespmem:s7+$0x4780];
	v2 =	vadd.f32 v2, v11;
	v7 =	vmul.f32 v7, v7  }
0x30d: {  	v8 =	vadd.f32 v9, v8;
	v12 =	vadd.f32 v16, v12;
	v14 =	vld [tilespmem:s7+$0xC780]  }
.Ltmp19:
0x30e: {  	v10 =	vadd.f32 v17, v10;
	v15 =	vld [tilespmem:s7+$0x4790];
	v11 =	vadd.f32 v7, v2;
	(pc) =	sbr.rel @p1 .LBB2_37-.Ltmp19, $4  }
0x30f: {  	v16 =	vld [tilespmem:s7+$0xC790]  }
0x310: {  	v17 =	vld [tilespmem:s7+$0x47A0]  }
0x311: {  	v19 =	vld [tilespmem:s7+$0xC7A0]  }
0x312: {  	s12 =	sadd.s32 $0x1000, s12;
	v18 =	vld [tilespmem:s7+$0x47B0]  }
0x313: {  	v20 =	vld [tilespmem:s7+$0xC7B0]  }
0x314: {  	v21 =	vld [tilespmem:s7+$0x47F0]  }
0x315: {  	v22 =	vld [tilespmem:s7+$0xC7F0];
	s7 =	simm.s32 $0x0  }
0x316: {  	v2 =	vimm.s32 $0x1;
	v23 =	vsub.f32 v1, v5;
	v7 =	vld [tilespmem:s7+$0xC840]  }
0x317: {  	v13 =	vsub.f32 v13, v14;
	v5 =	vld [tilespmem:s7+$0x4850];
	v14 =	vsub.f32 v15, v16  }
0x318: {  	v3 =	vsub.f32 v3, v6;
	v4 =	vsub.f32 v0, v4;
	v9 =	vld [tilespmem:s7+$0xC850]  }
0x319: {  	v1 =	vld [tilespmem:s7+$0x4860];
	v15 =	vsub.f32 v17, v19;
	v16 =	vsub.f32 v18, v20;
	v18 =	vmul.f32 v14, v14  }
0x31a: {  	v6 =	vld [tilespmem:s7+$0xC860];
	v3 =	vmul.f32 v3, v3;
	v13 =	vmul.f32 v13, v13  }
0x31b: {  	v4 =	vmul.f32 v4, v4;
	v2 =	vld.idx.msk [tilespmem:v2+s20+$0x0], $0xffff;
	v19 =	vmul.f32 v15, v15;
	v12 =	vadd.f32 v18, v12  }
0x31c: {  	v0 =	vld [tilespmem:s7+$0x4800];
	v17 =	vmul.f32 v23, v23;
	v8 =	vadd.f32 v13, v8;
	v20 =	vsub.f32 v21, v22  }
0x31d: {  	v14 =	vld [tilespmem:s7+$0xC800];
	v16 =	vmul.f32 v16, v16;
	v10 =	vadd.f32 v19, v10;
	v3 =	vadd.f32 v3, v12  }
0x31e: {  	v15 =	vld [tilespmem:s7+$0x4810];
	v51 =	vadd.f32 v17, v8  }
0x31f: {  	v17 =	vld [tilespmem:s7+$0x4820];
	v13 =	vmul.f32 v20, v20;
	v11 =	vadd.f32 v16, v11;
	[tilespmem:$0x1FD50] =	vst v3;
	v3 =	vadd.f32 v4, v10  }
0x320: {  	v19 =	vld [tilespmem:s7+$0xC820];
	[tilespmem:$0x1FD40] =	vst v2  }
0x321: {  	v2 =	vld [tilespmem:s7+$0x4840];
	[tilespmem:$0x1FD60] =	vst v3;
	v3 =	vadd.f32 v13, v11  }
0x322: {  	v18 =	vld [tilespmem:s7+$0x4830];
	v12 =	vimm.f32 $0.0e+00  }
0x323: {  	s12 =	simm.s32 $0x1000;
	v16 =	vld [tilespmem:s7+$0xC810];
	v10 =	vimm.f32 $0.0e+00;
	v13 =	vimm.f32 $0.0e+00;
	v11 =	vimm.f32 $0.0e+00;
	[tilespmem:$0x1FD70] =	vst v3  }
.LBB2_39:
0x324: {  	p1 =	sne.s32 s12, $0x7000;
	v3 =	vld [tilespmem:s7+$0xC830]  }
0x325: {  	v4 =	vld [tilespmem:s7+$0x4870]  }
0x326: {  	v8 =	vsub.f32 v2, v7;
	v20 =	vld [tilespmem:s7+$0xC870];
	s7 =	sshra.s32 s12, $0x2  }
0x327: {  	v0 =	vsub.f32 v0, v14;
	v9 =	vsub.f32 v5, v9;
	v2 =	vld [tilespmem:s7+$0x4840]  }
0x328: {  	v14 =	vsub.f32 v15, v16;
	v15 =	vsub.f32 v17, v19;
	v7 =	vld [tilespmem:s7+$0xC840]  }
0x329: {  	v8 =	vmul.f32 v8, v8;
	v16 =	vmul.f32 v9, v9;
	v5 =	vld [tilespmem:s7+$0x4850];
	v3 =	vsub.f32 v18, v3  }
0x32a: {  	v0 =	vmul.f32 v0, v0;
	v14 =	vmul.f32 v14, v14;
	v17 =	vsub.f32 v1, v6;
	v9 =	vld [tilespmem:s7+$0xC850]  }
0x32b: {  	v15 =	vmul.f32 v15, v15;
	v1 =	vld [tilespmem:s7+$0x4860];
	v3 =	vmul.f32 v3, v3;
	v4 =	vsub.f32 v4, v20  }
0x32c: {  	v10 =	vadd.f32 v0, v10;
	v13 =	vadd.f32 v14, v13;
	v17 =	vmul.f32 v17, v17;
	v6 =	vld [tilespmem:s7+$0xC860]  }
0x32d: {  	v11 =	vadd.f32 v15, v11;
	v0 =	vld [tilespmem:s7+$0x4800];
	v3 =	vadd.f32 v3, v12;
	v4 =	vmul.f32 v4, v4  }
0x32e: {  	v10 =	vadd.f32 v8, v10;
	v13 =	vadd.f32 v16, v13;
	v14 =	vld [tilespmem:s7+$0xC800]  }
.Ltmp20:
0x32f: {  	v11 =	vadd.f32 v17, v11;
	v15 =	vld [tilespmem:s7+$0x4810];
	v12 =	vadd.f32 v4, v3;
	(pc) =	sbr.rel @p1 .LBB2_39-.Ltmp20, $4  }
0x330: {  	v16 =	vld [tilespmem:s7+$0xC810]  }
0x331: {  	v17 =	vld [tilespmem:s7+$0x4820]  }
0x332: {  	v19 =	vld [tilespmem:s7+$0xC820]  }
0x333: {  	s12 =	sadd.s32 $0x1000, s12;
	v18 =	vld [tilespmem:s7+$0x4830]  }
0x334: {  	v20 =	vld [tilespmem:s7+$0xC830]  }
0x335: {  	v21 =	vld [tilespmem:s7+$0x4870]  }
0x336: {  	v22 =	vld [tilespmem:s7+$0xC870];
	s7 =	simm.s32 $0x0;
	v2 =	vsub.f32 v2, v7;
	v7 =	vsub.f32 v0, v14  }
0x337: {  	v3 =	vimm.s32 $0x2;
	v8 =	vld [tilespmem:s7+$0xC8C0]  }
0x338: {  	v4 =	vld [tilespmem:s7+$0x48D0];
	v14 =	vsub.f32 v15, v16;
	v7 =	vmul.f32 v7, v7  }
0x339: {  	v5 =	vsub.f32 v5, v9;
	v9 =	vld [tilespmem:s7+$0xC8D0];
	v2 =	vmul.f32 v2, v2;
	v15 =	vsub.f32 v17, v19  }
0x33a: {  	v0 =	vld [tilespmem:s7+$0x48E0];
	v7 =	vadd.f32 v7, v10;
	v16 =	vsub.f32 v18, v20;
	v18 =	vmul.f32 v14, v14  }
0x33b: {  	v6 =	vsub.f32 v1, v6;
	v1 =	vld [tilespmem:s7+$0x4880];
	v17 =	vmul.f32 v5, v5  }
0x33c: {  	v3 =	vld.idx.msk [tilespmem:v3+s20+$0x0], $0xffff;
	v19 =	vmul.f32 v15, v15;
	v2 =	vadd.f32 v2, v7;
	v10 =	vadd.f32 v18, v13  }
0x33d: {  	v6 =	vmul.f32 v6, v6;
	v5 =	vld [tilespmem:s7+$0xC8E0];
	v20 =	vsub.f32 v21, v22  }
0x33e: {  	v14 =	vld [tilespmem:s7+$0xC880];
	v16 =	vmul.f32 v16, v16;
	v11 =	vadd.f32 v19, v11;
	[tilespmem:$0x1FD00] =	vst v2;
	v2 =	vadd.f32 v17, v10  }
0x33f: {  	v15 =	vld [tilespmem:s7+$0x4890]  }
0x340: {  	v13 =	vmul.f32 v20, v20;
	v19 =	vld [tilespmem:s7+$0xC8A0];
	v12 =	vadd.f32 v16, v12;
	[tilespmem:$0x1FD10] =	vst v2;
	v2 =	vadd.f32 v6, v11  }
0x341: {  	v18 =	vld [tilespmem:s7+$0x48B0];
	[tilespmem:$0x1FCF0] =	vst v3  }
0x342: {  	v3 =	vld [tilespmem:s7+$0x48C0];
	[tilespmem:$0x1FD20] =	vst v2;
	v2 =	vadd.f32 v13, v12  }
0x343: {  	v16 =	vld [tilespmem:s7+$0xC890];
	v10 =	vimm.f32 $0.0e+00  }
0x344: {  	s12 =	simm.s32 $0x1000;
	v17 =	vld [tilespmem:s7+$0x48A0];
	v11 =	vimm.f32 $0.0e+00;
	v13 =	vimm.f32 $0.0e+00;
	v12 =	vimm.f32 $0.0e+00;
	[tilespmem:$0x1FD30] =	vst v2  }
.LBB2_41:
0x345: {  	p1 =	sne.s32 s12, $0x7000;
	v2 =	vld [tilespmem:s7+$0xC8B0]  }
0x346: {  	v6 =	vld [tilespmem:s7+$0x48F0]  }
0x347: {  	v7 =	vsub.f32 v3, v8;
	v20 =	vld [tilespmem:s7+$0xC8F0];
	s7 =	sshra.s32 s12, $0x2  }
0x348: {  	v1 =	vsub.f32 v1, v14;
	v9 =	vsub.f32 v4, v9;
	v3 =	vld [tilespmem:s7+$0x48C0]  }
0x349: {  	v14 =	vsub.f32 v15, v16;
	v15 =	vsub.f32 v17, v19;
	v8 =	vld [tilespmem:s7+$0xC8C0]  }
0x34a: {  	v7 =	vmul.f32 v7, v7;
	v16 =	vmul.f32 v9, v9;
	v4 =	vld [tilespmem:s7+$0x48D0];
	v2 =	vsub.f32 v18, v2  }
0x34b: {  	v1 =	vmul.f32 v1, v1;
	v14 =	vmul.f32 v14, v14;
	v17 =	vsub.f32 v0, v5;
	v9 =	vld [tilespmem:s7+$0xC8D0]  }
0x34c: {  	v15 =	vmul.f32 v15, v15;
	v0 =	vld [tilespmem:s7+$0x48E0];
	v2 =	vmul.f32 v2, v2;
	v6 =	vsub.f32 v6, v20  }
0x34d: {  	v10 =	vadd.f32 v1, v10;
	v13 =	vadd.f32 v14, v13;
	v17 =	vmul.f32 v17, v17;
	v5 =	vld [tilespmem:s7+$0xC8E0]  }
0x34e: {  	v11 =	vadd.f32 v15, v11;
	v1 =	vld [tilespmem:s7+$0x4880];
	v2 =	vadd.f32 v2, v12;
	v6 =	vmul.f32 v6, v6  }
0x34f: {  	v10 =	vadd.f32 v7, v10;
	v13 =	vadd.f32 v16, v13;
	v14 =	vld [tilespmem:s7+$0xC880]  }
.Ltmp21:
0x350: {  	v11 =	vadd.f32 v17, v11;
	v15 =	vld [tilespmem:s7+$0x4890];
	v12 =	vadd.f32 v6, v2;
	(pc) =	sbr.rel @p1 .LBB2_41-.Ltmp21, $4  }
0x351: {  	v16 =	vld [tilespmem:s7+$0xC890]  }
0x352: {  	v17 =	vld [tilespmem:s7+$0x48A0]  }
0x353: {  	v19 =	vld [tilespmem:s7+$0xC8A0]  }
0x354: {  	s12 =	sadd.s32 $0x1000, s12;
	v18 =	vld [tilespmem:s7+$0x48B0]  }
0x355: {  	v20 =	vld [tilespmem:s7+$0xC8B0]  }
0x356: {  	v21 =	vld [tilespmem:s7+$0x48F0]  }
0x357: {  	v22 =	vld [tilespmem:s7+$0xC8F0];
	s7 =	simm.s32 $0x0;
	v3 =	vsub.f32 v3, v8;
	v8 =	vsub.f32 v1, v14  }
0x358: {  	v2 =	vimm.s32 $0x3;
	v7 =	vld [tilespmem:s7+$0xC940]  }
0x359: {  	v6 =	vld [tilespmem:s7+$0x4950];
	v14 =	vsub.f32 v15, v16;
	v8 =	vmul.f32 v8, v8  }
0x35a: {  	v4 =	vsub.f32 v4, v9;
	v9 =	vld [tilespmem:s7+$0xC950];
	v3 =	vmul.f32 v3, v3;
	v15 =	vsub.f32 v17, v19  }
0x35b: {  	v1 =	vld [tilespmem:s7+$0x4960];
	v8 =	vadd.f32 v8, v10;
	v16 =	vsub.f32 v18, v20;
	v18 =	vmul.f32 v14, v14  }
0x35c: {  	v5 =	vsub.f32 v0, v5;
	v0 =	vld [tilespmem:s7+$0x4900];
	v17 =	vmul.f32 v4, v4  }
0x35d: {  	v2 =	vld.idx.msk [tilespmem:v2+s20+$0x0], $0xffff;
	v19 =	vmul.f32 v15, v15;
	v3 =	vadd.f32 v3, v8;
	v10 =	vadd.f32 v18, v13  }
0x35e: {  	v5 =	vmul.f32 v5, v5;
	v4 =	vld [tilespmem:s7+$0xC960];
	v20 =	vsub.f32 v21, v22  }
0x35f: {  	v14 =	vld [tilespmem:s7+$0xC900];
	v16 =	vmul.f32 v16, v16;
	v11 =	vadd.f32 v19, v11;
	[tilespmem:$0x1FCB0] =	vst v3;
	v3 =	vadd.f32 v17, v10  }
0x360: {  	v15 =	vld [tilespmem:s7+$0x4910]  }
0x361: {  	v13 =	vmul.f32 v20, v20;
	v19 =	vld [tilespmem:s7+$0xC920];
	v12 =	vadd.f32 v16, v12;
	[tilespmem:$0x1FCC0] =	vst v3;
	v3 =	vadd.f32 v5, v11  }
0x362: {  	v18 =	vld [tilespmem:s7+$0x4930];
	[tilespmem:$0x1FCA0] =	vst v2  }
0x363: {  	v2 =	vld [tilespmem:s7+$0x4940];
	[tilespmem:$0x1FCD0] =	vst v3;
	v3 =	vadd.f32 v13, v12  }
0x364: {  	v16 =	vld [tilespmem:s7+$0xC910];
	v10 =	vimm.f32 $0.0e+00  }
0x365: {  	s12 =	simm.s32 $0x1000;
	v17 =	vld [tilespmem:s7+$0x4920];
	v11 =	vimm.f32 $0.0e+00;
	v13 =	vimm.f32 $0.0e+00;
	v12 =	vimm.f32 $0.0e+00;
	[tilespmem:$0x1FCE0] =	vst v3  }
.LBB2_43:
0x366: {  	p1 =	sne.s32 s12, $0x7000;
	v3 =	vld [tilespmem:s7+$0xC930]  }
0x367: {  	v5 =	vld [tilespmem:s7+$0x4970]  }
0x368: {  	v8 =	vsub.f32 v2, v7;
	v20 =	vld [tilespmem:s7+$0xC970];
	s7 =	sshra.s32 s12, $0x2  }
0x369: {  	v0 =	vsub.f32 v0, v14;
	v9 =	vsub.f32 v6, v9;
	v2 =	vld [tilespmem:s7+$0x4940]  }
0x36a: {  	v14 =	vsub.f32 v15, v16;
	v15 =	vsub.f32 v17, v19;
	v7 =	vld [tilespmem:s7+$0xC940]  }
0x36b: {  	v8 =	vmul.f32 v8, v8;
	v16 =	vmul.f32 v9, v9;
	v6 =	vld [tilespmem:s7+$0x4950];
	v3 =	vsub.f32 v18, v3  }
0x36c: {  	v0 =	vmul.f32 v0, v0;
	v14 =	vmul.f32 v14, v14;
	v17 =	vsub.f32 v1, v4;
	v9 =	vld [tilespmem:s7+$0xC950]  }
0x36d: {  	v15 =	vmul.f32 v15, v15;
	v1 =	vld [tilespmem:s7+$0x4960];
	v3 =	vmul.f32 v3, v3;
	v5 =	vsub.f32 v5, v20  }
0x36e: {  	v10 =	vadd.f32 v0, v10;
	v13 =	vadd.f32 v14, v13;
	v17 =	vmul.f32 v17, v17;
	v4 =	vld [tilespmem:s7+$0xC960]  }
0x36f: {  	v11 =	vadd.f32 v15, v11;
	v0 =	vld [tilespmem:s7+$0x4900];
	v3 =	vadd.f32 v3, v12;
	v5 =	vmul.f32 v5, v5  }
0x370: {  	v10 =	vadd.f32 v8, v10;
	v13 =	vadd.f32 v16, v13;
	v14 =	vld [tilespmem:s7+$0xC900]  }
.Ltmp22:
0x371: {  	v11 =	vadd.f32 v17, v11;
	v15 =	vld [tilespmem:s7+$0x4910];
	v12 =	vadd.f32 v5, v3;
	(pc) =	sbr.rel @p1 .LBB2_43-.Ltmp22, $4  }
0x372: {  	v16 =	vld [tilespmem:s7+$0xC910]  }
0x373: {  	v17 =	vld [tilespmem:s7+$0x4920]  }
0x374: {  	v19 =	vld [tilespmem:s7+$0xC920]  }
0x375: {  	s12 =	sadd.s32 $0x1000, s12;
	v18 =	vld [tilespmem:s7+$0x4930]  }
0x376: {  	v20 =	vld [tilespmem:s7+$0xC930]  }
0x377: {  	v21 =	vld [tilespmem:s7+$0x4970]  }
0x378: {  	v22 =	vld [tilespmem:s7+$0xC970];
	s7 =	simm.s32 $0x0;
	v2 =	vsub.f32 v2, v7;
	v7 =	vsub.f32 v0, v14  }
0x379: {  	v3 =	vimm.s32 $0x4;
	v8 =	vld [tilespmem:s7+$0xC9C0]  }
0x37a: {  	v5 =	vld [tilespmem:s7+$0x49D0];
	v14 =	vsub.f32 v15, v16;
	v7 =	vmul.f32 v7, v7  }
0x37b: {  	v6 =	vsub.f32 v6, v9;
	v9 =	vld [tilespmem:s7+$0xC9D0];
	v2 =	vmul.f32 v2, v2;
	v15 =	vsub.f32 v17, v19  }
0x37c: {  	v0 =	vld [tilespmem:s7+$0x49E0];
	v7 =	vadd.f32 v7, v10;
	v16 =	vsub.f32 v18, v20;
	v18 =	vmul.f32 v14, v14  }
0x37d: {  	v4 =	vsub.f32 v1, v4;
	v1 =	vld [tilespmem:s7+$0x4980];
	v17 =	vmul.f32 v6, v6  }
0x37e: {  	v3 =	vld.idx.msk [tilespmem:v3+s20+$0x0], $0xffff;
	v19 =	vmul.f32 v15, v15;
	v2 =	vadd.f32 v2, v7;
	v10 =	vadd.f32 v18, v13  }
0x37f: {  	v4 =	vmul.f32 v4, v4;
	v6 =	vld [tilespmem:s7+$0xC9E0];
	v20 =	vsub.f32 v21, v22  }
0x380: {  	v14 =	vld [tilespmem:s7+$0xC980];
	v16 =	vmul.f32 v16, v16;
	v11 =	vadd.f32 v19, v11;
	[tilespmem:$0x1FC60] =	vst v2;
	v2 =	vadd.f32 v17, v10  }
0x381: {  	v15 =	vld [tilespmem:s7+$0x4990]  }
0x382: {  	v13 =	vmul.f32 v20, v20;
	v19 =	vld [tilespmem:s7+$0xC9A0];
	v12 =	vadd.f32 v16, v12;
	[tilespmem:$0x1FC70] =	vst v2;
	v2 =	vadd.f32 v4, v11  }
0x383: {  	v18 =	vld [tilespmem:s7+$0x49B0];
	[tilespmem:$0x1FC50] =	vst v3  }
0x384: {  	v3 =	vld [tilespmem:s7+$0x49C0];
	[tilespmem:$0x1FC80] =	vst v2;
	v2 =	vadd.f32 v13, v12  }
0x385: {  	v16 =	vld [tilespmem:s7+$0xC990];
	v10 =	vimm.f32 $0.0e+00  }
0x386: {  	s12 =	simm.s32 $0x1000;
	v17 =	vld [tilespmem:s7+$0x49A0];
	v11 =	vimm.f32 $0.0e+00;
	v13 =	vimm.f32 $0.0e+00;
	v12 =	vimm.f32 $0.0e+00;
	[tilespmem:$0x1FC90] =	vst v2  }
.LBB2_45:
0x387: {  	p1 =	sne.s32 s12, $0x7000;
	v2 =	vld [tilespmem:s7+$0xC9B0]  }
0x388: {  	v4 =	vld [tilespmem:s7+$0x49F0]  }
0x389: {  	v7 =	vsub.f32 v3, v8;
	v20 =	vld [tilespmem:s7+$0xC9F0];
	s7 =	sshra.s32 s12, $0x2  }
0x38a: {  	v1 =	vsub.f32 v1, v14;
	v9 =	vsub.f32 v5, v9;
	v3 =	vld [tilespmem:s7+$0x49C0]  }
0x38b: {  	v14 =	vsub.f32 v15, v16;
	v15 =	vsub.f32 v17, v19;
	v8 =	vld [tilespmem:s7+$0xC9C0]  }
0x38c: {  	v7 =	vmul.f32 v7, v7;
	v16 =	vmul.f32 v9, v9;
	v5 =	vld [tilespmem:s7+$0x49D0];
	v2 =	vsub.f32 v18, v2  }
0x38d: {  	v1 =	vmul.f32 v1, v1;
	v14 =	vmul.f32 v14, v14;
	v17 =	vsub.f32 v0, v6;
	v9 =	vld [tilespmem:s7+$0xC9D0]  }
0x38e: {  	v15 =	vmul.f32 v15, v15;
	v0 =	vld [tilespmem:s7+$0x49E0];
	v2 =	vmul.f32 v2, v2;
	v4 =	vsub.f32 v4, v20  }
0x38f: {  	v10 =	vadd.f32 v1, v10;
	v13 =	vadd.f32 v14, v13;
	v17 =	vmul.f32 v17, v17;
	v6 =	vld [tilespmem:s7+$0xC9E0]  }
0x390: {  	v11 =	vadd.f32 v15, v11;
	v1 =	vld [tilespmem:s7+$0x4980];
	v2 =	vadd.f32 v2, v12;
	v4 =	vmul.f32 v4, v4  }
0x391: {  	v10 =	vadd.f32 v7, v10;
	v13 =	vadd.f32 v16, v13;
	v14 =	vld [tilespmem:s7+$0xC980]  }
.Ltmp23:
0x392: {  	v11 =	vadd.f32 v17, v11;
	v15 =	vld [tilespmem:s7+$0x4990];
	v12 =	vadd.f32 v4, v2;
	(pc) =	sbr.rel @p1 .LBB2_45-.Ltmp23, $4  }
0x393: {  	v16 =	vld [tilespmem:s7+$0xC990]  }
0x394: {  	v17 =	vld [tilespmem:s7+$0x49A0]  }
0x395: {  	v19 =	vld [tilespmem:s7+$0xC9A0]  }
0x396: {  	s12 =	sadd.s32 $0x1000, s12;
	v18 =	vld [tilespmem:s7+$0x49B0]  }
0x397: {  	v20 =	vld [tilespmem:s7+$0xC9B0]  }
0x398: {  	v21 =	vld [tilespmem:s7+$0x49F0]  }
0x399: {  	v22 =	vld [tilespmem:s7+$0xC9F0];
	s7 =	simm.s32 $0x0;
	v3 =	vsub.f32 v3, v8;
	v8 =	vsub.f32 v1, v14  }
0x39a: {  	v2 =	vimm.s32 $0x5;
	v7 =	vld [tilespmem:s7+$0xCA40]  }
0x39b: {  	v4 =	vld [tilespmem:s7+$0x4A50];
	v14 =	vsub.f32 v15, v16;
	v8 =	vmul.f32 v8, v8  }
0x39c: {  	v5 =	vsub.f32 v5, v9;
	v9 =	vld [tilespmem:s7+$0xCA50];
	v3 =	vmul.f32 v3, v3;
	v15 =	vsub.f32 v17, v19  }
0x39d: {  	v1 =	vld [tilespmem:s7+$0x4A60];
	v8 =	vadd.f32 v8, v10;
	v16 =	vsub.f32 v18, v20;
	v18 =	vmul.f32 v14, v14  }
0x39e: {  	v6 =	vsub.f32 v0, v6;
	v0 =	vld [tilespmem:s7+$0x4A00];
	v17 =	vmul.f32 v5, v5  }
0x39f: {  	v2 =	vld.idx.msk [tilespmem:v2+s20+$0x0], $0xffff;
	v19 =	vmul.f32 v15, v15;
	v3 =	vadd.f32 v3, v8;
	v10 =	vadd.f32 v18, v13  }
0x3a0: {  	v6 =	vmul.f32 v6, v6;
	v5 =	vld [tilespmem:s7+$0xCA60];
	v20 =	vsub.f32 v21, v22  }
0x3a1: {  	v14 =	vld [tilespmem:s7+$0xCA00];
	v16 =	vmul.f32 v16, v16;
	v11 =	vadd.f32 v19, v11;
	[tilespmem:$0x1FC10] =	vst v3;
	v3 =	vadd.f32 v17, v10  }
0x3a2: {  	v15 =	vld [tilespmem:s7+$0x4A10]  }
0x3a3: {  	v13 =	vmul.f32 v20, v20;
	v19 =	vld [tilespmem:s7+$0xCA20];
	v12 =	vadd.f32 v16, v12;
	[tilespmem:$0x1FC20] =	vst v3;
	v3 =	vadd.f32 v6, v11  }
0x3a4: {  	v18 =	vld [tilespmem:s7+$0x4A30];
	[tilespmem:$0x1FC00] =	vst v2  }
0x3a5: {  	v2 =	vld [tilespmem:s7+$0x4A40];
	[tilespmem:$0x1FC30] =	vst v3;
	v3 =	vadd.f32 v13, v12  }
0x3a6: {  	v16 =	vld [tilespmem:s7+$0xCA10];
	v10 =	vimm.f32 $0.0e+00  }
0x3a7: {  	s12 =	simm.s32 $0x1000;
	v17 =	vld [tilespmem:s7+$0x4A20];
	v11 =	vimm.f32 $0.0e+00;
	v13 =	vimm.f32 $0.0e+00;
	v12 =	vimm.f32 $0.0e+00;
	[tilespmem:$0x1FC40] =	vst v3  }
.LBB2_47:
0x3a8: {  	p1 =	sne.s32 s12, $0x7000;
	v3 =	vld [tilespmem:s7+$0xCA30]  }
0x3a9: {  	v6 =	vld [tilespmem:s7+$0x4A70]  }
0x3aa: {  	v8 =	vsub.f32 v2, v7;
	v20 =	vld [tilespmem:s7+$0xCA70];
	s7 =	sshra.s32 s12, $0x2  }
0x3ab: {  	v0 =	vsub.f32 v0, v14;
	v9 =	vsub.f32 v4, v9;
	v2 =	vld [tilespmem:s7+$0x4A40]  }
0x3ac: {  	v14 =	vsub.f32 v15, v16;
	v15 =	vsub.f32 v17, v19;
	v7 =	vld [tilespmem:s7+$0xCA40]  }
0x3ad: {  	v8 =	vmul.f32 v8, v8;
	v16 =	vmul.f32 v9, v9;
	v4 =	vld [tilespmem:s7+$0x4A50];
	v3 =	vsub.f32 v18, v3  }
0x3ae: {  	v0 =	vmul.f32 v0, v0;
	v14 =	vmul.f32 v14, v14;
	v17 =	vsub.f32 v1, v5;
	v9 =	vld [tilespmem:s7+$0xCA50]  }
0x3af: {  	v15 =	vmul.f32 v15, v15;
	v1 =	vld [tilespmem:s7+$0x4A60];
	v3 =	vmul.f32 v3, v3;
	v6 =	vsub.f32 v6, v20  }
0x3b0: {  	v10 =	vadd.f32 v0, v10;
	v13 =	vadd.f32 v14, v13;
	v17 =	vmul.f32 v17, v17;
	v5 =	vld [tilespmem:s7+$0xCA60]  }
0x3b1: {  	v11 =	vadd.f32 v15, v11;
	v0 =	vld [tilespmem:s7+$0x4A00];
	v3 =	vadd.f32 v3, v12;
	v6 =	vmul.f32 v6, v6  }
0x3b2: {  	v10 =	vadd.f32 v8, v10;
	v13 =	vadd.f32 v16, v13;
	v14 =	vld [tilespmem:s7+$0xCA00]  }
.Ltmp24:
0x3b3: {  	v11 =	vadd.f32 v17, v11;
	v15 =	vld [tilespmem:s7+$0x4A10];
	v12 =	vadd.f32 v6, v3;
	(pc) =	sbr.rel @p1 .LBB2_47-.Ltmp24, $4  }
0x3b4: {  	v16 =	vld [tilespmem:s7+$0xCA10]  }
0x3b5: {  	v17 =	vld [tilespmem:s7+$0x4A20]  }
0x3b6: {  	v19 =	vld [tilespmem:s7+$0xCA20]  }
0x3b7: {  	s12 =	sadd.s32 $0x1000, s12;
	v18 =	vld [tilespmem:s7+$0x4A30]  }
0x3b8: {  	v20 =	vld [tilespmem:s7+$0xCA30]  }
0x3b9: {  	v21 =	vld [tilespmem:s7+$0x4A70]  }
0x3ba: {  	v22 =	vld [tilespmem:s7+$0xCA70];
	s7 =	simm.s32 $0x0  }
0x3bb: {  	v3 =	vimm.s32 $0x6;
	v8 =	vld [tilespmem:s7+$0xCAC0]  }
0x3bc: {  	v2 =	vsub.f32 v2, v7;
	v7 =	vsub.f32 v0, v14;
	v6 =	vld [tilespmem:s7+$0x4AD0]  }
0x3bd: {  	v4 =	vsub.f32 v4, v9;
	v9 =	vld [tilespmem:s7+$0xCAD0]  }
0x3be: {  	v0 =	vld [tilespmem:s7+$0x4AE0];
	v7 =	vmul.f32 v7, v7  }
0x3bf: {  	v14 =	vsub.f32 v15, v16;
	v15 =	vsub.f32 v17, v19;
	v17 =	vmul.f32 v4, v4;
	v4 =	vld [tilespmem:s7+$0xCAE0]  }
0x3c0: {  	v2 =	vmul.f32 v2, v2;
	v7 =	vadd.f32 v7, v10;
	v3 =	vld.idx.msk [tilespmem:v3+s20+$0x0], $0xffff  }
0x3c1: {  	v14 =	vmul.f32 v14, v14;
	v16 =	vsub.f32 v18, v20;
	v18 =	vsub.f32 v1, v5;
	v1 =	vld [tilespmem:s7+$0x4A80]  }
0x3c2: {  	v15 =	vmul.f32 v15, v15;
	v5 =	vld [tilespmem:s7+$0xCA80]  }
0x3c3: {  	v10 =	vadd.f32 v14, v13;
	v14 =	vld [tilespmem:s7+$0x4A90];
	v2 =	vadd.f32 v2, v7  }
0x3c4: {  	v19 =	vsub.f32 v21, v22;
	v16 =	vmul.f32 v16, v16;
	v11 =	vadd.f32 v15, v11;
	v15 =	vld [tilespmem:s7+$0xCA90]  }
0x3c5: {  	v13 =	vmul.f32 v18, v18;
	[tilespmem:$0x1FBE0] =	vst v2;
	v2 =	vadd.f32 v17, v10;
	v17 =	vld [tilespmem:s7+$0x4AB0]  }
0x3c6: {  	v18 =	vmul.f32 v19, v19;
	v12 =	vadd.f32 v16, v12;
	[tilespmem:$0x1FBD0] =	vst v3;
	v3 =	vld [tilespmem:s7+$0x4AC0]  }
0x3c7: {  	v10 =	vimm.f32 $0.0e+00;
	v16 =	vld [tilespmem:s7+$0x4AA0];
	v52 =	vadd.f32 v13, v11;
	v13 =	vimm.f32 $0.0e+00  }
0x3c8: {  	s12 =	simm.s32 $0x1000;
	v11 =	vimm.f32 $0.0e+00;
	[tilespmem:$0x1FBF0] =	vst v2;
	v53 =	vadd.f32 v18, v12;
	v18 =	vld [tilespmem:s7+$0xCAA0];
	v12 =	vimm.f32 $0.0e+00  }
.LBB2_49:
0x3c9: {  	p1 =	sne.s32 s12, $0x7000;
	v2 =	vld [tilespmem:s7+$0xCAB0]  }
0x3ca: {  	v7 =	vld [tilespmem:s7+$0x4AF0]  }
0x3cb: {  	v19 =	vsub.f32 v3, v8;
	v20 =	vld [tilespmem:s7+$0xCAF0];
	s7 =	sshra.s32 s12, $0x2  }
0x3cc: {  	v1 =	vsub.f32 v1, v5;
	v5 =	vsub.f32 v6, v9;
	v3 =	vld [tilespmem:s7+$0x4AC0]  }
0x3cd: {  	v14 =	vsub.f32 v14, v15;
	v15 =	vsub.f32 v16, v18;
	v8 =	vld [tilespmem:s7+$0xCAC0]  }
0x3ce: {  	v16 =	vmul.f32 v19, v19;
	v6 =	vld [tilespmem:s7+$0x4AD0];
	v2 =	vsub.f32 v17, v2;
	v17 =	vmul.f32 v5, v5  }
0x3cf: {  	v1 =	vmul.f32 v1, v1;
	v5 =	vmul.f32 v14, v14;
	v14 =	vsub.f32 v0, v4;
	v9 =	vld [tilespmem:s7+$0xCAD0]  }
0x3d0: {  	v15 =	vmul.f32 v15, v15;
	v0 =	vld [tilespmem:s7+$0x4AE0];
	v2 =	vmul.f32 v2, v2;
	v7 =	vsub.f32 v7, v20  }
0x3d1: {  	v10 =	vadd.f32 v1, v10;
	v13 =	vadd.f32 v5, v13;
	v18 =	vmul.f32 v14, v14;
	v4 =	vld [tilespmem:s7+$0xCAE0]  }
0x3d2: {  	v11 =	vadd.f32 v15, v11;
	v1 =	vld [tilespmem:s7+$0x4A80];
	v2 =	vadd.f32 v2, v12;
	v7 =	vmul.f32 v7, v7  }
0x3d3: {  	v10 =	vadd.f32 v16, v10;
	v13 =	vadd.f32 v17, v13;
	v5 =	vld [tilespmem:s7+$0xCA80]  }
.Ltmp25:
0x3d4: {  	v11 =	vadd.f32 v18, v11;
	v14 =	vld [tilespmem:s7+$0x4A90];
	v12 =	vadd.f32 v7, v2;
	(pc) =	sbr.rel @p1 .LBB2_49-.Ltmp25, $4  }
0x3d5: {  	v15 =	vld [tilespmem:s7+$0xCA90]  }
0x3d6: {  	v16 =	vld [tilespmem:s7+$0x4AA0]  }
0x3d7: {  	v18 =	vld [tilespmem:s7+$0xCAA0]  }
0x3d8: {  	s12 =	sadd.s32 $0x1000, s12;
	v17 =	vld [tilespmem:s7+$0x4AB0]  }
0x3d9: {  	v19 =	vld [tilespmem:s7+$0xCAB0]  }
0x3da: {  	v20 =	vld [tilespmem:s7+$0x4AF0]  }
0x3db: {  	v21 =	vld [tilespmem:s7+$0xCAF0];
	s7 =	simm.s32 $0x0  }
0x3dc: {  	v7 =	vld [tilespmem:s7+$0xE740]  }
0x3dd: {  	v2 =	vimm.s32 $0x7;
	v8 =	vsub.f32 v3, v8;
	v3 =	vld [tilespmem:s7+$0x6750]  }
0x3de: {  	v22 =	vsub.f32 v1, v5;
	v5 =	vsub.f32 v6, v9;
	v9 =	vld [tilespmem:s7+$0xE750]  }
0x3df: {  	v1 =	vld [tilespmem:s7+$0x6760]  }
0x3e0: {  	v4 =	vsub.f32 v0, v4;
	v0 =	vld [tilespmem:s7+$0x6700]  }
0x3e1: {  	v6 =	vsub.f32 v14, v15;
	v14 =	vsub.f32 v16, v18;
	v18 =	vmul.f32 v5, v5;
	v5 =	vld [tilespmem:s7+$0xE760]  }
0x3e2: {  	v16 =	vmul.f32 v22, v22;
	v54 =	vld.idx.msk [tilespmem:v2+s20+$0x0], $0xffff  }
0x3e3: {  	v6 =	vmul.f32 v6, v6;
	v2 =	vld [tilespmem:s7+$0x6740];
	v15 =	vsub.f32 v17, v19  }
0x3e4: {  	v8 =	vmul.f32 v8, v8;
	v14 =	vmul.f32 v14, v14;
	v10 =	vadd.f32 v16, v10;
	v16 =	vld [tilespmem:s7+$0x6710]  }
0x3e5: {  	v19 =	vsub.f32 v20, v21;
	v6 =	vadd.f32 v6, v13;
	v20 =	vld [tilespmem:s7+$0xE720];
	v17 =	vmul.f32 v15, v15  }
0x3e6: {  	v4 =	vmul.f32 v4, v4;
	v15 =	vld [tilespmem:s7+$0xE700];
	v11 =	vadd.f32 v14, v11;
	v55 =	vadd.f32 v8, v10  }
0x3e7: {  	v13 =	vmul.f32 v19, v19;
	v56 =	vadd.f32 v18, v6;
	v18 =	vld [tilespmem:s7+$0x6720];
	v12 =	vadd.f32 v17, v12  }
0x3e8: {  	v19 =	vld [tilespmem:s7+$0x6730];
	v14 =	vimm.f32 $0.0e+00;
	v57 =	vadd.f32 v4, v11;
	v11 =	vimm.f32 $0.0e+00  }
0x3e9: {  	s12 =	simm.s32 $0x1000;
	v17 =	vld [tilespmem:s7+$0xE710];
	v58 =	vadd.f32 v13, v12;
	v12 =	vimm.f32 $0.0e+00;
	v13 =	vimm.f32 $0.0e+00  }
.LBB2_51:
0x3ea: {  	p1 =	sne.s32 s12, $0x7000;
	v4 =	vld [tilespmem:s7+$0xE730]  }
0x3eb: {  	v6 =	vld [tilespmem:s7+$0x6770]  }
0x3ec: {  	v8 =	vsub.f32 v2, v7;
	v10 =	vld [tilespmem:s7+$0xE770];
	s7 =	sshra.s32 s12, $0x2  }
0x3ed: {  	v0 =	vsub.f32 v0, v15;
	v9 =	vsub.f32 v3, v9;
	v2 =	vld [tilespmem:s7+$0x6740]  }
0x3ee: {  	v15 =	vsub.f32 v16, v17;
	v16 =	vsub.f32 v18, v20;
	v7 =	vld [tilespmem:s7+$0xE740]  }
0x3ef: {  	v8 =	vmul.f32 v8, v8;
	v17 =	vmul.f32 v9, v9;
	v3 =	vld [tilespmem:s7+$0x6750];
	v4 =	vsub.f32 v19, v4  }
0x3f0: {  	v0 =	vmul.f32 v0, v0;
	v15 =	vmul.f32 v15, v15;
	v18 =	vsub.f32 v1, v5;
	v9 =	vld [tilespmem:s7+$0xE750]  }
0x3f1: {  	v16 =	vmul.f32 v16, v16;
	v1 =	vld [tilespmem:s7+$0x6760];
	v4 =	vmul.f32 v4, v4;
	v6 =	vsub.f32 v6, v10  }
0x3f2: {  	v14 =	vadd.f32 v15, v14;
	v18 =	vmul.f32 v18, v18;
	v10 =	vadd.f32 v0, v11;
	v5 =	vld [tilespmem:s7+$0xE760]  }
0x3f3: {  	v12 =	vadd.f32 v16, v12;
	v0 =	vld [tilespmem:s7+$0x6700];
	v4 =	vadd.f32 v4, v13;
	v6 =	vmul.f32 v6, v6  }
0x3f4: {  	v14 =	vadd.f32 v17, v14;
	v11 =	vadd.f32 v8, v10;
	v15 =	vld [tilespmem:s7+$0xE700]  }
.Ltmp26:
0x3f5: {  	v12 =	vadd.f32 v18, v12;
	v16 =	vld [tilespmem:s7+$0x6710];
	v13 =	vadd.f32 v6, v4;
	(pc) =	sbr.rel @p1 .LBB2_51-.Ltmp26, $4  }
0x3f6: {  	v17 =	vld [tilespmem:s7+$0xE710]  }
0x3f7: {  	v18 =	vld [tilespmem:s7+$0x6720]  }
0x3f8: {  	v20 =	vld [tilespmem:s7+$0xE720]  }
0x3f9: {  	s12 =	sadd.s32 $0x1000, s12;
	v19 =	vld [tilespmem:s7+$0x6730]  }
0x3fa: {  	v21 =	vld [tilespmem:s7+$0xE730]  }
0x3fb: {  	v22 =	vld [tilespmem:s7+$0x6770]  }
0x3fc: {  	v23 =	vld [tilespmem:s7+$0xE770];
	s7 =	simm.s32 $0x0  }
0x3fd: {  	v8 =	vld [tilespmem:s7+$0xE7C0]  }
0x3fe: {  	v4 =	vimm.s32 $0x8;
	v6 =	vld [tilespmem:s7+$0x67D0]  }
0x3ff: {  	v10 =	vld [tilespmem:s7+$0xE7D0]  }
0x400: {  	v15 =	vsub.f32 v0, v15;
	v0 =	vld [tilespmem:s7+$0x67E0]  }
0x401: {  	v2 =	vsub.f32 v2, v7;
	v3 =	vsub.f32 v3, v9;
	v7 =	vld [tilespmem:s7+$0xE7E0]  }
0x402: {  	v5 =	vsub.f32 v1, v5;
	v9 =	vsub.f32 v16, v17;
	v1 =	vld [tilespmem:s7+$0x6780]  }
0x403: {  	v2 =	vmul.f32 v2, v2;
	v3 =	vmul.f32 v3, v3;
	v16 =	vsub.f32 v18, v20;
	v59 =	vld.idx.msk [tilespmem:v4+s20+$0x0], $0xffff  }
0x404: {  	v15 =	vmul.f32 v15, v15;
	v5 =	vmul.f32 v5, v5;
	v4 =	vld [tilespmem:s7+$0x67C0];
	v17 =	vsub.f32 v19, v21  }
0x405: {  	v9 =	vmul.f32 v9, v9;
	v18 =	vmul.f32 v16, v16;
	v16 =	vld [tilespmem:s7+$0xE780]  }
0x406: {  	v11 =	vadd.f32 v15, v11;
	v20 =	vsub.f32 v22, v23;
	v21 =	vld [tilespmem:s7+$0xE7A0];
	v19 =	vmul.f32 v17, v17  }
0x407: {  	v15 =	vimm.f32 $0.0e+00;
	v9 =	vadd.f32 v9, v14;
	v17 =	vld [tilespmem:s7+$0x6790];
	v12 =	vadd.f32 v18, v12  }
0x408: {  	v60 =	vadd.f32 v2, v11;
	v14 =	vmul.f32 v20, v20;
	v18 =	vld [tilespmem:s7+$0xE790];
	v13 =	vadd.f32 v19, v13  }
0x409: {  	v61 =	vadd.f32 v3, v9;
	v20 =	vld [tilespmem:s7+$0x67B0];
	v62 =	vadd.f32 v5, v12;
	v5 =	vimm.f32 $0.0e+00  }
0x40a: {  	s12 =	simm.s32 $0x1000;
	v19 =	vld [tilespmem:s7+$0x67A0];
	v63 =	vadd.f32 v14, v13;
	v13 =	vimm.f32 $0.0e+00;
	v14 =	vimm.f32 $0.0e+00  }
.LBB2_53:
0x40b: {  	p1 =	sne.s32 s12, $0x7000;
	v2 =	vld [tilespmem:s7+$0xE7B0]  }
0x40c: {  	v3 =	vld [tilespmem:s7+$0x67F0]  }
0x40d: {  	v9 =	vsub.f32 v4, v8;
	v11 =	vld [tilespmem:s7+$0xE7F0];
	s7 =	sshra.s32 s12, $0x2  }
0x40e: {  	v1 =	vsub.f32 v1, v16;
	v10 =	vsub.f32 v6, v10;
	v4 =	vld [tilespmem:s7+$0x67C0]  }
0x40f: {  	v12 =	vsub.f32 v17, v18;
	v16 =	vsub.f32 v19, v21;
	v8 =	vld [tilespmem:s7+$0xE7C0]  }
0x410: {  	v9 =	vmul.f32 v9, v9;
	v17 =	vmul.f32 v10, v10;
	v6 =	vld [tilespmem:s7+$0x67D0];
	v2 =	vsub.f32 v20, v2  }
0x411: {  	v18 =	vsub.f32 v0, v7;
	v1 =	vmul.f32 v1, v1;
	v12 =	vmul.f32 v12, v12;
	v10 =	vld [tilespmem:s7+$0xE7D0]  }
0x412: {  	v16 =	vmul.f32 v16, v16;
	v0 =	vld [tilespmem:s7+$0x67E0];
	v2 =	vmul.f32 v2, v2;
	v3 =	vsub.f32 v3, v11  }
0x413: {  	v5 =	vadd.f32 v1, v5;
	v11 =	vadd.f32 v12, v15;
	v12 =	vmul.f32 v18, v18;
	v7 =	vld [tilespmem:s7+$0xE7E0]  }
0x414: {  	v13 =	vadd.f32 v16, v13;
	v1 =	vld [tilespmem:s7+$0x6780];
	v2 =	vadd.f32 v2, v14;
	v3 =	vmul.f32 v3, v3  }
0x415: {  	v5 =	vadd.f32 v9, v5;
	v15 =	vadd.f32 v17, v11;
	v16 =	vld [tilespmem:s7+$0xE780]  }
.Ltmp27:
0x416: {  	v13 =	vadd.f32 v12, v13;
	v17 =	vld [tilespmem:s7+$0x6790];
	v14 =	vadd.f32 v3, v2;
	(pc) =	sbr.rel @p1 .LBB2_53-.Ltmp27, $4  }
0x417: {  	v18 =	vld [tilespmem:s7+$0xE790]  }
0x418: {  	v19 =	vld [tilespmem:s7+$0x67A0]  }
0x419: {  	v21 =	vld [tilespmem:s7+$0xE7A0]  }
0x41a: {  	s12 =	sadd.s32 $0x1000, s12;
	v20 =	vld [tilespmem:s7+$0x67B0]  }
0x41b: {  	v22 =	vld [tilespmem:s7+$0xE7B0]  }
0x41c: {  	v23 =	vld [tilespmem:s7+$0x67F0]  }
0x41d: {  	v24 =	vld [tilespmem:s7+$0xE7F0];
	s7 =	simm.s32 $0x0  }
0x41e: {  	v11 =	vld [tilespmem:s7+$0xE840]  }
0x41f: {  	v9 =	vld [tilespmem:s7+$0x6850]  }
0x420: {  	v12 =	vld [tilespmem:s7+$0xE850]  }
0x421: {  	v4 =	vsub.f32 v4, v8;
	v8 =	vsub.f32 v1, v16;
	v1 =	vld [tilespmem:s7+$0x6860]  }
0x422: {  	v2 =	vimm.s32 $0x9;
	v6 =	vsub.f32 v6, v10;
	v10 =	vld [tilespmem:s7+$0xE860]  }
0x423: {  	v7 =	vsub.f32 v0, v7;
	v0 =	vld [tilespmem:s7+$0x6800]  }
0x424: {  	v16 =	vsub.f32 v17, v18;
	v26 =	vld [tilespmem:s7+$0xE820];
	v4 =	vmul.f32 v4, v4;
	v6 =	vmul.f32 v6, v6  }
0x425: {  	v25 =	vld [tilespmem:s7+$0x6830];
	v8 =	vmul.f32 v8, v8;
	v17 =	vsub.f32 v19, v21;
	v18 =	vsub.f32 v20, v22  }
0x426: {  	v7 =	vmul.f32 v7, v7;
	v19 =	vmul.f32 v16, v16;
	v16 =	vld [tilespmem:s7+$0xE800];
	v21 =	vimm.f32 $0.0e+00  }
0x427: {  	v3 =	vld.idx.msk [tilespmem:v2+s20+$0x0], $0xffff;
	v17 =	vmul.f32 v17, v17;
	v20 =	vsub.f32 v23, v24;
	v18 =	vmul.f32 v18, v18  }
0x428: {  	v5 =	vadd.f32 v8, v5;
	v2 =	vld [tilespmem:s7+$0x6840];
	v8 =	vadd.f32 v19, v15;
	v19 =	vimm.f32 $0.0e+00  }
0x429: {  	v22 =	vld [tilespmem:s7+$0x6810];
	v13 =	vadd.f32 v17, v13;
	v15 =	vmul.f32 v20, v20;
	v14 =	vadd.f32 v18, v14  }
0x42a: {  	v23 =	vld [tilespmem:s7+$0xE810];
	v4 =	vadd.f32 v4, v5;
	v5 =	vadd.f32 v6, v8;
	v20 =	vimm.f32 $0.0e+00  }
0x42b: {  	s12 =	simm.s32 $0x1000;
	v24 =	vld [tilespmem:s7+$0x6820];
	v6 =	vadd.f32 v7, v13;
	v13 =	vimm.f32 $0.0e+00;
	v7 =	vadd.f32 v15, v14  }
.LBB2_55:
0x42c: {  	p1 =	sne.s32 s12, $0x7000;
	v8 =	vld [tilespmem:s7+$0xE830]  }
0x42d: {  	v14 =	vld [tilespmem:s7+$0x6870]  }
0x42e: {  	v15 =	vsub.f32 v2, v11;
	v17 =	vld [tilespmem:s7+$0xE870];
	s7 =	sshra.s32 s12, $0x2  }
0x42f: {  	v0 =	vsub.f32 v0, v16;
	v12 =	vsub.f32 v9, v12;
	v2 =	vld [tilespmem:s7+$0x6840]  }
0x430: {  	v16 =	vsub.f32 v22, v23;
	v18 =	vsub.f32 v24, v26;
	v11 =	vld [tilespmem:s7+$0xE840]  }
0x431: {  	v15 =	vmul.f32 v15, v15;
	v22 =	vmul.f32 v12, v12;
	v9 =	vld [tilespmem:s7+$0x6850];
	v8 =	vsub.f32 v25, v8  }
0x432: {  	v23 =	vsub.f32 v1, v10;
	v0 =	vmul.f32 v0, v0;
	v16 =	vmul.f32 v16, v16;
	v12 =	vld [tilespmem:s7+$0xE850]  }
0x433: {  	v18 =	vmul.f32 v18, v18;
	v1 =	vld [tilespmem:s7+$0x6860];
	v8 =	vmul.f32 v8, v8;
	v14 =	vsub.f32 v14, v17  }
0x434: {  	v23 =	vmul.f32 v23, v23;
	v13 =	vadd.f32 v0, v13;
	v17 =	vadd.f32 v16, v21;
	v10 =	vld [tilespmem:s7+$0xE860]  }
0x435: {  	v18 =	vadd.f32 v18, v19;
	v0 =	vld [tilespmem:s7+$0x6800];
	v8 =	vadd.f32 v8, v20;
	v14 =	vmul.f32 v14, v14  }
0x436: {  	v13 =	vadd.f32 v15, v13;
	v21 =	vadd.f32 v22, v17;
	v16 =	vld [tilespmem:s7+$0xE800]  }
.Ltmp28:
0x437: {  	v19 =	vadd.f32 v23, v18;
	v22 =	vld [tilespmem:s7+$0x6810];
	v20 =	vadd.f32 v14, v8;
	(pc) =	sbr.rel @p1 .LBB2_55-.Ltmp28, $4  }
0x438: {  	v23 =	vld [tilespmem:s7+$0xE810]  }
0x439: {  	v24 =	vld [tilespmem:s7+$0x6820]  }
0x43a: {  	v26 =	vld [tilespmem:s7+$0xE820]  }
0x43b: {  	s12 =	sadd.s32 $0x1000, s12;
	v25 =	vld [tilespmem:s7+$0x6830]  }
0x43c: {  	v27 =	vld [tilespmem:s7+$0xE830]  }
0x43d: {  	v28 =	vld [tilespmem:s7+$0x6870]  }
0x43e: {  	v29 =	vld [tilespmem:s7+$0xE870];
	s7 =	simm.s32 $0x0  }
0x43f: {  	v14 =	vld [tilespmem:s7+$0x68C0]  }
0x440: {  	v17 =	vld [tilespmem:s7+$0xE8C0]  }
0x441: {  	v15 =	vld [tilespmem:s7+$0x68D0]  }
0x442: {  	v18 =	vld [tilespmem:s7+$0xE8D0]  }
0x443: {  	v8 =	vimm.s32 $0xA;
	v2 =	vsub.f32 v2, v11;
	v11 =	vsub.f32 v0, v16;
	v0 =	vld [tilespmem:s7+$0x68E0]  }
0x444: {  	v9 =	vsub.f32 v9, v12;
	v10 =	vsub.f32 v1, v10;
	v16 =	vld [tilespmem:s7+$0xE8E0]  }
0x445: {  	v12 =	vsub.f32 v22, v23;
	v1 =	vld [tilespmem:s7+$0x6880];
	v2 =	vmul.f32 v2, v2;
	v22 =	vsub.f32 v24, v26  }
0x446: {  	v30 =	vld [tilespmem:s7+$0xE8A0];
	v23 =	vsub.f32 v25, v27;
	v25 =	vmul.f32 v9, v9;
	v9 =	vmul.f32 v11, v11  }
0x447: {  	v24 =	vld [tilespmem:s7+$0xE880];
	v26 =	vimm.f32 $0.0e+00;
	v11 =	vmul.f32 v12, v12;
	v12 =	vmul.f32 v22, v22  }
0x448: {  	v8 =	vld.idx.msk [tilespmem:v8+s20+$0x0], $0xffff;
	v22 =	vmul.f32 v23, v23;
	v23 =	vsub.f32 v28, v29;
	v9 =	vadd.f32 v9, v13  }
0x449: {  	v27 =	vld [tilespmem:s7+$0x6890];
	v11 =	vadd.f32 v11, v21;
	v13 =	vmul.f32 v10, v10;
	v12 =	vadd.f32 v12, v19  }
0x44a: {  	v28 =	vld [tilespmem:s7+$0x68A0];
	v19 =	vadd.f32 v22, v20;
	v21 =	vmul.f32 v23, v23;
	v9 =	vadd.f32 v2, v9  }
0x44b: {  	v29 =	vld [tilespmem:s7+$0x68B0];
	v10 =	vadd.f32 v25, v11;
	v11 =	vadd.f32 v13, v12;
	v22 =	vimm.f32 $0.0e+00  }
0x44c: {  	s12 =	simm.s32 $0x1000;
	v20 =	vld [tilespmem:s7+$0xE890];
	v23 =	vimm.f32 $0.0e+00;
	v25 =	vimm.f32 $0.0e+00;
	v12 =	vadd.f32 v21, v19  }
.LBB2_57:
0x44d: {  	p1 =	sne.s32 s12, $0x7000;
	v2 =	vld [tilespmem:s7+$0xE8B0]  }
0x44e: {  	v13 =	vld [tilespmem:s7+$0x68F0]  }
0x44f: {  	v19 =	vsub.f32 v14, v17;
	v21 =	vld [tilespmem:s7+$0xE8F0];
	s7 =	sshra.s32 s12, $0x2  }
0x450: {  	v1 =	vsub.f32 v1, v24;
	v18 =	vsub.f32 v15, v18;
	v14 =	vld [tilespmem:s7+$0x68C0]  }
0x451: {  	v20 =	vsub.f32 v27, v20;
	v24 =	vsub.f32 v28, v30;
	v17 =	vld [tilespmem:s7+$0xE8C0]  }
0x452: {  	v19 =	vmul.f32 v19, v19;
	v27 =	vmul.f32 v18, v18;
	v15 =	vld [tilespmem:s7+$0x68D0];
	v2 =	vsub.f32 v29, v2  }
0x453: {  	v1 =	vmul.f32 v1, v1;
	v20 =	vmul.f32 v20, v20;
	v28 =	vsub.f32 v0, v16;
	v18 =	vld [tilespmem:s7+$0xE8D0]  }
0x454: {  	v24 =	vmul.f32 v24, v24;
	v0 =	vld [tilespmem:s7+$0x68E0];
	v2 =	vmul.f32 v2, v2;
	v13 =	vsub.f32 v13, v21  }
0x455: {  	v20 =	vadd.f32 v20, v26;
	v28 =	vmul.f32 v28, v28;
	v21 =	vadd.f32 v1, v22;
	v16 =	vld [tilespmem:s7+$0xE8E0]  }
0x456: {  	v23 =	vadd.f32 v24, v23;
	v1 =	vld [tilespmem:s7+$0x6880];
	v2 =	vadd.f32 v2, v25;
	v13 =	vmul.f32 v13, v13  }
0x457: {  	v26 =	vadd.f32 v27, v20;
	v22 =	vadd.f32 v19, v21;
	v24 =	vld [tilespmem:s7+$0xE880]  }
.Ltmp29:
0x458: {  	v23 =	vadd.f32 v28, v23;
	v27 =	vld [tilespmem:s7+$0x6890];
	v25 =	vadd.f32 v13, v2;
	(pc) =	sbr.rel @p1 .LBB2_57-.Ltmp29, $4  }
0x459: {  	v20 =	vld [tilespmem:s7+$0xE890]  }
0x45a: {  	v28 =	vld [tilespmem:s7+$0x68A0]  }
0x45b: {  	v30 =	vld [tilespmem:s7+$0xE8A0]  }
0x45c: {  	s12 =	sadd.s32 $0x1000, s12;
	v29 =	vld [tilespmem:s7+$0x68B0]  }
0x45d: {  	v31 =	vld [tilespmem:s7+$0xE8B0]  }
0x45e: {  	v32 =	vld [tilespmem:s7+$0x68F0]  }
0x45f: {  	v33 =	vld [tilespmem:s7+$0xE8F0];
	s7 =	simm.s32 $0x0  }
0x460: {  	v21 =	vld [tilespmem:s7+$0xE940]  }
0x461: {  	v19 =	vld [tilespmem:s7+$0x6950]  }
0x462: {  	v14 =	vsub.f32 v14, v17;
	v17 =	vsub.f32 v1, v24;
	v24 =	vld [tilespmem:s7+$0xE950]  }
0x463: {  	v1 =	vld [tilespmem:s7+$0x6960]  }
0x464: {  	v2 =	vimm.s32 $0xB;
	v15 =	vsub.f32 v15, v18;
	v18 =	vsub.f32 v27, v20;
	v20 =	vld [tilespmem:s7+$0xE960]  }
0x465: {  	v0 =	vsub.f32 v0, v16;
	v34 =	vld [tilespmem:s7+$0x6920]  }
0x466: {  	v36 =	vld [tilespmem:s7+$0xE920];
	v14 =	vmul.f32 v14, v14;
	v15 =	vmul.f32 v15, v15;
	v27 =	vsub.f32 v28, v30  }
0x467: {  	v35 =	vld [tilespmem:s7+$0x6930];
	v17 =	vmul.f32 v17, v17;
	v0 =	vmul.f32 v0, v0;
	v28 =	vsub.f32 v29, v31  }
0x468: {  	v18 =	vmul.f32 v18, v18;
	v30 =	vld [tilespmem:s7+$0x6900];
	v16 =	vmul.f32 v27, v27  }
0x469: {  	v17 =	vadd.f32 v17, v22;
	v13 =	vld.idx.msk [tilespmem:v2+s20+$0x0], $0xffff;
	v27 =	vmul.f32 v28, v28;
	v28 =	vsub.f32 v32, v33  }
0x46a: {  	v2 =	vld [tilespmem:s7+$0x6940];
	v18 =	vadd.f32 v18, v26;
	v29 =	vimm.f32 $0.0e+00;
	v16 =	vadd.f32 v16, v23  }
0x46b: {  	v31 =	vld [tilespmem:s7+$0xE900];
	v14 =	vadd.f32 v14, v17;
	v22 =	vadd.f32 v27, v25;
	v23 =	vmul.f32 v28, v28  }
0x46c: {  	v32 =	vld [tilespmem:s7+$0x6910];
	v15 =	vadd.f32 v15, v18;
	v16 =	vadd.f32 v0, v16;
	v0 =	vimm.f32 $0.0e+00  }
0x46d: {  	s12 =	simm.s32 $0x1000;
	v33 =	vld [tilespmem:s7+$0xE910];
	v27 =	vimm.f32 $0.0e+00;
	v28 =	vimm.f32 $0.0e+00;
	v17 =	vadd.f32 v23, v22  }
.LBB2_59:
0x46e: {  	p1 =	sne.s32 s12, $0x7000;
	v18 =	vld [tilespmem:s7+$0xE930]  }
0x46f: {  	v22 =	vld [tilespmem:s7+$0x6970]  }
0x470: {  	v23 =	vsub.f32 v2, v21;
	v25 =	vld [tilespmem:s7+$0xE970];
	s7 =	sshra.s32 s12, $0x2  }
0x471: {  	v26 =	vsub.f32 v30, v31;
	v24 =	vsub.f32 v19, v24;
	v2 =	vld [tilespmem:s7+$0x6940]  }
0x472: {  	v30 =	vsub.f32 v32, v33;
	v31 =	vsub.f32 v34, v36;
	v21 =	vld [tilespmem:s7+$0xE940]  }
0x473: {  	v23 =	vmul.f32 v23, v23;
	v32 =	vmul.f32 v24, v24;
	v19 =	vld [tilespmem:s7+$0x6950];
	v18 =	vsub.f32 v35, v18  }
0x474: {  	v33 =	vsub.f32 v1, v20;
	v26 =	vmul.f32 v26, v26;
	v30 =	vmul.f32 v30, v30;
	v24 =	vld [tilespmem:s7+$0xE950]  }
0x475: {  	v31 =	vmul.f32 v31, v31;
	v1 =	vld [tilespmem:s7+$0x6960];
	v18 =	vmul.f32 v18, v18;
	v22 =	vsub.f32 v22, v25  }
0x476: {  	v0 =	vadd.f32 v26, v0;
	v26 =	vmul.f32 v33, v33;
	v25 =	vadd.f32 v30, v29;
	v20 =	vld [tilespmem:s7+$0xE960]  }
0x477: {  	v27 =	vadd.f32 v31, v27;
	v30 =	vld [tilespmem:s7+$0x6900];
	v18 =	vadd.f32 v18, v28;
	v22 =	vmul.f32 v22, v22  }
0x478: {  	v0 =	vadd.f32 v23, v0;
	v29 =	vadd.f32 v32, v25;
	v31 =	vld [tilespmem:s7+$0xE900]  }
.Ltmp30:
0x479: {  	v27 =	vadd.f32 v26, v27;
	v32 =	vld [tilespmem:s7+$0x6910];
	v28 =	vadd.f32 v22, v18;
	(pc) =	sbr.rel @p1 .LBB2_59-.Ltmp30, $4  }
0x47a: {  	v33 =	vld [tilespmem:s7+$0xE910]  }
0x47b: {  	v34 =	vld [tilespmem:s7+$0x6920]  }
0x47c: {  	v36 =	vld [tilespmem:s7+$0xE920]  }
0x47d: {  	s12 =	sadd.s32 $0x1000, s12;
	v35 =	vld [tilespmem:s7+$0x6930]  }
0x47e: {  	v37 =	vld [tilespmem:s7+$0xE930]  }
0x47f: {  	v38 =	vld [tilespmem:s7+$0x6970]  }
0x480: {  	v39 =	vld [tilespmem:s7+$0xE970];
	s7 =	simm.s32 $0x0  }
0x481: {  	v22 =	vld [tilespmem:s7+$0x69C0]  }
0x482: {  	v25 =	vld [tilespmem:s7+$0xE9C0]  }
0x483: {  	v23 =	vld [tilespmem:s7+$0x69D0]  }
0x484: {  	v26 =	vld [tilespmem:s7+$0xE9D0]  }
0x485: {  	v18 =	vimm.s32 $0xC;
	v2 =	vsub.f32 v2, v21;
	v30 =	vsub.f32 v30, v31;
	v21 =	vld [tilespmem:s7+$0x69E0]  }
0x486: {  	v19 =	vsub.f32 v19, v24;
	v31 =	vsub.f32 v32, v33;
	v24 =	vld [tilespmem:s7+$0xE9E0]  }
0x487: {  	v1 =	vsub.f32 v1, v20;
	v32 =	vimm.f32 $0.0e+00;
	v40 =	vld [tilespmem:s7+$0xE9A0];
	v2 =	vmul.f32 v2, v2  }
0x488: {  	v46 =	vsub.f32 v34, v36;
	v48 =	vmul.f32 v31, v31;
	v31 =	vld [tilespmem:s7+$0x6980];
	v47 =	vsub.f32 v35, v37  }
0x489: {  	v33 =	vimm.f32 $0.0e+00;
	v19 =	vmul.f32 v19, v19;
	v30 =	vmul.f32 v30, v30;
	v36 =	vld [tilespmem:s7+$0xE980]  }
0x48a: {  	v18 =	vld.idx.msk [tilespmem:v18+s20+$0x0], $0xffff;
	v20 =	vmul.f32 v46, v46;
	v50 =	vsub.f32 v38, v39;
	v49 =	vmul.f32 v47, v47  }
0x48b: {  	v1 =	vmul.f32 v1, v1;
	v0 =	vadd.f32 v30, v0;
	v30 =	vadd.f32 v48, v29;
	v29 =	vld [tilespmem:s7+$0x6990]  }
0x48c: {  	v37 =	vld [tilespmem:s7+$0xE990];
	v20 =	vadd.f32 v20, v27;
	v27 =	vadd.f32 v49, v28;
	v28 =	vmul.f32 v50, v50  }
0x48d: {  	v34 =	vimm.f32 $0.0e+00;
	v38 =	vld [tilespmem:s7+$0x69A0];
	v0 =	vadd.f32 v2, v0;
	v2 =	vadd.f32 v19, v30  }
0x48e: {  	s12 =	simm.s32 $0x1000;
	v39 =	vld [tilespmem:s7+$0x69B0];
	v35 =	vimm.f32 $0.0e+00;
	v1 =	vadd.f32 v1, v20;
	v19 =	vadd.f32 v28, v27  }
.LBB2_61:
0x48f: {  	p1 =	sne.s32 s12, $0x7000;
	v20 =	vld [tilespmem:s7+$0xE9B0]  }
0x490: {  	v27 =	vld [tilespmem:s7+$0x69F0]  }
0x491: {  	v28 =	vsub.f32 v22, v25;
	v30 =	vld [tilespmem:s7+$0xE9F0];
	s7 =	sshra.s32 s12, $0x2  }
0x492: {  	v31 =	vsub.f32 v31, v36;
	v26 =	vsub.f32 v23, v26;
	v22 =	vld [tilespmem:s7+$0x69C0]  }
0x493: {  	v29 =	vsub.f32 v29, v37;
	v36 =	vsub.f32 v38, v40;
	v25 =	vld [tilespmem:s7+$0xE9C0]  }
0x494: {  	v28 =	vmul.f32 v28, v28;
	v37 =	vmul.f32 v26, v26;
	v23 =	vld [tilespmem:s7+$0x69D0];
	v20 =	vsub.f32 v39, v20  }
0x495: {  	v31 =	vmul.f32 v31, v31;
	v29 =	vmul.f32 v29, v29;
	v38 =	vsub.f32 v21, v24;
	v26 =	vld [tilespmem:s7+$0xE9D0]  }
0x496: {  	v36 =	vmul.f32 v36, v36;
	v21 =	vld [tilespmem:s7+$0x69E0];
	v20 =	vmul.f32 v20, v20;
	v27 =	vsub.f32 v27, v30  }
0x497: {  	v29 =	vadd.f32 v29, v35;
	v38 =	vmul.f32 v38, v38;
	v30 =	vadd.f32 v31, v32;
	v24 =	vld [tilespmem:s7+$0xE9E0]  }
0x498: {  	v33 =	vadd.f32 v36, v33;
	v31 =	vld [tilespmem:s7+$0x6980];
	v20 =	vadd.f32 v20, v34;
	v27 =	vmul.f32 v27, v27  }
0x499: {  	v35 =	vadd.f32 v37, v29;
	v32 =	vadd.f32 v28, v30;
	v36 =	vld [tilespmem:s7+$0xE980]  }
.Ltmp31:
0x49a: {  	v33 =	vadd.f32 v38, v33;
	v29 =	vld [tilespmem:s7+$0x6990];
	v34 =	vadd.f32 v27, v20;
	(pc) =	sbr.rel @p1 .LBB2_61-.Ltmp31, $4  }
0x49b: {  	v37 =	vld [tilespmem:s7+$0xE990]  }
0x49c: {  	v38 =	vld [tilespmem:s7+$0x69A0]  }
0x49d: {  	v40 =	vld [tilespmem:s7+$0xE9A0]  }
0x49e: {  	s12 =	sadd.s32 $0x1000, s12;
	v39 =	vld [tilespmem:s7+$0x69B0]  }
0x49f: {  	v41 =	vld [tilespmem:s7+$0xE9B0]  }
0x4a0: {  	v42 =	vld [tilespmem:s7+$0x69F0]  }
0x4a1: {  	v43 =	vld [tilespmem:s7+$0xE9F0];
	s7 =	simm.s32 $0x0  }
0x4a2: {  	v27 =	vld [tilespmem:s7+$0x6A40]  }
0x4a3: {  	v30 =	vld [tilespmem:s7+$0xEA40]  }
0x4a4: {  	v20 =	vimm.s32 $0xD;
	v22 =	vsub.f32 v22, v25;
	v25 =	vsub.f32 v31, v36;
	v28 =	vld [tilespmem:s7+$0x6A50]  }
0x4a5: {  	v31 =	vld [tilespmem:s7+$0xEA50]  }
0x4a6: {  	v23 =	vsub.f32 v23, v26;
	v26 =	vld [tilespmem:s7+$0x6A60];
	v25 =	vmul.f32 v25, v25  }
0x4a7: {  	v50 =	vsub.f32 v29, v37;
	v29 =	vld [tilespmem:s7+$0xEA60]  }
0x4a8: {  	v21 =	vsub.f32 v21, v24;
	v25 =	vadd.f32 v25, v32;
	v32 =	vld [tilespmem:s7+$0x6A10]  }
0x4a9: {  	v22 =	vmul.f32 v22, v22;
	v44 =	vsub.f32 v38, v40;
	v20 =	vld.idx.msk [tilespmem:v20+s20+$0x0], $0xffff;
	v45 =	vsub.f32 v39, v41  }
0x4aa: {  	v37 =	vimm.f32 $0.0e+00;
	v23 =	vmul.f32 v23, v23;
	v36 =	vmul.f32 v50, v50;
	v39 =	vld [tilespmem:s7+$0x6A00]  }
0x4ab: {  	v24 =	vmul.f32 v44, v44;
	v47 =	vsub.f32 v42, v43;
	v41 =	vld [tilespmem:s7+$0xEA00];
	v46 =	vmul.f32 v45, v45  }
0x4ac: {  	v48 =	vmul.f32 v21, v21;
	v40 =	vimm.f32 $0.0e+00;
	v35 =	vadd.f32 v36, v35;
	v42 =	vld [tilespmem:s7+$0xEA10]  }
0x4ad: {  	v43 =	vld [tilespmem:s7+$0x6A20];
	v24 =	vadd.f32 v24, v33;
	v50 =	vmul.f32 v47, v47;
	v49 =	vadd.f32 v46, v34  }
0x4ae: {  	v44 =	vld [tilespmem:s7+$0x6A30];
	v21 =	vadd.f32 v22, v25;
	v22 =	vadd.f32 v23, v35;
	v33 =	vimm.f32 $0.0e+00  }
0x4af: {  	s12 =	simm.s32 $0x1000;
	v45 =	vld [tilespmem:s7+$0xEA20];
	v35 =	vimm.f32 $0.0e+00;
	v23 =	vadd.f32 v48, v24;
	v24 =	vadd.f32 v50, v49  }
.LBB2_63:
0x4b0: {  	p1 =	sne.s32 s12, $0x7000;
	v25 =	vld [tilespmem:s7+$0xEA30]  }
0x4b1: {  	v34 =	vld [tilespmem:s7+$0x6A70]  }
0x4b2: {  	v36 =	vsub.f32 v27, v30;
	v38 =	vld [tilespmem:s7+$0xEA70];
	s7 =	sshra.s32 s12, $0x2  }
0x4b3: {  	v39 =	vsub.f32 v39, v41;
	v31 =	vsub.f32 v28, v31;
	v27 =	vld [tilespmem:s7+$0x6A40]  }
0x4b4: {  	v32 =	vsub.f32 v32, v42;
	v41 =	vsub.f32 v43, v45;
	v30 =	vld [tilespmem:s7+$0xEA40]  }
0x4b5: {  	v36 =	vmul.f32 v36, v36;
	v42 =	vmul.f32 v31, v31;
	v28 =	vld [tilespmem:s7+$0x6A50];
	v25 =	vsub.f32 v44, v25  }
0x4b6: {  	v39 =	vmul.f32 v39, v39;
	v32 =	vmul.f32 v32, v32;
	v43 =	vsub.f32 v26, v29;
	v31 =	vld [tilespmem:s7+$0xEA50]  }
0x4b7: {  	v41 =	vmul.f32 v41, v41;
	v26 =	vld [tilespmem:s7+$0x6A60];
	v25 =	vmul.f32 v25, v25;
	v34 =	vsub.f32 v34, v38  }
0x4b8: {  	v33 =	vadd.f32 v39, v33;
	v32 =	vadd.f32 v32, v40;
	v38 =	vmul.f32 v43, v43;
	v29 =	vld [tilespmem:s7+$0xEA60]  }
0x4b9: {  	v35 =	vadd.f32 v41, v35;
	v39 =	vld [tilespmem:s7+$0x6A00];
	v25 =	vadd.f32 v25, v37;
	v34 =	vmul.f32 v34, v34  }
0x4ba: {  	v33 =	vadd.f32 v36, v33;
	v40 =	vadd.f32 v42, v32;
	v41 =	vld [tilespmem:s7+$0xEA00]  }
.Ltmp32:
0x4bb: {  	v35 =	vadd.f32 v38, v35;
	v32 =	vld [tilespmem:s7+$0x6A10];
	v37 =	vadd.f32 v34, v25;
	(pc) =	sbr.rel @p1 .LBB2_63-.Ltmp32, $4  }
0x4bc: {  	v42 =	vld [tilespmem:s7+$0xEA10]  }
0x4bd: {  	v43 =	vld [tilespmem:s7+$0x6A20]  }
0x4be: {  	v45 =	vld [tilespmem:s7+$0xEA20]  }
0x4bf: {  	s12 =	sadd.s32 $0x1000, s12;
	v44 =	vld [tilespmem:s7+$0x6A30]  }
0x4c0: {  	v46 =	vld [tilespmem:s7+$0xEA30]  }
0x4c1: {  	v47 =	vld [tilespmem:s7+$0x6A70]  }
0x4c2: {  	v48 =	vld [tilespmem:s7+$0xEA70];
	s7 =	simm.s32 $0x0  }
0x4c3: {  	v36 =	vld [tilespmem:s7+$0x6AC0]  }
0x4c4: {  	v38 =	vld [tilespmem:s7+$0xEAC0]  }
0x4c5: {  	v34 =	vld [tilespmem:s7+$0x6AD0]  }
0x4c6: {  	v27 =	vsub.f32 v27, v30;
	v41 =	vsub.f32 v39, v41;
	v39 =	vld [tilespmem:s7+$0xEAD0]  }
0x4c7: {  	v25 =	vimm.s32 $0xE;
	v28 =	vsub.f32 v28, v31;
	v31 =	vsub.f32 v32, v42;
	v30 =	vld [tilespmem:s7+$0x6AE0]  }
0x4c8: {  	v32 =	vld [tilespmem:s7+$0xEAE0]  }
0x4c9: {  	v26 =	vsub.f32 v26, v29;
	v42 =	vld [tilespmem:s7+$0x6AB0];
	v49 =	vsub.f32 v43, v45;
	v31 =	vmul.f32 v31, v31  }
0x4ca: {  	v27 =	vmul.f32 v27, v27;
	v43 =	vld [tilespmem:s7+$0xEA80];
	v50 =	vsub.f32 v44, v46;
	v44 =	vmul.f32 v41, v41  }
0x4cb: {  	v28 =	vmul.f32 v28, v28;
	v45 =	vld [tilespmem:s7+$0xEA90];
	v29 =	vmul.f32 v49, v49;
	v31 =	vadd.f32 v31, v40  }
0x4cc: {  	v25 =	vld.idx.msk [tilespmem:v25+s20+$0x0], $0xffff;
	v49 =	vmul.f32 v50, v50;
	v50 =	vsub.f32 v47, v48;
	v33 =	vadd.f32 v44, v33  }
0x4cd: {  	v41 =	vld [tilespmem:s7+$0x6A80];
	v48 =	vmul.f32 v26, v26;
	v29 =	vadd.f32 v29, v35;
	v35 =	vimm.f32 $0.0e+00  }
0x4ce: {  	v40 =	vld [tilespmem:s7+$0x6A90];
	v49 =	vadd.f32 v49, v37;
	v50 =	vmul.f32 v50, v50;
	v26 =	vadd.f32 v27, v33  }
0x4cf: {  	v46 =	vld [tilespmem:s7+$0xEAA0];
	v27 =	vadd.f32 v28, v31;
	v28 =	vadd.f32 v48, v29;
	v37 =	vimm.f32 $0.0e+00  }
0x4d0: {  	s12 =	simm.s32 $0x1000;
	v44 =	vld [tilespmem:s7+$0x6AA0];
	v33 =	vimm.f32 $0.0e+00;
	v31 =	vimm.f32 $0.0e+00;
	v29 =	vadd.f32 v50, v49  }
.LBB2_65:
0x4d1: {  	p1 =	sne.s32 s12, $0x7000;
	v47 =	vld [tilespmem:s7+$0xEAB0]  }
0x4d2: {  	v48 =	vld [tilespmem:s7+$0x6AF0]  }
0x4d3: {  	v49 =	vsub.f32 v36, v38;
	v50 =	vld [tilespmem:s7+$0xEAF0];
	s7 =	sshra.s32 s12, $0x2  }
0x4d4: {  	v41 =	vsub.f32 v41, v43;
	v39 =	vsub.f32 v34, v39;
	v36 =	vld [tilespmem:s7+$0x6AC0]  }
0x4d5: {  	v40 =	vsub.f32 v40, v45;
	v43 =	vsub.f32 v44, v46;
	v38 =	vld [tilespmem:s7+$0xEAC0]  }
0x4d6: {  	v45 =	vmul.f32 v39, v39;
	v44 =	vmul.f32 v49, v49;
	v34 =	vld [tilespmem:s7+$0x6AD0];
	v42 =	vsub.f32 v42, v47  }
0x4d7: {  	v41 =	vmul.f32 v41, v41;
	v40 =	vmul.f32 v40, v40;
	v46 =	vsub.f32 v30, v32;
	v39 =	vld [tilespmem:s7+$0xEAD0]  }
0x4d8: {  	v43 =	vmul.f32 v43, v43;
	v30 =	vld [tilespmem:s7+$0x6AE0];
	v42 =	vmul.f32 v42, v42;
	v47 =	vsub.f32 v48, v50  }
0x4d9: {  	v37 =	vadd.f32 v41, v37;
	v35 =	vadd.f32 v40, v35;
	v46 =	vmul.f32 v46, v46;
	v32 =	vld [tilespmem:s7+$0xEAE0]  }
0x4da: {  	v33 =	vadd.f32 v43, v33;
	v41 =	vld [tilespmem:s7+$0x6A80];
	v31 =	vadd.f32 v42, v31;
	v42 =	vmul.f32 v47, v47  }
0x4db: {  	v37 =	vadd.f32 v44, v37;
	v35 =	vadd.f32 v45, v35;
	v43 =	vld [tilespmem:s7+$0xEA80]  }
.Ltmp33:
0x4dc: {  	v33 =	vadd.f32 v46, v33;
	v40 =	vld [tilespmem:s7+$0x6A90];
	v31 =	vadd.f32 v42, v31;
	(pc) =	sbr.rel @p1 .LBB2_65-.Ltmp33, $4  }
0x4dd: {  	v45 =	vld [tilespmem:s7+$0xEA90]  }
0x4de: {  	v44 =	vld [tilespmem:s7+$0x6AA0]  }
0x4df: {  	v46 =	vld [tilespmem:s7+$0xEAA0]  }
0x4e0: {  	s12 =	sadd.s32 $0x1000, s12;
	v42 =	vld [tilespmem:s7+$0x6AB0]  }
0x4e1: {  	v47 =	vld [tilespmem:$0x1FD90]  }
0x4e2: {  	v48 =	vld [tilespmem:$0x1FDA0];
	_ =	sdelay $0x3  }
0x4e3: {  	v49 =	vld [tilespmem:$0x1FDC0]  }
0x4e4: {  	v47 =	vadd.f32 v48, v47;
	v48 =	vld [tilespmem:$0x1FDB0];
	_ =	sdelay $0x3  }
0x4e5: {  	v50 =	vld [tilespmem:$0x1FD70]  }
0x4e6: {  	v48 =	vadd.f32 v49, v48;
	v49 =	vld [tilespmem:$0x1FD60];
	_ =	sdelay $0x1  }
0x4e7: {  	v47 =	vadd.f32 v48, v47;
	v48 =	vld [tilespmem:$0x1FD50];
	_ =	sdelay $0x2  }
0x4e8: {  	v49 =	vadd.f32 v50, v49;
	v50 =	vld [tilespmem:$0x1FD80];
	_ =	sdelay $0x1  }
0x4e9: {  	v48 =	vadd.f32 v48, v51;
	_ =	sdelay $0x1  }
0x4ea: {  	v48 =	vadd.f32 v49, v48;
	v49 =	vld [tilespmem:$0x1FD00]  }
0x4eb: {  	v47 =	vmul.f32 v50, v47;
	v50 =	vld [tilespmem:$0x1FD10];
	_ =	sdelay $0x3  }
0x4ec: {  	v51 =	vld [tilespmem:$0x1FD30]  }
0x4ed: {  	v49 =	vadd.f32 v50, v49;
	v50 =	vld [tilespmem:$0x1FD20];
	_ =	sdelay $0x4  }
0x4ee: {  	v50 =	vadd.f32 v51, v50;
	v51 =	vld [tilespmem:$0x1FD40];
	_ =	sdelay $0x4  }
0x4ef: {  	v47 =	vadd.f32 $0.0e+00, v47;
	v48 =	vmul.f32 v51, v48;
	_ =	sdelay $0x1  }
0x4f0: {  	v41 =	vsub.f32 v41, v43;
	v43 =	vadd.f32 v48, v47;
	v47 =	vld [tilespmem:$0x1FCB0]  }
0x4f1: {  	v48 =	vld [tilespmem:$0x1FCC0];
	_ =	sdelay $0x3  }
0x4f2: {  	v50 =	vadd.f32 v50, v49;
	v49 =	vld [tilespmem:$0x1FCE0]  }
0x4f3: {  	v47 =	vadd.f32 v48, v47;
	v48 =	vld [tilespmem:$0x1FCD0];
	_ =	sdelay $0x4  }
0x4f4: {  	v51 =	vld [tilespmem:$0x1FCF0];
	v48 =	vadd.f32 v49, v48  }
0x4f5: {  	v34 =	vsub.f32 v34, v39;
	v49 =	vld [tilespmem:$0x1FC70]  }
0x4f6: {  	v39 =	vsub.f32 v40, v45;
	v40 =	vadd.f32 v48, v47;
	v48 =	vld [tilespmem:$0x1FC60];
	_ =	sdelay $0x2  }
0x4f7: {  	v36 =	vsub.f32 v36, v38;
	v38 =	vmul.f32 v51, v50;
	_ =	sdelay $0x1  }
0x4f8: {  	v38 =	vadd.f32 v38, v43;
	v43 =	vadd.f32 v49, v48;
	v48 =	vld [tilespmem:$0x1FCA0];
	_ =	sdelay $0x1  }
0x4f9: {  	v50 =	vld [tilespmem:$0x1FC80]  }
0x4fa: {  	v51 =	vld [tilespmem:$0x1FC90]  }
0x4fb: {  	v49 =	vld [tilespmem:$0x1FC20]  }
0x4fc: {  	v40 =	vmul.f32 v48, v40;
	v48 =	vld [tilespmem:$0x1FC10];
	_ =	sdelay $0x3  }
0x4fd: {  	v45 =	vadd.f32 v51, v50;
	v50 =	vld [tilespmem:$0x1FC40]  }
0x4fe: {  	v48 =	vadd.f32 v49, v48;
	v49 =	vld [tilespmem:$0x1FC30];
	_ =	sdelay $0x3  }
0x4ff: {  	v47 =	vld [tilespmem:s7+$0xEAB0]  }
0x500: {  	v49 =	vadd.f32 v50, v49;
	_ =	sdelay $0x1  }
0x501: {  	v38 =	vadd.f32 v40, v38;
	v40 =	vadd.f32 v49, v48;
	v48 =	vld [tilespmem:$0x1FC50];
	_ =	sdelay $0x1  }
0x502: {  	v42 =	vsub.f32 v42, v47;
	v47 =	vld [tilespmem:$0x1FC00]  }
0x503: {  	v43 =	vadd.f32 v45, v43  }
0x504: {  	v52 =	vadd.f32 v53, v52;
	v30 =	vsub.f32 v30, v32;
	v49 =	vld [tilespmem:$0x1FBF0]  }
0x505: {  	v4 =	vadd.f32 v5, v4;
	v9 =	vadd.f32 v10, v9;
	v43 =	vmul.f32 v48, v43;
	v48 =	vld [tilespmem:$0x1FBE0]  }
0x506: {  	v0 =	vadd.f32 v2, v0;
	v1 =	vadd.f32 v19, v1  }
0x507: {  	v44 =	vsub.f32 v44, v46;
	v46 =	vld [tilespmem:s7+$0xEAF0];
	v53 =	vadd.f32 v43, v38;
	v38 =	vmul.f32 v47, v40  }
0x508: {  	v51 =	vadd.f32 v56, v55;
	v56 =	vadd.f32 v61, v60;
	v45 =	vld [tilespmem:s7+$0x6AF0]  }
0x509: {  	v41 =	vmul.f32 v41, v41;
	v61 =	vadd.f32 v7, v6;
	v32 =	vadd.f32 v38, v53;
	v53 =	vld [tilespmem:$0x1FBD0]  }
0x50a: {  	v0 =	vadd.f32 v1, v0;
	v48 =	vadd.f32 v49, v48  }
0x50b: {  	v37 =	vadd.f32 v41, v37;
	v4 =	vadd.f32 v61, v4  }
0x50c: {  	v39 =	vmul.f32 v39, v39;
	v50 =	vadd.f32 v52, v48;
	v52 =	vadd.f32 v58, v57  }
0x50d: {  	v3 =	vmul.f32 v3, v4;
	v45 =	vsub.f32 v45, v46;
	v40 =	vadd.f32 v12, v11  }
0x50e: {  	v57 =	vadd.f32 v63, v62;
	v38 =	vmul.f32 v53, v50;
	v55 =	vadd.f32 v52, v51  }
0x50f: {  	v46 =	vadd.f32 v17, v16;
	v43 =	vmul.f32 v42, v42;
	v41 =	vadd.f32 v40, v9  }
0x510: {  	v60 =	vadd.f32 v57, v56;
	v32 =	vadd.f32 v38, v32;
	v58 =	vmul.f32 v54, v55  }
0x511: {  	v47 =	vmul.f32 v36, v36;
	v9 =	vadd.f32 v43, v31;
	v62 =	vadd.f32 v39, v35  }
0x512: {  	v39 =	vmul.f32 v44, v44;
	v38 =	vmul.f32 v59, v60;
	v63 =	vadd.f32 v58, v32  }
0x513: {  	v4 =	vmul.f32 v8, v41;
	v44 =	vadd.f32 v15, v14;
	v48 =	vadd.f32 v47, v37  }
0x514: {  	v5 =	vadd.f32 v39, v33;
	v50 =	vmul.f32 v34, v34;
	v7 =	vadd.f32 v38, v63  }
0x515: {  	v49 =	vadd.f32 v46, v44;
	v51 =	vmul.f32 v30, v30;
	v57 =	vadd.f32 v27, v26  }
0x516: {  	v52 =	vadd.f32 v50, v62;
	v60 =	vimm.s32 $0xF;
	v3 =	vadd.f32 v3, v7  }
0x517: {  	v56 =	vmul.f32 v45, v45;
	v53 =	vadd.f32 v51, v5;
	v54 =	vadd.f32 v22, v21  }
0x518: {  	v8 =	vmul.f32 v13, v49;
	v55 =	vadd.f32 v24, v23;
	v3 =	vadd.f32 v4, v3  }
0x519: {  	v6 =	vadd.f32 v56, v9;
	v58 =	vadd.f32 v29, v28  }
0x51a: {  	v0 =	vmul.f32 v18, v0;
	v1 =	vadd.f32 v55, v54;
	v3 =	vadd.f32 v8, v3  }
0x51b: {  	v2 =	vadd.f32 v52, v48;
	v59 =	vadd.f32 v58, v57;
	v5 =	vld.idx.msk [tilespmem:v60+s20+$0x0], $0xffff  }
0x51c: {  	v1 =	vmul.f32 v20, v1;
	v4 =	vadd.f32 v6, v53;
	v0 =	vadd.f32 v0, v3;
	_ =	sdelay $0x1  }
0x51d: {  	v61 =	vmul.f32 v25, v59;
	v2 =	vadd.f32 v4, v2;
	v0 =	vadd.f32 v1, v0  }
0x51e: {  	v62 =	vld [tilespmem:$0x680]  }
0x51f: {  	v63 =	vmul.f32 v5, v2;
	v0 =	vadd.f32 v61, v0;
	_ =	sdelay $0x1  }
.Ltmp34:
0x520: {  	v0 =	vadd.f32 v63, v0;
	(pc) =	sbr.rel @p0 .LBB2_68-.Ltmp34, $3  }
0x521: {  	_ = 	snop  }
0x522: {  	v0 =	vadd.f32 v0, v62;
	_ =	sdelay $0x1  }
0x523: {  	[tilespmem:$0x680] =	vst v0  }
0x524: {  	s7 =	sadd.s32 $0x30, s23  }
0x525: {  	s7 =	sadd.s32 s6, s7  }
0x526: {  	s7 =	sshll.u32 s7, $0x7  }
0x527: {  	s7 =	sadd.s32 s1, s7  }
0x528: {  	[tilespmem:s26], [sflag:$0x2] =	stream.linear.gather [hbm4b:s7+s5], $0x4000, $0x38;
	[tilespmem:$0x10700] =	vst v63  }
0x529: {  	v0 =	vld [tilespmem:s23+$0x30];
	_ =	sdelay $0x2  }
0x52a: {  	v63 =	vld [tilespmem:$0x1FFD0];
	_ =	sdelay $0x1  }
0x52b: {  	v2 =	vld [tilespmem:$0x1FFE0];
	v1 =	vshll.u32 v0, $0x3  }
0x52c: {  	v0 =	vand.u32 $0x7, v0;
	v1 =	vand.u32 $0xFFFFFFC0, v1  }
0x52d: {  	v0 =	vor.u32 v0, v1  }
0x52e: {  	v1 =	vperm.xlane v0, v63;
	_ =	sdelay $0x1  }
0x52f: {  	v1 =	vadd.s32 v2, v1  }
0x530: {  	v3 =	vld [tilespmem:$0x1FFF0];
	_ =	sdelay $0x3  }
0x531: {  	[tilespmem:s28], [sflag:$0x4] =	stream.indirect_vreg.gather [hbm4b:s2+s5], $0x80, v1, vm0, $0xb8;
	[tilespmem:$0x10700] =	vst v63  }
0x532: {  	v0 =	vperm.xlane v0, v3  }
0x533: {  	[tilespmem:s29], [sflag:$0x4] =	stream.indirect_vreg.gather [hbm4b:s9+s5], $0x80, v1, vm0, $0xb8;
	[tilespmem:$0x10700] =	vst v63  }
0x534: {  	v0 =	vadd.s32 v2, v0  }
0x535: {  	[tilespmem:s30], [sflag:$0x4] =	stream.indirect_vreg.gather [hbm4b:s10+s5], $0x80, v1, vm0, $0xb8;
	[tilespmem:$0x10700] =	vst v63  }
0x536: {  	_ = 	snop  }
0x537: {  	[tilespmem:s31], [sflag:$0x4] =	stream.indirect_vreg.gather [hbm4b:s11+s5], $0x80, v1, vm0, $0xb8;
	[tilespmem:$0x10700] =	vst v63  }
0x538: {  	_ = 	snop  }
0x539: {  	[tilespmem:s0], [sflag:$0x4] =	stream.indirect_vreg.gather [hbm4b:s2+s5], $0x80, v0, vm0, $0xb8;
	[tilespmem:$0x10700] =	vst v63  }
0x53a: {  	_ = 	snop  }
0x53b: {  	[tilespmem:s4], [sflag:$0x4] =	stream.indirect_vreg.gather [hbm4b:s9+s5], $0x80, v0, vm0, $0xb8;
	[tilespmem:$0x10700] =	vst v63  }
.Ltmp35:
0x53c: {  	_ = 	snop;
	(pc) =	sbr.rel .LBB2_2-.Ltmp35, $4  }
0x53d: {  	_ = 	snop  }
0x53e: {  	[tilespmem:s3], [sflag:$0x4] =	stream.indirect_vreg.gather [hbm4b:s10+s5], $0x80, v0, vm0, $0xb8;
	[tilespmem:$0x10700] =	vst v63  }
0x53f: {  	s25 =	sadd.s32 $0x1, s25  }
0x540: {  	[tilespmem:s17], [sflag:$0x4] =	stream.indirect_vreg.gather [hbm4b:s11+s5], $0x80, v0, vm0, $0xb8;
	[tilespmem:$0x10700] =	vst v63  }
.LBB2_69:
0x541: {  	_ =	sfence.sel $0x180000  }
0x542: {  	[bflag:$0x0] =	sbarrier.arrive $0xFFFF  }
0x543: {  	_ =	strace $0x90000047  }
0x544: {  	s0 =	stileid.u32;
	[bflag:$0x2] =	sbarrier.arrive $0xFFFF  }
0x545: {  	p0 =	sne.s32 s0, $0x0;
	s0 =	rddreg [dreg:$0x5]  }
0x546: {  	s0 =	sadd.s32 @!p0 $0x100000, s0  }
0x547: {  	[sflag:s0] =	ssyncadd.tile.s32 @!p0 $0x1;
	_ =	shalt  }
.Lfunc_end2:
_tile_overlayer_lowered:
.L_overlay_start_2:
0x548: {  	(tag) =	ssettag $0x2  }
0x549: {  	s0 =	rddreg [dreg:$0x0];
	s2 =	stileid.u32  }
0x54a: {  	s1 =	rddreg [dreg:$0x1];
	p0 =	sne.s32 s2, $0x0  }
0x54b: {  	s3 =	rddreg [dreg:$0x2];
	[bflag:$0x3] =	sbarrier.arrive $0xFFFF;
	s2 =	simm.s32 @!p0 $0x1C05  }
0x54c: {  	[timem:s3], [sflag:s2] =	dma.local @!p0 [hbm:s0], s1  }
0x54d: {  	s0 =	simm.s32 @!p0 $0x5  }
0x54e: {  	_ =	swait.ge @!p0 [sflag:s0], s1  }
0x54f: {  	s1 =	ssub.s32 @!p0 $0x0, s1;
	[sflag:s0] =	ssyncset.done @!p0 $0x0  }
0x550: {  	[sflag:s0] =	ssyncadd.s32 @!p0 s1  }
0x551: {  	[bflag:$0x3] =	sbarrier.arrive $0xFFFF  }
0x552: {  	_ =	shalt  }

</sc_bundles>
